<compile_context>
chip_gen: v7x
topology: tpu7x:2x2x1
jax: 0.10.2.dev20260603
libtpu: 0.0.44.dev20260713+nightly
codegen_flags: <defaults>
</compile_context>

<pallas_src>
import functools

import jax
import jax.numpy as jnp
from jax import lax
from jax.experimental import pallas as pl
from jax.experimental.pallas import tpu as pltpu
from jax.experimental.pallas import tpu_sc as plsc

N = 100000
E = 1600000
EPAD = 1638400
NACC = 100224
C = 800
D = 2
BN = 2000
NB = N // BN
ZSPAN = NACC // 16


def _sc_pass_body(mode, src_hbm, dst_hbm, tab_lo, tab_hi, out_lo, out_hi,
                  *bufs):
    sv = bufs[0:D]
    dv = bufs[D:2 * D]
    rv = bufs[2 * D:3 * D]
    acc = bufs[3 * D]
    gs = bufs[3 * D + 1:3 * D + 1 + D]
    isem = bufs[3 * D + 1 + D:3 * D + 1 + 2 * D]
    rv0 = rv[0]
    cid = lax.axis_index("c")
    sid = lax.axis_index("s")
    gather = mode != "deg"

    def _fill(val):
        def fz(i, carry):
            rv0[i] = jnp.full((16,), val, jnp.float32)
            return carry
        lax.fori_loop(0, C, fz, 0)

    _fill(0.0)
    zb = sid * ZSPAN
    for j in range(ZSPAN // C):
        pltpu.sync_copy(rv0, acc.at[pl.ds(zb + j * C, C)])
    rem = ZSPAN % C
    if rem:
        pltpu.sync_copy(rv0.at[pl.ds(0, rem)],
                        acc.at[pl.ds(zb + (ZSPAN // C) * C, rem)])
    if mode == "deg":
        _fill(1.0)
    plsc.subcore_barrier()

    if mode == "prop_f":
        ept = EPAD // 16
        ebase = sid * ept
        nch = ept // C
    else:
        w = sid * 2 + cid
        ebase = w * (EPAD // 32)
        nch = (EPAD // 32) // C
    sbase = ebase

    def start_gather(idx_ref, rows_ref, sem):
        if mode == "prop_f":
            @pl.when(cid == 0)
            def _g_lo():
                pltpu.make_async_copy(tab_lo.at[idx_ref], rows_ref, sem).start()

            @pl.when(cid == 1)
            def _g_hi():
                pltpu.make_async_copy(tab_hi.at[idx_ref], rows_ref, sem).start()
        else:
            pltpu.make_async_copy(tab_lo.at[idx_ref], rows_ref, sem).start()

    def s_slice(u):
        return src_hbm.at[pl.ds(pl.multiple_of(sbase + u * C, 8), C)]

    def d_slice(u):
        return dst_hbm.at[pl.ds(pl.multiple_of(ebase + u * C, 8), C)]

    for u in range(D - 1):
        if gather:
            pltpu.sync_copy(s_slice(u), sv[u])
        pltpu.sync_copy(d_slice(u), dv[u])
    if gather:
        for u in range(D - 1):
            start_gather(sv[u], rv[u], gs[u])
        pltpu.make_async_copy(s_slice(D - 1), sv[D - 1], isem[D - 1]).start()
    pltpu.make_async_copy(d_slice(D - 1), dv[D - 1], isem[D - 1]).start()

    def step(t, b):
        bn = (b + D - 1) % D

        @pl.when(t + D - 1 < nch)
        def _start_next_gather():
            if gather:
                pltpu.make_async_copy(s_slice(t + D - 1), sv[bn], isem[bn]).wait()
            pltpu.make_async_copy(d_slice(t + D - 1), dv[bn], isem[bn]).wait()
            if gather:
                start_gather(sv[bn], rv[bn], gs[bn])

        if gather:
            pltpu.make_async_copy(tab_lo.at[sv[b]], rv[b], gs[b]).wait()
        src_rows = rv[b] if gather else rv0
        pltpu.async_copy(src_rows, acc.at[dv[b]], isem[b], add=True).wait()

        @pl.when(t + D < nch)
        def _prefetch_idx():
            if gather:
                pltpu.make_async_copy(s_slice(t + D), sv[b], isem[b]).start()
            pltpu.make_async_copy(d_slice(t + D), dv[b], isem[b]).start()

    def rotation(p, carry):
        for b in range(D):
            step(D * p + b, b)
        return carry

    lax.fori_loop(0, nch // D, rotation, 0)
    plsc.subcore_barrier()

    zoff = pl.multiple_of(sid * ZSPAN, 8)

    @pl.when(cid == 0)
    def _wb_lo():
        pltpu.sync_copy(acc.at[pl.ds(zoff, ZSPAN)],
                        out_lo.at[pl.ds(zoff, ZSPAN)])

    @pl.when(cid == 1)
    def _wb_hi():
        pltpu.sync_copy(acc.at[pl.ds(zoff, ZSPAN)],
                        out_hi.at[pl.ds(zoff, ZSPAN)])


@functools.cache
def _make_sc(mode):
    mesh = plsc.VectorSubcoreMesh(core_axis_name="c", subcore_axis_name="s")
    scratch = (
        [pltpu.VMEM((C,), jnp.int32)] * D +
        [pltpu.VMEM((C,), jnp.int32)] * D +
        [pltpu.VMEM((C, 16), jnp.float32)] * D +
        [pltpu.VMEM_SHARED((NACC, 16), jnp.float32)] +
        [pltpu.SemaphoreType.DMA] * (2 * D)
    )
    out_t = [jax.ShapeDtypeStruct((NACC, 16), jnp.float32)] * 2

    if mode == "deg":
        def body(dst_hbm, out_lo, out_hi, *bufs):
            _sc_pass_body(mode, None, dst_hbm, None, None, out_lo, out_hi,
                          *bufs)
    elif mode == "prop_e":
        def body(src_hbm, dst_hbm, tab_hbm, out_lo, out_hi, *bufs):
            _sc_pass_body(mode, src_hbm, dst_hbm, tab_hbm, None, out_lo,
                          out_hi, *bufs)
    else:
        def body(src_hbm, dst_hbm, tab_lo, tab_hi, out_lo, out_hi, *bufs):
            _sc_pass_body(mode, src_hbm, dst_hbm, tab_lo, tab_hi, out_lo,
                          out_hi, *bufs)

    return pl.kernel(body, mesh=mesh, out_type=out_t, scratch_types=scratch,
                     compiler_params=pltpu.CompilerParams(
                         use_tc_tiling_on_sc=False))


def _sc_deg(*args):
    return _make_sc("deg")(*args)


def _sc_prop_e(*args):
    return _make_sc("prop_e")(*args)


def _sc_prop_f(*args):
    return _make_sc("prop_f")(*args)



def _bspec(shape, imap):
    return pl.BlockSpec(shape, imap)


def _row(i):
    return (i, 0)


def _zero(i):
    return (0, 0)


def _row3(i):
    return (i, 0, 0)


def _zero3(i):
    return (0, 0, 0)


def _prep_body(d0, d1, x, dis_o, xp_o):
    cnt = d0[:, 0] + d1[:, 0] + 1.0
    dis = lax.rsqrt(cnt)
    dis_o[...] = dis[:, None]
    xp_o[...] = jnp.concatenate(
        [x[...] * dis[:, None], jnp.zeros((BN, 13), jnp.float32)], axis=1)


def _prep(d0, d1, x):
    return pl.pallas_call(
        _prep_body,
        grid=(NB,),
        in_specs=[_bspec((BN, 16), _row), _bspec((BN, 16), _row),
                  _bspec((BN, 3), _row)],
        out_specs=[_bspec((BN, 1), _row), _bspec((BN, 16), _row)],
        out_shape=[jax.ShapeDtypeStruct((N, 1), jnp.float32),
                   jax.ShapeDtypeStruct((N, 16), jnp.float32)],
    )(d0, d1, x)


def _conv_out_body(a0, a1, hp, dis, W, b, out_o, s_o, ss_o):
    z = (a0[...] + a1[...] + hp[...]) * dis[...]
    o = jnp.dot(z, W[...], preferred_element_type=jnp.float32) + b[...]
    out_o[...] = o
    s_o[...] = jnp.sum(o, axis=0, keepdims=True)[None]
    ss_o[...] = jnp.sum(o * o, axis=0, keepdims=True)[None]


def _conv_out(a0, a1, hp, dis, W, b, fin, fout):
    return pl.pallas_call(
        _conv_out_body,
        grid=(NB,),
        in_specs=[_bspec((BN, fin), _row), _bspec((BN, fin), _row),
                  _bspec((BN, fin), _row), _bspec((BN, 1), _row),
                  _bspec((fin, fout), _zero), _bspec((1, fout), _zero)],
        out_specs=[_bspec((BN, fout), _row), _bspec((1, 1, fout), _row3),
                   _bspec((1, 1, fout), _row3)],
        out_shape=[jax.ShapeDtypeStruct((N, fout), jnp.float32),
                   jax.ShapeDtypeStruct((NB, 1, fout), jnp.float32),
                   jax.ShapeDtypeStruct((NB, 1, fout), jnp.float32)],
    )(a0, a1, hp, dis, W, b)


def _conv_cat_body(a0, a1, h0, h1, dis, W, b, out_o, s_o, ss_o):
    z = jnp.concatenate([a0[...] + h0[...], a1[...] + h1[...]], axis=1) * dis[...]
    o = jnp.dot(z, W[...], preferred_element_type=jnp.float32) + b[...]
    out_o[...] = o
    s_o[...] = jnp.sum(o, axis=0, keepdims=True)[None]
    ss_o[...] = jnp.sum(o * o, axis=0, keepdims=True)[None]


def _conv_cat(a0, a1, h0, h1, dis, W, b, fout):
    return pl.pallas_call(
        _conv_cat_body,
        grid=(NB,),
        in_specs=[_bspec((BN, 16), _row)] * 4 + [
            _bspec((BN, 1), _row),
            _bspec((32, fout), _zero), _bspec((1, fout), _zero)],
        out_specs=[_bspec((BN, fout), _row), _bspec((1, 1, fout), _row3),
                   _bspec((1, 1, fout), _row3)],
        out_shape=[jax.ShapeDtypeStruct((N, fout), jnp.float32),
                   jax.ShapeDtypeStruct((NB, 1, fout), jnp.float32),
                   jax.ShapeDtypeStruct((NB, 1, fout), jnp.float32)],
    )(a0, a1, h0, h1, dis, W, b)


def _cat_add_body(a0, a1, h0, h1, dis, b, out_o, s_o, ss_o):
    o = jnp.concatenate([a0[...] + h0[...], a1[...] + h1[...]], axis=1) * dis[...] \
        + b[...]
    out_o[...] = o
    s_o[...] = jnp.sum(o, axis=0, keepdims=True)[None]
    ss_o[...] = jnp.sum(o * o, axis=0, keepdims=True)[None]


def _cat_add(a0, a1, h0, h1, dis, b):
    return pl.pallas_call(
        _cat_add_body,
        grid=(NB,),
        in_specs=[_bspec((BN, 16), _row)] * 4 + [
            _bspec((BN, 1), _row), _bspec((1, 32), _zero)],
        out_specs=[_bspec((BN, 32), _row), _bspec((1, 1, 32), _row3),
                   _bspec((1, 1, 32), _row3)],
        out_shape=[jax.ShapeDtypeStruct((N, 32), jnp.float32),
                   jax.ShapeDtypeStruct((NB, 1, 32), jnp.float32),
                   jax.ShapeDtypeStruct((NB, 1, 32), jnp.float32)],
    )(a0, a1, h0, h1, dis, b)


def _bn_relu(o_ref, s, ss, g, be):
    m = jnp.sum(s[...], axis=(0, 1)) / N
    v = jnp.sum(ss[...], axis=(0, 1)) / N - m * m
    return jnp.maximum((o_ref[...] - m) * lax.rsqrt(v + 1e-5) * g[...] + be[...],
                       0.0)


def _bn_split_nw_body(out_k, s, ss, g, be, dis, h0_o, h1_o, pmax_o, psum_o):
    xk = _bn_relu(out_k, s, ss, g, be)
    pmax_o[...] = jnp.max(xk, axis=0, keepdims=True)[None]
    psum_o[...] = jnp.sum(xk, axis=0, keepdims=True)[None]
    h = xk * dis[...]
    h0_o[...] = h[:, :16]
    h1_o[...] = h[:, 16:]


def _bn_split_w_body(out_k, s, ss, g, be, dis, W, h0_o, h1_o, pmax_o, psum_o):
    xk = _bn_relu(out_k, s, ss, g, be)
    pmax_o[...] = jnp.max(xk, axis=0, keepdims=True)[None]
    psum_o[...] = jnp.sum(xk, axis=0, keepdims=True)[None]
    h = jnp.dot(xk, W[...], preferred_element_type=jnp.float32) * dis[...]
    h0_o[...] = h[:, :16]
    h1_o[...] = h[:, 16:]


def _bn_split(out_k, s, ss, g, be, dis, W, f):
    if W is None:
        body = _bn_split_nw_body
        wspecs = []
        args = (out_k, s, ss, g, be, dis)
    else:
        body = _bn_split_w_body
        wspecs = [_bspec((f, 32), _zero)]
        args = (out_k, s, ss, g, be, dis, W)
    return pl.pallas_call(
        body,
        grid=(NB,),
        in_specs=[_bspec((BN, f), _row), _bspec((NB, 1, f), _zero3),
                  _bspec((NB, 1, f), _zero3), _bspec((1, f), _zero),
                  _bspec((1, f), _zero), _bspec((BN, 1), _row)] + wspecs,
        out_specs=[_bspec((BN, 16), _row), _bspec((BN, 16), _row),
                   _bspec((1, 1, f), _row3), _bspec((1, 1, f), _row3)],
        out_shape=[jax.ShapeDtypeStruct((N, 16), jnp.float32),
                   jax.ShapeDtypeStruct((N, 16), jnp.float32),
                   jax.ShapeDtypeStruct((NB, 1, f), jnp.float32),
                   jax.ShapeDtypeStruct((NB, 1, f), jnp.float32)],
    )(*args)


def _bn_pool_body(out_k, s, ss, g, be, pmax_o, psum_o):
    xk = _bn_relu(out_k, s, ss, g, be)
    pmax_o[...] = jnp.max(xk, axis=0, keepdims=True)[None]
    psum_o[...] = jnp.sum(xk, axis=0, keepdims=True)[None]


def _bn_pool(out_k, s, ss, g, be, f):
    return pl.pallas_call(
        _bn_pool_body,
        grid=(NB,),
        in_specs=[_bspec((BN, f), _row), _bspec((NB, 1, f), _zero3),
                  _bspec((NB, 1, f), _zero3), _bspec((1, f), _zero),
                  _bspec((1, f), _zero)],
        out_specs=[_bspec((1, 1, f), _row3), _bspec((1, 1, f), _row3)],
        out_shape=[jax.ShapeDtypeStruct((NB, 1, f), jnp.float32),
                   jax.ShapeDtypeStruct((NB, 1, f), jnp.float32)],
    )(out_k, s, ss, g, be)


def _head_body(pm1, ps1, pm2, ps2, pm3, ps3, Wc1, bc1, lng, lnb, Wc2, bc2,
               out_o):
    mx = jnp.concatenate([jnp.max(pm1[...], axis=(0, 1)),
                          jnp.max(pm2[...], axis=(0, 1)),
                          jnp.max(pm3[...], axis=(0, 1))])
    mn = jnp.concatenate([jnp.sum(ps1[...], axis=(0, 1)),
                          jnp.sum(ps2[...], axis=(0, 1)),
                          jnp.sum(ps3[...], axis=(0, 1))]) / N
    pooled = jnp.concatenate([mx, mn])[None, :]
    h = jnp.dot(pooled, Wc1[...], preferred_element_type=jnp.float32) + bc1[...]
    m = jnp.mean(h, axis=-1, keepdims=True)
    v = jnp.mean((h - m) ** 2, axis=-1, keepdims=True)
    h = jnp.maximum((h - m) * lax.rsqrt(v + 1e-5) * lng[...] + lnb[...], 0.0)
    out_o[...] = jnp.dot(h, Wc2[...], preferred_element_type=jnp.float32) \
        + bc2[...]


def _head(pm1, ps1, pm2, ps2, pm3, ps3, Wc1, bc1, lng, lnb, Wc2, bc2):
    return pl.pallas_call(
        _head_body,
        out_shape=jax.ShapeDtypeStruct((1, 6), jnp.float32),
    )(pm1, ps1, pm2, ps2, pm3, ps3, Wc1, bc1, lng, lnb, Wc2, bc2)


def kernel(adj, x, W1, b1, W2, b2, W3, b3, g1, be1, g2, be2, g3, be3,
           Wc1, bc1, lng, lnb, Wc2, bc2):
    src, dst = adj[0], adj[1]
    npad = EPAD - E
    srcp = jnp.concatenate([src, jnp.zeros((npad,), jnp.int32)])
    dstp = jnp.concatenate([dst, jnp.full((npad,), N, jnp.int32)])
    r = lambda a: a[None, :]

    dg0, dg1 = _sc_deg(dstp)
    dis, xp16 = _prep(dg0, dg1, x)

    ag1l, ag1h = _sc_prop_e(srcp, dstp, xp16)
    W1p = jnp.pad(W1, ((0, 13), (0, 0)))
    out1, s1, ss1 = _conv_out(ag1l, ag1h, xp16, dis, W1p, r(b1), 16, 32)
    h2a, h2b, pm1, ps1 = _bn_split(out1, s1, ss1, r(g1), r(be1), dis, None, 32)

    ag2l, ag2h = _sc_prop_f(srcp, dstp, h2a, h2b)
    out2, sm2, ss2 = _conv_cat(ag2l, ag2h, h2a, h2b, dis, W2, r(b2), 64)
    h3a, h3b, pm2, ps2 = _bn_split(out2, sm2, ss2, r(g2), r(be2), dis, W3, 64)

    ag3l, ag3h = _sc_prop_f(srcp, dstp, h3a, h3b)
    out3, s3, ss3 = _cat_add(ag3l, ag3h, h3a, h3b, dis, r(b3))
    pm3, ps3 = _bn_pool(out3, s3, ss3, r(g3), r(be3), 32)

    return _head(pm1, ps1, pm2, ps2, pm3, ps3,
                 Wc1, r(bc1), r(lng), r(lnb), Wc2, r(bc2))

# --- scband reference (transcript-rebuilt; emitter-appended) ---
"""Pipeline reference for scband-lightweight-gcn-24086176596046 (READ-ONLY COPY).

The authoritative reference and input builder live on the scoring server;
editing this copy changes nothing except your own understanding.
"""

import jax, jax.numpy as jnp
import numpy as np

N_NODES = 100000
N_EDGES = 1600000

def _gcn_conv(x, src, dst, W, b):
    # torch_geometric-style GCNConv: linear transform, add self-loops,
    # symmetric degree normalization, scatter-add aggregation at dst, bias.
    n = x.shape[0]
    loop = jnp.arange(n, dtype=src.dtype)
    s = jnp.concatenate([src, loop])
    d = jnp.concatenate([dst, loop])
    deg = jnp.zeros((n,), dtype=x.dtype).at[d].add(1.0)
    dis = jnp.where(deg > 0, jax.lax.rsqrt(deg), 0.0)
    norm = dis[s] * dis[d]
    h = x @ W
    msg = h[s] * norm[:, None]
    out = jnp.zeros((n, h.shape[1]), dtype=x.dtype).at[d].add(msg)
    return out + b

def _batch_norm(x, gamma, beta, eps=1e-5):
    # BatchNorm over the node dimension (training-mode batch statistics, biased var)
    m = jnp.mean(x, axis=0)
    v = jnp.var(x, axis=0)
    return (x - m) * jax.lax.rsqrt(v + eps) * gamma + beta

def _layer_norm(x, gamma, beta, eps=1e-5):
    m = jnp.mean(x, axis=-1, keepdims=True)
    v = jnp.var(x, axis=-1, keepdims=True)
    return (x - m) * jax.lax.rsqrt(v + eps) * gamma + beta

def setup_inputs(seed: int = 0):
    key = jax.random.key(seed)
    ks = jax.random.split(key, 16)
    def glorot(k, fan_in, fan_out):
        lim = float(np.sqrt(6.0 / (fan_in + fan_out)))
        return jax.random.uniform(k, (fan_in, fan_out), jnp.float32, -lim, lim)
    inp = {}
    inp["adj"] = jax.random.randint(ks[0], (2, N_EDGES), 0, N_NODES, dtype=jnp.int32)
    inp["x"] = jax.random.normal(ks[1], (N_NODES, 3), dtype=jnp.float32)
    inp["W1"] = glorot(ks[2], 3, 32);  inp["b1"] = jnp.zeros((32,), jnp.float32)
    inp["W2"] = glorot(ks[3], 32, 64); inp["b2"] = jnp.zeros((64,), jnp.float32)
    inp["W3"] = glorot(ks[4], 64, 32); inp["b3"] = jnp.zeros((32,), jnp.float32)
    inp["g1"] = jnp.ones((32,), jnp.float32); inp["be1"] = jnp.zeros((32,), jnp.float32)
    inp["g2"] = jnp.ones((64,), jnp.float32); inp["be2"] = jnp.zeros((64,), jnp.float32)
    inp["g3"] = jnp.ones((32,), jnp.float32); inp["be3"] = jnp.zeros((32,), jnp.float32)
    inp["Wc1"] = glorot(ks[5], 256, 64); inp["bc1"] = jnp.zeros((64,), jnp.float32)
    inp["lng"] = jnp.ones((64,), jnp.float32); inp["lnb"] = jnp.zeros((64,), jnp.float32)
    inp["Wc2"] = glorot(ks[6], 64, 6);   inp["bc2"] = jnp.zeros((6,), jnp.float32)
    return inp

def reference(adj, x, W1, b1, W2, b2, W3, b3, g1, be1, g2, be2, g3, be3, Wc1, bc1, lng, lnb, Wc2, bc2):
    src, dst = adj[0], adj[1]
    x1 = jax.nn.relu(_batch_norm(_gcn_conv(x, src, dst, W1, b1), g1, be1))
    x2 = jax.nn.relu(_batch_norm(_gcn_conv(x1, src, dst, W2, b2), g2, be2))
    x3 = jax.nn.relu(_batch_norm(_gcn_conv(x2, src, dst, W3, b3), g3, be3))
    feats = jnp.concatenate([x1, x2, x3], axis=1)  # [N, 128]
    # GlobalPooling: x.T.unsqueeze(0) -> [1, 128, N]; adaptive max/avg pool to 1 -> concat [1, 256]
    pooled = jnp.concatenate([jnp.max(feats, axis=0), jnp.mean(feats, axis=0)])[None, :]
    h = pooled @ Wc1 + bc1
    h = jax.nn.relu(_layer_norm(h, lng, lnb))
    # Dropout is identity in eval / deterministic reference
    out = h @ Wc2 + bc2
    return out

if __name__ == "__main__":
    import jax
    _d = setup_inputs()
    print(jax.jit(kernel)(*tuple(_d.values())))

</pallas_src>

<mosaic_0001>
#map = affine_map<(d0, d1) -> (0)>
#map1 = affine_map<(d0, d1) -> (0, 0)>
module attributes {stable_mosaic.version = 14 : i64} {
  func.func @body(%arg0: i32, %arg1: i32, %arg2: memref<1638400xi32, #tpu.memory_space<hbm>>, %arg3: memref<1638400xi32, #tpu.memory_space<hbm>>, %arg4: memref<100000x16xf32, #tpu.memory_space<hbm>>, %arg5: memref<100224x16xf32, #tpu.memory_space<hbm>>, %arg6: memref<100224x16xf32, #tpu.memory_space<hbm>>, %arg7: memref<800xi32, #tpu.memory_space<vmem>>, %arg8: memref<800xi32, #tpu.memory_space<vmem>>, %arg9: memref<800xi32, #tpu.memory_space<vmem>>, %arg10: memref<800xi32, #tpu.memory_space<vmem>>, %arg11: memref<800x16xf32, #tpu.memory_space<vmem>>, %arg12: memref<800x16xf32, #tpu.memory_space<vmem>>, %arg13: memref<100224x16xf32, #tpu.memory_space<vmem_shared>>, %arg14: memref<!tpu.dma_semaphore, #tpu.memory_space<semaphore_mem>>, %arg15: memref<!tpu.dma_semaphore, #tpu.memory_space<semaphore_mem>>, %arg16: memref<!tpu.dma_semaphore, #tpu.memory_space<semaphore_mem>>, %arg17: memref<!tpu.dma_semaphore, #tpu.memory_space<semaphore_mem>>) attributes {dimension_semantics = [#tpu.dimension_semantics<core_parallel>, #tpu.dimension_semantics<subcore_parallel>], iteration_bounds = array<i64: 2, 16>, scalar_prefetch = 0 : i64, scratch_operands = 11 : i64, tpu.core_type = #tpu.core_type<sc_vector_subcore>, window_params = [{transform_indices = #map}, {transform_indices = #map}, {transform_indices = #map1}, {transform_indices = #map1}, {transform_indices = #map1}]} {
    %scan3A = arith.constant 0 : i32
    %scan3A_0 = arith.constant 0 : i32
    %scan3A_1 = arith.constant 800 : i32
    %scan3A_2 = arith.addi %scan3A_0, %scan3A_1 : i32
    %scan3A_3 = arith.constant 1 : i32
    scf.for %scan3A_60 = %scan3A_0 to %scan3A_2 step %scan3A_3  : i32 {
      %broadcast_in_dim3A = arith.constant 0.000000e+00 : f32
      %broadcast_in_dim3A_61 = vector.broadcast %broadcast_in_dim3A : f32 to vector<16xf32>
      %swap3A = arith.index_cast %scan3A_60 : i32 to index
      %swap3A_62 = arith.constant 0 : index
      %swap3A_63 = tpu.vector_load %arg11[%swap3A, %swap3A_62] {strides = array<i32>} : memref<800x16xf32, #tpu.memory_space<vmem>>, vector<1x16xf32>,
      %swap3A_64 = vector.shape_cast %swap3A_63 : vector<1x16xf32> to vector<16xf32>
      %swap3A_65 = vector.shape_cast %broadcast_in_dim3A_61 : vector<16xf32> to vector<1x16xf32>
      tpu.vector_store %arg11[%swap3A, %swap3A_62], %swap3A_65 {strides = array<i32>} : memref<800x16xf32, #tpu.memory_space<vmem>>, vector<1x16xf32>,
    }
    %scan3A_4 = arith.constant 800 : i32
    %mul3A = arith.constant 6264 : i32
    %mul3A_5 = arith.muli %arg1, %mul3A : i32
    %add3A = arith.constant 0 : i32
    %add3A_6 = arith.addi %mul3A_5, %add3A : i32
    "tpu.region"() ({
      %run_scoped3A = tpu.sem_alloc : memref<!tpu.dma_semaphore, #tpu.memory_space<semaphore_mem>>
      %dma_start3A_60 = arith.constant 0 : i32
      %dma_start3A_61 = tpu.memref_slice %arg13[%add3A_6, %dma_start3A_60] : memref<100224x16xf32, #tpu.memory_space<vmem_shared>> -> memref<800x16xf32, #tpu.memory_space<vmem_shared>>
      %dma_start3A_62 = arith.constant 0 : i32
      %dma_start3A_63 = tpu.memref_slice %arg13[%add3A_6, %dma_start3A_62] : memref<100224x16xf32, #tpu.memory_space<vmem_shared>> -> memref<800x16xf32, #tpu.memory_space<vmem_shared>>
      tpu.enqueue_dma source(%arg11 : memref<800x16xf32, #tpu.memory_space<vmem>>) target(%dma_start3A_63 : memref<800x16xf32, #tpu.memory_space<vmem_shared>>) target_semaphore(%run_scoped3A : memref<!tpu.dma_semaphore, #tpu.memory_space<semaphore_mem>>)
      %dma_wait3A = arith.constant 0 : i32
      %dma_wait3A_64 = tpu.memref_slice %arg13[%add3A_6, %dma_wait3A] : memref<100224x16xf32, #tpu.memory_space<vmem_shared>> -> memref<800x16xf32, #tpu.memory_space<vmem_shared>>
      %dma_wait3A_65 = arith.constant 0 : i32
      %dma_wait3A_66 = tpu.memref_slice %arg13[%add3A_6, %dma_wait3A_65] : memref<100224x16xf32, #tpu.memory_space<vmem_shared>> -> memref<800x16xf32, #tpu.memory_space<vmem_shared>>
      tpu.wait_dma2 semaphore(%run_scoped3A : memref<!tpu.dma_semaphore, #tpu.memory_space<semaphore_mem>>) src(%arg11 : memref<800x16xf32, #tpu.memory_space<vmem>>) dst(%dma_wait3A_66 : memref<800x16xf32, #tpu.memory_space<vmem_shared>>)
      tpu.yield
    }) : () -> ()
    %add3A_7 = arith.constant 800 : i32
    %add3A_8 = arith.addi %mul3A_5, %add3A_7 : i32
    "tpu.region"() ({
      %run_scoped3A = tpu.sem_alloc : memref<!tpu.dma_semaphore, #tpu.memory_space<semaphore_mem>>
      %dma_start3A_60 = arith.constant 0 : i32
      %dma_start3A_61 = tpu.memref_slice %arg13[%add3A_8, %dma_start3A_60] : memref<100224x16xf32, #tpu.memory_space<vmem_shared>> -> memref<800x16xf32, #tpu.memory_space<vmem_shared>>
      %dma_start3A_62 = arith.constant 0 : i32
      %dma_start3A_63 = tpu.memref_slice %arg13[%add3A_8, %dma_start3A_62] : memref<100224x16xf32, #tpu.memory_space<vmem_shared>> -> memref<800x16xf32, #tpu.memory_space<vmem_shared>>
      tpu.enqueue_dma source(%arg11 : memref<800x16xf32, #tpu.memory_space<vmem>>) target(%dma_start3A_63 : memref<800x16xf32, #tpu.memory_space<vmem_shared>>) target_semaphore(%run_scoped3A : memref<!tpu.dma_semaphore, #tpu.memory_space<semaphore_mem>>)
      %dma_wait3A = arith.constant 0 : i32
      %dma_wait3A_64 = tpu.memref_slice %arg13[%add3A_8, %dma_wait3A] : memref<100224x16xf32, #tpu.memory_space<vmem_shared>> -> memref<800x16xf32, #tpu.memory_space<vmem_shared>>
      %dma_wait3A_65 = arith.constant 0 : i32
      %dma_wait3A_66 = tpu.memref_slice %arg13[%add3A_8, %dma_wait3A_65] : memref<100224x16xf32, #tpu.memory_space<vmem_shared>> -> memref<800x16xf32, #tpu.memory_space<vmem_shared>>
      tpu.wait_dma2 semaphore(%run_scoped3A : memref<!tpu.dma_semaphore, #tpu.memory_space<semaphore_mem>>) src(%arg11 : memref<800x16xf32, #tpu.memory_space<vmem>>) dst(%dma_wait3A_66 : memref<800x16xf32, #tpu.memory_space<vmem_shared>>)
      tpu.yield
    }) : () -> ()
    %add3A_9 = arith.constant 1600 : i32
    %add3A_10 = arith.addi %mul3A_5, %add3A_9 : i32
    "tpu.region"() ({
      %run_scoped3A = tpu.sem_alloc : memref<!tpu.dma_semaphore, #tpu.memory_space<semaphore_mem>>
      %dma_start3A_60 = arith.constant 0 : i32
      %dma_start3A_61 = tpu.memref_slice %arg13[%add3A_10, %dma_start3A_60] : memref<100224x16xf32, #tpu.memory_space<vmem_shared>> -> memref<800x16xf32, #tpu.memory_space<vmem_shared>>
      %dma_start3A_62 = arith.constant 0 : i32
      %dma_start3A_63 = tpu.memref_slice %arg13[%add3A_10, %dma_start3A_62] : memref<100224x16xf32, #tpu.memory_space<vmem_shared>> -> memref<800x16xf32, #tpu.memory_space<vmem_shared>>
      tpu.enqueue_dma source(%arg11 : memref<800x16xf32, #tpu.memory_space<vmem>>) target(%dma_start3A_63 : memref<800x16xf32, #tpu.memory_space<vmem_shared>>) target_semaphore(%run_scoped3A : memref<!tpu.dma_semaphore, #tpu.memory_space<semaphore_mem>>)
      %dma_wait3A = arith.constant 0 : i32
      %dma_wait3A_64 = tpu.memref_slice %arg13[%add3A_10, %dma_wait3A] : memref<100224x16xf32, #tpu.memory_space<vmem_shared>> -> memref<800x16xf32, #tpu.memory_space<vmem_shared>>
      %dma_wait3A_65 = arith.constant 0 : i32
      %dma_wait3A_66 = tpu.memref_slice %arg13[%add3A_10, %dma_wait3A_65] : memref<100224x16xf32, #tpu.memory_space<vmem_shared>> -> memref<800x16xf32, #tpu.memory_space<vmem_shared>>
      tpu.wait_dma2 semaphore(%run_scoped3A : memref<!tpu.dma_semaphore, #tpu.memory_space<semaphore_mem>>) src(%arg11 : memref<800x16xf32, #tpu.memory_space<vmem>>) dst(%dma_wait3A_66 : memref<800x16xf32, #tpu.memory_space<vmem_shared>>)
      tpu.yield
    }) : () -> ()
    %add3A_11 = arith.constant 2400 : i32
    %add3A_12 = arith.addi %mul3A_5, %add3A_11 : i32
    "tpu.region"() ({
      %run_scoped3A = tpu.sem_alloc : memref<!tpu.dma_semaphore, #tpu.memory_space<semaphore_mem>>
      %dma_start3A_60 = arith.constant 0 : i32
      %dma_start3A_61 = tpu.memref_slice %arg13[%add3A_12, %dma_start3A_60] : memref<100224x16xf32, #tpu.memory_space<vmem_shared>> -> memref<800x16xf32, #tpu.memory_space<vmem_shared>>
      %dma_start3A_62 = arith.constant 0 : i32
      %dma_start3A_63 = tpu.memref_slice %arg13[%add3A_12, %dma_start3A_62] : memref<100224x16xf32, #tpu.memory_space<vmem_shared>> -> memref<800x16xf32, #tpu.memory_space<vmem_shared>>
      tpu.enqueue_dma source(%arg11 : memref<800x16xf32, #tpu.memory_space<vmem>>) target(%dma_start3A_63 : memref<800x16xf32, #tpu.memory_space<vmem_shared>>) target_semaphore(%run_scoped3A : memref<!tpu.dma_semaphore, #tpu.memory_space<semaphore_mem>>)
      %dma_wait3A = arith.constant 0 : i32
      %dma_wait3A_64 = tpu.memref_slice %arg13[%add3A_12, %dma_wait3A] : memref<100224x16xf32, #tpu.memory_space<vmem_shared>> -> memref<800x16xf32, #tpu.memory_space<vmem_shared>>
      %dma_wait3A_65 = arith.constant 0 : i32
      %dma_wait3A_66 = tpu.memref_slice %arg13[%add3A_12, %dma_wait3A_65] : memref<100224x16xf32, #tpu.memory_space<vmem_shared>> -> memref<800x16xf32, #tpu.memory_space<vmem_shared>>
      tpu.wait_dma2 semaphore(%run_scoped3A : memref<!tpu.dma_semaphore, #tpu.memory_space<semaphore_mem>>) src(%arg11 : memref<800x16xf32, #tpu.memory_space<vmem>>) dst(%dma_wait3A_66 : memref<800x16xf32, #tpu.memory_space<vmem_shared>>)
      tpu.yield
    }) : () -> ()
    %add3A_13 = arith.constant 3200 : i32
    %add3A_14 = arith.addi %mul3A_5, %add3A_13 : i32
    "tpu.region"() ({
      %run_scoped3A = tpu.sem_alloc : memref<!tpu.dma_semaphore, #tpu.memory_space<semaphore_mem>>
      %dma_start3A_60 = arith.constant 0 : i32
      %dma_start3A_61 = tpu.memref_slice %arg13[%add3A_14, %dma_start3A_60] : memref<100224x16xf32, #tpu.memory_space<vmem_shared>> -> memref<800x16xf32, #tpu.memory_space<vmem_shared>>
      %dma_start3A_62 = arith.constant 0 : i32
      %dma_start3A_63 = tpu.memref_slice %arg13[%add3A_14, %dma_start3A_62] : memref<100224x16xf32, #tpu.memory_space<vmem_shared>> -> memref<800x16xf32, #tpu.memory_space<vmem_shared>>
      tpu.enqueue_dma source(%arg11 : memref<800x16xf32, #tpu.memory_space<vmem>>) target(%dma_start3A_63 : memref<800x16xf32, #tpu.memory_space<vmem_shared>>) target_semaphore(%run_scoped3A : memref<!tpu.dma_semaphore, #tpu.memory_space<semaphore_mem>>)
      %dma_wait3A = arith.constant 0 : i32
      %dma_wait3A_64 = tpu.memref_slice %arg13[%add3A_14, %dma_wait3A] : memref<100224x16xf32, #tpu.memory_space<vmem_shared>> -> memref<800x16xf32, #tpu.memory_space<vmem_shared>>
      %dma_wait3A_65 = arith.constant 0 : i32
      %dma_wait3A_66 = tpu.memref_slice %arg13[%add3A_14, %dma_wait3A_65] : memref<100224x16xf32, #tpu.memory_space<vmem_shared>> -> memref<800x16xf32, #tpu.memory_space<vmem_shared>>
      tpu.wait_dma2 semaphore(%run_scoped3A : memref<!tpu.dma_semaphore, #tpu.memory_space<semaphore_mem>>) src(%arg11 : memref<800x16xf32, #tpu.memory_space<vmem>>) dst(%dma_wait3A_66 : memref<800x16xf32, #tpu.memory_space<vmem_shared>>)
      tpu.yield
    }) : () -> ()
    %add3A_15 = arith.constant 4000 : i32
    %add3A_16 = arith.addi %mul3A_5, %add3A_15 : i32
    "tpu.region"() ({
      %run_scoped3A = tpu.sem_alloc : memref<!tpu.dma_semaphore, #tpu.memory_space<semaphore_mem>>
      %dma_start3A_60 = arith.constant 0 : i32
      %dma_start3A_61 = tpu.memref_slice %arg13[%add3A_16, %dma_start3A_60] : memref<100224x16xf32, #tpu.memory_space<vmem_shared>> -> memref<800x16xf32, #tpu.memory_space<vmem_shared>>
      %dma_start3A_62 = arith.constant 0 : i32
      %dma_start3A_63 = tpu.memref_slice %arg13[%add3A_16, %dma_start3A_62] : memref<100224x16xf32, #tpu.memory_space<vmem_shared>> -> memref<800x16xf32, #tpu.memory_space<vmem_shared>>
      tpu.enqueue_dma source(%arg11 : memref<800x16xf32, #tpu.memory_space<vmem>>) target(%dma_start3A_63 : memref<800x16xf32, #tpu.memory_space<vmem_shared>>) target_semaphore(%run_scoped3A : memref<!tpu.dma_semaphore, #tpu.memory_space<semaphore_mem>>)
      %dma_wait3A = arith.constant 0 : i32
      %dma_wait3A_64 = tpu.memref_slice %arg13[%add3A_16, %dma_wait3A] : memref<100224x16xf32, #tpu.memory_space<vmem_shared>> -> memref<800x16xf32, #tpu.memory_space<vmem_shared>>
      %dma_wait3A_65 = arith.constant 0 : i32
      %dma_wait3A_66 = tpu.memref_slice %arg13[%add3A_16, %dma_wait3A_65] : memref<100224x16xf32, #tpu.memory_space<vmem_shared>> -> memref<800x16xf32, #tpu.memory_space<vmem_shared>>
      tpu.wait_dma2 semaphore(%run_scoped3A : memref<!tpu.dma_semaphore, #tpu.memory_space<semaphore_mem>>) src(%arg11 : memref<800x16xf32, #tpu.memory_space<vmem>>) dst(%dma_wait3A_66 : memref<800x16xf32, #tpu.memory_space<vmem_shared>>)
      tpu.yield
    }) : () -> ()
    %add3A_17 = arith.constant 4800 : i32
    %add3A_18 = arith.addi %mul3A_5, %add3A_17 : i32
    "tpu.region"() ({
      %run_scoped3A = tpu.sem_alloc : memref<!tpu.dma_semaphore, #tpu.memory_space<semaphore_mem>>
      %dma_start3A_60 = arith.constant 0 : i32
      %dma_start3A_61 = tpu.memref_slice %arg13[%add3A_18, %dma_start3A_60] : memref<100224x16xf32, #tpu.memory_space<vmem_shared>> -> memref<800x16xf32, #tpu.memory_space<vmem_shared>>
      %dma_start3A_62 = arith.constant 0 : i32
      %dma_start3A_63 = tpu.memref_slice %arg13[%add3A_18, %dma_start3A_62] : memref<100224x16xf32, #tpu.memory_space<vmem_shared>> -> memref<800x16xf32, #tpu.memory_space<vmem_shared>>
      tpu.enqueue_dma source(%arg11 : memref<800x16xf32, #tpu.memory_space<vmem>>) target(%dma_start3A_63 : memref<800x16xf32, #tpu.memory_space<vmem_shared>>) target_semaphore(%run_scoped3A : memref<!tpu.dma_semaphore, #tpu.memory_space<semaphore_mem>>)
      %dma_wait3A = arith.constant 0 : i32
      %dma_wait3A_64 = tpu.memref_slice %arg13[%add3A_18, %dma_wait3A] : memref<100224x16xf32, #tpu.memory_space<vmem_shared>> -> memref<800x16xf32, #tpu.memory_space<vmem_shared>>
      %dma_wait3A_65 = arith.constant 0 : i32
      %dma_wait3A_66 = tpu.memref_slice %arg13[%add3A_18, %dma_wait3A_65] : memref<100224x16xf32, #tpu.memory_space<vmem_shared>> -> memref<800x16xf32, #tpu.memory_space<vmem_shared>>
      tpu.wait_dma2 semaphore(%run_scoped3A : memref<!tpu.dma_semaphore, #tpu.memory_space<semaphore_mem>>) src(%arg11 : memref<800x16xf32, #tpu.memory_space<vmem>>) dst(%dma_wait3A_66 : memref<800x16xf32, #tpu.memory_space<vmem_shared>>)
      tpu.yield
    }) : () -> ()
    %add3A_19 = arith.constant 5600 : i32
    %add3A_20 = arith.addi %mul3A_5, %add3A_19 : i32
    "tpu.region"() ({
      %run_scoped3A = tpu.sem_alloc : memref<!tpu.dma_semaphore, #tpu.memory_space<semaphore_mem>>
      %dma_start3A_60 = arith.constant 0 : i32
      %dma_start3A_61 = arith.constant 0 : i32
      %dma_start3A_62 = tpu.memref_slice %arg11[%dma_start3A_60, %dma_start3A_61] : memref<800x16xf32, #tpu.memory_space<vmem>> -> memref<664x16xf32, #tpu.memory_space<vmem>>
      %dma_start3A_63 = arith.constant 0 : i32
      %dma_start3A_64 = tpu.memref_slice %arg13[%add3A_20, %dma_start3A_63] : memref<100224x16xf32, #tpu.memory_space<vmem_shared>> -> memref<664x16xf32, #tpu.memory_space<vmem_shared>>
      %dma_start3A_65 = arith.constant 0 : i32
      %dma_start3A_66 = tpu.memref_slice %arg13[%add3A_20, %dma_start3A_65] : memref<100224x16xf32, #tpu.memory_space<vmem_shared>> -> memref<664x16xf32, #tpu.memory_space<vmem_shared>>
      %dma_start3A_67 = arith.constant 0 : i32
      %dma_start3A_68 = arith.constant 0 : i32
      %dma_start3A_69 = tpu.memref_slice %arg11[%dma_start3A_67, %dma_start3A_68] : memref<800x16xf32, #tpu.memory_space<vmem>> -> memref<664x16xf32, #tpu.memory_space<vmem>>
      tpu.enqueue_dma source(%dma_start3A_69 : memref<664x16xf32, #tpu.memory_space<vmem>>) target(%dma_start3A_66 : memref<664x16xf32, #tpu.memory_space<vmem_shared>>) target_semaphore(%run_scoped3A : memref<!tpu.dma_semaphore, #tpu.memory_space<semaphore_mem>>)
      %dma_wait3A = arith.constant 0 : i32
      %dma_wait3A_70 = arith.constant 0 : i32
      %dma_wait3A_71 = tpu.memref_slice %arg11[%dma_wait3A, %dma_wait3A_70] : memref<800x16xf32, #tpu.memory_space<vmem>> -> memref<664x16xf32, #tpu.memory_space<vmem>>
      %dma_wait3A_72 = arith.constant 0 : i32
      %dma_wait3A_73 = tpu.memref_slice %arg13[%add3A_20, %dma_wait3A_72] : memref<100224x16xf32, #tpu.memory_space<vmem_shared>> -> memref<664x16xf32, #tpu.memory_space<vmem_shared>>
      %dma_wait3A_74 = arith.constant 0 : i32
      %dma_wait3A_75 = tpu.memref_slice %arg13[%add3A_20, %dma_wait3A_74] : memref<100224x16xf32, #tpu.memory_space<vmem_shared>> -> memref<664x16xf32, #tpu.memory_space<vmem_shared>>
      %dma_wait3A_76 = arith.constant 0 : i32
      %dma_wait3A_77 = arith.constant 0 : i32
      %dma_wait3A_78 = tpu.memref_slice %arg11[%dma_wait3A_76, %dma_wait3A_77] : memref<800x16xf32, #tpu.memory_space<vmem>> -> memref<664x16xf32, #tpu.memory_space<vmem>>
      tpu.wait_dma2 semaphore(%run_scoped3A : memref<!tpu.dma_semaphore, #tpu.memory_space<semaphore_mem>>) src(%dma_wait3A_78 : memref<664x16xf32, #tpu.memory_space<vmem>>) dst(%dma_wait3A_75 : memref<664x16xf32, #tpu.memory_space<vmem_shared>>)
      tpu.yield
    }) : () -> ()
    %barrier3A = arith.constant 0 : index
    tpu.barrier barrier_id(%barrier3A)
    %mul3A_21 = arith.constant 2 : i32
    %mul3A_22 = arith.muli %arg1, %mul3A_21 : i32
    %add3A_23 = arith.addi %mul3A_22, %arg0 : i32
    %mul3A_24 = arith.constant 51200 : i32
    %mul3A_25 = arith.muli %add3A_23, %mul3A_24 : i32
    %add3A_26 = arith.constant 0 : i32
    %add3A_27 = arith.addi %mul3A_25, %add3A_26 : i32
    %multiple_of3A = tpu.assume_multiple %add3A_27, 8 : i32
    "tpu.region"() ({
      %run_scoped3A = tpu.sem_alloc : memref<!tpu.dma_semaphore, #tpu.memory_space<semaphore_mem>>
      %dma_start3A_60 = tpu.memref_slice %arg2[%multiple_of3A] : memref<1638400xi32, #tpu.memory_space<hbm>> -> memref<800xi32, #tpu.memory_space<hbm>>
      %dma_start3A_61 = tpu.memref_slice %arg2[%multiple_of3A] : memref<1638400xi32, #tpu.memory_space<hbm>> -> memref<800xi32, #tpu.memory_space<hbm>>
      tpu.enqueue_dma source(%dma_start3A_61 : memref<800xi32, #tpu.memory_space<hbm>>) target(%arg7 : memref<800xi32, #tpu.memory_space<vmem>>) target_semaphore(%run_scoped3A : memref<!tpu.dma_semaphore, #tpu.memory_space<semaphore_mem>>)
      %dma_wait3A = tpu.memref_slice %arg2[%multiple_of3A] : memref<1638400xi32, #tpu.memory_space<hbm>> -> memref<800xi32, #tpu.memory_space<hbm>>
      %dma_wait3A_62 = tpu.memref_slice %arg2[%multiple_of3A] : memref<1638400xi32, #tpu.memory_space<hbm>> -> memref<800xi32, #tpu.memory_space<hbm>>
      tpu.wait_dma2 semaphore(%run_scoped3A : memref<!tpu.dma_semaphore, #tpu.memory_space<semaphore_mem>>) src(%dma_wait3A_62 : memref<800xi32, #tpu.memory_space<hbm>>) dst(%arg7 : memref<800xi32, #tpu.memory_space<vmem>>)
      tpu.yield
    }) : () -> ()
    %add3A_28 = arith.constant 0 : i32
    %add3A_29 = arith.addi %mul3A_25, %add3A_28 : i32
    %multiple_of3A_30 = tpu.assume_multiple %add3A_29, 8 : i32
    "tpu.region"() ({
      %run_scoped3A = tpu.sem_alloc : memref<!tpu.dma_semaphore, #tpu.memory_space<semaphore_mem>>
      %dma_start3A_60 = tpu.memref_slice %arg3[%multiple_of3A_30] : memref<1638400xi32, #tpu.memory_space<hbm>> -> memref<800xi32, #tpu.memory_space<hbm>>
      %dma_start3A_61 = tpu.memref_slice %arg3[%multiple_of3A_30] : memref<1638400xi32, #tpu.memory_space<hbm>> -> memref<800xi32, #tpu.memory_space<hbm>>
      tpu.enqueue_dma source(%dma_start3A_61 : memref<800xi32, #tpu.memory_space<hbm>>) target(%arg9 : memref<800xi32, #tpu.memory_space<vmem>>) target_semaphore(%run_scoped3A : memref<!tpu.dma_semaphore, #tpu.memory_space<semaphore_mem>>)
      %dma_wait3A = tpu.memref_slice %arg3[%multiple_of3A_30] : memref<1638400xi32, #tpu.memory_space<hbm>> -> memref<800xi32, #tpu.memory_space<hbm>>
      %dma_wait3A_62 = tpu.memref_slice %arg3[%multiple_of3A_30] : memref<1638400xi32, #tpu.memory_space<hbm>> -> memref<800xi32, #tpu.memory_space<hbm>>
      tpu.wait_dma2 semaphore(%run_scoped3A : memref<!tpu.dma_semaphore, #tpu.memory_space<semaphore_mem>>) src(%dma_wait3A_62 : memref<800xi32, #tpu.memory_space<hbm>>) dst(%arg9 : memref<800xi32, #tpu.memory_space<vmem>>)
      tpu.yield
    }) : () -> ()
    %dma_start3A = arith.constant 0 : i32
    %dma_start3A_31 = arith.constant 0 : i32
    %dma_start3A_32 = tpu.memref_slice %arg4[%dma_start3A, %dma_start3A_31] : memref<100000x16xf32, #tpu.memory_space<hbm>> -> memref<100000x16xf32, #tpu.memory_space<hbm>>
    tpu.enqueue_indirect_dma source(%dma_start3A_32 : memref<100000x16xf32, #tpu.memory_space<hbm>>) target(%arg11 : memref<800x16xf32, #tpu.memory_space<vmem>>) offsets(%arg7 : memref<800xi32, #tpu.memory_space<vmem>>) semaphore(%arg14 : memref<!tpu.dma_semaphore, #tpu.memory_space<semaphore_mem>>)
    %add3A_33 = arith.constant 800 : i32
    %add3A_34 = arith.addi %mul3A_25, %add3A_33 : i32
    %multiple_of3A_35 = tpu.assume_multiple %add3A_34, 8 : i32
    %dma_start3A_36 = tpu.memref_slice %arg2[%multiple_of3A_35] : memref<1638400xi32, #tpu.memory_space<hbm>> -> memref<800xi32, #tpu.memory_space<hbm>>
    %dma_start3A_37 = tpu.memref_slice %arg2[%multiple_of3A_35] : memref<1638400xi32, #tpu.memory_space<hbm>> -> memref<800xi32, #tpu.memory_space<hbm>>
    tpu.enqueue_dma source(%dma_start3A_37 : memref<800xi32, #tpu.memory_space<hbm>>) target(%arg8 : memref<800xi32, #tpu.memory_space<vmem>>) target_semaphore(%arg17 : memref<!tpu.dma_semaphore, #tpu.memory_space<semaphore_mem>>)
    %add3A_38 = arith.constant 800 : i32
    %add3A_39 = arith.addi %mul3A_25, %add3A_38 : i32
    %multiple_of3A_40 = tpu.assume_multiple %add3A_39, 8 : i32
    %dma_start3A_41 = tpu.memref_slice %arg3[%multiple_of3A_40] : memref<1638400xi32, #tpu.memory_space<hbm>> -> memref<800xi32, #tpu.memory_space<hbm>>
    %dma_start3A_42 = tpu.memref_slice %arg3[%multiple_of3A_40] : memref<1638400xi32, #tpu.memory_space<hbm>> -> memref<800xi32, #tpu.memory_space<hbm>>
    tpu.enqueue_dma source(%dma_start3A_42 : memref<800xi32, #tpu.memory_space<hbm>>) target(%arg10 : memref<800xi32, #tpu.memory_space<vmem>>) target_semaphore(%arg17 : memref<!tpu.dma_semaphore, #tpu.memory_space<semaphore_mem>>)
    %scan3A_43 = arith.constant 0 : i32
    %scan3A_44 = arith.constant 0 : i32
    %scan3A_45 = arith.constant 32 : i32
    %scan3A_46 = arith.addi %scan3A_44, %scan3A_45 : i32
    %scan3A_47 = arith.constant 1 : i32
    scf.for %scan3A_60 = %scan3A_44 to %scan3A_46 step %scan3A_47  : i32 {
      %mul3A_61 = arith.constant 2 : i32
      %mul3A_62 = arith.muli %mul3A_61, %scan3A_60 : i32
      %add3A_63 = arith.constant 0 : i32
      %add3A_64 = arith.addi %mul3A_62, %add3A_63 : i32
      %add3A_65 = arith.constant 2 : i32
      %add3A_66 = arith.addi %add3A_64, %add3A_65 : i32
      %sub3A = arith.constant 1 : i32
      %sub3A_67 = arith.subi %add3A_66, %sub3A : i32
      %lt3A = arith.constant 64 : i32
      %lt3A_68 = arith.cmpi slt, %sub3A_67, %lt3A : i32
      %convert_element_type3A_69 = arith.extui %lt3A_68 : i1 to i32
      %cond3A_70 = arith.constant 0 : i32
      %cond3A_71 = arith.cmpi ne, %convert_element_type3A_69, %cond3A_70 : i32
      scf.if %cond3A_71 {
        %add3A_116 = arith.constant 2 : i32
        %add3A_117 = arith.addi %add3A_64, %add3A_116 : i32
        %sub3A_118 = arith.constant 1 : i32
        %sub3A_119 = arith.subi %add3A_117, %sub3A_118 : i32
        %mul3A_120 = arith.constant 800 : i32
        %mul3A_121 = arith.muli %sub3A_119, %mul3A_120 : i32
        %add3A_122 = arith.addi %mul3A_25, %mul3A_121 : i32
        %multiple_of3A_123 = tpu.assume_multiple %add3A_122, 8 : i32
        %dma_wait3A_124 = tpu.memref_slice %arg2[%multiple_of3A_123] : memref<1638400xi32, #tpu.memory_space<hbm>> -> memref<800xi32, #tpu.memory_space<hbm>>
        %dma_wait3A_125 = tpu.memref_slice %arg2[%multiple_of3A_123] : memref<1638400xi32, #tpu.memory_space<hbm>> -> memref<800xi32, #tpu.memory_space<hbm>>
        tpu.wait_dma2 semaphore(%arg17 : memref<!tpu.dma_semaphore, #tpu.memory_space<semaphore_mem>>) src(%dma_wait3A_125 : memref<800xi32, #tpu.memory_space<hbm>>) dst(%arg8 : memref<800xi32, #tpu.memory_space<vmem>>)
        %add3A_126 = arith.constant 2 : i32
        %add3A_127 = arith.addi %add3A_64, %add3A_126 : i32
        %sub3A_128 = arith.constant 1 : i32
        %sub3A_129 = arith.subi %add3A_127, %sub3A_128 : i32
        %mul3A_130 = arith.constant 800 : i32
        %mul3A_131 = arith.muli %sub3A_129, %mul3A_130 : i32
        %add3A_132 = arith.addi %mul3A_25, %mul3A_131 : i32
        %multiple_of3A_133 = tpu.assume_multiple %add3A_132, 8 : i32
        %dma_wait3A_134 = tpu.memref_slice %arg3[%multiple_of3A_133] : memref<1638400xi32, #tpu.memory_space<hbm>> -> memref<800xi32, #tpu.memory_space<hbm>>
        %dma_wait3A_135 = tpu.memref_slice %arg3[%multiple_of3A_133] : memref<1638400xi32, #tpu.memory_space<hbm>> -> memref<800xi32, #tpu.memory_space<hbm>>
        tpu.wait_dma2 semaphore(%arg17 : memref<!tpu.dma_semaphore, #tpu.memory_space<semaphore_mem>>) src(%dma_wait3A_135 : memref<800xi32, #tpu.memory_space<hbm>>) dst(%arg10 : memref<800xi32, #tpu.memory_space<vmem>>)
        %dma_start3A_136 = arith.constant 0 : i32
        %dma_start3A_137 = arith.constant 0 : i32
        %dma_start3A_138 = tpu.memref_slice %arg4[%dma_start3A_136, %dma_start3A_137] : memref<100000x16xf32, #tpu.memory_space<hbm>> -> memref<100000x16xf32, #tpu.memory_space<hbm>>
        tpu.enqueue_indirect_dma source(%dma_start3A_138 : memref<100000x16xf32, #tpu.memory_space<hbm>>) target(%arg12 : memref<800x16xf32, #tpu.memory_space<vmem>>) offsets(%arg8 : memref<800xi32, #tpu.memory_space<vmem>>) semaphore(%arg15 : memref<!tpu.dma_semaphore, #tpu.memory_space<semaphore_mem>>)
      } else {
      }
      %dma_wait3A = arith.constant 0 : i32
      %dma_wait3A_72 = arith.constant 0 : i32
      %dma_wait3A_73 = tpu.memref_slice %arg4[%dma_wait3A, %dma_wait3A_72] : memref<100000x16xf32, #tpu.memory_space<hbm>> -> memref<100000x16xf32, #tpu.memory_space<hbm>>
      tpu.wait_indirect_dma semaphore(%arg14 : memref<!tpu.dma_semaphore, #tpu.memory_space<semaphore_mem>>) src(%dma_wait3A_73 : memref<100000x16xf32, #tpu.memory_space<hbm>>) dst(%arg11 : memref<800x16xf32, #tpu.memory_space<vmem>>)
      %dma_start3A_74 = arith.constant 0 : i32
      %dma_start3A_75 = arith.constant 0 : i32
      %dma_start3A_76 = tpu.memref_slice %arg13[%dma_start3A_74, %dma_start3A_75] : memref<100224x16xf32, #tpu.memory_space<vmem_shared>> -> memref<100224x16xf32, #tpu.memory_space<vmem_shared>>
      tpu.enqueue_indirect_dma source(%arg11 : memref<800x16xf32, #tpu.memory_space<vmem>>) target(%dma_start3A_76 : memref<100224x16xf32, #tpu.memory_space<vmem_shared>>) offsets(%arg9 : memref<800xi32, #tpu.memory_space<vmem>>) semaphore(%arg16 : memref<!tpu.dma_semaphore, #tpu.memory_space<semaphore_mem>>) {add = true}
      %dma_wait3A_77 = arith.constant 0 : i32
      %dma_wait3A_78 = arith.constant 0 : i32
      %dma_wait3A_79 = tpu.memref_slice %arg13[%dma_wait3A_77, %dma_wait3A_78] : memref<100224x16xf32, #tpu.memory_space<vmem_shared>> -> memref<100224x16xf32, #tpu.memory_space<vmem_shared>>
      tpu.wait_indirect_dma semaphore(%arg16 : memref<!tpu.dma_semaphore, #tpu.memory_space<semaphore_mem>>) src(%arg11 : memref<800x16xf32, #tpu.memory_space<vmem>>) dst(%dma_wait3A_79 : memref<100224x16xf32, #tpu.memory_space<vmem_shared>>)
      %add3A_80 = arith.constant 2 : i32
      %add3A_81 = arith.addi %add3A_64, %add3A_80 : i32
      %lt3A_82 = arith.constant 64 : i32
      %lt3A_83 = arith.cmpi slt, %add3A_81, %lt3A_82 : i32
      %convert_element_type3A_84 = arith.extui %lt3A_83 : i1 to i32
      %cond3A_85 = arith.constant 0 : i32
      %cond3A_86 = arith.cmpi ne, %convert_element_type3A_84, %cond3A_85 : i32
      scf.if %cond3A_86 {
        %add3A_116 = arith.constant 2 : i32
        %add3A_117 = arith.addi %add3A_64, %add3A_116 : i32
        %mul3A_118 = arith.constant 800 : i32
        %mul3A_119 = arith.muli %add3A_117, %mul3A_118 : i32
        %add3A_120 = arith.addi %mul3A_25, %mul3A_119 : i32
        %multiple_of3A_121 = tpu.assume_multiple %add3A_120, 8 : i32
        %dma_start3A_122 = tpu.memref_slice %arg2[%multiple_of3A_121] : memref<1638400xi32, #tpu.memory_space<hbm>> -> memref<800xi32, #tpu.memory_space<hbm>>
        %dma_start3A_123 = tpu.memref_slice %arg2[%multiple_of3A_121] : memref<1638400xi32, #tpu.memory_space<hbm>> -> memref<800xi32, #tpu.memory_space<hbm>>
        tpu.enqueue_dma source(%dma_start3A_123 : memref<800xi32, #tpu.memory_space<hbm>>) target(%arg7 : memref<800xi32, #tpu.memory_space<vmem>>) target_semaphore(%arg16 : memref<!tpu.dma_semaphore, #tpu.memory_space<semaphore_mem>>)
        %add3A_124 = arith.constant 2 : i32
        %add3A_125 = arith.addi %add3A_64, %add3A_124 : i32
        %mul3A_126 = arith.constant 800 : i32
        %mul3A_127 = arith.muli %add3A_125, %mul3A_126 : i32
        %add3A_128 = arith.addi %mul3A_25, %mul3A_127 : i32
        %multiple_of3A_129 = tpu.assume_multiple %add3A_128, 8 : i32
        %dma_start3A_130 = tpu.memref_slice %arg3[%multiple_of3A_129] : memref<1638400xi32, #tpu.memory_space<hbm>> -> memref<800xi32, #tpu.memory_space<hbm>>
        %dma_start3A_131 = tpu.memref_slice %arg3[%multiple_of3A_129] : memref<1638400xi32, #tpu.memory_space<hbm>> -> memref<800xi32, #tpu.memory_space<hbm>>
        tpu.enqueue_dma source(%dma_start3A_131 : memref<800xi32, #tpu.memory_space<hbm>>) target(%arg9 : memref<800xi32, #tpu.memory_space<vmem>>) target_semaphore(%arg16 : memref<!tpu.dma_semaphore, #tpu.memory_space<semaphore_mem>>)
      } else {
      }
      %mul3A_87 = arith.constant 2 : i32
      %mul3A_88 = arith.muli %mul3A_87, %scan3A_60 : i32
      %add3A_89 = arith.constant 1 : i32
      %add3A_90 = arith.addi %mul3A_88, %add3A_89 : i32
      %add3A_91 = arith.constant 2 : i32
      %add3A_92 = arith.addi %add3A_90, %add3A_91 : i32
      %sub3A_93 = arith.constant 1 : i32
      %sub3A_94 = arith.subi %add3A_92, %sub3A_93 : i32
      %lt3A_95 = arith.constant 64 : i32
      %lt3A_96 = arith.cmpi slt, %sub3A_94, %lt3A_95 : i32
      %convert_element_type3A_97 = arith.extui %lt3A_96 : i1 to i32
      %cond3A_98 = arith.constant 0 : i32
      %cond3A_99 = arith.cmpi ne, %convert_element_type3A_97, %cond3A_98 : i32
      scf.if %cond3A_99 {
        %add3A_116 = arith.constant 2 : i32
        %add3A_117 = arith.addi %add3A_90, %add3A_116 : i32
        %sub3A_118 = arith.constant 1 : i32
        %sub3A_119 = arith.subi %add3A_117, %sub3A_118 : i32
        %mul3A_120 = arith.constant 800 : i32
        %mul3A_121 = arith.muli %sub3A_119, %mul3A_120 : i32
        %add3A_122 = arith.addi %mul3A_25, %mul3A_121 : i32
        %multiple_of3A_123 = tpu.assume_multiple %add3A_122, 8 : i32
        %dma_wait3A_124 = tpu.memref_slice %arg2[%multiple_of3A_123] : memref<1638400xi32, #tpu.memory_space<hbm>> -> memref<800xi32, #tpu.memory_space<hbm>>
        %dma_wait3A_125 = tpu.memref_slice %arg2[%multiple_of3A_123] : memref<1638400xi32, #tpu.memory_space<hbm>> -> memref<800xi32, #tpu.memory_space<hbm>>
        tpu.wait_dma2 semaphore(%arg16 : memref<!tpu.dma_semaphore, #tpu.memory_space<semaphore_mem>>) src(%dma_wait3A_125 : memref<800xi32, #tpu.memory_space<hbm>>) dst(%arg7 : memref<800xi32, #tpu.memory_space<vmem>>)
        %add3A_126 = arith.constant 2 : i32
        %add3A_127 = arith.addi %add3A_90, %add3A_126 : i32
        %sub3A_128 = arith.constant 1 : i32
        %sub3A_129 = arith.subi %add3A_127, %sub3A_128 : i32
        %mul3A_130 = arith.constant 800 : i32
        %mul3A_131 = arith.muli %sub3A_129, %mul3A_130 : i32
        %add3A_132 = arith.addi %mul3A_25, %mul3A_131 : i32
        %multiple_of3A_133 = tpu.assume_multiple %add3A_132, 8 : i32
        %dma_wait3A_134 = tpu.memref_slice %arg3[%multiple_of3A_133] : memref<1638400xi32, #tpu.memory_space<hbm>> -> memref<800xi32, #tpu.memory_space<hbm>>
        %dma_wait3A_135 = tpu.memref_slice %arg3[%multiple_of3A_133] : memref<1638400xi32, #tpu.memory_space<hbm>> -> memref<800xi32, #tpu.memory_space<hbm>>
        tpu.wait_dma2 semaphore(%arg16 : memref<!tpu.dma_semaphore, #tpu.memory_space<semaphore_mem>>) src(%dma_wait3A_135 : memref<800xi32, #tpu.memory_space<hbm>>) dst(%arg9 : memref<800xi32, #tpu.memory_space<vmem>>)
        %dma_start3A_136 = arith.constant 0 : i32
        %dma_start3A_137 = arith.constant 0 : i32
        %dma_start3A_138 = tpu.memref_slice %arg4[%dma_start3A_136, %dma_start3A_137] : memref<100000x16xf32, #tpu.memory_space<hbm>> -> memref<100000x16xf32, #tpu.memory_space<hbm>>
        tpu.enqueue_indirect_dma source(%dma_start3A_138 : memref<100000x16xf32, #tpu.memory_space<hbm>>) target(%arg11 : memref<800x16xf32, #tpu.memory_space<vmem>>) offsets(%arg7 : memref<800xi32, #tpu.memory_space<vmem>>) semaphore(%arg14 : memref<!tpu.dma_semaphore, #tpu.memory_space<semaphore_mem>>)
      } else {
      }
      %dma_wait3A_100 = arith.constant 0 : i32
      %dma_wait3A_101 = arith.constant 0 : i32
      %dma_wait3A_102 = tpu.memref_slice %arg4[%dma_wait3A_100, %dma_wait3A_101] : memref<100000x16xf32, #tpu.memory_space<hbm>> -> memref<100000x16xf32, #tpu.memory_space<hbm>>
      tpu.wait_indirect_dma semaphore(%arg15 : memref<!tpu.dma_semaphore, #tpu.memory_space<semaphore_mem>>) src(%dma_wait3A_102 : memref<100000x16xf32, #tpu.memory_space<hbm>>) dst(%arg12 : memref<800x16xf32, #tpu.memory_space<vmem>>)
      %dma_start3A_103 = arith.constant 0 : i32
      %dma_start3A_104 = arith.constant 0 : i32
      %dma_start3A_105 = tpu.memref_slice %arg13[%dma_start3A_103, %dma_start3A_104] : memref<100224x16xf32, #tpu.memory_space<vmem_shared>> -> memref<100224x16xf32, #tpu.memory_space<vmem_shared>>
      tpu.enqueue_indirect_dma source(%arg12 : memref<800x16xf32, #tpu.memory_space<vmem>>) target(%dma_start3A_105 : memref<100224x16xf32, #tpu.memory_space<vmem_shared>>) offsets(%arg10 : memref<800xi32, #tpu.memory_space<vmem>>) semaphore(%arg17 : memref<!tpu.dma_semaphore, #tpu.memory_space<semaphore_mem>>) {add = true}
      %dma_wait3A_106 = arith.constant 0 : i32
      %dma_wait3A_107 = arith.constant 0 : i32
      %dma_wait3A_108 = tpu.memref_slice %arg13[%dma_wait3A_106, %dma_wait3A_107] : memref<100224x16xf32, #tpu.memory_space<vmem_shared>> -> memref<100224x16xf32, #tpu.memory_space<vmem_shared>>
      tpu.wait_indirect_dma semaphore(%arg17 : memref<!tpu.dma_semaphore, #tpu.memory_space<semaphore_mem>>) src(%arg12 : memref<800x16xf32, #tpu.memory_space<vmem>>) dst(%dma_wait3A_108 : memref<100224x16xf32, #tpu.memory_space<vmem_shared>>)
      %add3A_109 = arith.constant 2 : i32
      %add3A_110 = arith.addi %add3A_90, %add3A_109 : i32
      %lt3A_111 = arith.constant 64 : i32
      %lt3A_112 = arith.cmpi slt, %add3A_110, %lt3A_111 : i32
      %convert_element_type3A_113 = arith.extui %lt3A_112 : i1 to i32
      %cond3A_114 = arith.constant 0 : i32
      %cond3A_115 = arith.cmpi ne, %convert_element_type3A_113, %cond3A_114 : i32
      scf.if %cond3A_115 {
        %add3A_116 = arith.constant 2 : i32
        %add3A_117 = arith.addi %add3A_90, %add3A_116 : i32
        %mul3A_118 = arith.constant 800 : i32
        %mul3A_119 = arith.muli %add3A_117, %mul3A_118 : i32
        %add3A_120 = arith.addi %mul3A_25, %mul3A_119 : i32
        %multiple_of3A_121 = tpu.assume_multiple %add3A_120, 8 : i32
        %dma_start3A_122 = tpu.memref_slice %arg2[%multiple_of3A_121] : memref<1638400xi32, #tpu.memory_space<hbm>> -> memref<800xi32, #tpu.memory_space<hbm>>
        %dma_start3A_123 = tpu.memref_slice %arg2[%multiple_of3A_121] : memref<1638400xi32, #tpu.memory_space<hbm>> -> memref<800xi32, #tpu.memory_space<hbm>>
        tpu.enqueue_dma source(%dma_start3A_123 : memref<800xi32, #tpu.memory_space<hbm>>) target(%arg8 : memref<800xi32, #tpu.memory_space<vmem>>) target_semaphore(%arg17 : memref<!tpu.dma_semaphore, #tpu.memory_space<semaphore_mem>>)
        %add3A_124 = arith.constant 2 : i32
        %add3A_125 = arith.addi %add3A_90, %add3A_124 : i32
        %mul3A_126 = arith.constant 800 : i32
        %mul3A_127 = arith.muli %add3A_125, %mul3A_126 : i32
        %add3A_128 = arith.addi %mul3A_25, %mul3A_127 : i32
        %multiple_of3A_129 = tpu.assume_multiple %add3A_128, 8 : i32
        %dma_start3A_130 = tpu.memref_slice %arg3[%multiple_of3A_129] : memref<1638400xi32, #tpu.memory_space<hbm>> -> memref<800xi32, #tpu.memory_space<hbm>>
        %dma_start3A_131 = tpu.memref_slice %arg3[%multiple_of3A_129] : memref<1638400xi32, #tpu.memory_space<hbm>> -> memref<800xi32, #tpu.memory_space<hbm>>
        tpu.enqueue_dma source(%dma_start3A_131 : memref<800xi32, #tpu.memory_space<hbm>>) target(%arg10 : memref<800xi32, #tpu.memory_space<vmem>>) target_semaphore(%arg17 : memref<!tpu.dma_semaphore, #tpu.memory_space<semaphore_mem>>)
      } else {
      }
    }
    %scan3A_48 = arith.constant 32 : i32
    %barrier3A_49 = arith.constant 0 : index
    tpu.barrier barrier_id(%barrier3A_49)
    %mul3A_50 = arith.constant 6264 : i32
    %mul3A_51 = arith.muli %arg1, %mul3A_50 : i32
    %multiple_of3A_52 = tpu.assume_multiple %mul3A_51, 8 : i32
    %eq3A = arith.constant 0 : i32
    %eq3A_53 = arith.cmpi eq, %arg0, %eq3A : i32
    %convert_element_type3A = arith.extui %eq3A_53 : i1 to i32
    %cond3A = arith.constant 0 : i32
    %cond3A_54 = arith.cmpi ne, %convert_element_type3A, %cond3A : i32
    scf.if %cond3A_54 {
      "tpu.region"() ({
        %run_scoped3A = tpu.sem_alloc : memref<!tpu.dma_semaphore, #tpu.memory_space<semaphore_mem>>
        %dma_start3A_60 = arith.constant 0 : i32
        %dma_start3A_61 = tpu.memref_slice %arg5[%multiple_of3A_52, %dma_start3A_60] : memref<100224x16xf32, #tpu.memory_space<hbm>> -> memref<6264x16xf32, #tpu.memory_space<hbm>>
        %dma_start3A_62 = arith.constant 0 : i32
        %dma_start3A_63 = tpu.memref_slice %arg13[%multiple_of3A_52, %dma_start3A_62] : memref<100224x16xf32, #tpu.memory_space<vmem_shared>> -> memref<6264x16xf32, #tpu.memory_space<vmem_shared>>
        tpu.enqueue_dma source(%dma_start3A_63 : memref<6264x16xf32, #tpu.memory_space<vmem_shared>>) target(%dma_start3A_61 : memref<6264x16xf32, #tpu.memory_space<hbm>>) target_semaphore(%run_scoped3A : memref<!tpu.dma_semaphore, #tpu.memory_space<semaphore_mem>>)
        %dma_wait3A = arith.constant 0 : i32
        %dma_wait3A_64 = tpu.memref_slice %arg5[%multiple_of3A_52, %dma_wait3A] : memref<100224x16xf32, #tpu.memory_space<hbm>> -> memref<6264x16xf32, #tpu.memory_space<hbm>>
        %dma_wait3A_65 = arith.constant 0 : i32
        %dma_wait3A_66 = tpu.memref_slice %arg13[%multiple_of3A_52, %dma_wait3A_65] : memref<100224x16xf32, #tpu.memory_space<vmem_shared>> -> memref<6264x16xf32, #tpu.memory_space<vmem_shared>>
        tpu.wait_dma2 semaphore(%run_scoped3A : memref<!tpu.dma_semaphore, #tpu.memory_space<semaphore_mem>>) src(%dma_wait3A_66 : memref<6264x16xf32, #tpu.memory_space<vmem_shared>>) dst(%dma_wait3A_64 : memref<6264x16xf32, #tpu.memory_space<hbm>>)
        tpu.yield
      }) : () -> ()
    } else {
    }
    %eq3A_55 = arith.constant 1 : i32
    %eq3A_56 = arith.cmpi eq, %arg0, %eq3A_55 : i32
    %convert_element_type3A_57 = arith.extui %eq3A_56 : i1 to i32
    %cond3A_58 = arith.constant 0 : i32
    %cond3A_59 = arith.cmpi ne, %convert_element_type3A_57, %cond3A_58 : i32
    scf.if %cond3A_59 {
      "tpu.region"() ({
        %run_scoped3A = tpu.sem_alloc : memref<!tpu.dma_semaphore, #tpu.memory_space<semaphore_mem>>
        %dma_start3A_60 = arith.constant 0 : i32
        %dma_start3A_61 = tpu.memref_slice %arg6[%multiple_of3A_52, %dma_start3A_60] : memref<100224x16xf32, #tpu.memory_space<hbm>> -> memref<6264x16xf32, #tpu.memory_space<hbm>>
        %dma_start3A_62 = arith.constant 0 : i32
        %dma_start3A_63 = tpu.memref_slice %arg13[%multiple_of3A_52, %dma_start3A_62] : memref<100224x16xf32, #tpu.memory_space<vmem_shared>> -> memref<6264x16xf32, #tpu.memory_space<vmem_shared>>
        tpu.enqueue_dma source(%dma_start3A_63 : memref<6264x16xf32, #tpu.memory_space<vmem_shared>>) target(%dma_start3A_61 : memref<6264x16xf32, #tpu.memory_space<hbm>>) target_semaphore(%run_scoped3A : memref<!tpu.dma_semaphore, #tpu.memory_space<semaphore_mem>>)
        %dma_wait3A = arith.constant 0 : i32
        %dma_wait3A_64 = tpu.memref_slice %arg6[%multiple_of3A_52, %dma_wait3A] : memref<100224x16xf32, #tpu.memory_space<hbm>> -> memref<6264x16xf32, #tpu.memory_space<hbm>>
        %dma_wait3A_65 = arith.constant 0 : i32
        %dma_wait3A_66 = tpu.memref_slice %arg13[%multiple_of3A_52, %dma_wait3A_65] : memref<100224x16xf32, #tpu.memory_space<vmem_shared>> -> memref<6264x16xf32, #tpu.memory_space<vmem_shared>>
        tpu.wait_dma2 semaphore(%run_scoped3A : memref<!tpu.dma_semaphore, #tpu.memory_space<semaphore_mem>>) src(%dma_wait3A_66 : memref<6264x16xf32, #tpu.memory_space<vmem_shared>>) dst(%dma_wait3A_64 : memref<6264x16xf32, #tpu.memory_space<hbm>>)
        tpu.yield
      }) : () -> ()
    } else {
    }
    return
  }
}

#map = affine_map<(d0, d1) -> (0)>
#map1 = affine_map<(d0, d1) -> (0, 0)>
module attributes {stable_mosaic.version = 14 : i64} {
  func.func @body(%arg0: i32, %arg1: i32, %arg2: memref<1638400xi32, #tpu.memory_space<hbm>>, %arg3: memref<1638400xi32, #tpu.memory_space<hbm>>, %arg4: memref<100000x16xf32, #tpu.memory_space<hbm>>, %arg5: memref<100000x16xf32, #tpu.memory_space<hbm>>, %arg6: memref<100224x16xf32, #tpu.memory_space<hbm>>, %arg7: memref<100224x16xf32, #tpu.memory_space<hbm>>, %arg8: memref<800xi32, #tpu.memory_space<vmem>>, %arg9: memref<800xi32, #tpu.memory_space<vmem>>, %arg10: memref<800xi32, #tpu.memory_space<vmem>>, %arg11: memref<800xi32, #tpu.memory_space<vmem>>, %arg12: memref<800x16xf32, #tpu.memory_space<vmem>>, %arg13: memref<800x16xf32, #tpu.memory_space<vmem>>, %arg14: memref<100224x16xf32, #tpu.memory_space<vmem_shared>>, %arg15: memref<!tpu.dma_semaphore, #tpu.memory_space<semaphore_mem>>, %arg16: memref<!tpu.dma_semaphore, #tpu.memory_space<semaphore_mem>>, %arg17: memref<!tpu.dma_semaphore, #tpu.memory_space<semaphore_mem>>, %arg18: memref<!tpu.dma_semaphore, #tpu.memory_space<semaphore_mem>>) attributes {dimension_semantics = [#tpu.dimension_semantics<core_parallel>, #tpu.dimension_semantics<subcore_parallel>], iteration_bounds = array<i64: 2, 16>, scalar_prefetch = 0 : i64, scratch_operands = 11 : i64, tpu.core_type = #tpu.core_type<sc_vector_subcore>, window_params = [{transform_indices = #map}, {transform_indices = #map}, {transform_indices = #map1}, {transform_indices = #map1}, {transform_indices = #map1}, {transform_indices = #map1}]} {
    %scan3A = arith.constant 0 : i32
    %scan3A_0 = arith.constant 0 : i32
    %scan3A_1 = arith.constant 800 : i32
    %scan3A_2 = arith.addi %scan3A_0, %scan3A_1 : i32
    %scan3A_3 = arith.constant 1 : i32
    scf.for %scan3A_64 = %scan3A_0 to %scan3A_2 step %scan3A_3  : i32 {
      %broadcast_in_dim3A = arith.constant 0.000000e+00 : f32
      %broadcast_in_dim3A_65 = vector.broadcast %broadcast_in_dim3A : f32 to vector<16xf32>
      %swap3A = arith.index_cast %scan3A_64 : i32 to index
      %swap3A_66 = arith.constant 0 : index
      %swap3A_67 = tpu.vector_load %arg12[%swap3A, %swap3A_66] {strides = array<i32>} : memref<800x16xf32, #tpu.memory_space<vmem>>, vector<1x16xf32>,
      %swap3A_68 = vector.shape_cast %swap3A_67 : vector<1x16xf32> to vector<16xf32>
      %swap3A_69 = vector.shape_cast %broadcast_in_dim3A_65 : vector<16xf32> to vector<1x16xf32>
      tpu.vector_store %arg12[%swap3A, %swap3A_66], %swap3A_69 {strides = array<i32>} : memref<800x16xf32, #tpu.memory_space<vmem>>, vector<1x16xf32>,
    }
    %scan3A_4 = arith.constant 800 : i32
    %mul3A = arith.constant 6264 : i32
    %mul3A_5 = arith.muli %arg1, %mul3A : i32
    %add3A = arith.constant 0 : i32
    %add3A_6 = arith.addi %mul3A_5, %add3A : i32
    "tpu.region"() ({
      %run_scoped3A = tpu.sem_alloc : memref<!tpu.dma_semaphore, #tpu.memory_space<semaphore_mem>>
      %dma_start3A_64 = arith.constant 0 : i32
      %dma_start3A_65 = tpu.memref_slice %arg14[%add3A_6, %dma_start3A_64] : memref<100224x16xf32, #tpu.memory_space<vmem_shared>> -> memref<800x16xf32, #tpu.memory_space<vmem_shared>>
      %dma_start3A_66 = arith.constant 0 : i32
      %dma_start3A_67 = tpu.memref_slice %arg14[%add3A_6, %dma_start3A_66] : memref<100224x16xf32, #tpu.memory_space<vmem_shared>> -> memref<800x16xf32, #tpu.memory_space<vmem_shared>>
      tpu.enqueue_dma source(%arg12 : memref<800x16xf32, #tpu.memory_space<vmem>>) target(%dma_start3A_67 : memref<800x16xf32, #tpu.memory_space<vmem_shared>>) target_semaphore(%run_scoped3A : memref<!tpu.dma_semaphore, #tpu.memory_space<semaphore_mem>>)
      %dma_wait3A = arith.constant 0 : i32
      %dma_wait3A_68 = tpu.memref_slice %arg14[%add3A_6, %dma_wait3A] : memref<100224x16xf32, #tpu.memory_space<vmem_shared>> -> memref<800x16xf32, #tpu.memory_space<vmem_shared>>
      %dma_wait3A_69 = arith.constant 0 : i32
      %dma_wait3A_70 = tpu.memref_slice %arg14[%add3A_6, %dma_wait3A_69] : memref<100224x16xf32, #tpu.memory_space<vmem_shared>> -> memref<800x16xf32, #tpu.memory_space<vmem_shared>>
      tpu.wait_dma2 semaphore(%run_scoped3A : memref<!tpu.dma_semaphore, #tpu.memory_space<semaphore_mem>>) src(%arg12 : memref<800x16xf32, #tpu.memory_space<vmem>>) dst(%dma_wait3A_70 : memref<800x16xf32, #tpu.memory_space<vmem_shared>>)
      tpu.yield
    }) : () -> ()
    %add3A_7 = arith.constant 800 : i32
    %add3A_8 = arith.addi %mul3A_5, %add3A_7 : i32
    "tpu.region"() ({
      %run_scoped3A = tpu.sem_alloc : memref<!tpu.dma_semaphore, #tpu.memory_space<semaphore_mem>>
      %dma_start3A_64 = arith.constant 0 : i32
      %dma_start3A_65 = tpu.memref_slice %arg14[%add3A_8, %dma_start3A_64] : memref<100224x16xf32, #tpu.memory_space<vmem_shared>> -> memref<800x16xf32, #tpu.memory_space<vmem_shared>>
      %dma_start3A_66 = arith.constant 0 : i32
      %dma_start3A_67 = tpu.memref_slice %arg14[%add3A_8, %dma_start3A_66] : memref<100224x16xf32, #tpu.memory_space<vmem_shared>> -> memref<800x16xf32, #tpu.memory_space<vmem_shared>>
      tpu.enqueue_dma source(%arg12 : memref<800x16xf32, #tpu.memory_space<vmem>>) target(%dma_start3A_67 : memref<800x16xf32, #tpu.memory_space<vmem_shared>>) target_semaphore(%run_scoped3A : memref<!tpu.dma_semaphore, #tpu.memory_space<semaphore_mem>>)
      %dma_wait3A = arith.constant 0 : i32
      %dma_wait3A_68 = tpu.memref_slice %arg14[%add3A_8, %dma_wait3A] : memref<100224x16xf32, #tpu.memory_space<vmem_shared>> -> memref<800x16xf32, #tpu.memory_space<vmem_shared>>
      %dma_wait3A_69 = arith.constant 0 : i32
      %dma_wait3A_70 = tpu.memref_slice %arg14[%add3A_8, %dma_wait3A_69] : memref<100224x16xf32, #tpu.memory_space<vmem_shared>> -> memref<800x16xf32, #tpu.memory_space<vmem_shared>>
      tpu.wait_dma2 semaphore(%run_scoped3A : memref<!tpu.dma_semaphore, #tpu.memory_space<semaphore_mem>>) src(%arg12 : memref<800x16xf32, #tpu.memory_space<vmem>>) dst(%dma_wait3A_70 : memref<800x16xf32, #tpu.memory_space<vmem_shared>>)
      tpu.yield
    }) : () -> ()
    %add3A_9 = arith.constant 1600 : i32
    %add3A_10 = arith.addi %mul3A_5, %add3A_9 : i32
    "tpu.region"() ({
      %run_scoped3A = tpu.sem_alloc : memref<!tpu.dma_semaphore, #tpu.memory_space<semaphore_mem>>
      %dma_start3A_64 = arith.constant 0 : i32
      %dma_start3A_65 = tpu.memref_slice %arg14[%add3A_10, %dma_start3A_64] : memref<100224x16xf32, #tpu.memory_space<vmem_shared>> -> memref<800x16xf32, #tpu.memory_space<vmem_shared>>
      %dma_start3A_66 = arith.constant 0 : i32
      %dma_start3A_67 = tpu.memref_slice %arg14[%add3A_10, %dma_start3A_66] : memref<100224x16xf32, #tpu.memory_space<vmem_shared>> -> memref<800x16xf32, #tpu.memory_space<vmem_shared>>
      tpu.enqueue_dma source(%arg12 : memref<800x16xf32, #tpu.memory_space<vmem>>) target(%dma_start3A_67 : memref<800x16xf32, #tpu.memory_space<vmem_shared>>) target_semaphore(%run_scoped3A : memref<!tpu.dma_semaphore, #tpu.memory_space<semaphore_mem>>)
      %dma_wait3A = arith.constant 0 : i32
      %dma_wait3A_68 = tpu.memref_slice %arg14[%add3A_10, %dma_wait3A] : memref<100224x16xf32, #tpu.memory_space<vmem_shared>> -> memref<800x16xf32, #tpu.memory_space<vmem_shared>>
      %dma_wait3A_69 = arith.constant 0 : i32
      %dma_wait3A_70 = tpu.memref_slice %arg14[%add3A_10, %dma_wait3A_69] : memref<100224x16xf32, #tpu.memory_space<vmem_shared>> -> memref<800x16xf32, #tpu.memory_space<vmem_shared>>
      tpu.wait_dma2 semaphore(%run_scoped3A : memref<!tpu.dma_semaphore, #tpu.memory_space<semaphore_mem>>) src(%arg12 : memref<800x16xf32, #tpu.memory_space<vmem>>) dst(%dma_wait3A_70 : memref<800x16xf32, #tpu.memory_space<vmem_shared>>)
      tpu.yield
    }) : () -> ()
    %add3A_11 = arith.constant 2400 : i32
    %add3A_12 = arith.addi %mul3A_5, %add3A_11 : i32
    "tpu.region"() ({
      %run_scoped3A = tpu.sem_alloc : memref<!tpu.dma_semaphore, #tpu.memory_space<semaphore_mem>>
      %dma_start3A_64 = arith.constant 0 : i32
      %dma_start3A_65 = tpu.memref_slice %arg14[%add3A_12, %dma_start3A_64] : memref<100224x16xf32, #tpu.memory_space<vmem_shared>> -> memref<800x16xf32, #tpu.memory_space<vmem_shared>>
      %dma_start3A_66 = arith.constant 0 : i32
      %dma_start3A_67 = tpu.memref_slice %arg14[%add3A_12, %dma_start3A_66] : memref<100224x16xf32, #tpu.memory_space<vmem_shared>> -> memref<800x16xf32, #tpu.memory_space<vmem_shared>>
      tpu.enqueue_dma source(%arg12 : memref<800x16xf32, #tpu.memory_space<vmem>>) target(%dma_start3A_67 : memref<800x16xf32, #tpu.memory_space<vmem_shared>>) target_semaphore(%run_scoped3A : memref<!tpu.dma_semaphore, #tpu.memory_space<semaphore_mem>>)
      %dma_wait3A = arith.constant 0 : i32
      %dma_wait3A_68 = tpu.memref_slice %arg14[%add3A_12, %dma_wait3A] : memref<100224x16xf32, #tpu.memory_space<vmem_shared>> -> memref<800x16xf32, #tpu.memory_space<vmem_shared>>
      %dma_wait3A_69 = arith.constant 0 : i32
      %dma_wait3A_70 = tpu.memref_slice %arg14[%add3A_12, %dma_wait3A_69] : memref<100224x16xf32, #tpu.memory_space<vmem_shared>> -> memref<800x16xf32, #tpu.memory_space<vmem_shared>>
      tpu.wait_dma2 semaphore(%run_scoped3A : memref<!tpu.dma_semaphore, #tpu.memory_space<semaphore_mem>>) src(%arg12 : memref<800x16xf32, #tpu.memory_space<vmem>>) dst(%dma_wait3A_70 : memref<800x16xf32, #tpu.memory_space<vmem_shared>>)
      tpu.yield
    }) : () -> ()
    %add3A_13 = arith.constant 3200 : i32
    %add3A_14 = arith.addi %mul3A_5, %add3A_13 : i32
    "tpu.region"() ({
      %run_scoped3A = tpu.sem_alloc : memref<!tpu.dma_semaphore, #tpu.memory_space<semaphore_mem>>
      %dma_start3A_64 = arith.constant 0 : i32
      %dma_start3A_65 = tpu.memref_slice %arg14[%add3A_14, %dma_start3A_64] : memref<100224x16xf32, #tpu.memory_space<vmem_shared>> -> memref<800x16xf32, #tpu.memory_space<vmem_shared>>
      %dma_start3A_66 = arith.constant 0 : i32
      %dma_start3A_67 = tpu.memref_slice %arg14[%add3A_14, %dma_start3A_66] : memref<100224x16xf32, #tpu.memory_space<vmem_shared>> -> memref<800x16xf32, #tpu.memory_space<vmem_shared>>
      tpu.enqueue_dma source(%arg12 : memref<800x16xf32, #tpu.memory_space<vmem>>) target(%dma_start3A_67 : memref<800x16xf32, #tpu.memory_space<vmem_shared>>) target_semaphore(%run_scoped3A : memref<!tpu.dma_semaphore, #tpu.memory_space<semaphore_mem>>)
      %dma_wait3A = arith.constant 0 : i32
      %dma_wait3A_68 = tpu.memref_slice %arg14[%add3A_14, %dma_wait3A] : memref<100224x16xf32, #tpu.memory_space<vmem_shared>> -> memref<800x16xf32, #tpu.memory_space<vmem_shared>>
      %dma_wait3A_69 = arith.constant 0 : i32
      %dma_wait3A_70 = tpu.memref_slice %arg14[%add3A_14, %dma_wait3A_69] : memref<100224x16xf32, #tpu.memory_space<vmem_shared>> -> memref<800x16xf32, #tpu.memory_space<vmem_shared>>
      tpu.wait_dma2 semaphore(%run_scoped3A : memref<!tpu.dma_semaphore, #tpu.memory_space<semaphore_mem>>) src(%arg12 : memref<800x16xf32, #tpu.memory_space<vmem>>) dst(%dma_wait3A_70 : memref<800x16xf32, #tpu.memory_space<vmem_shared>>)
      tpu.yield
    }) : () -> ()
    %add3A_15 = arith.constant 4000 : i32
    %add3A_16 = arith.addi %mul3A_5, %add3A_15 : i32
    "tpu.region"() ({
      %run_scoped3A = tpu.sem_alloc : memref<!tpu.dma_semaphore, #tpu.memory_space<semaphore_mem>>
      %dma_start3A_64 = arith.constant 0 : i32
      %dma_start3A_65 = tpu.memref_slice %arg14[%add3A_16, %dma_start3A_64] : memref<100224x16xf32, #tpu.memory_space<vmem_shared>> -> memref<800x16xf32, #tpu.memory_space<vmem_shared>>
      %dma_start3A_66 = arith.constant 0 : i32
      %dma_start3A_67 = tpu.memref_slice %arg14[%add3A_16, %dma_start3A_66] : memref<100224x16xf32, #tpu.memory_space<vmem_shared>> -> memref<800x16xf32, #tpu.memory_space<vmem_shared>>
      tpu.enqueue_dma source(%arg12 : memref<800x16xf32, #tpu.memory_space<vmem>>) target(%dma_start3A_67 : memref<800x16xf32, #tpu.memory_space<vmem_shared>>) target_semaphore(%run_scoped3A : memref<!tpu.dma_semaphore, #tpu.memory_space<semaphore_mem>>)
      %dma_wait3A = arith.constant 0 : i32
      %dma_wait3A_68 = tpu.memref_slice %arg14[%add3A_16, %dma_wait3A] : memref<100224x16xf32, #tpu.memory_space<vmem_shared>> -> memref<800x16xf32, #tpu.memory_space<vmem_shared>>
      %dma_wait3A_69 = arith.constant 0 : i32
      %dma_wait3A_70 = tpu.memref_slice %arg14[%add3A_16, %dma_wait3A_69] : memref<100224x16xf32, #tpu.memory_space<vmem_shared>> -> memref<800x16xf32, #tpu.memory_space<vmem_shared>>
      tpu.wait_dma2 semaphore(%run_scoped3A : memref<!tpu.dma_semaphore, #tpu.memory_space<semaphore_mem>>) src(%arg12 : memref<800x16xf32, #tpu.memory_space<vmem>>) dst(%dma_wait3A_70 : memref<800x16xf32, #tpu.memory_space<vmem_shared>>)
      tpu.yield
    }) : () -> ()
    %add3A_17 = arith.constant 4800 : i32
    %add3A_18 = arith.addi %mul3A_5, %add3A_17 : i32
    "tpu.region"() ({
      %run_scoped3A = tpu.sem_alloc : memref<!tpu.dma_semaphore, #tpu.memory_space<semaphore_mem>>
      %dma_start3A_64 = arith.constant 0 : i32
      %dma_start3A_65 = tpu.memref_slice %arg14[%add3A_18, %dma_start3A_64] : memref<100224x16xf32, #tpu.memory_space<vmem_shared>> -> memref<800x16xf32, #tpu.memory_space<vmem_shared>>
      %dma_start3A_66 = arith.constant 0 : i32
      %dma_start3A_67 = tpu.memref_slice %arg14[%add3A_18, %dma_start3A_66] : memref<100224x16xf32, #tpu.memory_space<vmem_shared>> -> memref<800x16xf32, #tpu.memory_space<vmem_shared>>
      tpu.enqueue_dma source(%arg12 : memref<800x16xf32, #tpu.memory_space<vmem>>) target(%dma_start3A_67 : memref<800x16xf32, #tpu.memory_space<vmem_shared>>) target_semaphore(%run_scoped3A : memref<!tpu.dma_semaphore, #tpu.memory_space<semaphore_mem>>)
      %dma_wait3A = arith.constant 0 : i32
      %dma_wait3A_68 = tpu.memref_slice %arg14[%add3A_18, %dma_wait3A] : memref<100224x16xf32, #tpu.memory_space<vmem_shared>> -> memref<800x16xf32, #tpu.memory_space<vmem_shared>>
      %dma_wait3A_69 = arith.constant 0 : i32
      %dma_wait3A_70 = tpu.memref_slice %arg14[%add3A_18, %dma_wait3A_69] : memref<100224x16xf32, #tpu.memory_space<vmem_shared>> -> memref<800x16xf32, #tpu.memory_space<vmem_shared>>
      tpu.wait_dma2 semaphore(%run_scoped3A : memref<!tpu.dma_semaphore, #tpu.memory_space<semaphore_mem>>) src(%arg12 : memref<800x16xf32, #tpu.memory_space<vmem>>) dst(%dma_wait3A_70 : memref<800x16xf32, #tpu.memory_space<vmem_shared>>)
      tpu.yield
    }) : () -> ()
    %add3A_19 = arith.constant 5600 : i32
    %add3A_20 = arith.addi %mul3A_5, %add3A_19 : i32
    "tpu.region"() ({
      %run_scoped3A = tpu.sem_alloc : memref<!tpu.dma_semaphore, #tpu.memory_space<semaphore_mem>>
      %dma_start3A_64 = arith.constant 0 : i32
      %dma_start3A_65 = arith.constant 0 : i32
      %dma_start3A_66 = tpu.memref_slice %arg12[%dma_start3A_64, %dma_start3A_65] : memref<800x16xf32, #tpu.memory_space<vmem>> -> memref<664x16xf32, #tpu.memory_space<vmem>>
      %dma_start3A_67 = arith.constant 0 : i32
      %dma_start3A_68 = tpu.memref_slice %arg14[%add3A_20, %dma_start3A_67] : memref<100224x16xf32, #tpu.memory_space<vmem_shared>> -> memref<664x16xf32, #tpu.memory_space<vmem_shared>>
      %dma_start3A_69 = arith.constant 0 : i32
      %dma_start3A_70 = tpu.memref_slice %arg14[%add3A_20, %dma_start3A_69] : memref<100224x16xf32, #tpu.memory_space<vmem_shared>> -> memref<664x16xf32, #tpu.memory_space<vmem_shared>>
      %dma_start3A_71 = arith.constant 0 : i32
      %dma_start3A_72 = arith.constant 0 : i32
      %dma_start3A_73 = tpu.memref_slice %arg12[%dma_start3A_71, %dma_start3A_72] : memref<800x16xf32, #tpu.memory_space<vmem>> -> memref<664x16xf32, #tpu.memory_space<vmem>>
      tpu.enqueue_dma source(%dma_start3A_73 : memref<664x16xf32, #tpu.memory_space<vmem>>) target(%dma_start3A_70 : memref<664x16xf32, #tpu.memory_space<vmem_shared>>) target_semaphore(%run_scoped3A : memref<!tpu.dma_semaphore, #tpu.memory_space<semaphore_mem>>)
      %dma_wait3A = arith.constant 0 : i32
      %dma_wait3A_74 = arith.constant 0 : i32
      %dma_wait3A_75 = tpu.memref_slice %arg12[%dma_wait3A, %dma_wait3A_74] : memref<800x16xf32, #tpu.memory_space<vmem>> -> memref<664x16xf32, #tpu.memory_space<vmem>>
      %dma_wait3A_76 = arith.constant 0 : i32
      %dma_wait3A_77 = tpu.memref_slice %arg14[%add3A_20, %dma_wait3A_76] : memref<100224x16xf32, #tpu.memory_space<vmem_shared>> -> memref<664x16xf32, #tpu.memory_space<vmem_shared>>
      %dma_wait3A_78 = arith.constant 0 : i32
      %dma_wait3A_79 = tpu.memref_slice %arg14[%add3A_20, %dma_wait3A_78] : memref<100224x16xf32, #tpu.memory_space<vmem_shared>> -> memref<664x16xf32, #tpu.memory_space<vmem_shared>>
      %dma_wait3A_80 = arith.constant 0 : i32
      %dma_wait3A_81 = arith.constant 0 : i32
      %dma_wait3A_82 = tpu.memref_slice %arg12[%dma_wait3A_80, %dma_wait3A_81] : memref<800x16xf32, #tpu.memory_space<vmem>> -> memref<664x16xf32, #tpu.memory_space<vmem>>
      tpu.wait_dma2 semaphore(%run_scoped3A : memref<!tpu.dma_semaphore, #tpu.memory_space<semaphore_mem>>) src(%dma_wait3A_82 : memref<664x16xf32, #tpu.memory_space<vmem>>) dst(%dma_wait3A_79 : memref<664x16xf32, #tpu.memory_space<vmem_shared>>)
      tpu.yield
    }) : () -> ()
    %barrier3A = arith.constant 0 : index
    tpu.barrier barrier_id(%barrier3A)
    %mul3A_21 = arith.constant 102400 : i32
    %mul3A_22 = arith.muli %arg1, %mul3A_21 : i32
    %add3A_23 = arith.constant 0 : i32
    %add3A_24 = arith.addi %mul3A_22, %add3A_23 : i32
    %multiple_of3A = tpu.assume_multiple %add3A_24, 8 : i32
    "tpu.region"() ({
      %run_scoped3A = tpu.sem_alloc : memref<!tpu.dma_semaphore, #tpu.memory_space<semaphore_mem>>
      %dma_start3A_64 = tpu.memref_slice %arg2[%multiple_of3A] : memref<1638400xi32, #tpu.memory_space<hbm>> -> memref<800xi32, #tpu.memory_space<hbm>>
      %dma_start3A_65 = tpu.memref_slice %arg2[%multiple_of3A] : memref<1638400xi32, #tpu.memory_space<hbm>> -> memref<800xi32, #tpu.memory_space<hbm>>
      tpu.enqueue_dma source(%dma_start3A_65 : memref<800xi32, #tpu.memory_space<hbm>>) target(%arg8 : memref<800xi32, #tpu.memory_space<vmem>>) target_semaphore(%run_scoped3A : memref<!tpu.dma_semaphore, #tpu.memory_space<semaphore_mem>>)
      %dma_wait3A = tpu.memref_slice %arg2[%multiple_of3A] : memref<1638400xi32, #tpu.memory_space<hbm>> -> memref<800xi32, #tpu.memory_space<hbm>>
      %dma_wait3A_66 = tpu.memref_slice %arg2[%multiple_of3A] : memref<1638400xi32, #tpu.memory_space<hbm>> -> memref<800xi32, #tpu.memory_space<hbm>>
      tpu.wait_dma2 semaphore(%run_scoped3A : memref<!tpu.dma_semaphore, #tpu.memory_space<semaphore_mem>>) src(%dma_wait3A_66 : memref<800xi32, #tpu.memory_space<hbm>>) dst(%arg8 : memref<800xi32, #tpu.memory_space<vmem>>)
      tpu.yield
    }) : () -> ()
    %add3A_25 = arith.constant 0 : i32
    %add3A_26 = arith.addi %mul3A_22, %add3A_25 : i32
    %multiple_of3A_27 = tpu.assume_multiple %add3A_26, 8 : i32
    "tpu.region"() ({
      %run_scoped3A = tpu.sem_alloc : memref<!tpu.dma_semaphore, #tpu.memory_space<semaphore_mem>>
      %dma_start3A_64 = tpu.memref_slice %arg3[%multiple_of3A_27] : memref<1638400xi32, #tpu.memory_space<hbm>> -> memref<800xi32, #tpu.memory_space<hbm>>
      %dma_start3A_65 = tpu.memref_slice %arg3[%multiple_of3A_27] : memref<1638400xi32, #tpu.memory_space<hbm>> -> memref<800xi32, #tpu.memory_space<hbm>>
      tpu.enqueue_dma source(%dma_start3A_65 : memref<800xi32, #tpu.memory_space<hbm>>) target(%arg10 : memref<800xi32, #tpu.memory_space<vmem>>) target_semaphore(%run_scoped3A : memref<!tpu.dma_semaphore, #tpu.memory_space<semaphore_mem>>)
      %dma_wait3A = tpu.memref_slice %arg3[%multiple_of3A_27] : memref<1638400xi32, #tpu.memory_space<hbm>> -> memref<800xi32, #tpu.memory_space<hbm>>
      %dma_wait3A_66 = tpu.memref_slice %arg3[%multiple_of3A_27] : memref<1638400xi32, #tpu.memory_space<hbm>> -> memref<800xi32, #tpu.memory_space<hbm>>
      tpu.wait_dma2 semaphore(%run_scoped3A : memref<!tpu.dma_semaphore, #tpu.memory_space<semaphore_mem>>) src(%dma_wait3A_66 : memref<800xi32, #tpu.memory_space<hbm>>) dst(%arg10 : memref<800xi32, #tpu.memory_space<vmem>>)
      tpu.yield
    }) : () -> ()
    %eq3A = arith.constant 0 : i32
    %eq3A_28 = arith.cmpi eq, %arg0, %eq3A : i32
    %convert_element_type3A = arith.extui %eq3A_28 : i1 to i32
    %cond3A = arith.constant 0 : i32
    %cond3A_29 = arith.cmpi ne, %convert_element_type3A, %cond3A : i32
    scf.if %cond3A_29 {
      %dma_start3A_64 = arith.constant 0 : i32
      %dma_start3A_65 = arith.constant 0 : i32
      %dma_start3A_66 = tpu.memref_slice %arg4[%dma_start3A_64, %dma_start3A_65] : memref<100000x16xf32, #tpu.memory_space<hbm>> -> memref<100000x16xf32, #tpu.memory_space<hbm>>
      tpu.enqueue_indirect_dma source(%dma_start3A_66 : memref<100000x16xf32, #tpu.memory_space<hbm>>) target(%arg12 : memref<800x16xf32, #tpu.memory_space<vmem>>) offsets(%arg8 : memref<800xi32, #tpu.memory_space<vmem>>) semaphore(%arg15 : memref<!tpu.dma_semaphore, #tpu.memory_space<semaphore_mem>>)
    } else {
    }
    %eq3A_30 = arith.constant 1 : i32
    %eq3A_31 = arith.cmpi eq, %arg0, %eq3A_30 : i32
    %convert_element_type3A_32 = arith.extui %eq3A_31 : i1 to i32
    %cond3A_33 = arith.constant 0 : i32
    %cond3A_34 = arith.cmpi ne, %convert_element_type3A_32, %cond3A_33 : i32
    scf.if %cond3A_34 {
      %dma_start3A_64 = arith.constant 0 : i32
      %dma_start3A_65 = arith.constant 0 : i32
      %dma_start3A_66 = tpu.memref_slice %arg5[%dma_start3A_64, %dma_start3A_65] : memref<100000x16xf32, #tpu.memory_space<hbm>> -> memref<100000x16xf32, #tpu.memory_space<hbm>>
      tpu.enqueue_indirect_dma source(%dma_start3A_66 : memref<100000x16xf32, #tpu.memory_space<hbm>>) target(%arg12 : memref<800x16xf32, #tpu.memory_space<vmem>>) offsets(%arg8 : memref<800xi32, #tpu.memory_space<vmem>>) semaphore(%arg15 : memref<!tpu.dma_semaphore, #tpu.memory_space<semaphore_mem>>)
    } else {
    }
    %add3A_35 = arith.constant 800 : i32
    %add3A_36 = arith.addi %mul3A_22, %add3A_35 : i32
    %multiple_of3A_37 = tpu.assume_multiple %add3A_36, 8 : i32
    %dma_start3A = tpu.memref_slice %arg2[%multiple_of3A_37] : memref<1638400xi32, #tpu.memory_space<hbm>> -> memref<800xi32, #tpu.memory_space<hbm>>
    %dma_start3A_38 = tpu.memref_slice %arg2[%multiple_of3A_37] : memref<1638400xi32, #tpu.memory_space<hbm>> -> memref<800xi32, #tpu.memory_space<hbm>>
    tpu.enqueue_dma source(%dma_start3A_38 : memref<800xi32, #tpu.memory_space<hbm>>) target(%arg9 : memref<800xi32, #tpu.memory_space<vmem>>) target_semaphore(%arg18 : memref<!tpu.dma_semaphore, #tpu.memory_space<semaphore_mem>>)
    %add3A_39 = arith.constant 800 : i32
    %add3A_40 = arith.addi %mul3A_22, %add3A_39 : i32
    %multiple_of3A_41 = tpu.assume_multiple %add3A_40, 8 : i32
    %dma_start3A_42 = tpu.memref_slice %arg3[%multiple_of3A_41] : memref<1638400xi32, #tpu.memory_space<hbm>> -> memref<800xi32, #tpu.memory_space<hbm>>
    %dma_start3A_43 = tpu.memref_slice %arg3[%multiple_of3A_41] : memref<1638400xi32, #tpu.memory_space<hbm>> -> memref<800xi32, #tpu.memory_space<hbm>>
    tpu.enqueue_dma source(%dma_start3A_43 : memref<800xi32, #tpu.memory_space<hbm>>) target(%arg11 : memref<800xi32, #tpu.memory_space<vmem>>) target_semaphore(%arg18 : memref<!tpu.dma_semaphore, #tpu.memory_space<semaphore_mem>>)
    %scan3A_44 = arith.constant 0 : i32
    %scan3A_45 = arith.constant 0 : i32
    %scan3A_46 = arith.constant 64 : i32
    %scan3A_47 = arith.addi %scan3A_45, %scan3A_46 : i32
    %scan3A_48 = arith.constant 1 : i32
    scf.for %scan3A_64 = %scan3A_45 to %scan3A_47 step %scan3A_48  : i32 {
      %mul3A_65 = arith.constant 2 : i32
      %mul3A_66 = arith.muli %mul3A_65, %scan3A_64 : i32
      %add3A_67 = arith.constant 0 : i32
      %add3A_68 = arith.addi %mul3A_66, %add3A_67 : i32
      %add3A_69 = arith.constant 2 : i32
      %add3A_70 = arith.addi %add3A_68, %add3A_69 : i32
      %sub3A = arith.constant 1 : i32
      %sub3A_71 = arith.subi %add3A_70, %sub3A : i32
      %lt3A = arith.constant 128 : i32
      %lt3A_72 = arith.cmpi slt, %sub3A_71, %lt3A : i32
      %convert_element_type3A_73 = arith.extui %lt3A_72 : i1 to i32
      %cond3A_74 = arith.constant 0 : i32
      %cond3A_75 = arith.cmpi ne, %convert_element_type3A_73, %cond3A_74 : i32
      scf.if %cond3A_75 {
        %add3A_120 = arith.constant 2 : i32
        %add3A_121 = arith.addi %add3A_68, %add3A_120 : i32
        %sub3A_122 = arith.constant 1 : i32
        %sub3A_123 = arith.subi %add3A_121, %sub3A_122 : i32
        %mul3A_124 = arith.constant 800 : i32
        %mul3A_125 = arith.muli %sub3A_123, %mul3A_124 : i32
        %add3A_126 = arith.addi %mul3A_22, %mul3A_125 : i32
        %multiple_of3A_127 = tpu.assume_multiple %add3A_126, 8 : i32
        %dma_wait3A_128 = tpu.memref_slice %arg2[%multiple_of3A_127] : memref<1638400xi32, #tpu.memory_space<hbm>> -> memref<800xi32, #tpu.memory_space<hbm>>
        %dma_wait3A_129 = tpu.memref_slice %arg2[%multiple_of3A_127] : memref<1638400xi32, #tpu.memory_space<hbm>> -> memref<800xi32, #tpu.memory_space<hbm>>
        tpu.wait_dma2 semaphore(%arg18 : memref<!tpu.dma_semaphore, #tpu.memory_space<semaphore_mem>>) src(%dma_wait3A_129 : memref<800xi32, #tpu.memory_space<hbm>>) dst(%arg9 : memref<800xi32, #tpu.memory_space<vmem>>)
        %add3A_130 = arith.constant 2 : i32
        %add3A_131 = arith.addi %add3A_68, %add3A_130 : i32
        %sub3A_132 = arith.constant 1 : i32
        %sub3A_133 = arith.subi %add3A_131, %sub3A_132 : i32
        %mul3A_134 = arith.constant 800 : i32
        %mul3A_135 = arith.muli %sub3A_133, %mul3A_134 : i32
        %add3A_136 = arith.addi %mul3A_22, %mul3A_135 : i32
        %multiple_of3A_137 = tpu.assume_multiple %add3A_136, 8 : i32
        %dma_wait3A_138 = tpu.memref_slice %arg3[%multiple_of3A_137] : memref<1638400xi32, #tpu.memory_space<hbm>> -> memref<800xi32, #tpu.memory_space<hbm>>
        %dma_wait3A_139 = tpu.memref_slice %arg3[%multiple_of3A_137] : memref<1638400xi32, #tpu.memory_space<hbm>> -> memref<800xi32, #tpu.memory_space<hbm>>
        tpu.wait_dma2 semaphore(%arg18 : memref<!tpu.dma_semaphore, #tpu.memory_space<semaphore_mem>>) src(%dma_wait3A_139 : memref<800xi32, #tpu.memory_space<hbm>>) dst(%arg11 : memref<800xi32, #tpu.memory_space<vmem>>)
        %eq3A_140 = arith.constant 0 : i32
        %eq3A_141 = arith.cmpi eq, %arg0, %eq3A_140 : i32
        %convert_element_type3A_142 = arith.extui %eq3A_141 : i1 to i32
        %cond3A_143 = arith.constant 0 : i32
        %cond3A_144 = arith.cmpi ne, %convert_element_type3A_142, %cond3A_143 : i32
        scf.if %cond3A_144 {
          %dma_start3A_150 = arith.constant 0 : i32
          %dma_start3A_151 = arith.constant 0 : i32
          %dma_start3A_152 = tpu.memref_slice %arg4[%dma_start3A_150, %dma_start3A_151] : memref<100000x16xf32, #tpu.memory_space<hbm>> -> memref<100000x16xf32, #tpu.memory_space<hbm>>
          tpu.enqueue_indirect_dma source(%dma_start3A_152 : memref<100000x16xf32, #tpu.memory_space<hbm>>) target(%arg13 : memref<800x16xf32, #tpu.memory_space<vmem>>) offsets(%arg9 : memref<800xi32, #tpu.memory_space<vmem>>) semaphore(%arg16 : memref<!tpu.dma_semaphore, #tpu.memory_space<semaphore_mem>>)
        } else {
        }
        %eq3A_145 = arith.constant 1 : i32
        %eq3A_146 = arith.cmpi eq, %arg0, %eq3A_145 : i32
        %convert_element_type3A_147 = arith.extui %eq3A_146 : i1 to i32
        %cond3A_148 = arith.constant 0 : i32
        %cond3A_149 = arith.cmpi ne, %convert_element_type3A_147, %cond3A_148 : i32
        scf.if %cond3A_149 {
          %dma_start3A_150 = arith.constant 0 : i32
          %dma_start3A_151 = arith.constant 0 : i32
          %dma_start3A_152 = tpu.memref_slice %arg5[%dma_start3A_150, %dma_start3A_151] : memref<100000x16xf32, #tpu.memory_space<hbm>> -> memref<100000x16xf32, #tpu.memory_space<hbm>>
          tpu.enqueue_indirect_dma source(%dma_start3A_152 : memref<100000x16xf32, #tpu.memory_space<hbm>>) target(%arg13 : memref<800x16xf32, #tpu.memory_space<vmem>>) offsets(%arg9 : memref<800xi32, #tpu.memory_space<vmem>>) semaphore(%arg16 : memref<!tpu.dma_semaphore, #tpu.memory_space<semaphore_mem>>)
        } else {
        }
      } else {
      }
      %dma_wait3A = arith.constant 0 : i32
      %dma_wait3A_76 = arith.constant 0 : i32
      %dma_wait3A_77 = tpu.memref_slice %arg4[%dma_wait3A, %dma_wait3A_76] : memref<100000x16xf32, #tpu.memory_space<hbm>> -> memref<100000x16xf32, #tpu.memory_space<hbm>>
      tpu.wait_indirect_dma semaphore(%arg15 : memref<!tpu.dma_semaphore, #tpu.memory_space<semaphore_mem>>) src(%dma_wait3A_77 : memref<100000x16xf32, #tpu.memory_space<hbm>>) dst(%arg12 : memref<800x16xf32, #tpu.memory_space<vmem>>)
      %dma_start3A_78 = arith.constant 0 : i32
      %dma_start3A_79 = arith.constant 0 : i32
      %dma_start3A_80 = tpu.memref_slice %arg14[%dma_start3A_78, %dma_start3A_79] : memref<100224x16xf32, #tpu.memory_space<vmem_shared>> -> memref<100224x16xf32, #tpu.memory_space<vmem_shared>>
      tpu.enqueue_indirect_dma source(%arg12 : memref<800x16xf32, #tpu.memory_space<vmem>>) target(%dma_start3A_80 : memref<100224x16xf32, #tpu.memory_space<vmem_shared>>) offsets(%arg10 : memref<800xi32, #tpu.memory_space<vmem>>) semaphore(%arg17 : memref<!tpu.dma_semaphore, #tpu.memory_space<semaphore_mem>>) {add = true}
      %dma_wait3A_81 = arith.constant 0 : i32
      %dma_wait3A_82 = arith.constant 0 : i32
      %dma_wait3A_83 = tpu.memref_slice %arg14[%dma_wait3A_81, %dma_wait3A_82] : memref<100224x16xf32, #tpu.memory_space<vmem_shared>> -> memref<100224x16xf32, #tpu.memory_space<vmem_shared>>
      tpu.wait_indirect_dma semaphore(%arg17 : memref<!tpu.dma_semaphore, #tpu.memory_space<semaphore_mem>>) src(%arg12 : memref<800x16xf32, #tpu.memory_space<vmem>>) dst(%dma_wait3A_83 : memref<100224x16xf32, #tpu.memory_space<vmem_shared>>)
      %add3A_84 = arith.constant 2 : i32
      %add3A_85 = arith.addi %add3A_68, %add3A_84 : i32
      %lt3A_86 = arith.constant 128 : i32
      %lt3A_87 = arith.cmpi slt, %add3A_85, %lt3A_86 : i32
      %convert_element_type3A_88 = arith.extui %lt3A_87 : i1 to i32
      %cond3A_89 = arith.constant 0 : i32
      %cond3A_90 = arith.cmpi ne, %convert_element_type3A_88, %cond3A_89 : i32
      scf.if %cond3A_90 {
        %add3A_120 = arith.constant 2 : i32
        %add3A_121 = arith.addi %add3A_68, %add3A_120 : i32
        %mul3A_122 = arith.constant 800 : i32
        %mul3A_123 = arith.muli %add3A_121, %mul3A_122 : i32
        %add3A_124 = arith.addi %mul3A_22, %mul3A_123 : i32
        %multiple_of3A_125 = tpu.assume_multiple %add3A_124, 8 : i32
        %dma_start3A_126 = tpu.memref_slice %arg2[%multiple_of3A_125] : memref<1638400xi32, #tpu.memory_space<hbm>> -> memref<800xi32, #tpu.memory_space<hbm>>
        %dma_start3A_127 = tpu.memref_slice %arg2[%multiple_of3A_125] : memref<1638400xi32, #tpu.memory_space<hbm>> -> memref<800xi32, #tpu.memory_space<hbm>>
        tpu.enqueue_dma source(%dma_start3A_127 : memref<800xi32, #tpu.memory_space<hbm>>) target(%arg8 : memref<800xi32, #tpu.memory_space<vmem>>) target_semaphore(%arg17 : memref<!tpu.dma_semaphore, #tpu.memory_space<semaphore_mem>>)
        %add3A_128 = arith.constant 2 : i32
        %add3A_129 = arith.addi %add3A_68, %add3A_128 : i32
        %mul3A_130 = arith.constant 800 : i32
        %mul3A_131 = arith.muli %add3A_129, %mul3A_130 : i32
        %add3A_132 = arith.addi %mul3A_22, %mul3A_131 : i32
        %multiple_of3A_133 = tpu.assume_multiple %add3A_132, 8 : i32
        %dma_start3A_134 = tpu.memref_slice %arg3[%multiple_of3A_133] : memref<1638400xi32, #tpu.memory_space<hbm>> -> memref<800xi32, #tpu.memory_space<hbm>>
        %dma_start3A_135 = tpu.memref_slice %arg3[%multiple_of3A_133] : memref<1638400xi32, #tpu.memory_space<hbm>> -> memref<800xi32, #tpu.memory_space<hbm>>
        tpu.enqueue_dma source(%dma_start3A_135 : memref<800xi32, #tpu.memory_space<hbm>>) target(%arg10 : memref<800xi32, #tpu.memory_space<vmem>>) target_semaphore(%arg17 : memref<!tpu.dma_semaphore, #tpu.memory_space<semaphore_mem>>)
      } else {
      }
      %mul3A_91 = arith.constant 2 : i32
      %mul3A_92 = arith.muli %mul3A_91, %scan3A_64 : i32
      %add3A_93 = arith.constant 1 : i32
      %add3A_94 = arith.addi %mul3A_92, %add3A_93 : i32
      %add3A_95 = arith.constant 2 : i32
      %add3A_96 = arith.addi %add3A_94, %add3A_95 : i32
      %sub3A_97 = arith.constant 1 : i32
      %sub3A_98 = arith.subi %add3A_96, %sub3A_97 : i32
      %lt3A_99 = arith.constant 128 : i32
      %lt3A_100 = arith.cmpi slt, %sub3A_98, %lt3A_99 : i32
      %convert_element_type3A_101 = arith.extui %lt3A_100 : i1 to i32
      %cond3A_102 = arith.constant 0 : i32
      %cond3A_103 = arith.cmpi ne, %convert_element_type3A_101, %cond3A_102 : i32
      scf.if %cond3A_103 {
        %add3A_120 = arith.constant 2 : i32
        %add3A_121 = arith.addi %add3A_94, %add3A_120 : i32
        %sub3A_122 = arith.constant 1 : i32
        %sub3A_123 = arith.subi %add3A_121, %sub3A_122 : i32
        %mul3A_124 = arith.constant 800 : i32
        %mul3A_125 = arith.muli %sub3A_123, %mul3A_124 : i32
        %add3A_126 = arith.addi %mul3A_22, %mul3A_125 : i32
        %multiple_of3A_127 = tpu.assume_multiple %add3A_126, 8 : i32
        %dma_wait3A_128 = tpu.memref_slice %arg2[%multiple_of3A_127] : memref<1638400xi32, #tpu.memory_space<hbm>> -> memref<800xi32, #tpu.memory_space<hbm>>
        %dma_wait3A_129 = tpu.memref_slice %arg2[%multiple_of3A_127] : memref<1638400xi32, #tpu.memory_space<hbm>> -> memref<800xi32, #tpu.memory_space<hbm>>
        tpu.wait_dma2 semaphore(%arg17 : memref<!tpu.dma_semaphore, #tpu.memory_space<semaphore_mem>>) src(%dma_wait3A_129 : memref<800xi32, #tpu.memory_space<hbm>>) dst(%arg8 : memref<800xi32, #tpu.memory_space<vmem>>)
        %add3A_130 = arith.constant 2 : i32
        %add3A_131 = arith.addi %add3A_94, %add3A_130 : i32
        %sub3A_132 = arith.constant 1 : i32
        %sub3A_133 = arith.subi %add3A_131, %sub3A_132 : i32
        %mul3A_134 = arith.constant 800 : i32
        %mul3A_135 = arith.muli %sub3A_133, %mul3A_134 : i32
        %add3A_136 = arith.addi %mul3A_22, %mul3A_135 : i32
        %multiple_of3A_137 = tpu.assume_multiple %add3A_136, 8 : i32
        %dma_wait3A_138 = tpu.memref_slice %arg3[%multiple_of3A_137] : memref<1638400xi32, #tpu.memory_space<hbm>> -> memref<800xi32, #tpu.memory_space<hbm>>
        %dma_wait3A_139 = tpu.memref_slice %arg3[%multiple_of3A_137] : memref<1638400xi32, #tpu.memory_space<hbm>> -> memref<800xi32, #tpu.memory_space<hbm>>
        tpu.wait_dma2 semaphore(%arg17 : memref<!tpu.dma_semaphore, #tpu.memory_space<semaphore_mem>>) src(%dma_wait3A_139 : memref<800xi32, #tpu.memory_space<hbm>>) dst(%arg10 : memref<800xi32, #tpu.memory_space<vmem>>)
        %eq3A_140 = arith.constant 0 : i32
        %eq3A_141 = arith.cmpi eq, %arg0, %eq3A_140 : i32
        %convert_element_type3A_142 = arith.extui %eq3A_141 : i1 to i32
        %cond3A_143 = arith.constant 0 : i32
        %cond3A_144 = arith.cmpi ne, %convert_element_type3A_142, %cond3A_143 : i32
        scf.if %cond3A_144 {
          %dma_start3A_150 = arith.constant 0 : i32
          %dma_start3A_151 = arith.constant 0 : i32
          %dma_start3A_152 = tpu.memref_slice %arg4[%dma_start3A_150, %dma_start3A_151] : memref<100000x16xf32, #tpu.memory_space<hbm>> -> memref<100000x16xf32, #tpu.memory_space<hbm>>
          tpu.enqueue_indirect_dma source(%dma_start3A_152 : memref<100000x16xf32, #tpu.memory_space<hbm>>) target(%arg12 : memref<800x16xf32, #tpu.memory_space<vmem>>) offsets(%arg8 : memref<800xi32, #tpu.memory_space<vmem>>) semaphore(%arg15 : memref<!tpu.dma_semaphore, #tpu.memory_space<semaphore_mem>>)
        } else {
        }
        %eq3A_145 = arith.constant 1 : i32
        %eq3A_146 = arith.cmpi eq, %arg0, %eq3A_145 : i32
        %convert_element_type3A_147 = arith.extui %eq3A_146 : i1 to i32
        %cond3A_148 = arith.constant 0 : i32
        %cond3A_149 = arith.cmpi ne, %convert_element_type3A_147, %cond3A_148 : i32
        scf.if %cond3A_149 {
          %dma_start3A_150 = arith.constant 0 : i32
          %dma_start3A_151 = arith.constant 0 : i32
          %dma_start3A_152 = tpu.memref_slice %arg5[%dma_start3A_150, %dma_start3A_151] : memref<100000x16xf32, #tpu.memory_space<hbm>> -> memref<100000x16xf32, #tpu.memory_space<hbm>>
          tpu.enqueue_indirect_dma source(%dma_start3A_152 : memref<100000x16xf32, #tpu.memory_space<hbm>>) target(%arg12 : memref<800x16xf32, #tpu.memory_space<vmem>>) offsets(%arg8 : memref<800xi32, #tpu.memory_space<vmem>>) semaphore(%arg15 : memref<!tpu.dma_semaphore, #tpu.memory_space<semaphore_mem>>)
        } else {
        }
      } else {
      }
      %dma_wait3A_104 = arith.constant 0 : i32
      %dma_wait3A_105 = arith.constant 0 : i32
      %dma_wait3A_106 = tpu.memref_slice %arg4[%dma_wait3A_104, %dma_wait3A_105] : memref<100000x16xf32, #tpu.memory_space<hbm>> -> memref<100000x16xf32, #tpu.memory_space<hbm>>
      tpu.wait_indirect_dma semaphore(%arg16 : memref<!tpu.dma_semaphore, #tpu.memory_space<semaphore_mem>>) src(%dma_wait3A_106 : memref<100000x16xf32, #tpu.memory_space<hbm>>) dst(%arg13 : memref<800x16xf32, #tpu.memory_space<vmem>>)
      %dma_start3A_107 = arith.constant 0 : i32
      %dma_start3A_108 = arith.constant 0 : i32
      %dma_start3A_109 = tpu.memref_slice %arg14[%dma_start3A_107, %dma_start3A_108] : memref<100224x16xf32, #tpu.memory_space<vmem_shared>> -> memref<100224x16xf32, #tpu.memory_space<vmem_shared>>
      tpu.enqueue_indirect_dma source(%arg13 : memref<800x16xf32, #tpu.memory_space<vmem>>) target(%dma_start3A_109 : memref<100224x16xf32, #tpu.memory_space<vmem_shared>>) offsets(%arg11 : memref<800xi32, #tpu.memory_space<vmem>>) semaphore(%arg18 : memref<!tpu.dma_semaphore, #tpu.memory_space<semaphore_mem>>) {add = true}
      %dma_wait3A_110 = arith.constant 0 : i32
      %dma_wait3A_111 = arith.constant 0 : i32
      %dma_wait3A_112 = tpu.memref_slice %arg14[%dma_wait3A_110, %dma_wait3A_111] : memref<100224x16xf32, #tpu.memory_space<vmem_shared>> -> memref<100224x16xf32, #tpu.memory_space<vmem_shared>>
      tpu.wait_indirect_dma semaphore(%arg18 : memref<!tpu.dma_semaphore, #tpu.memory_space<semaphore_mem>>) src(%arg13 : memref<800x16xf32, #tpu.memory_space<vmem>>) dst(%dma_wait3A_112 : memref<100224x16xf32, #tpu.memory_space<vmem_shared>>)
      %add3A_113 = arith.constant 2 : i32
      %add3A_114 = arith.addi %add3A_94, %add3A_113 : i32
      %lt3A_115 = arith.constant 128 : i32
      %lt3A_116 = arith.cmpi slt, %add3A_114, %lt3A_115 : i32
      %convert_element_type3A_117 = arith.extui %lt3A_116 : i1 to i32
      %cond3A_118 = arith.constant 0 : i32
      %cond3A_119 = arith.cmpi ne, %convert_element_type3A_117, %cond3A_118 : i32
      scf.if %cond3A_119 {
        %add3A_120 = arith.constant 2 : i32
        %add3A_121 = arith.addi %add3A_94, %add3A_120 : i32
        %mul3A_122 = arith.constant 800 : i32
        %mul3A_123 = arith.muli %add3A_121, %mul3A_122 : i32
        %add3A_124 = arith.addi %mul3A_22, %mul3A_123 : i32
        %multiple_of3A_125 = tpu.assume_multiple %add3A_124, 8 : i32
        %dma_start3A_126 = tpu.memref_slice %arg2[%multiple_of3A_125] : memref<1638400xi32, #tpu.memory_space<hbm>> -> memref<800xi32, #tpu.memory_space<hbm>>
        %dma_start3A_127 = tpu.memref_slice %arg2[%multiple_of3A_125] : memref<1638400xi32, #tpu.memory_space<hbm>> -> memref<800xi32, #tpu.memory_space<hbm>>
        tpu.enqueue_dma source(%dma_start3A_127 : memref<800xi32, #tpu.memory_space<hbm>>) target(%arg9 : memref<800xi32, #tpu.memory_space<vmem>>) target_semaphore(%arg18 : memref<!tpu.dma_semaphore, #tpu.memory_space<semaphore_mem>>)
        %add3A_128 = arith.constant 2 : i32
        %add3A_129 = arith.addi %add3A_94, %add3A_128 : i32
        %mul3A_130 = arith.constant 800 : i32
        %mul3A_131 = arith.muli %add3A_129, %mul3A_130 : i32
        %add3A_132 = arith.addi %mul3A_22, %mul3A_131 : i32
        %multiple_of3A_133 = tpu.assume_multiple %add3A_132, 8 : i32
        %dma_start3A_134 = tpu.memref_slice %arg3[%multiple_of3A_133] : memref<1638400xi32, #tpu.memory_space<hbm>> -> memref<800xi32, #tpu.memory_space<hbm>>
        %dma_start3A_135 = tpu.memref_slice %arg3[%multiple_of3A_133] : memref<1638400xi32, #tpu.memory_space<hbm>> -> memref<800xi32, #tpu.memory_space<hbm>>
        tpu.enqueue_dma source(%dma_start3A_135 : memref<800xi32, #tpu.memory_space<hbm>>) target(%arg11 : memref<800xi32, #tpu.memory_space<vmem>>) target_semaphore(%arg18 : memref<!tpu.dma_semaphore, #tpu.memory_space<semaphore_mem>>)
      } else {
      }
    }
    %scan3A_49 = arith.constant 64 : i32
    %barrier3A_50 = arith.constant 0 : index
    tpu.barrier barrier_id(%barrier3A_50)
    %mul3A_51 = arith.constant 6264 : i32
    %mul3A_52 = arith.muli %arg1, %mul3A_51 : i32
    %multiple_of3A_53 = tpu.assume_multiple %mul3A_52, 8 : i32
    %eq3A_54 = arith.constant 0 : i32
    %eq3A_55 = arith.cmpi eq, %arg0, %eq3A_54 : i32
    %convert_element_type3A_56 = arith.extui %eq3A_55 : i1 to i32
    %cond3A_57 = arith.constant 0 : i32
    %cond3A_58 = arith.cmpi ne, %convert_element_type3A_56, %cond3A_57 : i32
    scf.if %cond3A_58 {
      "tpu.region"() ({
        %run_scoped3A = tpu.sem_alloc : memref<!tpu.dma_semaphore, #tpu.memory_space<semaphore_mem>>
        %dma_start3A_64 = arith.constant 0 : i32
        %dma_start3A_65 = tpu.memref_slice %arg6[%multiple_of3A_53, %dma_start3A_64] : memref<100224x16xf32, #tpu.memory_space<hbm>> -> memref<6264x16xf32, #tpu.memory_space<hbm>>
        %dma_start3A_66 = arith.constant 0 : i32
        %dma_start3A_67 = tpu.memref_slice %arg14[%multiple_of3A_53, %dma_start3A_66] : memref<100224x16xf32, #tpu.memory_space<vmem_shared>> -> memref<6264x16xf32, #tpu.memory_space<vmem_shared>>
        tpu.enqueue_dma source(%dma_start3A_67 : memref<6264x16xf32, #tpu.memory_space<vmem_shared>>) target(%dma_start3A_65 : memref<6264x16xf32, #tpu.memory_space<hbm>>) target_semaphore(%run_scoped3A : memref<!tpu.dma_semaphore, #tpu.memory_space<semaphore_mem>>)
        %dma_wait3A = arith.constant 0 : i32
        %dma_wait3A_68 = tpu.memref_slice %arg6[%multiple_of3A_53, %dma_wait3A] : memref<100224x16xf32, #tpu.memory_space<hbm>> -> memref<6264x16xf32, #tpu.memory_space<hbm>>
        %dma_wait3A_69 = arith.constant 0 : i32
        %dma_wait3A_70 = tpu.memref_slice %arg14[%multiple_of3A_53, %dma_wait3A_69] : memref<100224x16xf32, #tpu.memory_space<vmem_shared>> -> memref<6264x16xf32, #tpu.memory_space<vmem_shared>>
        tpu.wait_dma2 semaphore(%run_scoped3A : memref<!tpu.dma_semaphore, #tpu.memory_space<semaphore_mem>>) src(%dma_wait3A_70 : memref<6264x16xf32, #tpu.memory_space<vmem_shared>>) dst(%dma_wait3A_68 : memref<6264x16xf32, #tpu.memory_space<hbm>>)
        tpu.yield
      }) : () -> ()
    } else {
    }
    %eq3A_59 = arith.constant 1 : i32
    %eq3A_60 = arith.cmpi eq, %arg0, %eq3A_59 : i32
    %convert_element_type3A_61 = arith.extui %eq3A_60 : i1 to i32
    %cond3A_62 = arith.constant 0 : i32
    %cond3A_63 = arith.cmpi ne, %convert_element_type3A_61, %cond3A_62 : i32
    scf.if %cond3A_63 {
      "tpu.region"() ({
        %run_scoped3A = tpu.sem_alloc : memref<!tpu.dma_semaphore, #tpu.memory_space<semaphore_mem>>
        %dma_start3A_64 = arith.constant 0 : i32
        %dma_start3A_65 = tpu.memref_slice %arg7[%multiple_of3A_53, %dma_start3A_64] : memref<100224x16xf32, #tpu.memory_space<hbm>> -> memref<6264x16xf32, #tpu.memory_space<hbm>>
        %dma_start3A_66 = arith.constant 0 : i32
        %dma_start3A_67 = tpu.memref_slice %arg14[%multiple_of3A_53, %dma_start3A_66] : memref<100224x16xf32, #tpu.memory_space<vmem_shared>> -> memref<6264x16xf32, #tpu.memory_space<vmem_shared>>
        tpu.enqueue_dma source(%dma_start3A_67 : memref<6264x16xf32, #tpu.memory_space<vmem_shared>>) target(%dma_start3A_65 : memref<6264x16xf32, #tpu.memory_space<hbm>>) target_semaphore(%run_scoped3A : memref<!tpu.dma_semaphore, #tpu.memory_space<semaphore_mem>>)
        %dma_wait3A = arith.constant 0 : i32
        %dma_wait3A_68 = tpu.memref_slice %arg7[%multiple_of3A_53, %dma_wait3A] : memref<100224x16xf32, #tpu.memory_space<hbm>> -> memref<6264x16xf32, #tpu.memory_space<hbm>>
        %dma_wait3A_69 = arith.constant 0 : i32
        %dma_wait3A_70 = tpu.memref_slice %arg14[%multiple_of3A_53, %dma_wait3A_69] : memref<100224x16xf32, #tpu.memory_space<vmem_shared>> -> memref<6264x16xf32, #tpu.memory_space<vmem_shared>>
        tpu.wait_dma2 semaphore(%run_scoped3A : memref<!tpu.dma_semaphore, #tpu.memory_space<semaphore_mem>>) src(%dma_wait3A_70 : memref<6264x16xf32, #tpu.memory_space<vmem_shared>>) dst(%dma_wait3A_68 : memref<6264x16xf32, #tpu.memory_space<hbm>>)
        tpu.yield
      }) : () -> ()
    } else {
    }
    return
  }
}

#map = affine_map<(d0, d1) -> (0)>
#map1 = affine_map<(d0, d1) -> (0, 0)>
module attributes {stable_mosaic.version = 14 : i64} {
  func.func @body(%arg0: i32, %arg1: i32, %arg2: memref<1638400xi32, #tpu.memory_space<hbm>>, %arg3: memref<1638400xi32, #tpu.memory_space<hbm>>, %arg4: memref<100000x16xf32, #tpu.memory_space<hbm>>, %arg5: memref<100000x16xf32, #tpu.memory_space<hbm>>, %arg6: memref<100224x16xf32, #tpu.memory_space<hbm>>, %arg7: memref<100224x16xf32, #tpu.memory_space<hbm>>, %arg8: memref<800xi32, #tpu.memory_space<vmem>>, %arg9: memref<800xi32, #tpu.memory_space<vmem>>, %arg10: memref<800xi32, #tpu.memory_space<vmem>>, %arg11: memref<800xi32, #tpu.memory_space<vmem>>, %arg12: memref<800x16xf32, #tpu.memory_space<vmem>>, %arg13: memref<800x16xf32, #tpu.memory_space<vmem>>, %arg14: memref<100224x16xf32, #tpu.memory_space<vmem_shared>>, %arg15: memref<!tpu.dma_semaphore, #tpu.memory_space<semaphore_mem>>, %arg16: memref<!tpu.dma_semaphore, #tpu.memory_space<semaphore_mem>>, %arg17: memref<!tpu.dma_semaphore, #tpu.memory_space<semaphore_mem>>, %arg18: memref<!tpu.dma_semaphore, #tpu.memory_space<semaphore_mem>>) attributes {dimension_semantics = [#tpu.dimension_semantics<core_parallel>, #tpu.dimension_semantics<subcore_parallel>], iteration_bounds = array<i64: 2, 16>, scalar_prefetch = 0 : i64, scratch_operands = 11 : i64, tpu.core_type = #tpu.core_type<sc_vector_subcore>, window_params = [{transform_indices = #map}, {transform_indices = #map}, {transform_indices = #map1}, {transform_indices = #map1}, {transform_indices = #map1}, {transform_indices = #map1}]} {
    %scan3A = arith.constant 0 : i32
    %scan3A_0 = arith.constant 0 : i32
    %scan3A_1 = arith.constant 800 : i32
    %scan3A_2 = arith.addi %scan3A_0, %scan3A_1 : i32
    %scan3A_3 = arith.constant 1 : i32
    scf.for %scan3A_64 = %scan3A_0 to %scan3A_2 step %scan3A_3  : i32 {
      %broadcast_in_dim3A = arith.constant 0.000000e+00 : f32
      %broadcast_in_dim3A_65 = vector.broadcast %broadcast_in_dim3A : f32 to vector<16xf32>
      %swap3A = arith.index_cast %scan3A_64 : i32 to index
      %swap3A_66 = arith.constant 0 : index
      %swap3A_67 = tpu.vector_load %arg12[%swap3A, %swap3A_66] {strides = array<i32>} : memref<800x16xf32, #tpu.memory_space<vmem>>, vector<1x16xf32>,
      %swap3A_68 = vector.shape_cast %swap3A_67 : vector<1x16xf32> to vector<16xf32>
      %swap3A_69 = vector.shape_cast %broadcast_in_dim3A_65 : vector<16xf32> to vector<1x16xf32>
      tpu.vector_store %arg12[%swap3A, %swap3A_66], %swap3A_69 {strides = array<i32>} : memref<800x16xf32, #tpu.memory_space<vmem>>, vector<1x16xf32>,
    }
    %scan3A_4 = arith.constant 800 : i32
    %mul3A = arith.constant 6264 : i32
    %mul3A_5 = arith.muli %arg1, %mul3A : i32
    %add3A = arith.constant 0 : i32
    %add3A_6 = arith.addi %mul3A_5, %add3A : i32
    "tpu.region"() ({
      %run_scoped3A = tpu.sem_alloc : memref<!tpu.dma_semaphore, #tpu.memory_space<semaphore_mem>>
      %dma_start3A_64 = arith.constant 0 : i32
      %dma_start3A_65 = tpu.memref_slice %arg14[%add3A_6, %dma_start3A_64] : memref<100224x16xf32, #tpu.memory_space<vmem_shared>> -> memref<800x16xf32, #tpu.memory_space<vmem_shared>>
      %dma_start3A_66 = arith.constant 0 : i32
      %dma_start3A_67 = tpu.memref_slice %arg14[%add3A_6, %dma_start3A_66] : memref<100224x16xf32, #tpu.memory_space<vmem_shared>> -> memref<800x16xf32, #tpu.memory_space<vmem_shared>>
      tpu.enqueue_dma source(%arg12 : memref<800x16xf32, #tpu.memory_space<vmem>>) target(%dma_start3A_67 : memref<800x16xf32, #tpu.memory_space<vmem_shared>>) target_semaphore(%run_scoped3A : memref<!tpu.dma_semaphore, #tpu.memory_space<semaphore_mem>>)
      %dma_wait3A = arith.constant 0 : i32
      %dma_wait3A_68 = tpu.memref_slice %arg14[%add3A_6, %dma_wait3A] : memref<100224x16xf32, #tpu.memory_space<vmem_shared>> -> memref<800x16xf32, #tpu.memory_space<vmem_shared>>
      %dma_wait3A_69 = arith.constant 0 : i32
      %dma_wait3A_70 = tpu.memref_slice %arg14[%add3A_6, %dma_wait3A_69] : memref<100224x16xf32, #tpu.memory_space<vmem_shared>> -> memref<800x16xf32, #tpu.memory_space<vmem_shared>>
      tpu.wait_dma2 semaphore(%run_scoped3A : memref<!tpu.dma_semaphore, #tpu.memory_space<semaphore_mem>>) src(%arg12 : memref<800x16xf32, #tpu.memory_space<vmem>>) dst(%dma_wait3A_70 : memref<800x16xf32, #tpu.memory_space<vmem_shared>>)
      tpu.yield
    }) : () -> ()
    %add3A_7 = arith.constant 800 : i32
    %add3A_8 = arith.addi %mul3A_5, %add3A_7 : i32
    "tpu.region"() ({
      %run_scoped3A = tpu.sem_alloc : memref<!tpu.dma_semaphore, #tpu.memory_space<semaphore_mem>>
      %dma_start3A_64 = arith.constant 0 : i32
      %dma_start3A_65 = tpu.memref_slice %arg14[%add3A_8, %dma_start3A_64] : memref<100224x16xf32, #tpu.memory_space<vmem_shared>> -> memref<800x16xf32, #tpu.memory_space<vmem_shared>>
      %dma_start3A_66 = arith.constant 0 : i32
      %dma_start3A_67 = tpu.memref_slice %arg14[%add3A_8, %dma_start3A_66] : memref<100224x16xf32, #tpu.memory_space<vmem_shared>> -> memref<800x16xf32, #tpu.memory_space<vmem_shared>>
      tpu.enqueue_dma source(%arg12 : memref<800x16xf32, #tpu.memory_space<vmem>>) target(%dma_start3A_67 : memref<800x16xf32, #tpu.memory_space<vmem_shared>>) target_semaphore(%run_scoped3A : memref<!tpu.dma_semaphore, #tpu.memory_space<semaphore_mem>>)
      %dma_wait3A = arith.constant 0 : i32
      %dma_wait3A_68 = tpu.memref_slice %arg14[%add3A_8, %dma_wait3A] : memref<100224x16xf32, #tpu.memory_space<vmem_shared>> -> memref<800x16xf32, #tpu.memory_space<vmem_shared>>
      %dma_wait3A_69 = arith.constant 0 : i32
      %dma_wait3A_70 = tpu.memref_slice %arg14[%add3A_8, %dma_wait3A_69] : memref<100224x16xf32, #tpu.memory_space<vmem_shared>> -> memref<800x16xf32, #tpu.memory_space<vmem_shared>>
      tpu.wait_dma2 semaphore(%run_scoped3A : memref<!tpu.dma_semaphore, #tpu.memory_space<semaphore_mem>>) src(%arg12 : memref<800x16xf32, #tpu.memory_space<vmem>>) dst(%dma_wait3A_70 : memref<800x16xf32, #tpu.memory_space<vmem_shared>>)
      tpu.yield
    }) : () -> ()
    %add3A_9 = arith.constant 1600 : i32
    %add3A_10 = arith.addi %mul3A_5, %add3A_9 : i32
    "tpu.region"() ({
      %run_scoped3A = tpu.sem_alloc : memref<!tpu.dma_semaphore, #tpu.memory_space<semaphore_mem>>
      %dma_start3A_64 = arith.constant 0 : i32
      %dma_start3A_65 = tpu.memref_slice %arg14[%add3A_10, %dma_start3A_64] : memref<100224x16xf32, #tpu.memory_space<vmem_shared>> -> memref<800x16xf32, #tpu.memory_space<vmem_shared>>
      %dma_start3A_66 = arith.constant 0 : i32
      %dma_start3A_67 = tpu.memref_slice %arg14[%add3A_10, %dma_start3A_66] : memref<100224x16xf32, #tpu.memory_space<vmem_shared>> -> memref<800x16xf32, #tpu.memory_space<vmem_shared>>
      tpu.enqueue_dma source(%arg12 : memref<800x16xf32, #tpu.memory_space<vmem>>) target(%dma_start3A_67 : memref<800x16xf32, #tpu.memory_space<vmem_shared>>) target_semaphore(%run_scoped3A : memref<!tpu.dma_semaphore, #tpu.memory_space<semaphore_mem>>)
      %dma_wait3A = arith.constant 0 : i32
      %dma_wait3A_68 = tpu.memref_slice %arg14[%add3A_10, %dma_wait3A] : memref<100224x16xf32, #tpu.memory_space<vmem_shared>> -> memref<800x16xf32, #tpu.memory_space<vmem_shared>>
      %dma_wait3A_69 = arith.constant 0 : i32
      %dma_wait3A_70 = tpu.memref_slice %arg14[%add3A_10, %dma_wait3A_69] : memref<100224x16xf32, #tpu.memory_space<vmem_shared>> -> memref<800x16xf32, #tpu.memory_space<vmem_shared>>
      tpu.wait_dma2 semaphore(%run_scoped3A : memref<!tpu.dma_semaphore, #tpu.memory_space<semaphore_mem>>) src(%arg12 : memref<800x16xf32, #tpu.memory_space<vmem>>) dst(%dma_wait3A_70 : memref<800x16xf32, #tpu.memory_space<vmem_shared>>)
      tpu.yield
    }) : () -> ()
    %add3A_11 = arith.constant 2400 : i32
    %add3A_12 = arith.addi %mul3A_5, %add3A_11 : i32
    "tpu.region"() ({
      %run_scoped3A = tpu.sem_alloc : memref<!tpu.dma_semaphore, #tpu.memory_space<semaphore_mem>>
      %dma_start3A_64 = arith.constant 0 : i32
      %dma_start3A_65 = tpu.memref_slice %arg14[%add3A_12, %dma_start3A_64] : memref<100224x16xf32, #tpu.memory_space<vmem_shared>> -> memref<800x16xf32, #tpu.memory_space<vmem_shared>>
      %dma_start3A_66 = arith.constant 0 : i32
      %dma_start3A_67 = tpu.memref_slice %arg14[%add3A_12, %dma_start3A_66] : memref<100224x16xf32, #tpu.memory_space<vmem_shared>> -> memref<800x16xf32, #tpu.memory_space<vmem_shared>>
      tpu.enqueue_dma source(%arg12 : memref<800x16xf32, #tpu.memory_space<vmem>>) target(%dma_start3A_67 : memref<800x16xf32, #tpu.memory_space<vmem_shared>>) target_semaphore(%run_scoped3A : memref<!tpu.dma_semaphore, #tpu.memory_space<semaphore_mem>>)
      %dma_wait3A = arith.constant 0 : i32
      %dma_wait3A_68 = tpu.memref_slice %arg14[%add3A_12, %dma_wait3A] : memref<100224x16xf32, #tpu.memory_space<vmem_shared>> -> memref<800x16xf32, #tpu.memory_space<vmem_shared>>
      %dma_wait3A_69 = arith.constant 0 : i32
      %dma_wait3A_70 = tpu.memref_slice %arg14[%add3A_12, %dma_wait3A_69] : memref<100224x16xf32, #tpu.memory_space<vmem_shared>> -> memref<800x16xf32, #tpu.memory_space<vmem_shared>>
      tpu.wait_dma2 semaphore(%run_scoped3A : memref<!tpu.dma_semaphore, #tpu.memory_space<semaphore_mem>>) src(%arg12 : memref<800x16xf32, #tpu.memory_space<vmem>>) dst(%dma_wait3A_70 : memref<800x16xf32, #tpu.memory_space<vmem_shared>>)
      tpu.yield
    }) : () -> ()
    %add3A_13 = arith.constant 3200 : i32
    %add3A_14 = arith.addi %mul3A_5, %add3A_13 : i32
    "tpu.region"() ({
      %run_scoped3A = tpu.sem_alloc : memref<!tpu.dma_semaphore, #tpu.memory_space<semaphore_mem>>
      %dma_start3A_64 = arith.constant 0 : i32
      %dma_start3A_65 = tpu.memref_slice %arg14[%add3A_14, %dma_start3A_64] : memref<100224x16xf32, #tpu.memory_space<vmem_shared>> -> memref<800x16xf32, #tpu.memory_space<vmem_shared>>
      %dma_start3A_66 = arith.constant 0 : i32
      %dma_start3A_67 = tpu.memref_slice %arg14[%add3A_14, %dma_start3A_66] : memref<100224x16xf32, #tpu.memory_space<vmem_shared>> -> memref<800x16xf32, #tpu.memory_space<vmem_shared>>
      tpu.enqueue_dma source(%arg12 : memref<800x16xf32, #tpu.memory_space<vmem>>) target(%dma_start3A_67 : memref<800x16xf32, #tpu.memory_space<vmem_shared>>) target_semaphore(%run_scoped3A : memref<!tpu.dma_semaphore, #tpu.memory_space<semaphore_mem>>)
      %dma_wait3A = arith.constant 0 : i32
      %dma_wait3A_68 = tpu.memref_slice %arg14[%add3A_14, %dma_wait3A] : memref<100224x16xf32, #tpu.memory_space<vmem_shared>> -> memref<800x16xf32, #tpu.memory_space<vmem_shared>>
      %dma_wait3A_69 = arith.constant 0 : i32
      %dma_wait3A_70 = tpu.memref_slice %arg14[%add3A_14, %dma_wait3A_69] : memref<100224x16xf32, #tpu.memory_space<vmem_shared>> -> memref<800x16xf32, #tpu.memory_space<vmem_shared>>
      tpu.wait_dma2 semaphore(%run_scoped3A : memref<!tpu.dma_semaphore, #tpu.memory_space<semaphore_mem>>) src(%arg12 : memref<800x16xf32, #tpu.memory_space<vmem>>) dst(%dma_wait3A_70 : memref<800x16xf32, #tpu.memory_space<vmem_shared>>)
      tpu.yield
    }) : () -> ()
    %add3A_15 = arith.constant 4000 : i32
    %add3A_16 = arith.addi %mul3A_5, %add3A_15 : i32
    "tpu.region"() ({
      %run_scoped3A = tpu.sem_alloc : memref<!tpu.dma_semaphore, #tpu.memory_space<semaphore_mem>>
      %dma_start3A_64 = arith.constant 0 : i32
      %dma_start3A_65 = tpu.memref_slice %arg14[%add3A_16, %dma_start3A_64] : memref<100224x16xf32, #tpu.memory_space<vmem_shared>> -> memref<800x16xf32, #tpu.memory_space<vmem_shared>>
      %dma_start3A_66 = arith.constant 0 : i32
      %dma_start3A_67 = tpu.memref_slice %arg14[%add3A_16, %dma_start3A_66] : memref<100224x16xf32, #tpu.memory_space<vmem_shared>> -> memref<800x16xf32, #tpu.memory_space<vmem_shared>>
      tpu.enqueue_dma source(%arg12 : memref<800x16xf32, #tpu.memory_space<vmem>>) target(%dma_start3A_67 : memref<800x16xf32, #tpu.memory_space<vmem_shared>>) target_semaphore(%run_scoped3A : memref<!tpu.dma_semaphore, #tpu.memory_space<semaphore_mem>>)
      %dma_wait3A = arith.constant 0 : i32
      %dma_wait3A_68 = tpu.memref_slice %arg14[%add3A_16, %dma_wait3A] : memref<100224x16xf32, #tpu.memory_space<vmem_shared>> -> memref<800x16xf32, #tpu.memory_space<vmem_shared>>
      %dma_wait3A_69 = arith.constant 0 : i32
      %dma_wait3A_70 = tpu.memref_slice %arg14[%add3A_16, %dma_wait3A_69] : memref<100224x16xf32, #tpu.memory_space<vmem_shared>> -> memref<800x16xf32, #tpu.memory_space<vmem_shared>>
      tpu.wait_dma2 semaphore(%run_scoped3A : memref<!tpu.dma_semaphore, #tpu.memory_space<semaphore_mem>>) src(%arg12 : memref<800x16xf32, #tpu.memory_space<vmem>>) dst(%dma_wait3A_70 : memref<800x16xf32, #tpu.memory_space<vmem_shared>>)
      tpu.yield
    }) : () -> ()
    %add3A_17 = arith.constant 4800 : i32
    %add3A_18 = arith.addi %mul3A_5, %add3A_17 : i32
    "tpu.region"() ({
      %run_scoped3A = tpu.sem_alloc : memref<!tpu.dma_semaphore, #tpu.memory_space<semaphore_mem>>
      %dma_start3A_64 = arith.constant 0 : i32
      %dma_start3A_65 = tpu.memref_slice %arg14[%add3A_18, %dma_start3A_64] : memref<100224x16xf32, #tpu.memory_space<vmem_shared>> -> memref<800x16xf32, #tpu.memory_space<vmem_shared>>
      %dma_start3A_66 = arith.constant 0 : i32
      %dma_start3A_67 = tpu.memref_slice %arg14[%add3A_18, %dma_start3A_66] : memref<100224x16xf32, #tpu.memory_space<vmem_shared>> -> memref<800x16xf32, #tpu.memory_space<vmem_shared>>
      tpu.enqueue_dma source(%arg12 : memref<800x16xf32, #tpu.memory_space<vmem>>) target(%dma_start3A_67 : memref<800x16xf32, #tpu.memory_space<vmem_shared>>) target_semaphore(%run_scoped3A : memref<!tpu.dma_semaphore, #tpu.memory_space<semaphore_mem>>)
      %dma_wait3A = arith.constant 0 : i32
      %dma_wait3A_68 = tpu.memref_slice %arg14[%add3A_18, %dma_wait3A] : memref<100224x16xf32, #tpu.memory_space<vmem_shared>> -> memref<800x16xf32, #tpu.memory_space<vmem_shared>>
      %dma_wait3A_69 = arith.constant 0 : i32
      %dma_wait3A_70 = tpu.memref_slice %arg14[%add3A_18, %dma_wait3A_69] : memref<100224x16xf32, #tpu.memory_space<vmem_shared>> -> memref<800x16xf32, #tpu.memory_space<vmem_shared>>
      tpu.wait_dma2 semaphore(%run_scoped3A : memref<!tpu.dma_semaphore, #tpu.memory_space<semaphore_mem>>) src(%arg12 : memref<800x16xf32, #tpu.memory_space<vmem>>) dst(%dma_wait3A_70 : memref<800x16xf32, #tpu.memory_space<vmem_shared>>)
      tpu.yield
    }) : () -> ()
    %add3A_19 = arith.constant 5600 : i32
    %add3A_20 = arith.addi %mul3A_5, %add3A_19 : i32
    "tpu.region"() ({
      %run_scoped3A = tpu.sem_alloc : memref<!tpu.dma_semaphore, #tpu.memory_space<semaphore_mem>>
      %dma_start3A_64 = arith.constant 0 : i32
      %dma_start3A_65 = arith.constant 0 : i32
      %dma_start3A_66 = tpu.memref_slice %arg12[%dma_start3A_64, %dma_start3A_65] : memref<800x16xf32, #tpu.memory_space<vmem>> -> memref<664x16xf32, #tpu.memory_space<vmem>>
      %dma_start3A_67 = arith.constant 0 : i32
      %dma_start3A_68 = tpu.memref_slice %arg14[%add3A_20, %dma_start3A_67] : memref<100224x16xf32, #tpu.memory_space<vmem_shared>> -> memref<664x16xf32, #tpu.memory_space<vmem_shared>>
      %dma_start3A_69 = arith.constant 0 : i32
      %dma_start3A_70 = tpu.memref_slice %arg14[%add3A_20, %dma_start3A_69] : memref<100224x16xf32, #tpu.memory_space<vmem_shared>> -> memref<664x16xf32, #tpu.memory_space<vmem_shared>>
      %dma_start3A_71 = arith.constant 0 : i32
      %dma_start3A_72 = arith.constant 0 : i32
      %dma_start3A_73 = tpu.memref_slice %arg12[%dma_start3A_71, %dma_start3A_72] : memref<800x16xf32, #tpu.memory_space<vmem>> -> memref<664x16xf32, #tpu.memory_space<vmem>>
      tpu.enqueue_dma source(%dma_start3A_73 : memref<664x16xf32, #tpu.memory_space<vmem>>) target(%dma_start3A_70 : memref<664x16xf32, #tpu.memory_space<vmem_shared>>) target_semaphore(%run_scoped3A : memref<!tpu.dma_semaphore, #tpu.memory_space<semaphore_mem>>)
      %dma_wait3A = arith.constant 0 : i32
      %dma_wait3A_74 = arith.constant 0 : i32
      %dma_wait3A_75 = tpu.memref_slice %arg12[%dma_wait3A, %dma_wait3A_74] : memref<800x16xf32, #tpu.memory_space<vmem>> -> memref<664x16xf32, #tpu.memory_space<vmem>>
      %dma_wait3A_76 = arith.constant 0 : i32
      %dma_wait3A_77 = tpu.memref_slice %arg14[%add3A_20, %dma_wait3A_76] : memref<100224x16xf32, #tpu.memory_space<vmem_shared>> -> memref<664x16xf32, #tpu.memory_space<vmem_shared>>
      %dma_wait3A_78 = arith.constant 0 : i32
      %dma_wait3A_79 = tpu.memref_slice %arg14[%add3A_20, %dma_wait3A_78] : memref<100224x16xf32, #tpu.memory_space<vmem_shared>> -> memref<664x16xf32, #tpu.memory_space<vmem_shared>>
      %dma_wait3A_80 = arith.constant 0 : i32
      %dma_wait3A_81 = arith.constant 0 : i32
      %dma_wait3A_82 = tpu.memref_slice %arg12[%dma_wait3A_80, %dma_wait3A_81] : memref<800x16xf32, #tpu.memory_space<vmem>> -> memref<664x16xf32, #tpu.memory_space<vmem>>
      tpu.wait_dma2 semaphore(%run_scoped3A : memref<!tpu.dma_semaphore, #tpu.memory_space<semaphore_mem>>) src(%dma_wait3A_82 : memref<664x16xf32, #tpu.memory_space<vmem>>) dst(%dma_wait3A_79 : memref<664x16xf32, #tpu.memory_space<vmem_shared>>)
      tpu.yield
    }) : () -> ()
    %barrier3A = arith.constant 0 : index
    tpu.barrier barrier_id(%barrier3A)
    %mul3A_21 = arith.constant 102400 : i32
    %mul3A_22 = arith.muli %arg1, %mul3A_21 : i32
    %add3A_23 = arith.constant 0 : i32
    %add3A_24 = arith.addi %mul3A_22, %add3A_23 : i32
    %multiple_of3A = tpu.assume_multiple %add3A_24, 8 : i32
    "tpu.region"() ({
      %run_scoped3A = tpu.sem_alloc : memref<!tpu.dma_semaphore, #tpu.memory_space<semaphore_mem>>
      %dma_start3A_64 = tpu.memref_slice %arg2[%multiple_of3A] : memref<1638400xi32, #tpu.memory_space<hbm>> -> memref<800xi32, #tpu.memory_space<hbm>>
      %dma_start3A_65 = tpu.memref_slice %arg2[%multiple_of3A] : memref<1638400xi32, #tpu.memory_space<hbm>> -> memref<800xi32, #tpu.memory_space<hbm>>
      tpu.enqueue_dma source(%dma_start3A_65 : memref<800xi32, #tpu.memory_space<hbm>>) target(%arg8 : memref<800xi32, #tpu.memory_space<vmem>>) target_semaphore(%run_scoped3A : memref<!tpu.dma_semaphore, #tpu.memory_space<semaphore_mem>>)
      %dma_wait3A = tpu.memref_slice %arg2[%multiple_of3A] : memref<1638400xi32, #tpu.memory_space<hbm>> -> memref<800xi32, #tpu.memory_space<hbm>>
      %dma_wait3A_66 = tpu.memref_slice %arg2[%multiple_of3A] : memref<1638400xi32, #tpu.memory_space<hbm>> -> memref<800xi32, #tpu.memory_space<hbm>>
      tpu.wait_dma2 semaphore(%run_scoped3A : memref<!tpu.dma_semaphore, #tpu.memory_space<semaphore_mem>>) src(%dma_wait3A_66 : memref<800xi32, #tpu.memory_space<hbm>>) dst(%arg8 : memref<800xi32, #tpu.memory_space<vmem>>)
      tpu.yield
    }) : () -> ()
    %add3A_25 = arith.constant 0 : i32
    %add3A_26 = arith.addi %mul3A_22, %add3A_25 : i32
    %multiple_of3A_27 = tpu.assume_multiple %add3A_26, 8 : i32
    "tpu.region"() ({
      %run_scoped3A = tpu.sem_alloc : memref<!tpu.dma_semaphore, #tpu.memory_space<semaphore_mem>>
      %dma_start3A_64 = tpu.memref_slice %arg3[%multiple_of3A_27] : memref<1638400xi32, #tpu.memory_space<hbm>> -> memref<800xi32, #tpu.memory_space<hbm>>
      %dma_start3A_65 = tpu.memref_slice %arg3[%multiple_of3A_27] : memref<1638400xi32, #tpu.memory_space<hbm>> -> memref<800xi32, #tpu.memory_space<hbm>>
      tpu.enqueue_dma source(%dma_start3A_65 : memref<800xi32, #tpu.memory_space<hbm>>) target(%arg10 : memref<800xi32, #tpu.memory_space<vmem>>) target_semaphore(%run_scoped3A : memref<!tpu.dma_semaphore, #tpu.memory_space<semaphore_mem>>)
      %dma_wait3A = tpu.memref_slice %arg3[%multiple_of3A_27] : memref<1638400xi32, #tpu.memory_space<hbm>> -> memref<800xi32, #tpu.memory_space<hbm>>
      %dma_wait3A_66 = tpu.memref_slice %arg3[%multiple_of3A_27] : memref<1638400xi32, #tpu.memory_space<hbm>> -> memref<800xi32, #tpu.memory_space<hbm>>
      tpu.wait_dma2 semaphore(%run_scoped3A : memref<!tpu.dma_semaphore, #tpu.memory_space<semaphore_mem>>) src(%dma_wait3A_66 : memref<800xi32, #tpu.memory_space<hbm>>) dst(%arg10 : memref<800xi32, #tpu.memory_space<vmem>>)
      tpu.yield
    }) : () -> ()
    %eq3A = arith.constant 0 : i32
    %eq3A_28 = arith.cmpi eq, %arg0, %eq3A : i32
    %convert_element_type3A = arith.extui %eq3A_28 : i1 to i32
    %cond3A = arith.constant 0 : i32
    %cond3A_29 = arith.cmpi ne, %convert_element_type3A, %cond3A : i32
    scf.if %cond3A_29 {
      %dma_start3A_64 = arith.constant 0 : i32
      %dma_start3A_65 = arith.constant 0 : i32
      %dma_start3A_66 = tpu.memref_slice %arg4[%dma_start3A_64, %dma_start3A_65] : memref<100000x16xf32, #tpu.memory_space<hbm>> -> memref<100000x16xf32, #tpu.memory_space<hbm>>
      tpu.enqueue_indirect_dma source(%dma_start3A_66 : memref<100000x16xf32, #tpu.memory_space<hbm>>) target(%arg12 : memref<800x16xf32, #tpu.memory_space<vmem>>) offsets(%arg8 : memref<800xi32, #tpu.memory_space<vmem>>) semaphore(%arg15 : memref<!tpu.dma_semaphore, #tpu.memory_space<semaphore_mem>>)
    } else {
    }
    %eq3A_30 = arith.constant 1 : i32
    %eq3A_31 = arith.cmpi eq, %arg0, %eq3A_30 : i32
    %convert_element_type3A_32 = arith.extui %eq3A_31 : i1 to i32
    %cond3A_33 = arith.constant 0 : i32
    %cond3A_34 = arith.cmpi ne, %convert_element_type3A_32, %cond3A_33 : i32
    scf.if %cond3A_34 {
      %dma_start3A_64 = arith.constant 0 : i32
      %dma_start3A_65 = arith.constant 0 : i32
      %dma_start3A_66 = tpu.memref_slice %arg5[%dma_start3A_64, %dma_start3A_65] : memref<100000x16xf32, #tpu.memory_space<hbm>> -> memref<100000x16xf32, #tpu.memory_space<hbm>>
      tpu.enqueue_indirect_dma source(%dma_start3A_66 : memref<100000x16xf32, #tpu.memory_space<hbm>>) target(%arg12 : memref<800x16xf32, #tpu.memory_space<vmem>>) offsets(%arg8 : memref<800xi32, #tpu.memory_space<vmem>>) semaphore(%arg15 : memref<!tpu.dma_semaphore, #tpu.memory_space<semaphore_mem>>)
    } else {
    }
    %add3A_35 = arith.constant 800 : i32
    %add3A_36 = arith.addi %mul3A_22, %add3A_35 : i32
    %multiple_of3A_37 = tpu.assume_multiple %add3A_36, 8 : i32
    %dma_start3A = tpu.memref_slice %arg2[%multiple_of3A_37] : memref<1638400xi32, #tpu.memory_space<hbm>> -> memref<800xi32, #tpu.memory_space<hbm>>
    %dma_start3A_38 = tpu.memref_slice %arg2[%multiple_of3A_37] : memref<1638400xi32, #tpu.memory_space<hbm>> -> memref<800xi32, #tpu.memory_space<hbm>>
    tpu.enqueue_dma source(%dma_start3A_38 : memref<800xi32, #tpu.memory_space<hbm>>) target(%arg9 : memref<800xi32, #tpu.memory_space<vmem>>) target_semaphore(%arg18 : memref<!tpu.dma_semaphore, #tpu.memory_space<semaphore_mem>>)
    %add3A_39 = arith.constant 800 : i32
    %add3A_40 = arith.addi %mul3A_22, %add3A_39 : i32
    %multiple_of3A_41 = tpu.assume_multiple %add3A_40, 8 : i32
    %dma_start3A_42 = tpu.memref_slice %arg3[%multiple_of3A_41] : memref<1638400xi32, #tpu.memory_space<hbm>> -> memref<800xi32, #tpu.memory_space<hbm>>
    %dma_start3A_43 = tpu.memref_slice %arg3[%multiple_of3A_41] : memref<1638400xi32, #tpu.memory_space<hbm>> -> memref<800xi32, #tpu.memory_space<hbm>>
    tpu.enqueue_dma source(%dma_start3A_43 : memref<800xi32, #tpu.memory_space<hbm>>) target(%arg11 : memref<800xi32, #tpu.memory_space<vmem>>) target_semaphore(%arg18 : memref<!tpu.dma_semaphore, #tpu.memory_space<semaphore_mem>>)
    %scan3A_44 = arith.constant 0 : i32
    %scan3A_45 = arith.constant 0 : i32
    %scan3A_46 = arith.constant 64 : i32
    %scan3A_47 = arith.addi %scan3A_45, %scan3A_46 : i32
    %scan3A_48 = arith.constant 1 : i32
    scf.for %scan3A_64 = %scan3A_45 to %scan3A_47 step %scan3A_48  : i32 {
      %mul3A_65 = arith.constant 2 : i32
      %mul3A_66 = arith.muli %mul3A_65, %scan3A_64 : i32
      %add3A_67 = arith.constant 0 : i32
      %add3A_68 = arith.addi %mul3A_66, %add3A_67 : i32
      %add3A_69 = arith.constant 2 : i32
      %add3A_70 = arith.addi %add3A_68, %add3A_69 : i32
      %sub3A = arith.constant 1 : i32
      %sub3A_71 = arith.subi %add3A_70, %sub3A : i32
      %lt3A = arith.constant 128 : i32
      %lt3A_72 = arith.cmpi slt, %sub3A_71, %lt3A : i32
      %convert_element_type3A_73 = arith.extui %lt3A_72 : i1 to i32
      %cond3A_74 = arith.constant 0 : i32
      %cond3A_75 = arith.cmpi ne, %convert_element_type3A_73, %cond3A_74 : i32
      scf.if %cond3A_75 {
        %add3A_120 = arith.constant 2 : i32
        %add3A_121 = arith.addi %add3A_68, %add3A_120 : i32
        %sub3A_122 = arith.constant 1 : i32
        %sub3A_123 = arith.subi %add3A_121, %sub3A_122 : i32
        %mul3A_124 = arith.constant 800 : i32
        %mul3A_125 = arith.muli %sub3A_123, %mul3A_124 : i32
        %add3A_126 = arith.addi %mul3A_22, %mul3A_125 : i32
        %multiple_of3A_127 = tpu.assume_multiple %add3A_126, 8 : i32
        %dma_wait3A_128 = tpu.memref_slice %arg2[%multiple_of3A_127] : memref<1638400xi32, #tpu.memory_space<hbm>> -> memref<800xi32, #tpu.memory_space<hbm>>
        %dma_wait3A_129 = tpu.memref_slice %arg2[%multiple_of3A_127] : memref<1638400xi32, #tpu.memory_space<hbm>> -> memref<800xi32, #tpu.memory_space<hbm>>
        tpu.wait_dma2 semaphore(%arg18 : memref<!tpu.dma_semaphore, #tpu.memory_space<semaphore_mem>>) src(%dma_wait3A_129 : memref<800xi32, #tpu.memory_space<hbm>>) dst(%arg9 : memref<800xi32, #tpu.memory_space<vmem>>)
        %add3A_130 = arith.constant 2 : i32
        %add3A_131 = arith.addi %add3A_68, %add3A_130 : i32
        %sub3A_132 = arith.constant 1 : i32
        %sub3A_133 = arith.subi %add3A_131, %sub3A_132 : i32
        %mul3A_134 = arith.constant 800 : i32
        %mul3A_135 = arith.muli %sub3A_133, %mul3A_134 : i32
        %add3A_136 = arith.addi %mul3A_22, %mul3A_135 : i32
        %multiple_of3A_137 = tpu.assume_multiple %add3A_136, 8 : i32
        %dma_wait3A_138 = tpu.memref_slice %arg3[%multiple_of3A_137] : memref<1638400xi32, #tpu.memory_space<hbm>> -> memref<800xi32, #tpu.memory_space<hbm>>
        %dma_wait3A_139 = tpu.memref_slice %arg3[%multiple_of3A_137] : memref<1638400xi32, #tpu.memory_space<hbm>> -> memref<800xi32, #tpu.memory_space<hbm>>
        tpu.wait_dma2 semaphore(%arg18 : memref<!tpu.dma_semaphore, #tpu.memory_space<semaphore_mem>>) src(%dma_wait3A_139 : memref<800xi32, #tpu.memory_space<hbm>>) dst(%arg11 : memref<800xi32, #tpu.memory_space<vmem>>)
        %eq3A_140 = arith.constant 0 : i32
        %eq3A_141 = arith.cmpi eq, %arg0, %eq3A_140 : i32
        %convert_element_type3A_142 = arith.extui %eq3A_141 : i1 to i32
        %cond3A_143 = arith.constant 0 : i32
        %cond3A_144 = arith.cmpi ne, %convert_element_type3A_142, %cond3A_143 : i32
        scf.if %cond3A_144 {
          %dma_start3A_150 = arith.constant 0 : i32
          %dma_start3A_151 = arith.constant 0 : i32
          %dma_start3A_152 = tpu.memref_slice %arg4[%dma_start3A_150, %dma_start3A_151] : memref<100000x16xf32, #tpu.memory_space<hbm>> -> memref<100000x16xf32, #tpu.memory_space<hbm>>
          tpu.enqueue_indirect_dma source(%dma_start3A_152 : memref<100000x16xf32, #tpu.memory_space<hbm>>) target(%arg13 : memref<800x16xf32, #tpu.memory_space<vmem>>) offsets(%arg9 : memref<800xi32, #tpu.memory_space<vmem>>) semaphore(%arg16 : memref<!tpu.dma_semaphore, #tpu.memory_space<semaphore_mem>>)
        } else {
        }
        %eq3A_145 = arith.constant 1 : i32
        %eq3A_146 = arith.cmpi eq, %arg0, %eq3A_145 : i32
        %convert_element_type3A_147 = arith.extui %eq3A_146 : i1 to i32
        %cond3A_148 = arith.constant 0 : i32
        %cond3A_149 = arith.cmpi ne, %convert_element_type3A_147, %cond3A_148 : i32
        scf.if %cond3A_149 {
          %dma_start3A_150 = arith.constant 0 : i32
          %dma_start3A_151 = arith.constant 0 : i32
          %dma_start3A_152 = tpu.memref_slice %arg5[%dma_start3A_150, %dma_start3A_151] : memref<100000x16xf32, #tpu.memory_space<hbm>> -> memref<100000x16xf32, #tpu.memory_space<hbm>>
          tpu.enqueue_indirect_dma source(%dma_start3A_152 : memref<100000x16xf32, #tpu.memory_space<hbm>>) target(%arg13 : memref<800x16xf32, #tpu.memory_space<vmem>>) offsets(%arg9 : memref<800xi32, #tpu.memory_space<vmem>>) semaphore(%arg16 : memref<!tpu.dma_semaphore, #tpu.memory_space<semaphore_mem>>)
        } else {
        }
      } else {
      }
      %dma_wait3A = arith.constant 0 : i32
      %dma_wait3A_76 = arith.constant 0 : i32
      %dma_wait3A_77 = tpu.memref_slice %arg4[%dma_wait3A, %dma_wait3A_76] : memref<100000x16xf32, #tpu.memory_space<hbm>> -> memref<100000x16xf32, #tpu.memory_space<hbm>>
      tpu.wait_indirect_dma semaphore(%arg15 : memref<!tpu.dma_semaphore, #tpu.memory_space<semaphore_mem>>) src(%dma_wait3A_77 : memref<100000x16xf32, #tpu.memory_space<hbm>>) dst(%arg12 : memref<800x16xf32, #tpu.memory_space<vmem>>)
      %dma_start3A_78 = arith.constant 0 : i32
      %dma_start3A_79 = arith.constant 0 : i32
      %dma_start3A_80 = tpu.memref_slice %arg14[%dma_start3A_78, %dma_start3A_79] : memref<100224x16xf32, #tpu.memory_space<vmem_shared>> -> memref<100224x16xf32, #tpu.memory_space<vmem_shared>>
      tpu.enqueue_indirect_dma source(%arg12 : memref<800x16xf32, #tpu.memory_space<vmem>>) target(%dma_start3A_80 : memref<100224x16xf32, #tpu.memory_space<vmem_shared>>) offsets(%arg10 : memref<800xi32, #tpu.memory_space<vmem>>) semaphore(%arg17 : memref<!tpu.dma_semaphore, #tpu.memory_space<semaphore_mem>>) {add = true}
      %dma_wait3A_81 = arith.constant 0 : i32
      %dma_wait3A_82 = arith.constant 0 : i32
      %dma_wait3A_83 = tpu.memref_slice %arg14[%dma_wait3A_81, %dma_wait3A_82] : memref<100224x16xf32, #tpu.memory_space<vmem_shared>> -> memref<100224x16xf32, #tpu.memory_space<vmem_shared>>
      tpu.wait_indirect_dma semaphore(%arg17 : memref<!tpu.dma_semaphore, #tpu.memory_space<semaphore_mem>>) src(%arg12 : memref<800x16xf32, #tpu.memory_space<vmem>>) dst(%dma_wait3A_83 : memref<100224x16xf32, #tpu.memory_space<vmem_shared>>)
      %add3A_84 = arith.constant 2 : i32
      %add3A_85 = arith.addi %add3A_68, %add3A_84 : i32
      %lt3A_86 = arith.constant 128 : i32
      %lt3A_87 = arith.cmpi slt, %add3A_85, %lt3A_86 : i32
      %convert_element_type3A_88 = arith.extui %lt3A_87 : i1 to i32
      %cond3A_89 = arith.constant 0 : i32
      %cond3A_90 = arith.cmpi ne, %convert_element_type3A_88, %cond3A_89 : i32
      scf.if %cond3A_90 {
        %add3A_120 = arith.constant 2 : i32
        %add3A_121 = arith.addi %add3A_68, %add3A_120 : i32
        %mul3A_122 = arith.constant 800 : i32
        %mul3A_123 = arith.muli %add3A_121, %mul3A_122 : i32
        %add3A_124 = arith.addi %mul3A_22, %mul3A_123 : i32
        %multiple_of3A_125 = tpu.assume_multiple %add3A_124, 8 : i32
        %dma_start3A_126 = tpu.memref_slice %arg2[%multiple_of3A_125] : memref<1638400xi32, #tpu.memory_space<hbm>> -> memref<800xi32, #tpu.memory_space<hbm>>
        %dma_start3A_127 = tpu.memref_slice %arg2[%multiple_of3A_125] : memref<1638400xi32, #tpu.memory_space<hbm>> -> memref<800xi32, #tpu.memory_space<hbm>>
        tpu.enqueue_dma source(%dma_start3A_127 : memref<800xi32, #tpu.memory_space<hbm>>) target(%arg8 : memref<800xi32, #tpu.memory_space<vmem>>) target_semaphore(%arg17 : memref<!tpu.dma_semaphore, #tpu.memory_space<semaphore_mem>>)
        %add3A_128 = arith.constant 2 : i32
        %add3A_129 = arith.addi %add3A_68, %add3A_128 : i32
        %mul3A_130 = arith.constant 800 : i32
        %mul3A_131 = arith.muli %add3A_129, %mul3A_130 : i32
        %add3A_132 = arith.addi %mul3A_22, %mul3A_131 : i32
        %multiple_of3A_133 = tpu.assume_multiple %add3A_132, 8 : i32
        %dma_start3A_134 = tpu.memref_slice %arg3[%multiple_of3A_133] : memref<1638400xi32, #tpu.memory_space<hbm>> -> memref<800xi32, #tpu.memory_space<hbm>>
        %dma_start3A_135 = tpu.memref_slice %arg3[%multiple_of3A_133] : memref<1638400xi32, #tpu.memory_space<hbm>> -> memref<800xi32, #tpu.memory_space<hbm>>
        tpu.enqueue_dma source(%dma_start3A_135 : memref<800xi32, #tpu.memory_space<hbm>>) target(%arg10 : memref<800xi32, #tpu.memory_space<vmem>>) target_semaphore(%arg17 : memref<!tpu.dma_semaphore, #tpu.memory_space<semaphore_mem>>)
      } else {
      }
      %mul3A_91 = arith.constant 2 : i32
      %mul3A_92 = arith.muli %mul3A_91, %scan3A_64 : i32
      %add3A_93 = arith.constant 1 : i32
      %add3A_94 = arith.addi %mul3A_92, %add3A_93 : i32
      %add3A_95 = arith.constant 2 : i32
      %add3A_96 = arith.addi %add3A_94, %add3A_95 : i32
      %sub3A_97 = arith.constant 1 : i32
      %sub3A_98 = arith.subi %add3A_96, %sub3A_97 : i32
      %lt3A_99 = arith.constant 128 : i32
      %lt3A_100 = arith.cmpi slt, %sub3A_98, %lt3A_99 : i32
      %convert_element_type3A_101 = arith.extui %lt3A_100 : i1 to i32
      %cond3A_102 = arith.constant 0 : i32
      %cond3A_103 = arith.cmpi ne, %convert_element_type3A_101, %cond3A_102 : i32
      scf.if %cond3A_103 {
        %add3A_120 = arith.constant 2 : i32
        %add3A_121 = arith.addi %add3A_94, %add3A_120 : i32
        %sub3A_122 = arith.constant 1 : i32
        %sub3A_123 = arith.subi %add3A_121, %sub3A_122 : i32
        %mul3A_124 = arith.constant 800 : i32
        %mul3A_125 = arith.muli %sub3A_123, %mul3A_124 : i32
        %add3A_126 = arith.addi %mul3A_22, %mul3A_125 : i32
        %multiple_of3A_127 = tpu.assume_multiple %add3A_126, 8 : i32
        %dma_wait3A_128 = tpu.memref_slice %arg2[%multiple_of3A_127] : memref<1638400xi32, #tpu.memory_space<hbm>> -> memref<800xi32, #tpu.memory_space<hbm>>
        %dma_wait3A_129 = tpu.memref_slice %arg2[%multiple_of3A_127] : memref<1638400xi32, #tpu.memory_space<hbm>> -> memref<800xi32, #tpu.memory_space<hbm>>
        tpu.wait_dma2 semaphore(%arg17 : memref<!tpu.dma_semaphore, #tpu.memory_space<semaphore_mem>>) src(%dma_wait3A_129 : memref<800xi32, #tpu.memory_space<hbm>>) dst(%arg8 : memref<800xi32, #tpu.memory_space<vmem>>)
        %add3A_130 = arith.constant 2 : i32
        %add3A_131 = arith.addi %add3A_94, %add3A_130 : i32
        %sub3A_132 = arith.constant 1 : i32
        %sub3A_133 = arith.subi %add3A_131, %sub3A_132 : i32
        %mul3A_134 = arith.constant 800 : i32
        %mul3A_135 = arith.muli %sub3A_133, %mul3A_134 : i32
        %add3A_136 = arith.addi %mul3A_22, %mul3A_135 : i32
        %multiple_of3A_137 = tpu.assume_multiple %add3A_136, 8 : i32
        %dma_wait3A_138 = tpu.memref_slice %arg3[%multiple_of3A_137] : memref<1638400xi32, #tpu.memory_space<hbm>> -> memref<800xi32, #tpu.memory_space<hbm>>
        %dma_wait3A_139 = tpu.memref_slice %arg3[%multiple_of3A_137] : memref<1638400xi32, #tpu.memory_space<hbm>> -> memref<800xi32, #tpu.memory_space<hbm>>
        tpu.wait_dma2 semaphore(%arg17 : memref<!tpu.dma_semaphore, #tpu.memory_space<semaphore_mem>>) src(%dma_wait3A_139 : memref<800xi32, #tpu.memory_space<hbm>>) dst(%arg10 : memref<800xi32, #tpu.memory_space<vmem>>)
        %eq3A_140 = arith.constant 0 : i32
        %eq3A_141 = arith.cmpi eq, %arg0, %eq3A_140 : i32
        %convert_element_type3A_142 = arith.extui %eq3A_141 : i1 to i32
        %cond3A_143 = arith.constant 0 : i32
        %cond3A_144 = arith.cmpi ne, %convert_element_type3A_142, %cond3A_143 : i32
        scf.if %cond3A_144 {
          %dma_start3A_150 = arith.constant 0 : i32
          %dma_start3A_151 = arith.constant 0 : i32
          %dma_start3A_152 = tpu.memref_slice %arg4[%dma_start3A_150, %dma_start3A_151] : memref<100000x16xf32, #tpu.memory_space<hbm>> -> memref<100000x16xf32, #tpu.memory_space<hbm>>
          tpu.enqueue_indirect_dma source(%dma_start3A_152 : memref<100000x16xf32, #tpu.memory_space<hbm>>) target(%arg12 : memref<800x16xf32, #tpu.memory_space<vmem>>) offsets(%arg8 : memref<800xi32, #tpu.memory_space<vmem>>) semaphore(%arg15 : memref<!tpu.dma_semaphore, #tpu.memory_space<semaphore_mem>>)
        } else {
        }
        %eq3A_145 = arith.constant 1 : i32
        %eq3A_146 = arith.cmpi eq, %arg0, %eq3A_145 : i32
        %convert_element_type3A_147 = arith.extui %eq3A_146 : i1 to i32
        %cond3A_148 = arith.constant 0 : i32
        %cond3A_149 = arith.cmpi ne, %convert_element_type3A_147, %cond3A_148 : i32
        scf.if %cond3A_149 {
          %dma_start3A_150 = arith.constant 0 : i32
          %dma_start3A_151 = arith.constant 0 : i32
          %dma_start3A_152 = tpu.memref_slice %arg5[%dma_start3A_150, %dma_start3A_151] : memref<100000x16xf32, #tpu.memory_space<hbm>> -> memref<100000x16xf32, #tpu.memory_space<hbm>>
          tpu.enqueue_indirect_dma source(%dma_start3A_152 : memref<100000x16xf32, #tpu.memory_space<hbm>>) target(%arg12 : memref<800x16xf32, #tpu.memory_space<vmem>>) offsets(%arg8 : memref<800xi32, #tpu.memory_space<vmem>>) semaphore(%arg15 : memref<!tpu.dma_semaphore, #tpu.memory_space<semaphore_mem>>)
        } else {
        }
      } else {
      }
      %dma_wait3A_104 = arith.constant 0 : i32
      %dma_wait3A_105 = arith.constant 0 : i32
      %dma_wait3A_106 = tpu.memref_slice %arg4[%dma_wait3A_104, %dma_wait3A_105] : memref<100000x16xf32, #tpu.memory_space<hbm>> -> memref<100000x16xf32, #tpu.memory_space<hbm>>
      tpu.wait_indirect_dma semaphore(%arg16 : memref<!tpu.dma_semaphore, #tpu.memory_space<semaphore_mem>>) src(%dma_wait3A_106 : memref<100000x16xf32, #tpu.memory_space<hbm>>) dst(%arg13 : memref<800x16xf32, #tpu.memory_space<vmem>>)
      %dma_start3A_107 = arith.constant 0 : i32
      %dma_start3A_108 = arith.constant 0 : i32
      %dma_start3A_109 = tpu.memref_slice %arg14[%dma_start3A_107, %dma_start3A_108] : memref<100224x16xf32, #tpu.memory_space<vmem_shared>> -> memref<100224x16xf32, #tpu.memory_space<vmem_shared>>
      tpu.enqueue_indirect_dma source(%arg13 : memref<800x16xf32, #tpu.memory_space<vmem>>) target(%dma_start3A_109 : memref<100224x16xf32, #tpu.memory_space<vmem_shared>>) offsets(%arg11 : memref<800xi32, #tpu.memory_space<vmem>>) semaphore(%arg18 : memref<!tpu.dma_semaphore, #tpu.memory_space<semaphore_mem>>) {add = true}
      %dma_wait3A_110 = arith.constant 0 : i32
      %dma_wait3A_111 = arith.constant 0 : i32
      %dma_wait3A_112 = tpu.memref_slice %arg14[%dma_wait3A_110, %dma_wait3A_111] : memref<100224x16xf32, #tpu.memory_space<vmem_shared>> -> memref<100224x16xf32, #tpu.memory_space<vmem_shared>>
      tpu.wait_indirect_dma semaphore(%arg18 : memref<!tpu.dma_semaphore, #tpu.memory_space<semaphore_mem>>) src(%arg13 : memref<800x16xf32, #tpu.memory_space<vmem>>) dst(%dma_wait3A_112 : memref<100224x16xf32, #tpu.memory_space<vmem_shared>>)
      %add3A_113 = arith.constant 2 : i32
      %add3A_114 = arith.addi %add3A_94, %add3A_113 : i32
      %lt3A_115 = arith.constant 128 : i32
      %lt3A_116 = arith.cmpi slt, %add3A_114, %lt3A_115 : i32
      %convert_element_type3A_117 = arith.extui %lt3A_116 : i1 to i32
      %cond3A_118 = arith.constant 0 : i32
      %cond3A_119 = arith.cmpi ne, %convert_element_type3A_117, %cond3A_118 : i32
      scf.if %cond3A_119 {
        %add3A_120 = arith.constant 2 : i32
        %add3A_121 = arith.addi %add3A_94, %add3A_120 : i32
        %mul3A_122 = arith.constant 800 : i32
        %mul3A_123 = arith.muli %add3A_121, %mul3A_122 : i32
        %add3A_124 = arith.addi %mul3A_22, %mul3A_123 : i32
        %multiple_of3A_125 = tpu.assume_multiple %add3A_124, 8 : i32
        %dma_start3A_126 = tpu.memref_slice %arg2[%multiple_of3A_125] : memref<1638400xi32, #tpu.memory_space<hbm>> -> memref<800xi32, #tpu.memory_space<hbm>>
        %dma_start3A_127 = tpu.memref_slice %arg2[%multiple_of3A_125] : memref<1638400xi32, #tpu.memory_space<hbm>> -> memref<800xi32, #tpu.memory_space<hbm>>
        tpu.enqueue_dma source(%dma_start3A_127 : memref<800xi32, #tpu.memory_space<hbm>>) target(%arg9 : memref<800xi32, #tpu.memory_space<vmem>>) target_semaphore(%arg18 : memref<!tpu.dma_semaphore, #tpu.memory_space<semaphore_mem>>)
        %add3A_128 = arith.constant 2 : i32
        %add3A_129 = arith.addi %add3A_94, %add3A_128 : i32
        %mul3A_130 = arith.constant 800 : i32
        %mul3A_131 = arith.muli %add3A_129, %mul3A_130 : i32
        %add3A_132 = arith.addi %mul3A_22, %mul3A_131 : i32
        %multiple_of3A_133 = tpu.assume_multiple %add3A_132, 8 : i32
        %dma_start3A_134 = tpu.memref_slice %arg3[%multiple_of3A_133] : memref<1638400xi32, #tpu.memory_space<hbm>> -> memref<800xi32, #tpu.memory_space<hbm>>
        %dma_start3A_135 = tpu.memref_slice %arg3[%multiple_of3A_133] : memref<1638400xi32, #tpu.memory_space<hbm>> -> memref<800xi32, #tpu.memory_space<hbm>>
        tpu.enqueue_dma source(%dma_start3A_135 : memref<800xi32, #tpu.memory_space<hbm>>) target(%arg11 : memref<800xi32, #tpu.memory_space<vmem>>) target_semaphore(%arg18 : memref<!tpu.dma_semaphore, #tpu.memory_space<semaphore_mem>>)
      } else {
      }
    }
    %scan3A_49 = arith.constant 64 : i32
    %barrier3A_50 = arith.constant 0 : index
    tpu.barrier barrier_id(%barrier3A_50)
    %mul3A_51 = arith.constant 6264 : i32
    %mul3A_52 = arith.muli %arg1, %mul3A_51 : i32
    %multiple_of3A_53 = tpu.assume_multiple %mul3A_52, 8 : i32
    %eq3A_54 = arith.constant 0 : i32
    %eq3A_55 = arith.cmpi eq, %arg0, %eq3A_54 : i32
    %convert_element_type3A_56 = arith.extui %eq3A_55 : i1 to i32
    %cond3A_57 = arith.constant 0 : i32
    %cond3A_58 = arith.cmpi ne, %convert_element_type3A_56, %cond3A_57 : i32
    scf.if %cond3A_58 {
      "tpu.region"() ({
        %run_scoped3A = tpu.sem_alloc : memref<!tpu.dma_semaphore, #tpu.memory_space<semaphore_mem>>
        %dma_start3A_64 = arith.constant 0 : i32
        %dma_start3A_65 = tpu.memref_slice %arg6[%multiple_of3A_53, %dma_start3A_64] : memref<100224x16xf32, #tpu.memory_space<hbm>> -> memref<6264x16xf32, #tpu.memory_space<hbm>>
        %dma_start3A_66 = arith.constant 0 : i32
        %dma_start3A_67 = tpu.memref_slice %arg14[%multiple_of3A_53, %dma_start3A_66] : memref<100224x16xf32, #tpu.memory_space<vmem_shared>> -> memref<6264x16xf32, #tpu.memory_space<vmem_shared>>
        tpu.enqueue_dma source(%dma_start3A_67 : memref<6264x16xf32, #tpu.memory_space<vmem_shared>>) target(%dma_start3A_65 : memref<6264x16xf32, #tpu.memory_space<hbm>>) target_semaphore(%run_scoped3A : memref<!tpu.dma_semaphore, #tpu.memory_space<semaphore_mem>>)
        %dma_wait3A = arith.constant 0 : i32
        %dma_wait3A_68 = tpu.memref_slice %arg6[%multiple_of3A_53, %dma_wait3A] : memref<100224x16xf32, #tpu.memory_space<hbm>> -> memref<6264x16xf32, #tpu.memory_space<hbm>>
        %dma_wait3A_69 = arith.constant 0 : i32
        %dma_wait3A_70 = tpu.memref_slice %arg14[%multiple_of3A_53, %dma_wait3A_69] : memref<100224x16xf32, #tpu.memory_space<vmem_shared>> -> memref<6264x16xf32, #tpu.memory_space<vmem_shared>>
        tpu.wait_dma2 semaphore(%run_scoped3A : memref<!tpu.dma_semaphore, #tpu.memory_space<semaphore_mem>>) src(%dma_wait3A_70 : memref<6264x16xf32, #tpu.memory_space<vmem_shared>>) dst(%dma_wait3A_68 : memref<6264x16xf32, #tpu.memory_space<hbm>>)
        tpu.yield
      }) : () -> ()
    } else {
    }
    %eq3A_59 = arith.constant 1 : i32
    %eq3A_60 = arith.cmpi eq, %arg0, %eq3A_59 : i32
    %convert_element_type3A_61 = arith.extui %eq3A_60 : i1 to i32
    %cond3A_62 = arith.constant 0 : i32
    %cond3A_63 = arith.cmpi ne, %convert_element_type3A_61, %cond3A_62 : i32
    scf.if %cond3A_63 {
      "tpu.region"() ({
        %run_scoped3A = tpu.sem_alloc : memref<!tpu.dma_semaphore, #tpu.memory_space<semaphore_mem>>
        %dma_start3A_64 = arith.constant 0 : i32
        %dma_start3A_65 = tpu.memref_slice %arg7[%multiple_of3A_53, %dma_start3A_64] : memref<100224x16xf32, #tpu.memory_space<hbm>> -> memref<6264x16xf32, #tpu.memory_space<hbm>>
        %dma_start3A_66 = arith.constant 0 : i32
        %dma_start3A_67 = tpu.memref_slice %arg14[%multiple_of3A_53, %dma_start3A_66] : memref<100224x16xf32, #tpu.memory_space<vmem_shared>> -> memref<6264x16xf32, #tpu.memory_space<vmem_shared>>
        tpu.enqueue_dma source(%dma_start3A_67 : memref<6264x16xf32, #tpu.memory_space<vmem_shared>>) target(%dma_start3A_65 : memref<6264x16xf32, #tpu.memory_space<hbm>>) target_semaphore(%run_scoped3A : memref<!tpu.dma_semaphore, #tpu.memory_space<semaphore_mem>>)
        %dma_wait3A = arith.constant 0 : i32
        %dma_wait3A_68 = tpu.memref_slice %arg7[%multiple_of3A_53, %dma_wait3A] : memref<100224x16xf32, #tpu.memory_space<hbm>> -> memref<6264x16xf32, #tpu.memory_space<hbm>>
        %dma_wait3A_69 = arith.constant 0 : i32
        %dma_wait3A_70 = tpu.memref_slice %arg14[%multiple_of3A_53, %dma_wait3A_69] : memref<100224x16xf32, #tpu.memory_space<vmem_shared>> -> memref<6264x16xf32, #tpu.memory_space<vmem_shared>>
        tpu.wait_dma2 semaphore(%run_scoped3A : memref<!tpu.dma_semaphore, #tpu.memory_space<semaphore_mem>>) src(%dma_wait3A_70 : memref<6264x16xf32, #tpu.memory_space<vmem_shared>>) dst(%dma_wait3A_68 : memref<6264x16xf32, #tpu.memory_space<hbm>>)
        tpu.yield
      }) : () -> ()
    } else {
    }
    return
  }
}

#map = affine_map<(d0, d1) -> (0)>
#map1 = affine_map<(d0, d1) -> (0, 0)>
module attributes {stable_mosaic.version = 14 : i64} {
  func.func @body(%arg0: i32, %arg1: i32, %arg2: memref<1638400xi32, #tpu.memory_space<hbm>>, %arg3: memref<100224x16xf32, #tpu.memory_space<hbm>>, %arg4: memref<100224x16xf32, #tpu.memory_space<hbm>>, %arg5: memref<800xi32, #tpu.memory_space<vmem>>, %arg6: memref<800xi32, #tpu.memory_space<vmem>>, %arg7: memref<800xi32, #tpu.memory_space<vmem>>, %arg8: memref<800xi32, #tpu.memory_space<vmem>>, %arg9: memref<800x16xf32, #tpu.memory_space<vmem>>, %arg10: memref<800x16xf32, #tpu.memory_space<vmem>>, %arg11: memref<100224x16xf32, #tpu.memory_space<vmem_shared>>, %arg12: memref<!tpu.dma_semaphore, #tpu.memory_space<semaphore_mem>>, %arg13: memref<!tpu.dma_semaphore, #tpu.memory_space<semaphore_mem>>, %arg14: memref<!tpu.dma_semaphore, #tpu.memory_space<semaphore_mem>>, %arg15: memref<!tpu.dma_semaphore, #tpu.memory_space<semaphore_mem>>) attributes {dimension_semantics = [#tpu.dimension_semantics<core_parallel>, #tpu.dimension_semantics<subcore_parallel>], iteration_bounds = array<i64: 2, 16>, scalar_prefetch = 0 : i64, scratch_operands = 11 : i64, tpu.core_type = #tpu.core_type<sc_vector_subcore>, window_params = [{transform_indices = #map}, {transform_indices = #map1}, {transform_indices = #map1}]} {
    %scan3A = arith.constant 0 : i32
    %scan3A_0 = arith.constant 0 : i32
    %scan3A_1 = arith.constant 800 : i32
    %scan3A_2 = arith.addi %scan3A_0, %scan3A_1 : i32
    %scan3A_3 = arith.constant 1 : i32
    scf.for %scan3A_55 = %scan3A_0 to %scan3A_2 step %scan3A_3  : i32 {
      %broadcast_in_dim3A = arith.constant 0.000000e+00 : f32
      %broadcast_in_dim3A_56 = vector.broadcast %broadcast_in_dim3A : f32 to vector<16xf32>
      %swap3A = arith.index_cast %scan3A_55 : i32 to index
      %swap3A_57 = arith.constant 0 : index
      %swap3A_58 = tpu.vector_load %arg9[%swap3A, %swap3A_57] {strides = array<i32>} : memref<800x16xf32, #tpu.memory_space<vmem>>, vector<1x16xf32>,
      %swap3A_59 = vector.shape_cast %swap3A_58 : vector<1x16xf32> to vector<16xf32>
      %swap3A_60 = vector.shape_cast %broadcast_in_dim3A_56 : vector<16xf32> to vector<1x16xf32>
      tpu.vector_store %arg9[%swap3A, %swap3A_57], %swap3A_60 {strides = array<i32>} : memref<800x16xf32, #tpu.memory_space<vmem>>, vector<1x16xf32>,
    }
    %scan3A_4 = arith.constant 800 : i32
    %mul3A = arith.constant 6264 : i32
    %mul3A_5 = arith.muli %arg1, %mul3A : i32
    %add3A = arith.constant 0 : i32
    %add3A_6 = arith.addi %mul3A_5, %add3A : i32
    "tpu.region"() ({
      %run_scoped3A = tpu.sem_alloc : memref<!tpu.dma_semaphore, #tpu.memory_space<semaphore_mem>>
      %dma_start3A_55 = arith.constant 0 : i32
      %dma_start3A_56 = tpu.memref_slice %arg11[%add3A_6, %dma_start3A_55] : memref<100224x16xf32, #tpu.memory_space<vmem_shared>> -> memref<800x16xf32, #tpu.memory_space<vmem_shared>>
      %dma_start3A_57 = arith.constant 0 : i32
      %dma_start3A_58 = tpu.memref_slice %arg11[%add3A_6, %dma_start3A_57] : memref<100224x16xf32, #tpu.memory_space<vmem_shared>> -> memref<800x16xf32, #tpu.memory_space<vmem_shared>>
      tpu.enqueue_dma source(%arg9 : memref<800x16xf32, #tpu.memory_space<vmem>>) target(%dma_start3A_58 : memref<800x16xf32, #tpu.memory_space<vmem_shared>>) target_semaphore(%run_scoped3A : memref<!tpu.dma_semaphore, #tpu.memory_space<semaphore_mem>>)
      %dma_wait3A = arith.constant 0 : i32
      %dma_wait3A_59 = tpu.memref_slice %arg11[%add3A_6, %dma_wait3A] : memref<100224x16xf32, #tpu.memory_space<vmem_shared>> -> memref<800x16xf32, #tpu.memory_space<vmem_shared>>
      %dma_wait3A_60 = arith.constant 0 : i32
      %dma_wait3A_61 = tpu.memref_slice %arg11[%add3A_6, %dma_wait3A_60] : memref<100224x16xf32, #tpu.memory_space<vmem_shared>> -> memref<800x16xf32, #tpu.memory_space<vmem_shared>>
      tpu.wait_dma2 semaphore(%run_scoped3A : memref<!tpu.dma_semaphore, #tpu.memory_space<semaphore_mem>>) src(%arg9 : memref<800x16xf32, #tpu.memory_space<vmem>>) dst(%dma_wait3A_61 : memref<800x16xf32, #tpu.memory_space<vmem_shared>>)
      tpu.yield
    }) : () -> ()
    %add3A_7 = arith.constant 800 : i32
    %add3A_8 = arith.addi %mul3A_5, %add3A_7 : i32
    "tpu.region"() ({
      %run_scoped3A = tpu.sem_alloc : memref<!tpu.dma_semaphore, #tpu.memory_space<semaphore_mem>>
      %dma_start3A_55 = arith.constant 0 : i32
      %dma_start3A_56 = tpu.memref_slice %arg11[%add3A_8, %dma_start3A_55] : memref<100224x16xf32, #tpu.memory_space<vmem_shared>> -> memref<800x16xf32, #tpu.memory_space<vmem_shared>>
      %dma_start3A_57 = arith.constant 0 : i32
      %dma_start3A_58 = tpu.memref_slice %arg11[%add3A_8, %dma_start3A_57] : memref<100224x16xf32, #tpu.memory_space<vmem_shared>> -> memref<800x16xf32, #tpu.memory_space<vmem_shared>>
      tpu.enqueue_dma source(%arg9 : memref<800x16xf32, #tpu.memory_space<vmem>>) target(%dma_start3A_58 : memref<800x16xf32, #tpu.memory_space<vmem_shared>>) target_semaphore(%run_scoped3A : memref<!tpu.dma_semaphore, #tpu.memory_space<semaphore_mem>>)
      %dma_wait3A = arith.constant 0 : i32
      %dma_wait3A_59 = tpu.memref_slice %arg11[%add3A_8, %dma_wait3A] : memref<100224x16xf32, #tpu.memory_space<vmem_shared>> -> memref<800x16xf32, #tpu.memory_space<vmem_shared>>
      %dma_wait3A_60 = arith.constant 0 : i32
      %dma_wait3A_61 = tpu.memref_slice %arg11[%add3A_8, %dma_wait3A_60] : memref<100224x16xf32, #tpu.memory_space<vmem_shared>> -> memref<800x16xf32, #tpu.memory_space<vmem_shared>>
      tpu.wait_dma2 semaphore(%run_scoped3A : memref<!tpu.dma_semaphore, #tpu.memory_space<semaphore_mem>>) src(%arg9 : memref<800x16xf32, #tpu.memory_space<vmem>>) dst(%dma_wait3A_61 : memref<800x16xf32, #tpu.memory_space<vmem_shared>>)
      tpu.yield
    }) : () -> ()
    %add3A_9 = arith.constant 1600 : i32
    %add3A_10 = arith.addi %mul3A_5, %add3A_9 : i32
    "tpu.region"() ({
      %run_scoped3A = tpu.sem_alloc : memref<!tpu.dma_semaphore, #tpu.memory_space<semaphore_mem>>
      %dma_start3A_55 = arith.constant 0 : i32
      %dma_start3A_56 = tpu.memref_slice %arg11[%add3A_10, %dma_start3A_55] : memref<100224x16xf32, #tpu.memory_space<vmem_shared>> -> memref<800x16xf32, #tpu.memory_space<vmem_shared>>
      %dma_start3A_57 = arith.constant 0 : i32
      %dma_start3A_58 = tpu.memref_slice %arg11[%add3A_10, %dma_start3A_57] : memref<100224x16xf32, #tpu.memory_space<vmem_shared>> -> memref<800x16xf32, #tpu.memory_space<vmem_shared>>
      tpu.enqueue_dma source(%arg9 : memref<800x16xf32, #tpu.memory_space<vmem>>) target(%dma_start3A_58 : memref<800x16xf32, #tpu.memory_space<vmem_shared>>) target_semaphore(%run_scoped3A : memref<!tpu.dma_semaphore, #tpu.memory_space<semaphore_mem>>)
      %dma_wait3A = arith.constant 0 : i32
      %dma_wait3A_59 = tpu.memref_slice %arg11[%add3A_10, %dma_wait3A] : memref<100224x16xf32, #tpu.memory_space<vmem_shared>> -> memref<800x16xf32, #tpu.memory_space<vmem_shared>>
      %dma_wait3A_60 = arith.constant 0 : i32
      %dma_wait3A_61 = tpu.memref_slice %arg11[%add3A_10, %dma_wait3A_60] : memref<100224x16xf32, #tpu.memory_space<vmem_shared>> -> memref<800x16xf32, #tpu.memory_space<vmem_shared>>
      tpu.wait_dma2 semaphore(%run_scoped3A : memref<!tpu.dma_semaphore, #tpu.memory_space<semaphore_mem>>) src(%arg9 : memref<800x16xf32, #tpu.memory_space<vmem>>) dst(%dma_wait3A_61 : memref<800x16xf32, #tpu.memory_space<vmem_shared>>)
      tpu.yield
    }) : () -> ()
    %add3A_11 = arith.constant 2400 : i32
    %add3A_12 = arith.addi %mul3A_5, %add3A_11 : i32
    "tpu.region"() ({
      %run_scoped3A = tpu.sem_alloc : memref<!tpu.dma_semaphore, #tpu.memory_space<semaphore_mem>>
      %dma_start3A_55 = arith.constant 0 : i32
      %dma_start3A_56 = tpu.memref_slice %arg11[%add3A_12, %dma_start3A_55] : memref<100224x16xf32, #tpu.memory_space<vmem_shared>> -> memref<800x16xf32, #tpu.memory_space<vmem_shared>>
      %dma_start3A_57 = arith.constant 0 : i32
      %dma_start3A_58 = tpu.memref_slice %arg11[%add3A_12, %dma_start3A_57] : memref<100224x16xf32, #tpu.memory_space<vmem_shared>> -> memref<800x16xf32, #tpu.memory_space<vmem_shared>>
      tpu.enqueue_dma source(%arg9 : memref<800x16xf32, #tpu.memory_space<vmem>>) target(%dma_start3A_58 : memref<800x16xf32, #tpu.memory_space<vmem_shared>>) target_semaphore(%run_scoped3A : memref<!tpu.dma_semaphore, #tpu.memory_space<semaphore_mem>>)
      %dma_wait3A = arith.constant 0 : i32
      %dma_wait3A_59 = tpu.memref_slice %arg11[%add3A_12, %dma_wait3A] : memref<100224x16xf32, #tpu.memory_space<vmem_shared>> -> memref<800x16xf32, #tpu.memory_space<vmem_shared>>
      %dma_wait3A_60 = arith.constant 0 : i32
      %dma_wait3A_61 = tpu.memref_slice %arg11[%add3A_12, %dma_wait3A_60] : memref<100224x16xf32, #tpu.memory_space<vmem_shared>> -> memref<800x16xf32, #tpu.memory_space<vmem_shared>>
      tpu.wait_dma2 semaphore(%run_scoped3A : memref<!tpu.dma_semaphore, #tpu.memory_space<semaphore_mem>>) src(%arg9 : memref<800x16xf32, #tpu.memory_space<vmem>>) dst(%dma_wait3A_61 : memref<800x16xf32, #tpu.memory_space<vmem_shared>>)
      tpu.yield
    }) : () -> ()
    %add3A_13 = arith.constant 3200 : i32
    %add3A_14 = arith.addi %mul3A_5, %add3A_13 : i32
    "tpu.region"() ({
      %run_scoped3A = tpu.sem_alloc : memref<!tpu.dma_semaphore, #tpu.memory_space<semaphore_mem>>
      %dma_start3A_55 = arith.constant 0 : i32
      %dma_start3A_56 = tpu.memref_slice %arg11[%add3A_14, %dma_start3A_55] : memref<100224x16xf32, #tpu.memory_space<vmem_shared>> -> memref<800x16xf32, #tpu.memory_space<vmem_shared>>
      %dma_start3A_57 = arith.constant 0 : i32
      %dma_start3A_58 = tpu.memref_slice %arg11[%add3A_14, %dma_start3A_57] : memref<100224x16xf32, #tpu.memory_space<vmem_shared>> -> memref<800x16xf32, #tpu.memory_space<vmem_shared>>
      tpu.enqueue_dma source(%arg9 : memref<800x16xf32, #tpu.memory_space<vmem>>) target(%dma_start3A_58 : memref<800x16xf32, #tpu.memory_space<vmem_shared>>) target_semaphore(%run_scoped3A : memref<!tpu.dma_semaphore, #tpu.memory_space<semaphore_mem>>)
      %dma_wait3A = arith.constant 0 : i32
      %dma_wait3A_59 = tpu.memref_slice %arg11[%add3A_14, %dma_wait3A] : memref<100224x16xf32, #tpu.memory_space<vmem_shared>> -> memref<800x16xf32, #tpu.memory_space<vmem_shared>>
      %dma_wait3A_60 = arith.constant 0 : i32
      %dma_wait3A_61 = tpu.memref_slice %arg11[%add3A_14, %dma_wait3A_60] : memref<100224x16xf32, #tpu.memory_space<vmem_shared>> -> memref<800x16xf32, #tpu.memory_space<vmem_shared>>
      tpu.wait_dma2 semaphore(%run_scoped3A : memref<!tpu.dma_semaphore, #tpu.memory_space<semaphore_mem>>) src(%arg9 : memref<800x16xf32, #tpu.memory_space<vmem>>) dst(%dma_wait3A_61 : memref<800x16xf32, #tpu.memory_space<vmem_shared>>)
      tpu.yield
    }) : () -> ()
    %add3A_15 = arith.constant 4000 : i32
    %add3A_16 = arith.addi %mul3A_5, %add3A_15 : i32
    "tpu.region"() ({
      %run_scoped3A = tpu.sem_alloc : memref<!tpu.dma_semaphore, #tpu.memory_space<semaphore_mem>>
      %dma_start3A_55 = arith.constant 0 : i32
      %dma_start3A_56 = tpu.memref_slice %arg11[%add3A_16, %dma_start3A_55] : memref<100224x16xf32, #tpu.memory_space<vmem_shared>> -> memref<800x16xf32, #tpu.memory_space<vmem_shared>>
      %dma_start3A_57 = arith.constant 0 : i32
      %dma_start3A_58 = tpu.memref_slice %arg11[%add3A_16, %dma_start3A_57] : memref<100224x16xf32, #tpu.memory_space<vmem_shared>> -> memref<800x16xf32, #tpu.memory_space<vmem_shared>>
      tpu.enqueue_dma source(%arg9 : memref<800x16xf32, #tpu.memory_space<vmem>>) target(%dma_start3A_58 : memref<800x16xf32, #tpu.memory_space<vmem_shared>>) target_semaphore(%run_scoped3A : memref<!tpu.dma_semaphore, #tpu.memory_space<semaphore_mem>>)
      %dma_wait3A = arith.constant 0 : i32
      %dma_wait3A_59 = tpu.memref_slice %arg11[%add3A_16, %dma_wait3A] : memref<100224x16xf32, #tpu.memory_space<vmem_shared>> -> memref<800x16xf32, #tpu.memory_space<vmem_shared>>
      %dma_wait3A_60 = arith.constant 0 : i32
      %dma_wait3A_61 = tpu.memref_slice %arg11[%add3A_16, %dma_wait3A_60] : memref<100224x16xf32, #tpu.memory_space<vmem_shared>> -> memref<800x16xf32, #tpu.memory_space<vmem_shared>>
      tpu.wait_dma2 semaphore(%run_scoped3A : memref<!tpu.dma_semaphore, #tpu.memory_space<semaphore_mem>>) src(%arg9 : memref<800x16xf32, #tpu.memory_space<vmem>>) dst(%dma_wait3A_61 : memref<800x16xf32, #tpu.memory_space<vmem_shared>>)
      tpu.yield
    }) : () -> ()
    %add3A_17 = arith.constant 4800 : i32
    %add3A_18 = arith.addi %mul3A_5, %add3A_17 : i32
    "tpu.region"() ({
      %run_scoped3A = tpu.sem_alloc : memref<!tpu.dma_semaphore, #tpu.memory_space<semaphore_mem>>
      %dma_start3A_55 = arith.constant 0 : i32
      %dma_start3A_56 = tpu.memref_slice %arg11[%add3A_18, %dma_start3A_55] : memref<100224x16xf32, #tpu.memory_space<vmem_shared>> -> memref<800x16xf32, #tpu.memory_space<vmem_shared>>
      %dma_start3A_57 = arith.constant 0 : i32
      %dma_start3A_58 = tpu.memref_slice %arg11[%add3A_18, %dma_start3A_57] : memref<100224x16xf32, #tpu.memory_space<vmem_shared>> -> memref<800x16xf32, #tpu.memory_space<vmem_shared>>
      tpu.enqueue_dma source(%arg9 : memref<800x16xf32, #tpu.memory_space<vmem>>) target(%dma_start3A_58 : memref<800x16xf32, #tpu.memory_space<vmem_shared>>) target_semaphore(%run_scoped3A : memref<!tpu.dma_semaphore, #tpu.memory_space<semaphore_mem>>)
      %dma_wait3A = arith.constant 0 : i32
      %dma_wait3A_59 = tpu.memref_slice %arg11[%add3A_18, %dma_wait3A] : memref<100224x16xf32, #tpu.memory_space<vmem_shared>> -> memref<800x16xf32, #tpu.memory_space<vmem_shared>>
      %dma_wait3A_60 = arith.constant 0 : i32
      %dma_wait3A_61 = tpu.memref_slice %arg11[%add3A_18, %dma_wait3A_60] : memref<100224x16xf32, #tpu.memory_space<vmem_shared>> -> memref<800x16xf32, #tpu.memory_space<vmem_shared>>
      tpu.wait_dma2 semaphore(%run_scoped3A : memref<!tpu.dma_semaphore, #tpu.memory_space<semaphore_mem>>) src(%arg9 : memref<800x16xf32, #tpu.memory_space<vmem>>) dst(%dma_wait3A_61 : memref<800x16xf32, #tpu.memory_space<vmem_shared>>)
      tpu.yield
    }) : () -> ()
    %add3A_19 = arith.constant 5600 : i32
    %add3A_20 = arith.addi %mul3A_5, %add3A_19 : i32
    "tpu.region"() ({
      %run_scoped3A = tpu.sem_alloc : memref<!tpu.dma_semaphore, #tpu.memory_space<semaphore_mem>>
      %dma_start3A_55 = arith.constant 0 : i32
      %dma_start3A_56 = arith.constant 0 : i32
      %dma_start3A_57 = tpu.memref_slice %arg9[%dma_start3A_55, %dma_start3A_56] : memref<800x16xf32, #tpu.memory_space<vmem>> -> memref<664x16xf32, #tpu.memory_space<vmem>>
      %dma_start3A_58 = arith.constant 0 : i32
      %dma_start3A_59 = tpu.memref_slice %arg11[%add3A_20, %dma_start3A_58] : memref<100224x16xf32, #tpu.memory_space<vmem_shared>> -> memref<664x16xf32, #tpu.memory_space<vmem_shared>>
      %dma_start3A_60 = arith.constant 0 : i32
      %dma_start3A_61 = tpu.memref_slice %arg11[%add3A_20, %dma_start3A_60] : memref<100224x16xf32, #tpu.memory_space<vmem_shared>> -> memref<664x16xf32, #tpu.memory_space<vmem_shared>>
      %dma_start3A_62 = arith.constant 0 : i32
      %dma_start3A_63 = arith.constant 0 : i32
      %dma_start3A_64 = tpu.memref_slice %arg9[%dma_start3A_62, %dma_start3A_63] : memref<800x16xf32, #tpu.memory_space<vmem>> -> memref<664x16xf32, #tpu.memory_space<vmem>>
      tpu.enqueue_dma source(%dma_start3A_64 : memref<664x16xf32, #tpu.memory_space<vmem>>) target(%dma_start3A_61 : memref<664x16xf32, #tpu.memory_space<vmem_shared>>) target_semaphore(%run_scoped3A : memref<!tpu.dma_semaphore, #tpu.memory_space<semaphore_mem>>)
      %dma_wait3A = arith.constant 0 : i32
      %dma_wait3A_65 = arith.constant 0 : i32
      %dma_wait3A_66 = tpu.memref_slice %arg9[%dma_wait3A, %dma_wait3A_65] : memref<800x16xf32, #tpu.memory_space<vmem>> -> memref<664x16xf32, #tpu.memory_space<vmem>>
      %dma_wait3A_67 = arith.constant 0 : i32
      %dma_wait3A_68 = tpu.memref_slice %arg11[%add3A_20, %dma_wait3A_67] : memref<100224x16xf32, #tpu.memory_space<vmem_shared>> -> memref<664x16xf32, #tpu.memory_space<vmem_shared>>
      %dma_wait3A_69 = arith.constant 0 : i32
      %dma_wait3A_70 = tpu.memref_slice %arg11[%add3A_20, %dma_wait3A_69] : memref<100224x16xf32, #tpu.memory_space<vmem_shared>> -> memref<664x16xf32, #tpu.memory_space<vmem_shared>>
      %dma_wait3A_71 = arith.constant 0 : i32
      %dma_wait3A_72 = arith.constant 0 : i32
      %dma_wait3A_73 = tpu.memref_slice %arg9[%dma_wait3A_71, %dma_wait3A_72] : memref<800x16xf32, #tpu.memory_space<vmem>> -> memref<664x16xf32, #tpu.memory_space<vmem>>
      tpu.wait_dma2 semaphore(%run_scoped3A : memref<!tpu.dma_semaphore, #tpu.memory_space<semaphore_mem>>) src(%dma_wait3A_73 : memref<664x16xf32, #tpu.memory_space<vmem>>) dst(%dma_wait3A_70 : memref<664x16xf32, #tpu.memory_space<vmem_shared>>)
      tpu.yield
    }) : () -> ()
    %scan3A_21 = arith.constant 0 : i32
    %scan3A_22 = arith.constant 0 : i32
    %scan3A_23 = arith.constant 800 : i32
    %scan3A_24 = arith.addi %scan3A_22, %scan3A_23 : i32
    %scan3A_25 = arith.constant 1 : i32
    scf.for %scan3A_55 = %scan3A_22 to %scan3A_24 step %scan3A_25  : i32 {
      %broadcast_in_dim3A = arith.constant 1.000000e+00 : f32
      %broadcast_in_dim3A_56 = vector.broadcast %broadcast_in_dim3A : f32 to vector<16xf32>
      %swap3A = arith.index_cast %scan3A_55 : i32 to index
      %swap3A_57 = arith.constant 0 : index
      %swap3A_58 = tpu.vector_load %arg9[%swap3A, %swap3A_57] {strides = array<i32>} : memref<800x16xf32, #tpu.memory_space<vmem>>, vector<1x16xf32>,
      %swap3A_59 = vector.shape_cast %swap3A_58 : vector<1x16xf32> to vector<16xf32>
      %swap3A_60 = vector.shape_cast %broadcast_in_dim3A_56 : vector<16xf32> to vector<1x16xf32>
      tpu.vector_store %arg9[%swap3A, %swap3A_57], %swap3A_60 {strides = array<i32>} : memref<800x16xf32, #tpu.memory_space<vmem>>, vector<1x16xf32>,
    }
    %scan3A_26 = arith.constant 800 : i32
    %barrier3A = arith.constant 0 : index
    tpu.barrier barrier_id(%barrier3A)
    %mul3A_27 = arith.constant 2 : i32
    %mul3A_28 = arith.muli %arg1, %mul3A_27 : i32
    %add3A_29 = arith.addi %mul3A_28, %arg0 : i32
    %mul3A_30 = arith.constant 51200 : i32
    %mul3A_31 = arith.muli %add3A_29, %mul3A_30 : i32
    %add3A_32 = arith.constant 0 : i32
    %add3A_33 = arith.addi %mul3A_31, %add3A_32 : i32
    %multiple_of3A = tpu.assume_multiple %add3A_33, 8 : i32
    "tpu.region"() ({
      %run_scoped3A = tpu.sem_alloc : memref<!tpu.dma_semaphore, #tpu.memory_space<semaphore_mem>>
      %dma_start3A_55 = tpu.memref_slice %arg2[%multiple_of3A] : memref<1638400xi32, #tpu.memory_space<hbm>> -> memref<800xi32, #tpu.memory_space<hbm>>
      %dma_start3A_56 = tpu.memref_slice %arg2[%multiple_of3A] : memref<1638400xi32, #tpu.memory_space<hbm>> -> memref<800xi32, #tpu.memory_space<hbm>>
      tpu.enqueue_dma source(%dma_start3A_56 : memref<800xi32, #tpu.memory_space<hbm>>) target(%arg7 : memref<800xi32, #tpu.memory_space<vmem>>) target_semaphore(%run_scoped3A : memref<!tpu.dma_semaphore, #tpu.memory_space<semaphore_mem>>)
      %dma_wait3A = tpu.memref_slice %arg2[%multiple_of3A] : memref<1638400xi32, #tpu.memory_space<hbm>> -> memref<800xi32, #tpu.memory_space<hbm>>
      %dma_wait3A_57 = tpu.memref_slice %arg2[%multiple_of3A] : memref<1638400xi32, #tpu.memory_space<hbm>> -> memref<800xi32, #tpu.memory_space<hbm>>
      tpu.wait_dma2 semaphore(%run_scoped3A : memref<!tpu.dma_semaphore, #tpu.memory_space<semaphore_mem>>) src(%dma_wait3A_57 : memref<800xi32, #tpu.memory_space<hbm>>) dst(%arg7 : memref<800xi32, #tpu.memory_space<vmem>>)
      tpu.yield
    }) : () -> ()
    %add3A_34 = arith.constant 800 : i32
    %add3A_35 = arith.addi %mul3A_31, %add3A_34 : i32
    %multiple_of3A_36 = tpu.assume_multiple %add3A_35, 8 : i32
    %dma_start3A = tpu.memref_slice %arg2[%multiple_of3A_36] : memref<1638400xi32, #tpu.memory_space<hbm>> -> memref<800xi32, #tpu.memory_space<hbm>>
    %dma_start3A_37 = tpu.memref_slice %arg2[%multiple_of3A_36] : memref<1638400xi32, #tpu.memory_space<hbm>> -> memref<800xi32, #tpu.memory_space<hbm>>
    tpu.enqueue_dma source(%dma_start3A_37 : memref<800xi32, #tpu.memory_space<hbm>>) target(%arg8 : memref<800xi32, #tpu.memory_space<vmem>>) target_semaphore(%arg15 : memref<!tpu.dma_semaphore, #tpu.memory_space<semaphore_mem>>)
    %scan3A_38 = arith.constant 0 : i32
    %scan3A_39 = arith.constant 0 : i32
    %scan3A_40 = arith.constant 32 : i32
    %scan3A_41 = arith.addi %scan3A_39, %scan3A_40 : i32
    %scan3A_42 = arith.constant 1 : i32
    scf.for %scan3A_55 = %scan3A_39 to %scan3A_41 step %scan3A_42  : i32 {
      %mul3A_56 = arith.constant 2 : i32
      %mul3A_57 = arith.muli %mul3A_56, %scan3A_55 : i32
      %add3A_58 = arith.constant 0 : i32
      %add3A_59 = arith.addi %mul3A_57, %add3A_58 : i32
      %add3A_60 = arith.constant 2 : i32
      %add3A_61 = arith.addi %add3A_59, %add3A_60 : i32
      %sub3A = arith.constant 1 : i32
      %sub3A_62 = arith.subi %add3A_61, %sub3A : i32
      %lt3A = arith.constant 64 : i32
      %lt3A_63 = arith.cmpi slt, %sub3A_62, %lt3A : i32
      %convert_element_type3A_64 = arith.extui %lt3A_63 : i1 to i32
      %cond3A_65 = arith.constant 0 : i32
      %cond3A_66 = arith.cmpi ne, %convert_element_type3A_64, %cond3A_65 : i32
      scf.if %cond3A_66 {
        %add3A_105 = arith.constant 2 : i32
        %add3A_106 = arith.addi %add3A_59, %add3A_105 : i32
        %sub3A_107 = arith.constant 1 : i32
        %sub3A_108 = arith.subi %add3A_106, %sub3A_107 : i32
        %mul3A_109 = arith.constant 800 : i32
        %mul3A_110 = arith.muli %sub3A_108, %mul3A_109 : i32
        %add3A_111 = arith.addi %mul3A_31, %mul3A_110 : i32
        %multiple_of3A_112 = tpu.assume_multiple %add3A_111, 8 : i32
        %dma_wait3A_113 = tpu.memref_slice %arg2[%multiple_of3A_112] : memref<1638400xi32, #tpu.memory_space<hbm>> -> memref<800xi32, #tpu.memory_space<hbm>>
        %dma_wait3A_114 = tpu.memref_slice %arg2[%multiple_of3A_112] : memref<1638400xi32, #tpu.memory_space<hbm>> -> memref<800xi32, #tpu.memory_space<hbm>>
        tpu.wait_dma2 semaphore(%arg15 : memref<!tpu.dma_semaphore, #tpu.memory_space<semaphore_mem>>) src(%dma_wait3A_114 : memref<800xi32, #tpu.memory_space<hbm>>) dst(%arg8 : memref<800xi32, #tpu.memory_space<vmem>>)
      } else {
      }
      %dma_start3A_67 = arith.constant 0 : i32
      %dma_start3A_68 = arith.constant 0 : i32
      %dma_start3A_69 = tpu.memref_slice %arg11[%dma_start3A_67, %dma_start3A_68] : memref<100224x16xf32, #tpu.memory_space<vmem_shared>> -> memref<100224x16xf32, #tpu.memory_space<vmem_shared>>
      tpu.enqueue_indirect_dma source(%arg9 : memref<800x16xf32, #tpu.memory_space<vmem>>) target(%dma_start3A_69 : memref<100224x16xf32, #tpu.memory_space<vmem_shared>>) offsets(%arg7 : memref<800xi32, #tpu.memory_space<vmem>>) semaphore(%arg14 : memref<!tpu.dma_semaphore, #tpu.memory_space<semaphore_mem>>) {add = true}
      %dma_wait3A = arith.constant 0 : i32
      %dma_wait3A_70 = arith.constant 0 : i32
      %dma_wait3A_71 = tpu.memref_slice %arg11[%dma_wait3A, %dma_wait3A_70] : memref<100224x16xf32, #tpu.memory_space<vmem_shared>> -> memref<100224x16xf32, #tpu.memory_space<vmem_shared>>
      tpu.wait_indirect_dma semaphore(%arg14 : memref<!tpu.dma_semaphore, #tpu.memory_space<semaphore_mem>>) src(%arg9 : memref<800x16xf32, #tpu.memory_space<vmem>>) dst(%dma_wait3A_71 : memref<100224x16xf32, #tpu.memory_space<vmem_shared>>)
      %add3A_72 = arith.constant 2 : i32
      %add3A_73 = arith.addi %add3A_59, %add3A_72 : i32
      %lt3A_74 = arith.constant 64 : i32
      %lt3A_75 = arith.cmpi slt, %add3A_73, %lt3A_74 : i32
      %convert_element_type3A_76 = arith.extui %lt3A_75 : i1 to i32
      %cond3A_77 = arith.constant 0 : i32
      %cond3A_78 = arith.cmpi ne, %convert_element_type3A_76, %cond3A_77 : i32
      scf.if %cond3A_78 {
        %add3A_105 = arith.constant 2 : i32
        %add3A_106 = arith.addi %add3A_59, %add3A_105 : i32
        %mul3A_107 = arith.constant 800 : i32
        %mul3A_108 = arith.muli %add3A_106, %mul3A_107 : i32
        %add3A_109 = arith.addi %mul3A_31, %mul3A_108 : i32
        %multiple_of3A_110 = tpu.assume_multiple %add3A_109, 8 : i32
        %dma_start3A_111 = tpu.memref_slice %arg2[%multiple_of3A_110] : memref<1638400xi32, #tpu.memory_space<hbm>> -> memref<800xi32, #tpu.memory_space<hbm>>
        %dma_start3A_112 = tpu.memref_slice %arg2[%multiple_of3A_110] : memref<1638400xi32, #tpu.memory_space<hbm>> -> memref<800xi32, #tpu.memory_space<hbm>>
        tpu.enqueue_dma source(%dma_start3A_112 : memref<800xi32, #tpu.memory_space<hbm>>) target(%arg7 : memref<800xi32, #tpu.memory_space<vmem>>) target_semaphore(%arg14 : memref<!tpu.dma_semaphore, #tpu.memory_space<semaphore_mem>>)
      } else {
      }
      %mul3A_79 = arith.constant 2 : i32
      %mul3A_80 = arith.muli %mul3A_79, %scan3A_55 : i32
      %add3A_81 = arith.constant 1 : i32
      %add3A_82 = arith.addi %mul3A_80, %add3A_81 : i32
      %add3A_83 = arith.constant 2 : i32
      %add3A_84 = arith.addi %add3A_82, %add3A_83 : i32
      %sub3A_85 = arith.constant 1 : i32
      %sub3A_86 = arith.subi %add3A_84, %sub3A_85 : i32
      %lt3A_87 = arith.constant 64 : i32
      %lt3A_88 = arith.cmpi slt, %sub3A_86, %lt3A_87 : i32
      %convert_element_type3A_89 = arith.extui %lt3A_88 : i1 to i32
      %cond3A_90 = arith.constant 0 : i32
      %cond3A_91 = arith.cmpi ne, %convert_element_type3A_89, %cond3A_90 : i32
      scf.if %cond3A_91 {
        %add3A_105 = arith.constant 2 : i32
        %add3A_106 = arith.addi %add3A_82, %add3A_105 : i32
        %sub3A_107 = arith.constant 1 : i32
        %sub3A_108 = arith.subi %add3A_106, %sub3A_107 : i32
        %mul3A_109 = arith.constant 800 : i32
        %mul3A_110 = arith.muli %sub3A_108, %mul3A_109 : i32
        %add3A_111 = arith.addi %mul3A_31, %mul3A_110 : i32
        %multiple_of3A_112 = tpu.assume_multiple %add3A_111, 8 : i32
        %dma_wait3A_113 = tpu.memref_slice %arg2[%multiple_of3A_112] : memref<1638400xi32, #tpu.memory_space<hbm>> -> memref<800xi32, #tpu.memory_space<hbm>>
        %dma_wait3A_114 = tpu.memref_slice %arg2[%multiple_of3A_112] : memref<1638400xi32, #tpu.memory_space<hbm>> -> memref<800xi32, #tpu.memory_space<hbm>>
        tpu.wait_dma2 semaphore(%arg14 : memref<!tpu.dma_semaphore, #tpu.memory_space<semaphore_mem>>) src(%dma_wait3A_114 : memref<800xi32, #tpu.memory_space<hbm>>) dst(%arg7 : memref<800xi32, #tpu.memory_space<vmem>>)
      } else {
      }
      %dma_start3A_92 = arith.constant 0 : i32
      %dma_start3A_93 = arith.constant 0 : i32
      %dma_start3A_94 = tpu.memref_slice %arg11[%dma_start3A_92, %dma_start3A_93] : memref<100224x16xf32, #tpu.memory_space<vmem_shared>> -> memref<100224x16xf32, #tpu.memory_space<vmem_shared>>
      tpu.enqueue_indirect_dma source(%arg9 : memref<800x16xf32, #tpu.memory_space<vmem>>) target(%dma_start3A_94 : memref<100224x16xf32, #tpu.memory_space<vmem_shared>>) offsets(%arg8 : memref<800xi32, #tpu.memory_space<vmem>>) semaphore(%arg15 : memref<!tpu.dma_semaphore, #tpu.memory_space<semaphore_mem>>) {add = true}
      %dma_wait3A_95 = arith.constant 0 : i32
      %dma_wait3A_96 = arith.constant 0 : i32
      %dma_wait3A_97 = tpu.memref_slice %arg11[%dma_wait3A_95, %dma_wait3A_96] : memref<100224x16xf32, #tpu.memory_space<vmem_shared>> -> memref<100224x16xf32, #tpu.memory_space<vmem_shared>>
      tpu.wait_indirect_dma semaphore(%arg15 : memref<!tpu.dma_semaphore, #tpu.memory_space<semaphore_mem>>) src(%arg9 : memref<800x16xf32, #tpu.memory_space<vmem>>) dst(%dma_wait3A_97 : memref<100224x16xf32, #tpu.memory_space<vmem_shared>>)
      %add3A_98 = arith.constant 2 : i32
      %add3A_99 = arith.addi %add3A_82, %add3A_98 : i32
      %lt3A_100 = arith.constant 64 : i32
      %lt3A_101 = arith.cmpi slt, %add3A_99, %lt3A_100 : i32
      %convert_element_type3A_102 = arith.extui %lt3A_101 : i1 to i32
      %cond3A_103 = arith.constant 0 : i32
      %cond3A_104 = arith.cmpi ne, %convert_element_type3A_102, %cond3A_103 : i32
      scf.if %cond3A_104 {
        %add3A_105 = arith.constant 2 : i32
        %add3A_106 = arith.addi %add3A_82, %add3A_105 : i32
        %mul3A_107 = arith.constant 800 : i32
        %mul3A_108 = arith.muli %add3A_106, %mul3A_107 : i32
        %add3A_109 = arith.addi %mul3A_31, %mul3A_108 : i32
        %multiple_of3A_110 = tpu.assume_multiple %add3A_109, 8 : i32
        %dma_start3A_111 = tpu.memref_slice %arg2[%multiple_of3A_110] : memref<1638400xi32, #tpu.memory_space<hbm>> -> memref<800xi32, #tpu.memory_space<hbm>>
        %dma_start3A_112 = tpu.memref_slice %arg2[%multiple_of3A_110] : memref<1638400xi32, #tpu.memory_space<hbm>> -> memref<800xi32, #tpu.memory_space<hbm>>
        tpu.enqueue_dma source(%dma_start3A_112 : memref<800xi32, #tpu.memory_space<hbm>>) target(%arg8 : memref<800xi32, #tpu.memory_space<vmem>>) target_semaphore(%arg15 : memref<!tpu.dma_semaphore, #tpu.memory_space<semaphore_mem>>)
      } else {
      }
    }
    %scan3A_43 = arith.constant 32 : i32
    %barrier3A_44 = arith.constant 0 : index
    tpu.barrier barrier_id(%barrier3A_44)
    %mul3A_45 = arith.constant 6264 : i32
    %mul3A_46 = arith.muli %arg1, %mul3A_45 : i32
    %multiple_of3A_47 = tpu.assume_multiple %mul3A_46, 8 : i32
    %eq3A = arith.constant 0 : i32
    %eq3A_48 = arith.cmpi eq, %arg0, %eq3A : i32
    %convert_element_type3A = arith.extui %eq3A_48 : i1 to i32
    %cond3A = arith.constant 0 : i32
    %cond3A_49 = arith.cmpi ne, %convert_element_type3A, %cond3A : i32
    scf.if %cond3A_49 {
      "tpu.region"() ({
        %run_scoped3A = tpu.sem_alloc : memref<!tpu.dma_semaphore, #tpu.memory_space<semaphore_mem>>
        %dma_start3A_55 = arith.constant 0 : i32
        %dma_start3A_56 = tpu.memref_slice %arg3[%multiple_of3A_47, %dma_start3A_55] : memref<100224x16xf32, #tpu.memory_space<hbm>> -> memref<6264x16xf32, #tpu.memory_space<hbm>>
        %dma_start3A_57 = arith.constant 0 : i32
        %dma_start3A_58 = tpu.memref_slice %arg11[%multiple_of3A_47, %dma_start3A_57] : memref<100224x16xf32, #tpu.memory_space<vmem_shared>> -> memref<6264x16xf32, #tpu.memory_space<vmem_shared>>
        tpu.enqueue_dma source(%dma_start3A_58 : memref<6264x16xf32, #tpu.memory_space<vmem_shared>>) target(%dma_start3A_56 : memref<6264x16xf32, #tpu.memory_space<hbm>>) target_semaphore(%run_scoped3A : memref<!tpu.dma_semaphore, #tpu.memory_space<semaphore_mem>>)
        %dma_wait3A = arith.constant 0 : i32
        %dma_wait3A_59 = tpu.memref_slice %arg3[%multiple_of3A_47, %dma_wait3A] : memref<100224x16xf32, #tpu.memory_space<hbm>> -> memref<6264x16xf32, #tpu.memory_space<hbm>>
        %dma_wait3A_60 = arith.constant 0 : i32
        %dma_wait3A_61 = tpu.memref_slice %arg11[%multiple_of3A_47, %dma_wait3A_60] : memref<100224x16xf32, #tpu.memory_space<vmem_shared>> -> memref<6264x16xf32, #tpu.memory_space<vmem_shared>>
        tpu.wait_dma2 semaphore(%run_scoped3A : memref<!tpu.dma_semaphore, #tpu.memory_space<semaphore_mem>>) src(%dma_wait3A_61 : memref<6264x16xf32, #tpu.memory_space<vmem_shared>>) dst(%dma_wait3A_59 : memref<6264x16xf32, #tpu.memory_space<hbm>>)
        tpu.yield
      }) : () -> ()
    } else {
    }
    %eq3A_50 = arith.constant 1 : i32
    %eq3A_51 = arith.cmpi eq, %arg0, %eq3A_50 : i32
    %convert_element_type3A_52 = arith.extui %eq3A_51 : i1 to i32
    %cond3A_53 = arith.constant 0 : i32
    %cond3A_54 = arith.cmpi ne, %convert_element_type3A_52, %cond3A_53 : i32
    scf.if %cond3A_54 {
      "tpu.region"() ({
        %run_scoped3A = tpu.sem_alloc : memref<!tpu.dma_semaphore, #tpu.memory_space<semaphore_mem>>
        %dma_start3A_55 = arith.constant 0 : i32
        %dma_start3A_56 = tpu.memref_slice %arg4[%multiple_of3A_47, %dma_start3A_55] : memref<100224x16xf32, #tpu.memory_space<hbm>> -> memref<6264x16xf32, #tpu.memory_space<hbm>>
        %dma_start3A_57 = arith.constant 0 : i32
        %dma_start3A_58 = tpu.memref_slice %arg11[%multiple_of3A_47, %dma_start3A_57] : memref<100224x16xf32, #tpu.memory_space<vmem_shared>> -> memref<6264x16xf32, #tpu.memory_space<vmem_shared>>
        tpu.enqueue_dma source(%dma_start3A_58 : memref<6264x16xf32, #tpu.memory_space<vmem_shared>>) target(%dma_start3A_56 : memref<6264x16xf32, #tpu.memory_space<hbm>>) target_semaphore(%run_scoped3A : memref<!tpu.dma_semaphore, #tpu.memory_space<semaphore_mem>>)
        %dma_wait3A = arith.constant 0 : i32
        %dma_wait3A_59 = tpu.memref_slice %arg4[%multiple_of3A_47, %dma_wait3A] : memref<100224x16xf32, #tpu.memory_space<hbm>> -> memref<6264x16xf32, #tpu.memory_space<hbm>>
        %dma_wait3A_60 = arith.constant 0 : i32
        %dma_wait3A_61 = tpu.memref_slice %arg11[%multiple_of3A_47, %dma_wait3A_60] : memref<100224x16xf32, #tpu.memory_space<vmem_shared>> -> memref<6264x16xf32, #tpu.memory_space<vmem_shared>>
        tpu.wait_dma2 semaphore(%run_scoped3A : memref<!tpu.dma_semaphore, #tpu.memory_space<semaphore_mem>>) src(%dma_wait3A_61 : memref<6264x16xf32, #tpu.memory_space<vmem_shared>>) dst(%dma_wait3A_59 : memref<6264x16xf32, #tpu.memory_space<hbm>>)
        tpu.yield
      }) : () -> ()
    } else {
    }
    return
  }
}

module attributes {stable_mosaic.version = 14 : i64} {
  func.func @_prep_body(%arg0: i32, %arg1: memref<2000x16xf32, #tpu.memory_space<vmem>>, %arg2: memref<2000x16xf32, #tpu.memory_space<vmem>>, %arg3: memref<2000x3xf32, #tpu.memory_space<vmem>>, %arg4: memref<2000x1xf32, #tpu.memory_space<vmem>>, %arg5: memref<2000x16xf32, #tpu.memory_space<vmem>>) attributes {dimension_semantics = [#tpu.dimension_semantics<arbitrary>], iteration_bounds = array<i64: 50>, scalar_prefetch = 0 : i64, scratch_operands = 0 : i64, tpu.core_type = #tpu.core_type<tc>, window_params = [{transform_indices = @transform_0, window_bounds = array<i64: 2000, 16>}, {transform_indices = @transform_1, window_bounds = array<i64: 2000, 16>}, {transform_indices = @transform_2, window_bounds = array<i64: 2000, 3>}, {transform_indices = @transform_3, window_bounds = array<i64: 2000, 1>}, {transform_indices = @transform_4, window_bounds = array<i64: 2000, 16>}]} {
    %get3A = arith.constant 0 : index
    %get3A_0 = arith.constant 0 : index
    %get3A_1 = vector.load %arg1[%get3A, %get3A_0] : memref<2000x16xf32, #tpu.memory_space<vmem>>, vector<2000x1xf32>
    %get3A_2 = vector.shape_cast %get3A_1 : vector<2000x1xf32> to vector<2000xf32>
    %get3A_3 = arith.constant 0 : index
    %get3A_4 = arith.constant 0 : index
    %get3A_5 = vector.load %arg2[%get3A_3, %get3A_4] : memref<2000x16xf32, #tpu.memory_space<vmem>>, vector<2000x1xf32>
    %get3A_6 = vector.shape_cast %get3A_5 : vector<2000x1xf32> to vector<2000xf32>
    %add3A = arith.addf %get3A_2, %get3A_6 : vector<2000xf32>
    %add3A_7 = arith.constant 1.000000e+00 : f32
    %add3A_8 = vector.broadcast %add3A_7 : f32 to vector<2000xf32>
    %add3A_9 = arith.addf %add3A, %add3A_8 : vector<2000xf32>
    %rsqrt3A = math.rsqrt %add3A_9 : vector<2000xf32>
    %broadcast_in_dim3A = vector.shape_cast %rsqrt3A : vector<2000xf32> to vector<2000x1xf32>
    %swap3A = arith.constant 0 : index
    %swap3A_10 = arith.constant 0 : index
    %swap3A_11 = vector.load %arg4[%swap3A, %swap3A_10] : memref<2000x1xf32, #tpu.memory_space<vmem>>, vector<2000x1xf32>
    tpu.vector_store %arg4[%swap3A, %swap3A_10], %broadcast_in_dim3A {strides = array<i32>} : memref<2000x1xf32, #tpu.memory_space<vmem>>, vector<2000x1xf32>,
    %get3A_12 = arith.constant 0 : index
    %get3A_13 = arith.constant 0 : index
    %get3A_14 = vector.load %arg3[%get3A_12, %get3A_13] : memref<2000x3xf32, #tpu.memory_space<vmem>>, vector<2000x3xf32>
    %broadcast_in_dim3A_15 = vector.shape_cast %rsqrt3A : vector<2000xf32> to vector<2000x1xf32>
    %mul3A = vector.broadcast %broadcast_in_dim3A_15 : vector<2000x1xf32> to vector<2000x3xf32>
    %mul3A_16 = arith.mulf %get3A_14, %mul3A : vector<2000x3xf32>
    %broadcast_in_dim3A_17 = arith.constant 0.000000e+00 : f32
    %broadcast_in_dim3A_18 = vector.broadcast %broadcast_in_dim3A_17 : f32 to vector<2000x13xf32>
    %concatenate3A = tpu.concatenate %mul3A_16, %broadcast_in_dim3A_18 in 1 : vector<2000x3xf32>, vector<2000x13xf32> -> vector<2000x16xf32>
    %swap3A_19 = arith.constant 0 : index
    %swap3A_20 = arith.constant 0 : index
    %swap3A_21 = vector.load %arg5[%swap3A_19, %swap3A_20] : memref<2000x16xf32, #tpu.memory_space<vmem>>, vector<2000x16xf32>
    tpu.vector_store %arg5[%swap3A_19, %swap3A_20], %concatenate3A {strides = array<i32>} : memref<2000x16xf32, #tpu.memory_space<vmem>>, vector<2000x16xf32>,
    return
  }
  func.func @transform_0(%arg0: i32) -> (i32, i32) {
    %c0_i32 = arith.constant 0 : i32
    %c0_i32_0 = arith.constant 0 : i32
    return %arg0, %c0_i32 : i32, i32
  }
  func.func @transform_1(%arg0: i32) -> (i32, i32) {
    %c0_i32 = arith.constant 0 : i32
    %c0_i32_0 = arith.constant 0 : i32
    return %arg0, %c0_i32 : i32, i32
  }
  func.func @transform_2(%arg0: i32) -> (i32, i32) {
    %c0_i32 = arith.constant 0 : i32
    %c0_i32_0 = arith.constant 0 : i32
    return %arg0, %c0_i32 : i32, i32
  }
  func.func @transform_3(%arg0: i32) -> (i32, i32) {
    %c0_i32 = arith.constant 0 : i32
    %c0_i32_0 = arith.constant 0 : i32
    return %arg0, %c0_i32 : i32, i32
  }
  func.func @transform_4(%arg0: i32) -> (i32, i32) {
    %c0_i32 = arith.constant 0 : i32
    %c0_i32_0 = arith.constant 0 : i32
    return %arg0, %c0_i32 : i32, i32
  }
}

module attributes {stable_mosaic.version = 14 : i64} {
  func.func @_conv_out_body(%arg0: i32, %arg1: memref<2000x16xf32, #tpu.memory_space<vmem>>, %arg2: memref<2000x16xf32, #tpu.memory_space<vmem>>, %arg3: memref<2000x16xf32, #tpu.memory_space<vmem>>, %arg4: memref<2000x1xf32, #tpu.memory_space<vmem>>, %arg5: memref<16x32xf32, #tpu.memory_space<vmem>>, %arg6: memref<1x32xf32, #tpu.memory_space<vmem>>, %arg7: memref<2000x32xf32, #tpu.memory_space<vmem>>, %arg8: memref<1x1x32xf32, #tpu.memory_space<vmem>>, %arg9: memref<1x1x32xf32, #tpu.memory_space<vmem>>) attributes {dimension_semantics = [#tpu.dimension_semantics<arbitrary>], iteration_bounds = array<i64: 50>, scalar_prefetch = 0 : i64, scratch_operands = 0 : i64, tpu.core_type = #tpu.core_type<tc>, window_params = [{transform_indices = @transform_0, window_bounds = array<i64: 2000, 16>}, {transform_indices = @transform_1, window_bounds = array<i64: 2000, 16>}, {transform_indices = @transform_2, window_bounds = array<i64: 2000, 16>}, {transform_indices = @transform_3, window_bounds = array<i64: 2000, 1>}, {pipeline_mode = #tpu.pipeline_mode<synchronous>, transform_indices = @transform_4, window_bounds = array<i64: 16, 32>}, {pipeline_mode = #tpu.pipeline_mode<synchronous>, transform_indices = @transform_5, window_bounds = array<i64: 1, 32>}, {transform_indices = @transform_6, window_bounds = array<i64: 2000, 32>}, {transform_indices = @transform_7, window_bounds = array<i64: 1, 1, 32>}, {transform_indices = @transform_8, window_bounds = array<i64: 1, 1, 32>}]} {
    %get3A = arith.constant 0 : index
    %get3A_0 = arith.constant 0 : index
    %get3A_1 = vector.load %arg1[%get3A, %get3A_0] : memref<2000x16xf32, #tpu.memory_space<vmem>>, vector<2000x16xf32>
    %get3A_2 = arith.constant 0 : index
    %get3A_3 = arith.constant 0 : index
    %get3A_4 = vector.load %arg2[%get3A_2, %get3A_3] : memref<2000x16xf32, #tpu.memory_space<vmem>>, vector<2000x16xf32>
    %add3A = arith.addf %get3A_1, %get3A_4 : vector<2000x16xf32>
    %get3A_5 = arith.constant 0 : index
    %get3A_6 = arith.constant 0 : index
    %get3A_7 = vector.load %arg3[%get3A_5, %get3A_6] : memref<2000x16xf32, #tpu.memory_space<vmem>>, vector<2000x16xf32>
    %add3A_8 = arith.addf %add3A, %get3A_7 : vector<2000x16xf32>
    %get3A_9 = arith.constant 0 : index
    %get3A_10 = arith.constant 0 : index
    %get3A_11 = vector.load %arg4[%get3A_9, %get3A_10] : memref<2000x1xf32, #tpu.memory_space<vmem>>, vector<2000x1xf32>
    %mul3A = vector.broadcast %get3A_11 : vector<2000x1xf32> to vector<2000x16xf32>
    %mul3A_12 = arith.mulf %add3A_8, %mul3A : vector<2000x16xf32>
    %get3A_13 = arith.constant 0 : index
    %get3A_14 = arith.constant 0 : index
    %get3A_15 = vector.load %arg5[%get3A_13, %get3A_14] : memref<16x32xf32, #tpu.memory_space<vmem>>, vector<16x32xf32>
    %dot_general3A = arith.constant dense<0.000000e+00> : vector<2000x32xf32>
    %dot_general3A_16 = tpu.matmul %mul3A_12, %get3A_15, %dot_general3A {dimension_numbers = #tpu.dot_dimension_numbers<[1], [0], [0], [1], [0, 0, 1, 1], [], []>, transpose_lhs_hint = false} : vector<2000x16xf32>, vector<16x32xf32>, vector<2000x32xf32> -> vector<2000x32xf32>
    %get3A_17 = arith.constant 0 : index
    %get3A_18 = arith.constant 0 : index
    %get3A_19 = vector.load %arg6[%get3A_17, %get3A_18] : memref<1x32xf32, #tpu.memory_space<vmem>>, vector<1x32xf32>
    %add3A_20 = vector.broadcast %get3A_19 : vector<1x32xf32> to vector<2000x32xf32>
    %add3A_21 = arith.addf %dot_general3A_16, %add3A_20 : vector<2000x32xf32>
    %swap3A = arith.constant 0 : index
    %swap3A_22 = arith.constant 0 : index
    %swap3A_23 = vector.load %arg7[%swap3A, %swap3A_22] : memref<2000x32xf32, #tpu.memory_space<vmem>>, vector<2000x32xf32>
    tpu.vector_store %arg7[%swap3A, %swap3A_22], %add3A_21 {strides = array<i32>} : memref<2000x32xf32, #tpu.memory_space<vmem>>, vector<2000x32xf32>,
    %reduce_sum3A = arith.constant dense<0.000000e+00> : vector<32xf32>
    %reduce_sum3A_24 = vector.multi_reduction <add>, %add3A_21, %reduce_sum3A [0] : vector<2000x32xf32> to vector<32xf32>
    %broadcast_in_dim3A = vector.shape_cast %reduce_sum3A_24 : vector<32xf32> to vector<1x32xf32>
    %broadcast_in_dim3A_25 = vector.shape_cast %broadcast_in_dim3A : vector<1x32xf32> to vector<1x1x32xf32>
    %swap3A_26 = arith.constant 0 : index
    %swap3A_27 = arith.constant 0 : index
    %swap3A_28 = arith.constant 0 : index
    %swap3A_29 = vector.load %arg8[%swap3A_26, %swap3A_27, %swap3A_28] : memref<1x1x32xf32, #tpu.memory_space<vmem>>, vector<1x1x32xf32>
    tpu.vector_store %arg8[%swap3A_26, %swap3A_27, %swap3A_28], %broadcast_in_dim3A_25 {strides = array<i32>} : memref<1x1x32xf32, #tpu.memory_space<vmem>>, vector<1x1x32xf32>,
    %mul3A_30 = arith.mulf %add3A_21, %add3A_21 : vector<2000x32xf32>
    %reduce_sum3A_31 = arith.constant dense<0.000000e+00> : vector<32xf32>
    %reduce_sum3A_32 = vector.multi_reduction <add>, %mul3A_30, %reduce_sum3A_31 [0] : vector<2000x32xf32> to vector<32xf32>
    %broadcast_in_dim3A_33 = vector.shape_cast %reduce_sum3A_32 : vector<32xf32> to vector<1x32xf32>
    %broadcast_in_dim3A_34 = vector.shape_cast %broadcast_in_dim3A_33 : vector<1x32xf32> to vector<1x1x32xf32>
    %swap3A_35 = arith.constant 0 : index
    %swap3A_36 = arith.constant 0 : index
    %swap3A_37 = arith.constant 0 : index
    %swap3A_38 = vector.load %arg9[%swap3A_35, %swap3A_36, %swap3A_37] : memref<1x1x32xf32, #tpu.memory_space<vmem>>, vector<1x1x32xf32>
    tpu.vector_store %arg9[%swap3A_35, %swap3A_36, %swap3A_37], %broadcast_in_dim3A_34 {strides = array<i32>} : memref<1x1x32xf32, #tpu.memory_space<vmem>>, vector<1x1x32xf32>,
    return
  }
  func.func @transform_0(%arg0: i32) -> (i32, i32) {
    %c0_i32 = arith.constant 0 : i32
    %c0_i32_0 = arith.constant 0 : i32
    return %arg0, %c0_i32 : i32, i32
  }
  func.func @transform_1(%arg0: i32) -> (i32, i32) {
    %c0_i32 = arith.constant 0 : i32
    %c0_i32_0 = arith.constant 0 : i32
    return %arg0, %c0_i32 : i32, i32
  }
  func.func @transform_2(%arg0: i32) -> (i32, i32) {
    %c0_i32 = arith.constant 0 : i32
    %c0_i32_0 = arith.constant 0 : i32
    return %arg0, %c0_i32 : i32, i32
  }
  func.func @transform_3(%arg0: i32) -> (i32, i32) {
    %c0_i32 = arith.constant 0 : i32
    %c0_i32_0 = arith.constant 0 : i32
    return %arg0, %c0_i32 : i32, i32
  }
  func.func @transform_4(%arg0: i32) -> (i32, i32) {
    %c0_i32 = arith.constant 0 : i32
    %c0_i32_0 = arith.constant 0 : i32
    %c0_i32_1 = arith.constant 0 : i32
    return %c0_i32, %c0_i32_0 : i32, i32
  }
  func.func @transform_5(%arg0: i32) -> (i32, i32) {
    %c0_i32 = arith.constant 0 : i32
    %c0_i32_0 = arith.constant 0 : i32
    %c0_i32_1 = arith.constant 0 : i32
    return %c0_i32, %c0_i32_0 : i32, i32
  }
  func.func @transform_6(%arg0: i32) -> (i32, i32) {
    %c0_i32 = arith.constant 0 : i32
    %c0_i32_0 = arith.constant 0 : i32
    return %arg0, %c0_i32 : i32, i32
  }
  func.func @transform_7(%arg0: i32) -> (i32, i32, i32) {
    %c0_i32 = arith.constant 0 : i32
    %c0_i32_0 = arith.constant 0 : i32
    %c0_i32_1 = arith.constant 0 : i32
    return %arg0, %c0_i32, %c0_i32_0 : i32, i32, i32
  }
  func.func @transform_8(%arg0: i32) -> (i32, i32, i32) {
    %c0_i32 = arith.constant 0 : i32
    %c0_i32_0 = arith.constant 0 : i32
    %c0_i32_1 = arith.constant 0 : i32
    return %arg0, %c0_i32, %c0_i32_0 : i32, i32, i32
  }
}

module attributes {stable_mosaic.version = 14 : i64} {
  func.func @_bn_split_nw_body(%arg0: i32, %arg1: memref<2000x32xf32, #tpu.memory_space<vmem>>, %arg2: memref<50x1x32xf32, #tpu.memory_space<vmem>>, %arg3: memref<50x1x32xf32, #tpu.memory_space<vmem>>, %arg4: memref<1x32xf32, #tpu.memory_space<vmem>>, %arg5: memref<1x32xf32, #tpu.memory_space<vmem>>, %arg6: memref<2000x1xf32, #tpu.memory_space<vmem>>, %arg7: memref<2000x16xf32, #tpu.memory_space<vmem>>, %arg8: memref<2000x16xf32, #tpu.memory_space<vmem>>, %arg9: memref<1x1x32xf32, #tpu.memory_space<vmem>>, %arg10: memref<1x1x32xf32, #tpu.memory_space<vmem>>) attributes {dimension_semantics = [#tpu.dimension_semantics<arbitrary>], iteration_bounds = array<i64: 50>, scalar_prefetch = 0 : i64, scratch_operands = 0 : i64, tpu.core_type = #tpu.core_type<tc>, window_params = [{transform_indices = @transform_0, window_bounds = array<i64: 2000, 32>}, {pipeline_mode = #tpu.pipeline_mode<synchronous>, transform_indices = @transform_1, window_bounds = array<i64: 50, 1, 32>}, {pipeline_mode = #tpu.pipeline_mode<synchronous>, transform_indices = @transform_2, window_bounds = array<i64: 50, 1, 32>}, {pipeline_mode = #tpu.pipeline_mode<synchronous>, transform_indices = @transform_3, window_bounds = array<i64: 1, 32>}, {pipeline_mode = #tpu.pipeline_mode<synchronous>, transform_indices = @transform_4, window_bounds = array<i64: 1, 32>}, {transform_indices = @transform_5, window_bounds = array<i64: 2000, 1>}, {transform_indices = @transform_6, window_bounds = array<i64: 2000, 16>}, {transform_indices = @transform_7, window_bounds = array<i64: 2000, 16>}, {transform_indices = @transform_8, window_bounds = array<i64: 1, 1, 32>}, {transform_indices = @transform_9, window_bounds = array<i64: 1, 1, 32>}]} {
    %get3A = arith.constant 0 : index
    %get3A_0 = arith.constant 0 : index
    %get3A_1 = arith.constant 0 : index
    %get3A_2 = vector.load %arg2[%get3A, %get3A_0, %get3A_1] : memref<50x1x32xf32, #tpu.memory_space<vmem>>, vector<50x1x32xf32>
    %reduce_sum3A = arith.constant dense<0.000000e+00> : vector<32xf32>
    %reduce_sum3A_3 = vector.multi_reduction <add>, %get3A_2, %reduce_sum3A [0, 1] : vector<50x1x32xf32> to vector<32xf32>
    %div3A = arith.constant 1.000000e+05 : f32
    %div3A_4 = vector.broadcast %div3A : f32 to vector<32xf32>
    %div3A_5 = arith.divf %reduce_sum3A_3, %div3A_4 : vector<32xf32>
    %get3A_6 = arith.constant 0 : index
    %get3A_7 = arith.constant 0 : index
    %get3A_8 = arith.constant 0 : index
    %get3A_9 = vector.load %arg3[%get3A_6, %get3A_7, %get3A_8] : memref<50x1x32xf32, #tpu.memory_space<vmem>>, vector<50x1x32xf32>
    %reduce_sum3A_10 = arith.constant dense<0.000000e+00> : vector<32xf32>
    %reduce_sum3A_11 = vector.multi_reduction <add>, %get3A_9, %reduce_sum3A_10 [0, 1] : vector<50x1x32xf32> to vector<32xf32>
    %div3A_12 = arith.constant 1.000000e+05 : f32
    %div3A_13 = vector.broadcast %div3A_12 : f32 to vector<32xf32>
    %div3A_14 = arith.divf %reduce_sum3A_11, %div3A_13 : vector<32xf32>
    %mul3A = arith.mulf %div3A_5, %div3A_5 : vector<32xf32>
    %sub3A = arith.subf %div3A_14, %mul3A : vector<32xf32>
    %get3A_15 = arith.constant 0 : index
    %get3A_16 = arith.constant 0 : index
    %get3A_17 = vector.load %arg1[%get3A_15, %get3A_16] : memref<2000x32xf32, #tpu.memory_space<vmem>>, vector<2000x32xf32>
    %broadcast_in_dim3A = vector.shape_cast %div3A_5 : vector<32xf32> to vector<1x32xf32>
    %sub3A_18 = vector.broadcast %broadcast_in_dim3A : vector<1x32xf32> to vector<2000x32xf32>
    %sub3A_19 = arith.subf %get3A_17, %sub3A_18 : vector<2000x32xf32>
    %add3A = arith.constant 9.99999974E-6 : f32
    %add3A_20 = vector.broadcast %add3A : f32 to vector<32xf32>
    %add3A_21 = arith.addf %sub3A, %add3A_20 : vector<32xf32>
    %rsqrt3A = math.rsqrt %add3A_21 : vector<32xf32>
    %broadcast_in_dim3A_22 = vector.shape_cast %rsqrt3A : vector<32xf32> to vector<1x32xf32>
    %mul3A_23 = vector.broadcast %broadcast_in_dim3A_22 : vector<1x32xf32> to vector<2000x32xf32>
    %mul3A_24 = arith.mulf %sub3A_19, %mul3A_23 : vector<2000x32xf32>
    %get3A_25 = arith.constant 0 : index
    %get3A_26 = arith.constant 0 : index
    %get3A_27 = vector.load %arg4[%get3A_25, %get3A_26] : memref<1x32xf32, #tpu.memory_space<vmem>>, vector<1x32xf32>
    %mul3A_28 = vector.broadcast %get3A_27 : vector<1x32xf32> to vector<2000x32xf32>
    %mul3A_29 = arith.mulf %mul3A_24, %mul3A_28 : vector<2000x32xf32>
    %get3A_30 = arith.constant 0 : index
    %get3A_31 = arith.constant 0 : index
    %get3A_32 = vector.load %arg5[%get3A_30, %get3A_31] : memref<1x32xf32, #tpu.memory_space<vmem>>, vector<1x32xf32>
    %add3A_33 = vector.broadcast %get3A_32 : vector<1x32xf32> to vector<2000x32xf32>
    %add3A_34 = arith.addf %mul3A_29, %add3A_33 : vector<2000x32xf32>
    %max3A = arith.constant 0.000000e+00 : f32
    %max3A_35 = vector.broadcast %max3A : f32 to vector<2000x32xf32>
    %max3A_36 = arith.maximumf %add3A_34, %max3A_35 : vector<2000x32xf32>
    %reduce_max3A = arith.constant dense<0xFF800000> : vector<32xf32>
    %reduce_max3A_37 = vector.multi_reduction <maximumf>, %max3A_36, %reduce_max3A [0] : vector<2000x32xf32> to vector<32xf32>
    %broadcast_in_dim3A_38 = vector.shape_cast %reduce_max3A_37 : vector<32xf32> to vector<1x32xf32>
    %broadcast_in_dim3A_39 = vector.shape_cast %broadcast_in_dim3A_38 : vector<1x32xf32> to vector<1x1x32xf32>
    %swap3A = arith.constant 0 : index
    %swap3A_40 = arith.constant 0 : index
    %swap3A_41 = arith.constant 0 : index
    %swap3A_42 = vector.load %arg9[%swap3A, %swap3A_40, %swap3A_41] : memref<1x1x32xf32, #tpu.memory_space<vmem>>, vector<1x1x32xf32>
    tpu.vector_store %arg9[%swap3A, %swap3A_40, %swap3A_41], %broadcast_in_dim3A_39 {strides = array<i32>} : memref<1x1x32xf32, #tpu.memory_space<vmem>>, vector<1x1x32xf32>,
    %reduce_sum3A_43 = arith.constant dense<0.000000e+00> : vector<32xf32>
    %reduce_sum3A_44 = vector.multi_reduction <add>, %max3A_36, %reduce_sum3A_43 [0] : vector<2000x32xf32> to vector<32xf32>
    %broadcast_in_dim3A_45 = vector.shape_cast %reduce_sum3A_44 : vector<32xf32> to vector<1x32xf32>
    %broadcast_in_dim3A_46 = vector.shape_cast %broadcast_in_dim3A_45 : vector<1x32xf32> to vector<1x1x32xf32>
    %swap3A_47 = arith.constant 0 : index
    %swap3A_48 = arith.constant 0 : index
    %swap3A_49 = arith.constant 0 : index
    %swap3A_50 = vector.load %arg10[%swap3A_47, %swap3A_48, %swap3A_49] : memref<1x1x32xf32, #tpu.memory_space<vmem>>, vector<1x1x32xf32>
    tpu.vector_store %arg10[%swap3A_47, %swap3A_48, %swap3A_49], %broadcast_in_dim3A_46 {strides = array<i32>} : memref<1x1x32xf32, #tpu.memory_space<vmem>>, vector<1x1x32xf32>,
    %get3A_51 = arith.constant 0 : index
    %get3A_52 = arith.constant 0 : index
    %get3A_53 = vector.load %arg6[%get3A_51, %get3A_52] : memref<2000x1xf32, #tpu.memory_space<vmem>>, vector<2000x1xf32>
    %mul3A_54 = vector.broadcast %get3A_53 : vector<2000x1xf32> to vector<2000x32xf32>
    %mul3A_55 = arith.mulf %max3A_36, %mul3A_54 : vector<2000x32xf32>
    %slice3A = vector.extract_strided_slice %mul3A_55 {offsets = [0, 0], sizes = [2000, 16], strides = [1, 1]} : vector<2000x32xf32> to vector<2000x16xf32>
    %swap3A_56 = arith.constant 0 : index
    %swap3A_57 = arith.constant 0 : index
    %swap3A_58 = vector.load %arg7[%swap3A_56, %swap3A_57] : memref<2000x16xf32, #tpu.memory_space<vmem>>, vector<2000x16xf32>
    tpu.vector_store %arg7[%swap3A_56, %swap3A_57], %slice3A {strides = array<i32>} : memref<2000x16xf32, #tpu.memory_space<vmem>>, vector<2000x16xf32>,
    %slice3A_59 = vector.extract_strided_slice %mul3A_55 {offsets = [0, 16], sizes = [2000, 16], strides = [1, 1]} : vector<2000x32xf32> to vector<2000x16xf32>
    %swap3A_60 = arith.constant 0 : index
    %swap3A_61 = arith.constant 0 : index
    %swap3A_62 = vector.load %arg8[%swap3A_60, %swap3A_61] : memref<2000x16xf32, #tpu.memory_space<vmem>>, vector<2000x16xf32>
    tpu.vector_store %arg8[%swap3A_60, %swap3A_61], %slice3A_59 {strides = array<i32>} : memref<2000x16xf32, #tpu.memory_space<vmem>>, vector<2000x16xf32>,
    return
  }
  func.func @transform_0(%arg0: i32) -> (i32, i32) {
    %c0_i32 = arith.constant 0 : i32
    %c0_i32_0 = arith.constant 0 : i32
    return %arg0, %c0_i32 : i32, i32
  }
  func.func @transform_1(%arg0: i32) -> (i32, i32, i32) {
    %c0_i32 = arith.constant 0 : i32
    %c0_i32_0 = arith.constant 0 : i32
    %c0_i32_1 = arith.constant 0 : i32
    %c0_i32_2 = arith.constant 0 : i32
    return %c0_i32, %c0_i32_0, %c0_i32_1 : i32, i32, i32
  }
  func.func @transform_2(%arg0: i32) -> (i32, i32, i32) {
    %c0_i32 = arith.constant 0 : i32
    %c0_i32_0 = arith.constant 0 : i32
    %c0_i32_1 = arith.constant 0 : i32
    %c0_i32_2 = arith.constant 0 : i32
    return %c0_i32, %c0_i32_0, %c0_i32_1 : i32, i32, i32
  }
  func.func @transform_3(%arg0: i32) -> (i32, i32) {
    %c0_i32 = arith.constant 0 : i32
    %c0_i32_0 = arith.constant 0 : i32
    %c0_i32_1 = arith.constant 0 : i32
    return %c0_i32, %c0_i32_0 : i32, i32
  }
  func.func @transform_4(%arg0: i32) -> (i32, i32) {
    %c0_i32 = arith.constant 0 : i32
    %c0_i32_0 = arith.constant 0 : i32
    %c0_i32_1 = arith.constant 0 : i32
    return %c0_i32, %c0_i32_0 : i32, i32
  }
  func.func @transform_5(%arg0: i32) -> (i32, i32) {
    %c0_i32 = arith.constant 0 : i32
    %c0_i32_0 = arith.constant 0 : i32
    return %arg0, %c0_i32 : i32, i32
  }
  func.func @transform_6(%arg0: i32) -> (i32, i32) {
    %c0_i32 = arith.constant 0 : i32
    %c0_i32_0 = arith.constant 0 : i32
    return %arg0, %c0_i32 : i32, i32
  }
  func.func @transform_7(%arg0: i32) -> (i32, i32) {
    %c0_i32 = arith.constant 0 : i32
    %c0_i32_0 = arith.constant 0 : i32
    return %arg0, %c0_i32 : i32, i32
  }
  func.func @transform_8(%arg0: i32) -> (i32, i32, i32) {
    %c0_i32 = arith.constant 0 : i32
    %c0_i32_0 = arith.constant 0 : i32
    %c0_i32_1 = arith.constant 0 : i32
    return %arg0, %c0_i32, %c0_i32_0 : i32, i32, i32
  }
  func.func @transform_9(%arg0: i32) -> (i32, i32, i32) {
    %c0_i32 = arith.constant 0 : i32
    %c0_i32_0 = arith.constant 0 : i32
    %c0_i32_1 = arith.constant 0 : i32
    return %arg0, %c0_i32, %c0_i32_0 : i32, i32, i32
  }
}

module attributes {stable_mosaic.version = 14 : i64} {
  func.func @_conv_cat_body(%arg0: i32, %arg1: memref<2000x16xf32, #tpu.memory_space<vmem>>, %arg2: memref<2000x16xf32, #tpu.memory_space<vmem>>, %arg3: memref<2000x16xf32, #tpu.memory_space<vmem>>, %arg4: memref<2000x16xf32, #tpu.memory_space<vmem>>, %arg5: memref<2000x1xf32, #tpu.memory_space<vmem>>, %arg6: memref<32x64xf32, #tpu.memory_space<vmem>>, %arg7: memref<1x64xf32, #tpu.memory_space<vmem>>, %arg8: memref<2000x64xf32, #tpu.memory_space<vmem>>, %arg9: memref<1x1x64xf32, #tpu.memory_space<vmem>>, %arg10: memref<1x1x64xf32, #tpu.memory_space<vmem>>) attributes {dimension_semantics = [#tpu.dimension_semantics<arbitrary>], iteration_bounds = array<i64: 50>, scalar_prefetch = 0 : i64, scratch_operands = 0 : i64, tpu.core_type = #tpu.core_type<tc>, window_params = [{transform_indices = @transform_0, window_bounds = array<i64: 2000, 16>}, {transform_indices = @transform_1, window_bounds = array<i64: 2000, 16>}, {transform_indices = @transform_2, window_bounds = array<i64: 2000, 16>}, {transform_indices = @transform_3, window_bounds = array<i64: 2000, 16>}, {transform_indices = @transform_4, window_bounds = array<i64: 2000, 1>}, {pipeline_mode = #tpu.pipeline_mode<synchronous>, transform_indices = @transform_5, window_bounds = array<i64: 32, 64>}, {pipeline_mode = #tpu.pipeline_mode<synchronous>, transform_indices = @transform_6, window_bounds = array<i64: 1, 64>}, {transform_indices = @transform_7, window_bounds = array<i64: 2000, 64>}, {transform_indices = @transform_8, window_bounds = array<i64: 1, 1, 64>}, {transform_indices = @transform_9, window_bounds = array<i64: 1, 1, 64>}]} {
    %get3A = arith.constant 0 : index
    %get3A_0 = arith.constant 0 : index
    %get3A_1 = vector.load %arg1[%get3A, %get3A_0] : memref<2000x16xf32, #tpu.memory_space<vmem>>, vector<2000x16xf32>
    %get3A_2 = arith.constant 0 : index
    %get3A_3 = arith.constant 0 : index
    %get3A_4 = vector.load %arg3[%get3A_2, %get3A_3] : memref<2000x16xf32, #tpu.memory_space<vmem>>, vector<2000x16xf32>
    %add3A = arith.addf %get3A_1, %get3A_4 : vector<2000x16xf32>
    %get3A_5 = arith.constant 0 : index
    %get3A_6 = arith.constant 0 : index
    %get3A_7 = vector.load %arg2[%get3A_5, %get3A_6] : memref<2000x16xf32, #tpu.memory_space<vmem>>, vector<2000x16xf32>
    %get3A_8 = arith.constant 0 : index
    %get3A_9 = arith.constant 0 : index
    %get3A_10 = vector.load %arg4[%get3A_8, %get3A_9] : memref<2000x16xf32, #tpu.memory_space<vmem>>, vector<2000x16xf32>
    %add3A_11 = arith.addf %get3A_7, %get3A_10 : vector<2000x16xf32>
    %concatenate3A = tpu.concatenate %add3A, %add3A_11 in 1 : vector<2000x16xf32>, vector<2000x16xf32> -> vector<2000x32xf32>
    %get3A_12 = arith.constant 0 : index
    %get3A_13 = arith.constant 0 : index
    %get3A_14 = vector.load %arg5[%get3A_12, %get3A_13] : memref<2000x1xf32, #tpu.memory_space<vmem>>, vector<2000x1xf32>
    %mul3A = vector.broadcast %get3A_14 : vector<2000x1xf32> to vector<2000x32xf32>
    %mul3A_15 = arith.mulf %concatenate3A, %mul3A : vector<2000x32xf32>
    %get3A_16 = arith.constant 0 : index
    %get3A_17 = arith.constant 0 : index
    %get3A_18 = vector.load %arg6[%get3A_16, %get3A_17] : memref<32x64xf32, #tpu.memory_space<vmem>>, vector<32x64xf32>
    %dot_general3A = arith.constant dense<0.000000e+00> : vector<2000x64xf32>
    %dot_general3A_19 = tpu.matmul %mul3A_15, %get3A_18, %dot_general3A {dimension_numbers = #tpu.dot_dimension_numbers<[1], [0], [0], [1], [0, 0, 1, 1], [], []>, transpose_lhs_hint = false} : vector<2000x32xf32>, vector<32x64xf32>, vector<2000x64xf32> -> vector<2000x64xf32>
    %get3A_20 = arith.constant 0 : index
    %get3A_21 = arith.constant 0 : index
    %get3A_22 = vector.load %arg7[%get3A_20, %get3A_21] : memref<1x64xf32, #tpu.memory_space<vmem>>, vector<1x64xf32>
    %add3A_23 = vector.broadcast %get3A_22 : vector<1x64xf32> to vector<2000x64xf32>
    %add3A_24 = arith.addf %dot_general3A_19, %add3A_23 : vector<2000x64xf32>
    %swap3A = arith.constant 0 : index
    %swap3A_25 = arith.constant 0 : index
    %swap3A_26 = vector.load %arg8[%swap3A, %swap3A_25] : memref<2000x64xf32, #tpu.memory_space<vmem>>, vector<2000x64xf32>
    tpu.vector_store %arg8[%swap3A, %swap3A_25], %add3A_24 {strides = array<i32>} : memref<2000x64xf32, #tpu.memory_space<vmem>>, vector<2000x64xf32>,
    %reduce_sum3A = arith.constant dense<0.000000e+00> : vector<64xf32>
    %reduce_sum3A_27 = vector.multi_reduction <add>, %add3A_24, %reduce_sum3A [0] : vector<2000x64xf32> to vector<64xf32>
    %broadcast_in_dim3A = vector.shape_cast %reduce_sum3A_27 : vector<64xf32> to vector<1x64xf32>
    %broadcast_in_dim3A_28 = vector.shape_cast %broadcast_in_dim3A : vector<1x64xf32> to vector<1x1x64xf32>
    %swap3A_29 = arith.constant 0 : index
    %swap3A_30 = arith.constant 0 : index
    %swap3A_31 = arith.constant 0 : index
    %swap3A_32 = vector.load %arg9[%swap3A_29, %swap3A_30, %swap3A_31] : memref<1x1x64xf32, #tpu.memory_space<vmem>>, vector<1x1x64xf32>
    tpu.vector_store %arg9[%swap3A_29, %swap3A_30, %swap3A_31], %broadcast_in_dim3A_28 {strides = array<i32>} : memref<1x1x64xf32, #tpu.memory_space<vmem>>, vector<1x1x64xf32>,
    %mul3A_33 = arith.mulf %add3A_24, %add3A_24 : vector<2000x64xf32>
    %reduce_sum3A_34 = arith.constant dense<0.000000e+00> : vector<64xf32>
    %reduce_sum3A_35 = vector.multi_reduction <add>, %mul3A_33, %reduce_sum3A_34 [0] : vector<2000x64xf32> to vector<64xf32>
    %broadcast_in_dim3A_36 = vector.shape_cast %reduce_sum3A_35 : vector<64xf32> to vector<1x64xf32>
    %broadcast_in_dim3A_37 = vector.shape_cast %broadcast_in_dim3A_36 : vector<1x64xf32> to vector<1x1x64xf32>
    %swap3A_38 = arith.constant 0 : index
    %swap3A_39 = arith.constant 0 : index
    %swap3A_40 = arith.constant 0 : index
    %swap3A_41 = vector.load %arg10[%swap3A_38, %swap3A_39, %swap3A_40] : memref<1x1x64xf32, #tpu.memory_space<vmem>>, vector<1x1x64xf32>
    tpu.vector_store %arg10[%swap3A_38, %swap3A_39, %swap3A_40], %broadcast_in_dim3A_37 {strides = array<i32>} : memref<1x1x64xf32, #tpu.memory_space<vmem>>, vector<1x1x64xf32>,
    return
  }
  func.func @transform_0(%arg0: i32) -> (i32, i32) {
    %c0_i32 = arith.constant 0 : i32
    %c0_i32_0 = arith.constant 0 : i32
    return %arg0, %c0_i32 : i32, i32
  }
  func.func @transform_1(%arg0: i32) -> (i32, i32) {
    %c0_i32 = arith.constant 0 : i32
    %c0_i32_0 = arith.constant 0 : i32
    return %arg0, %c0_i32 : i32, i32
  }
  func.func @transform_2(%arg0: i32) -> (i32, i32) {
    %c0_i32 = arith.constant 0 : i32
    %c0_i32_0 = arith.constant 0 : i32
    return %arg0, %c0_i32 : i32, i32
  }
  func.func @transform_3(%arg0: i32) -> (i32, i32) {
    %c0_i32 = arith.constant 0 : i32
    %c0_i32_0 = arith.constant 0 : i32
    return %arg0, %c0_i32 : i32, i32
  }
  func.func @transform_4(%arg0: i32) -> (i32, i32) {
    %c0_i32 = arith.constant 0 : i32
    %c0_i32_0 = arith.constant 0 : i32
    return %arg0, %c0_i32 : i32, i32
  }
  func.func @transform_5(%arg0: i32) -> (i32, i32) {
    %c0_i32 = arith.constant 0 : i32
    %c0_i32_0 = arith.constant 0 : i32
    %c0_i32_1 = arith.constant 0 : i32
    return %c0_i32, %c0_i32_0 : i32, i32
  }
  func.func @transform_6(%arg0: i32) -> (i32, i32) {
    %c0_i32 = arith.constant 0 : i32
    %c0_i32_0 = arith.constant 0 : i32
    %c0_i32_1 = arith.constant 0 : i32
    return %c0_i32, %c0_i32_0 : i32, i32
  }
  func.func @transform_7(%arg0: i32) -> (i32, i32) {
    %c0_i32 = arith.constant 0 : i32
    %c0_i32_0 = arith.constant 0 : i32
    return %arg0, %c0_i32 : i32, i32
  }
  func.func @transform_8(%arg0: i32) -> (i32, i32, i32) {
    %c0_i32 = arith.constant 0 : i32
    %c0_i32_0 = arith.constant 0 : i32
    %c0_i32_1 = arith.constant 0 : i32
    return %arg0, %c0_i32, %c0_i32_0 : i32, i32, i32
  }
  func.func @transform_9(%arg0: i32) -> (i32, i32, i32) {
    %c0_i32 = arith.constant 0 : i32
    %c0_i32_0 = arith.constant 0 : i32
    %c0_i32_1 = arith.constant 0 : i32
    return %arg0, %c0_i32, %c0_i32_0 : i32, i32, i32
  }
}

module attributes {stable_mosaic.version = 14 : i64} {
  func.func @_bn_split_w_body(%arg0: i32, %arg1: memref<2000x64xf32, #tpu.memory_space<vmem>>, %arg2: memref<50x1x64xf32, #tpu.memory_space<vmem>>, %arg3: memref<50x1x64xf32, #tpu.memory_space<vmem>>, %arg4: memref<1x64xf32, #tpu.memory_space<vmem>>, %arg5: memref<1x64xf32, #tpu.memory_space<vmem>>, %arg6: memref<2000x1xf32, #tpu.memory_space<vmem>>, %arg7: memref<64x32xf32, #tpu.memory_space<vmem>>, %arg8: memref<2000x16xf32, #tpu.memory_space<vmem>>, %arg9: memref<2000x16xf32, #tpu.memory_space<vmem>>, %arg10: memref<1x1x64xf32, #tpu.memory_space<vmem>>, %arg11: memref<1x1x64xf32, #tpu.memory_space<vmem>>) attributes {dimension_semantics = [#tpu.dimension_semantics<arbitrary>], iteration_bounds = array<i64: 50>, scalar_prefetch = 0 : i64, scratch_operands = 0 : i64, tpu.core_type = #tpu.core_type<tc>, window_params = [{transform_indices = @transform_0, window_bounds = array<i64: 2000, 64>}, {pipeline_mode = #tpu.pipeline_mode<synchronous>, transform_indices = @transform_1, window_bounds = array<i64: 50, 1, 64>}, {pipeline_mode = #tpu.pipeline_mode<synchronous>, transform_indices = @transform_2, window_bounds = array<i64: 50, 1, 64>}, {pipeline_mode = #tpu.pipeline_mode<synchronous>, transform_indices = @transform_3, window_bounds = array<i64: 1, 64>}, {pipeline_mode = #tpu.pipeline_mode<synchronous>, transform_indices = @transform_4, window_bounds = array<i64: 1, 64>}, {transform_indices = @transform_5, window_bounds = array<i64: 2000, 1>}, {pipeline_mode = #tpu.pipeline_mode<synchronous>, transform_indices = @transform_6, window_bounds = array<i64: 64, 32>}, {transform_indices = @transform_7, window_bounds = array<i64: 2000, 16>}, {transform_indices = @transform_8, window_bounds = array<i64: 2000, 16>}, {transform_indices = @transform_9, window_bounds = array<i64: 1, 1, 64>}, {transform_indices = @transform_10, window_bounds = array<i64: 1, 1, 64>}]} {
    %get3A = arith.constant 0 : index
    %get3A_0 = arith.constant 0 : index
    %get3A_1 = arith.constant 0 : index
    %get3A_2 = vector.load %arg2[%get3A, %get3A_0, %get3A_1] : memref<50x1x64xf32, #tpu.memory_space<vmem>>, vector<50x1x64xf32>
    %reduce_sum3A = arith.constant dense<0.000000e+00> : vector<64xf32>
    %reduce_sum3A_3 = vector.multi_reduction <add>, %get3A_2, %reduce_sum3A [0, 1] : vector<50x1x64xf32> to vector<64xf32>
    %div3A = arith.constant 1.000000e+05 : f32
    %div3A_4 = vector.broadcast %div3A : f32 to vector<64xf32>
    %div3A_5 = arith.divf %reduce_sum3A_3, %div3A_4 : vector<64xf32>
    %get3A_6 = arith.constant 0 : index
    %get3A_7 = arith.constant 0 : index
    %get3A_8 = arith.constant 0 : index
    %get3A_9 = vector.load %arg3[%get3A_6, %get3A_7, %get3A_8] : memref<50x1x64xf32, #tpu.memory_space<vmem>>, vector<50x1x64xf32>
    %reduce_sum3A_10 = arith.constant dense<0.000000e+00> : vector<64xf32>
    %reduce_sum3A_11 = vector.multi_reduction <add>, %get3A_9, %reduce_sum3A_10 [0, 1] : vector<50x1x64xf32> to vector<64xf32>
    %div3A_12 = arith.constant 1.000000e+05 : f32
    %div3A_13 = vector.broadcast %div3A_12 : f32 to vector<64xf32>
    %div3A_14 = arith.divf %reduce_sum3A_11, %div3A_13 : vector<64xf32>
    %mul3A = arith.mulf %div3A_5, %div3A_5 : vector<64xf32>
    %sub3A = arith.subf %div3A_14, %mul3A : vector<64xf32>
    %get3A_15 = arith.constant 0 : index
    %get3A_16 = arith.constant 0 : index
    %get3A_17 = vector.load %arg1[%get3A_15, %get3A_16] : memref<2000x64xf32, #tpu.memory_space<vmem>>, vector<2000x64xf32>
    %broadcast_in_dim3A = vector.shape_cast %div3A_5 : vector<64xf32> to vector<1x64xf32>
    %sub3A_18 = vector.broadcast %broadcast_in_dim3A : vector<1x64xf32> to vector<2000x64xf32>
    %sub3A_19 = arith.subf %get3A_17, %sub3A_18 : vector<2000x64xf32>
    %add3A = arith.constant 9.99999974E-6 : f32
    %add3A_20 = vector.broadcast %add3A : f32 to vector<64xf32>
    %add3A_21 = arith.addf %sub3A, %add3A_20 : vector<64xf32>
    %rsqrt3A = math.rsqrt %add3A_21 : vector<64xf32>
    %broadcast_in_dim3A_22 = vector.shape_cast %rsqrt3A : vector<64xf32> to vector<1x64xf32>
    %mul3A_23 = vector.broadcast %broadcast_in_dim3A_22 : vector<1x64xf32> to vector<2000x64xf32>
    %mul3A_24 = arith.mulf %sub3A_19, %mul3A_23 : vector<2000x64xf32>
    %get3A_25 = arith.constant 0 : index
    %get3A_26 = arith.constant 0 : index
    %get3A_27 = vector.load %arg4[%get3A_25, %get3A_26] : memref<1x64xf32, #tpu.memory_space<vmem>>, vector<1x64xf32>
    %mul3A_28 = vector.broadcast %get3A_27 : vector<1x64xf32> to vector<2000x64xf32>
    %mul3A_29 = arith.mulf %mul3A_24, %mul3A_28 : vector<2000x64xf32>
    %get3A_30 = arith.constant 0 : index
    %get3A_31 = arith.constant 0 : index
    %get3A_32 = vector.load %arg5[%get3A_30, %get3A_31] : memref<1x64xf32, #tpu.memory_space<vmem>>, vector<1x64xf32>
    %add3A_33 = vector.broadcast %get3A_32 : vector<1x64xf32> to vector<2000x64xf32>
    %add3A_34 = arith.addf %mul3A_29, %add3A_33 : vector<2000x64xf32>
    %max3A = arith.constant 0.000000e+00 : f32
    %max3A_35 = vector.broadcast %max3A : f32 to vector<2000x64xf32>
    %max3A_36 = arith.maximumf %add3A_34, %max3A_35 : vector<2000x64xf32>
    %reduce_max3A = arith.constant dense<0xFF800000> : vector<64xf32>
    %reduce_max3A_37 = vector.multi_reduction <maximumf>, %max3A_36, %reduce_max3A [0] : vector<2000x64xf32> to vector<64xf32>
    %broadcast_in_dim3A_38 = vector.shape_cast %reduce_max3A_37 : vector<64xf32> to vector<1x64xf32>
    %broadcast_in_dim3A_39 = vector.shape_cast %broadcast_in_dim3A_38 : vector<1x64xf32> to vector<1x1x64xf32>
    %swap3A = arith.constant 0 : index
    %swap3A_40 = arith.constant 0 : index
    %swap3A_41 = arith.constant 0 : index
    %swap3A_42 = vector.load %arg10[%swap3A, %swap3A_40, %swap3A_41] : memref<1x1x64xf32, #tpu.memory_space<vmem>>, vector<1x1x64xf32>
    tpu.vector_store %arg10[%swap3A, %swap3A_40, %swap3A_41], %broadcast_in_dim3A_39 {strides = array<i32>} : memref<1x1x64xf32, #tpu.memory_space<vmem>>, vector<1x1x64xf32>,
    %reduce_sum3A_43 = arith.constant dense<0.000000e+00> : vector<64xf32>
    %reduce_sum3A_44 = vector.multi_reduction <add>, %max3A_36, %reduce_sum3A_43 [0] : vector<2000x64xf32> to vector<64xf32>
    %broadcast_in_dim3A_45 = vector.shape_cast %reduce_sum3A_44 : vector<64xf32> to vector<1x64xf32>
    %broadcast_in_dim3A_46 = vector.shape_cast %broadcast_in_dim3A_45 : vector<1x64xf32> to vector<1x1x64xf32>
    %swap3A_47 = arith.constant 0 : index
    %swap3A_48 = arith.constant 0 : index
    %swap3A_49 = arith.constant 0 : index
    %swap3A_50 = vector.load %arg11[%swap3A_47, %swap3A_48, %swap3A_49] : memref<1x1x64xf32, #tpu.memory_space<vmem>>, vector<1x1x64xf32>
    tpu.vector_store %arg11[%swap3A_47, %swap3A_48, %swap3A_49], %broadcast_in_dim3A_46 {strides = array<i32>} : memref<1x1x64xf32, #tpu.memory_space<vmem>>, vector<1x1x64xf32>,
    %get3A_51 = arith.constant 0 : index
    %get3A_52 = arith.constant 0 : index
    %get3A_53 = vector.load %arg7[%get3A_51, %get3A_52] : memref<64x32xf32, #tpu.memory_space<vmem>>, vector<64x32xf32>
    %dot_general3A = arith.constant dense<0.000000e+00> : vector<2000x32xf32>
    %dot_general3A_54 = tpu.matmul %max3A_36, %get3A_53, %dot_general3A {dimension_numbers = #tpu.dot_dimension_numbers<[1], [0], [0], [1], [0, 0, 1, 1], [], []>, transpose_lhs_hint = false} : vector<2000x64xf32>, vector<64x32xf32>, vector<2000x32xf32> -> vector<2000x32xf32>
    %get3A_55 = arith.constant 0 : index
    %get3A_56 = arith.constant 0 : index
    %get3A_57 = vector.load %arg6[%get3A_55, %get3A_56] : memref<2000x1xf32, #tpu.memory_space<vmem>>, vector<2000x1xf32>
    %mul3A_58 = vector.broadcast %get3A_57 : vector<2000x1xf32> to vector<2000x32xf32>
    %mul3A_59 = arith.mulf %dot_general3A_54, %mul3A_58 : vector<2000x32xf32>
    %slice3A = vector.extract_strided_slice %mul3A_59 {offsets = [0, 0], sizes = [2000, 16], strides = [1, 1]} : vector<2000x32xf32> to vector<2000x16xf32>
    %swap3A_60 = arith.constant 0 : index
    %swap3A_61 = arith.constant 0 : index
    %swap3A_62 = vector.load %arg8[%swap3A_60, %swap3A_61] : memref<2000x16xf32, #tpu.memory_space<vmem>>, vector<2000x16xf32>
    tpu.vector_store %arg8[%swap3A_60, %swap3A_61], %slice3A {strides = array<i32>} : memref<2000x16xf32, #tpu.memory_space<vmem>>, vector<2000x16xf32>,
    %slice3A_63 = vector.extract_strided_slice %mul3A_59 {offsets = [0, 16], sizes = [2000, 16], strides = [1, 1]} : vector<2000x32xf32> to vector<2000x16xf32>
    %swap3A_64 = arith.constant 0 : index
    %swap3A_65 = arith.constant 0 : index
    %swap3A_66 = vector.load %arg9[%swap3A_64, %swap3A_65] : memref<2000x16xf32, #tpu.memory_space<vmem>>, vector<2000x16xf32>
    tpu.vector_store %arg9[%swap3A_64, %swap3A_65], %slice3A_63 {strides = array<i32>} : memref<2000x16xf32, #tpu.memory_space<vmem>>, vector<2000x16xf32>,
    return
  }
  func.func @transform_0(%arg0: i32) -> (i32, i32) {
    %c0_i32 = arith.constant 0 : i32
    %c0_i32_0 = arith.constant 0 : i32
    return %arg0, %c0_i32 : i32, i32
  }
  func.func @transform_1(%arg0: i32) -> (i32, i32, i32) {
    %c0_i32 = arith.constant 0 : i32
    %c0_i32_0 = arith.constant 0 : i32
    %c0_i32_1 = arith.constant 0 : i32
    %c0_i32_2 = arith.constant 0 : i32
    return %c0_i32, %c0_i32_0, %c0_i32_1 : i32, i32, i32
  }
  func.func @transform_2(%arg0: i32) -> (i32, i32, i32) {
    %c0_i32 = arith.constant 0 : i32
    %c0_i32_0 = arith.constant 0 : i32
    %c0_i32_1 = arith.constant 0 : i32
    %c0_i32_2 = arith.constant 0 : i32
    return %c0_i32, %c0_i32_0, %c0_i32_1 : i32, i32, i32
  }
  func.func @transform_3(%arg0: i32) -> (i32, i32) {
    %c0_i32 = arith.constant 0 : i32
    %c0_i32_0 = arith.constant 0 : i32
    %c0_i32_1 = arith.constant 0 : i32
    return %c0_i32, %c0_i32_0 : i32, i32
  }
  func.func @transform_4(%arg0: i32) -> (i32, i32) {
    %c0_i32 = arith.constant 0 : i32
    %c0_i32_0 = arith.constant 0 : i32
    %c0_i32_1 = arith.constant 0 : i32
    return %c0_i32, %c0_i32_0 : i32, i32
  }
  func.func @transform_5(%arg0: i32) -> (i32, i32) {
    %c0_i32 = arith.constant 0 : i32
    %c0_i32_0 = arith.constant 0 : i32
    return %arg0, %c0_i32 : i32, i32
  }
  func.func @transform_6(%arg0: i32) -> (i32, i32) {
    %c0_i32 = arith.constant 0 : i32
    %c0_i32_0 = arith.constant 0 : i32
    %c0_i32_1 = arith.constant 0 : i32
    return %c0_i32, %c0_i32_0 : i32, i32
  }
  func.func @transform_7(%arg0: i32) -> (i32, i32) {
    %c0_i32 = arith.constant 0 : i32
    %c0_i32_0 = arith.constant 0 : i32
    return %arg0, %c0_i32 : i32, i32
  }
  func.func @transform_8(%arg0: i32) -> (i32, i32) {
    %c0_i32 = arith.constant 0 : i32
    %c0_i32_0 = arith.constant 0 : i32
    return %arg0, %c0_i32 : i32, i32
  }
  func.func @transform_9(%arg0: i32) -> (i32, i32, i32) {
    %c0_i32 = arith.constant 0 : i32
    %c0_i32_0 = arith.constant 0 : i32
    %c0_i32_1 = arith.constant 0 : i32
    return %arg0, %c0_i32, %c0_i32_0 : i32, i32, i32
  }
  func.func @transform_10(%arg0: i32) -> (i32, i32, i32) {
    %c0_i32 = arith.constant 0 : i32
    %c0_i32_0 = arith.constant 0 : i32
    %c0_i32_1 = arith.constant 0 : i32
    return %arg0, %c0_i32, %c0_i32_0 : i32, i32, i32
  }
}

module attributes {stable_mosaic.version = 14 : i64} {
  func.func @_cat_add_body(%arg0: i32, %arg1: memref<2000x16xf32, #tpu.memory_space<vmem>>, %arg2: memref<2000x16xf32, #tpu.memory_space<vmem>>, %arg3: memref<2000x16xf32, #tpu.memory_space<vmem>>, %arg4: memref<2000x16xf32, #tpu.memory_space<vmem>>, %arg5: memref<2000x1xf32, #tpu.memory_space<vmem>>, %arg6: memref<1x32xf32, #tpu.memory_space<vmem>>, %arg7: memref<2000x32xf32, #tpu.memory_space<vmem>>, %arg8: memref<1x1x32xf32, #tpu.memory_space<vmem>>, %arg9: memref<1x1x32xf32, #tpu.memory_space<vmem>>) attributes {dimension_semantics = [#tpu.dimension_semantics<arbitrary>], iteration_bounds = array<i64: 50>, scalar_prefetch = 0 : i64, scratch_operands = 0 : i64, tpu.core_type = #tpu.core_type<tc>, window_params = [{transform_indices = @transform_0, window_bounds = array<i64: 2000, 16>}, {transform_indices = @transform_1, window_bounds = array<i64: 2000, 16>}, {transform_indices = @transform_2, window_bounds = array<i64: 2000, 16>}, {transform_indices = @transform_3, window_bounds = array<i64: 2000, 16>}, {transform_indices = @transform_4, window_bounds = array<i64: 2000, 1>}, {pipeline_mode = #tpu.pipeline_mode<synchronous>, transform_indices = @transform_5, window_bounds = array<i64: 1, 32>}, {transform_indices = @transform_6, window_bounds = array<i64: 2000, 32>}, {transform_indices = @transform_7, window_bounds = array<i64: 1, 1, 32>}, {transform_indices = @transform_8, window_bounds = array<i64: 1, 1, 32>}]} {
    %get3A = arith.constant 0 : index
    %get3A_0 = arith.constant 0 : index
    %get3A_1 = vector.load %arg1[%get3A, %get3A_0] : memref<2000x16xf32, #tpu.memory_space<vmem>>, vector<2000x16xf32>
    %get3A_2 = arith.constant 0 : index
    %get3A_3 = arith.constant 0 : index
    %get3A_4 = vector.load %arg3[%get3A_2, %get3A_3] : memref<2000x16xf32, #tpu.memory_space<vmem>>, vector<2000x16xf32>
    %add3A = arith.addf %get3A_1, %get3A_4 : vector<2000x16xf32>
    %get3A_5 = arith.constant 0 : index
    %get3A_6 = arith.constant 0 : index
    %get3A_7 = vector.load %arg2[%get3A_5, %get3A_6] : memref<2000x16xf32, #tpu.memory_space<vmem>>, vector<2000x16xf32>
    %get3A_8 = arith.constant 0 : index
    %get3A_9 = arith.constant 0 : index
    %get3A_10 = vector.load %arg4[%get3A_8, %get3A_9] : memref<2000x16xf32, #tpu.memory_space<vmem>>, vector<2000x16xf32>
    %add3A_11 = arith.addf %get3A_7, %get3A_10 : vector<2000x16xf32>
    %concatenate3A = tpu.concatenate %add3A, %add3A_11 in 1 : vector<2000x16xf32>, vector<2000x16xf32> -> vector<2000x32xf32>
    %get3A_12 = arith.constant 0 : index
    %get3A_13 = arith.constant 0 : index
    %get3A_14 = vector.load %arg5[%get3A_12, %get3A_13] : memref<2000x1xf32, #tpu.memory_space<vmem>>, vector<2000x1xf32>
    %mul3A = vector.broadcast %get3A_14 : vector<2000x1xf32> to vector<2000x32xf32>
    %mul3A_15 = arith.mulf %concatenate3A, %mul3A : vector<2000x32xf32>
    %get3A_16 = arith.constant 0 : index
    %get3A_17 = arith.constant 0 : index
    %get3A_18 = vector.load %arg6[%get3A_16, %get3A_17] : memref<1x32xf32, #tpu.memory_space<vmem>>, vector<1x32xf32>
    %add3A_19 = vector.broadcast %get3A_18 : vector<1x32xf32> to vector<2000x32xf32>
    %add3A_20 = arith.addf %mul3A_15, %add3A_19 : vector<2000x32xf32>
    %swap3A = arith.constant 0 : index
    %swap3A_21 = arith.constant 0 : index
    %swap3A_22 = vector.load %arg7[%swap3A, %swap3A_21] : memref<2000x32xf32, #tpu.memory_space<vmem>>, vector<2000x32xf32>
    tpu.vector_store %arg7[%swap3A, %swap3A_21], %add3A_20 {strides = array<i32>} : memref<2000x32xf32, #tpu.memory_space<vmem>>, vector<2000x32xf32>,
    %reduce_sum3A = arith.constant dense<0.000000e+00> : vector<32xf32>
    %reduce_sum3A_23 = vector.multi_reduction <add>, %add3A_20, %reduce_sum3A [0] : vector<2000x32xf32> to vector<32xf32>
    %broadcast_in_dim3A = vector.shape_cast %reduce_sum3A_23 : vector<32xf32> to vector<1x32xf32>
    %broadcast_in_dim3A_24 = vector.shape_cast %broadcast_in_dim3A : vector<1x32xf32> to vector<1x1x32xf32>
    %swap3A_25 = arith.constant 0 : index
    %swap3A_26 = arith.constant 0 : index
    %swap3A_27 = arith.constant 0 : index
    %swap3A_28 = vector.load %arg8[%swap3A_25, %swap3A_26, %swap3A_27] : memref<1x1x32xf32, #tpu.memory_space<vmem>>, vector<1x1x32xf32>
    tpu.vector_store %arg8[%swap3A_25, %swap3A_26, %swap3A_27], %broadcast_in_dim3A_24 {strides = array<i32>} : memref<1x1x32xf32, #tpu.memory_space<vmem>>, vector<1x1x32xf32>,
    %mul3A_29 = arith.mulf %add3A_20, %add3A_20 : vector<2000x32xf32>
    %reduce_sum3A_30 = arith.constant dense<0.000000e+00> : vector<32xf32>
    %reduce_sum3A_31 = vector.multi_reduction <add>, %mul3A_29, %reduce_sum3A_30 [0] : vector<2000x32xf32> to vector<32xf32>
    %broadcast_in_dim3A_32 = vector.shape_cast %reduce_sum3A_31 : vector<32xf32> to vector<1x32xf32>
    %broadcast_in_dim3A_33 = vector.shape_cast %broadcast_in_dim3A_32 : vector<1x32xf32> to vector<1x1x32xf32>
    %swap3A_34 = arith.constant 0 : index
    %swap3A_35 = arith.constant 0 : index
    %swap3A_36 = arith.constant 0 : index
    %swap3A_37 = vector.load %arg9[%swap3A_34, %swap3A_35, %swap3A_36] : memref<1x1x32xf32, #tpu.memory_space<vmem>>, vector<1x1x32xf32>
    tpu.vector_store %arg9[%swap3A_34, %swap3A_35, %swap3A_36], %broadcast_in_dim3A_33 {strides = array<i32>} : memref<1x1x32xf32, #tpu.memory_space<vmem>>, vector<1x1x32xf32>,
    return
  }
  func.func @transform_0(%arg0: i32) -> (i32, i32) {
    %c0_i32 = arith.constant 0 : i32
    %c0_i32_0 = arith.constant 0 : i32
    return %arg0, %c0_i32 : i32, i32
  }
  func.func @transform_1(%arg0: i32) -> (i32, i32) {
    %c0_i32 = arith.constant 0 : i32
    %c0_i32_0 = arith.constant 0 : i32
    return %arg0, %c0_i32 : i32, i32
  }
  func.func @transform_2(%arg0: i32) -> (i32, i32) {
    %c0_i32 = arith.constant 0 : i32
    %c0_i32_0 = arith.constant 0 : i32
    return %arg0, %c0_i32 : i32, i32
  }
  func.func @transform_3(%arg0: i32) -> (i32, i32) {
    %c0_i32 = arith.constant 0 : i32
    %c0_i32_0 = arith.constant 0 : i32
    return %arg0, %c0_i32 : i32, i32
  }
  func.func @transform_4(%arg0: i32) -> (i32, i32) {
    %c0_i32 = arith.constant 0 : i32
    %c0_i32_0 = arith.constant 0 : i32
    return %arg0, %c0_i32 : i32, i32
  }
  func.func @transform_5(%arg0: i32) -> (i32, i32) {
    %c0_i32 = arith.constant 0 : i32
    %c0_i32_0 = arith.constant 0 : i32
    %c0_i32_1 = arith.constant 0 : i32
    return %c0_i32, %c0_i32_0 : i32, i32
  }
  func.func @transform_6(%arg0: i32) -> (i32, i32) {
    %c0_i32 = arith.constant 0 : i32
    %c0_i32_0 = arith.constant 0 : i32
    return %arg0, %c0_i32 : i32, i32
  }
  func.func @transform_7(%arg0: i32) -> (i32, i32, i32) {
    %c0_i32 = arith.constant 0 : i32
    %c0_i32_0 = arith.constant 0 : i32
    %c0_i32_1 = arith.constant 0 : i32
    return %arg0, %c0_i32, %c0_i32_0 : i32, i32, i32
  }
  func.func @transform_8(%arg0: i32) -> (i32, i32, i32) {
    %c0_i32 = arith.constant 0 : i32
    %c0_i32_0 = arith.constant 0 : i32
    %c0_i32_1 = arith.constant 0 : i32
    return %arg0, %c0_i32, %c0_i32_0 : i32, i32, i32
  }
}

module attributes {stable_mosaic.version = 14 : i64} {
  func.func @_bn_pool_body(%arg0: i32, %arg1: memref<2000x32xf32, #tpu.memory_space<vmem>>, %arg2: memref<50x1x32xf32, #tpu.memory_space<vmem>>, %arg3: memref<50x1x32xf32, #tpu.memory_space<vmem>>, %arg4: memref<1x32xf32, #tpu.memory_space<vmem>>, %arg5: memref<1x32xf32, #tpu.memory_space<vmem>>, %arg6: memref<1x1x32xf32, #tpu.memory_space<vmem>>, %arg7: memref<1x1x32xf32, #tpu.memory_space<vmem>>) attributes {dimension_semantics = [#tpu.dimension_semantics<arbitrary>], iteration_bounds = array<i64: 50>, scalar_prefetch = 0 : i64, scratch_operands = 0 : i64, tpu.core_type = #tpu.core_type<tc>, window_params = [{transform_indices = @transform_0, window_bounds = array<i64: 2000, 32>}, {pipeline_mode = #tpu.pipeline_mode<synchronous>, transform_indices = @transform_1, window_bounds = array<i64: 50, 1, 32>}, {pipeline_mode = #tpu.pipeline_mode<synchronous>, transform_indices = @transform_2, window_bounds = array<i64: 50, 1, 32>}, {pipeline_mode = #tpu.pipeline_mode<synchronous>, transform_indices = @transform_3, window_bounds = array<i64: 1, 32>}, {pipeline_mode = #tpu.pipeline_mode<synchronous>, transform_indices = @transform_4, window_bounds = array<i64: 1, 32>}, {transform_indices = @transform_5, window_bounds = array<i64: 1, 1, 32>}, {transform_indices = @transform_6, window_bounds = array<i64: 1, 1, 32>}]} {
    %get3A = arith.constant 0 : index
    %get3A_0 = arith.constant 0 : index
    %get3A_1 = arith.constant 0 : index
    %get3A_2 = vector.load %arg2[%get3A, %get3A_0, %get3A_1] : memref<50x1x32xf32, #tpu.memory_space<vmem>>, vector<50x1x32xf32>
    %reduce_sum3A = arith.constant dense<0.000000e+00> : vector<32xf32>
    %reduce_sum3A_3 = vector.multi_reduction <add>, %get3A_2, %reduce_sum3A [0, 1] : vector<50x1x32xf32> to vector<32xf32>
    %div3A = arith.constant 1.000000e+05 : f32
    %div3A_4 = vector.broadcast %div3A : f32 to vector<32xf32>
    %div3A_5 = arith.divf %reduce_sum3A_3, %div3A_4 : vector<32xf32>
    %get3A_6 = arith.constant 0 : index
    %get3A_7 = arith.constant 0 : index
    %get3A_8 = arith.constant 0 : index
    %get3A_9 = vector.load %arg3[%get3A_6, %get3A_7, %get3A_8] : memref<50x1x32xf32, #tpu.memory_space<vmem>>, vector<50x1x32xf32>
    %reduce_sum3A_10 = arith.constant dense<0.000000e+00> : vector<32xf32>
    %reduce_sum3A_11 = vector.multi_reduction <add>, %get3A_9, %reduce_sum3A_10 [0, 1] : vector<50x1x32xf32> to vector<32xf32>
    %div3A_12 = arith.constant 1.000000e+05 : f32
    %div3A_13 = vector.broadcast %div3A_12 : f32 to vector<32xf32>
    %div3A_14 = arith.divf %reduce_sum3A_11, %div3A_13 : vector<32xf32>
    %mul3A = arith.mulf %div3A_5, %div3A_5 : vector<32xf32>
    %sub3A = arith.subf %div3A_14, %mul3A : vector<32xf32>
    %get3A_15 = arith.constant 0 : index
    %get3A_16 = arith.constant 0 : index
    %get3A_17 = vector.load %arg1[%get3A_15, %get3A_16] : memref<2000x32xf32, #tpu.memory_space<vmem>>, vector<2000x32xf32>
    %broadcast_in_dim3A = vector.shape_cast %div3A_5 : vector<32xf32> to vector<1x32xf32>
    %sub3A_18 = vector.broadcast %broadcast_in_dim3A : vector<1x32xf32> to vector<2000x32xf32>
    %sub3A_19 = arith.subf %get3A_17, %sub3A_18 : vector<2000x32xf32>
    %add3A = arith.constant 9.99999974E-6 : f32
    %add3A_20 = vector.broadcast %add3A : f32 to vector<32xf32>
    %add3A_21 = arith.addf %sub3A, %add3A_20 : vector<32xf32>
    %rsqrt3A = math.rsqrt %add3A_21 : vector<32xf32>
    %broadcast_in_dim3A_22 = vector.shape_cast %rsqrt3A : vector<32xf32> to vector<1x32xf32>
    %mul3A_23 = vector.broadcast %broadcast_in_dim3A_22 : vector<1x32xf32> to vector<2000x32xf32>
    %mul3A_24 = arith.mulf %sub3A_19, %mul3A_23 : vector<2000x32xf32>
    %get3A_25 = arith.constant 0 : index
    %get3A_26 = arith.constant 0 : index
    %get3A_27 = vector.load %arg4[%get3A_25, %get3A_26] : memref<1x32xf32, #tpu.memory_space<vmem>>, vector<1x32xf32>
    %mul3A_28 = vector.broadcast %get3A_27 : vector<1x32xf32> to vector<2000x32xf32>
    %mul3A_29 = arith.mulf %mul3A_24, %mul3A_28 : vector<2000x32xf32>
    %get3A_30 = arith.constant 0 : index
    %get3A_31 = arith.constant 0 : index
    %get3A_32 = vector.load %arg5[%get3A_30, %get3A_31] : memref<1x32xf32, #tpu.memory_space<vmem>>, vector<1x32xf32>
    %add3A_33 = vector.broadcast %get3A_32 : vector<1x32xf32> to vector<2000x32xf32>
    %add3A_34 = arith.addf %mul3A_29, %add3A_33 : vector<2000x32xf32>
    %max3A = arith.constant 0.000000e+00 : f32
    %max3A_35 = vector.broadcast %max3A : f32 to vector<2000x32xf32>
    %max3A_36 = arith.maximumf %add3A_34, %max3A_35 : vector<2000x32xf32>
    %reduce_max3A = arith.constant dense<0xFF800000> : vector<32xf32>
    %reduce_max3A_37 = vector.multi_reduction <maximumf>, %max3A_36, %reduce_max3A [0] : vector<2000x32xf32> to vector<32xf32>
    %broadcast_in_dim3A_38 = vector.shape_cast %reduce_max3A_37 : vector<32xf32> to vector<1x32xf32>
    %broadcast_in_dim3A_39 = vector.shape_cast %broadcast_in_dim3A_38 : vector<1x32xf32> to vector<1x1x32xf32>
    %swap3A = arith.constant 0 : index
    %swap3A_40 = arith.constant 0 : index
    %swap3A_41 = arith.constant 0 : index
    %swap3A_42 = vector.load %arg6[%swap3A, %swap3A_40, %swap3A_41] : memref<1x1x32xf32, #tpu.memory_space<vmem>>, vector<1x1x32xf32>
    tpu.vector_store %arg6[%swap3A, %swap3A_40, %swap3A_41], %broadcast_in_dim3A_39 {strides = array<i32>} : memref<1x1x32xf32, #tpu.memory_space<vmem>>, vector<1x1x32xf32>,
    %reduce_sum3A_43 = arith.constant dense<0.000000e+00> : vector<32xf32>
    %reduce_sum3A_44 = vector.multi_reduction <add>, %max3A_36, %reduce_sum3A_43 [0] : vector<2000x32xf32> to vector<32xf32>
    %broadcast_in_dim3A_45 = vector.shape_cast %reduce_sum3A_44 : vector<32xf32> to vector<1x32xf32>
    %broadcast_in_dim3A_46 = vector.shape_cast %broadcast_in_dim3A_45 : vector<1x32xf32> to vector<1x1x32xf32>
    %swap3A_47 = arith.constant 0 : index
    %swap3A_48 = arith.constant 0 : index
    %swap3A_49 = arith.constant 0 : index
    %swap3A_50 = vector.load %arg7[%swap3A_47, %swap3A_48, %swap3A_49] : memref<1x1x32xf32, #tpu.memory_space<vmem>>, vector<1x1x32xf32>
    tpu.vector_store %arg7[%swap3A_47, %swap3A_48, %swap3A_49], %broadcast_in_dim3A_46 {strides = array<i32>} : memref<1x1x32xf32, #tpu.memory_space<vmem>>, vector<1x1x32xf32>,
    return
  }
  func.func @transform_0(%arg0: i32) -> (i32, i32) {
    %c0_i32 = arith.constant 0 : i32
    %c0_i32_0 = arith.constant 0 : i32
    return %arg0, %c0_i32 : i32, i32
  }
  func.func @transform_1(%arg0: i32) -> (i32, i32, i32) {
    %c0_i32 = arith.constant 0 : i32
    %c0_i32_0 = arith.constant 0 : i32
    %c0_i32_1 = arith.constant 0 : i32
    %c0_i32_2 = arith.constant 0 : i32
    return %c0_i32, %c0_i32_0, %c0_i32_1 : i32, i32, i32
  }
  func.func @transform_2(%arg0: i32) -> (i32, i32, i32) {
    %c0_i32 = arith.constant 0 : i32
    %c0_i32_0 = arith.constant 0 : i32
    %c0_i32_1 = arith.constant 0 : i32
    %c0_i32_2 = arith.constant 0 : i32
    return %c0_i32, %c0_i32_0, %c0_i32_1 : i32, i32, i32
  }
  func.func @transform_3(%arg0: i32) -> (i32, i32) {
    %c0_i32 = arith.constant 0 : i32
    %c0_i32_0 = arith.constant 0 : i32
    %c0_i32_1 = arith.constant 0 : i32
    return %c0_i32, %c0_i32_0 : i32, i32
  }
  func.func @transform_4(%arg0: i32) -> (i32, i32) {
    %c0_i32 = arith.constant 0 : i32
    %c0_i32_0 = arith.constant 0 : i32
    %c0_i32_1 = arith.constant 0 : i32
    return %c0_i32, %c0_i32_0 : i32, i32
  }
  func.func @transform_5(%arg0: i32) -> (i32, i32, i32) {
    %c0_i32 = arith.constant 0 : i32
    %c0_i32_0 = arith.constant 0 : i32
    %c0_i32_1 = arith.constant 0 : i32
    return %arg0, %c0_i32, %c0_i32_0 : i32, i32, i32
  }
  func.func @transform_6(%arg0: i32) -> (i32, i32, i32) {
    %c0_i32 = arith.constant 0 : i32
    %c0_i32_0 = arith.constant 0 : i32
    %c0_i32_1 = arith.constant 0 : i32
    return %arg0, %c0_i32, %c0_i32_0 : i32, i32, i32
  }
}

module attributes {stable_mosaic.version = 14 : i64} {
  func.func @_head_body(%arg0: memref<50x1x32xf32, #tpu.memory_space<vmem>>, %arg1: memref<50x1x32xf32, #tpu.memory_space<vmem>>, %arg2: memref<50x1x64xf32, #tpu.memory_space<vmem>>, %arg3: memref<50x1x64xf32, #tpu.memory_space<vmem>>, %arg4: memref<50x1x32xf32, #tpu.memory_space<vmem>>, %arg5: memref<50x1x32xf32, #tpu.memory_space<vmem>>, %arg6: memref<256x64xf32, #tpu.memory_space<vmem>>, %arg7: memref<1x64xf32, #tpu.memory_space<vmem>>, %arg8: memref<1x64xf32, #tpu.memory_space<vmem>>, %arg9: memref<1x64xf32, #tpu.memory_space<vmem>>, %arg10: memref<64x6xf32, #tpu.memory_space<vmem>>, %arg11: memref<1x6xf32, #tpu.memory_space<vmem>>, %arg12: memref<1x6xf32, #tpu.memory_space<vmem>>) attributes {dimension_semantics = [], scalar_prefetch = 0 : i64, scratch_operands = 0 : i64, tpu.core_type = #tpu.core_type<tc>} {
    %get3A = arith.constant 0 : index
    %get3A_0 = arith.constant 0 : index
    %get3A_1 = arith.constant 0 : index
    %get3A_2 = vector.load %arg0[%get3A, %get3A_0, %get3A_1] : memref<50x1x32xf32, #tpu.memory_space<vmem>>, vector<50x1x32xf32>
    %reduce_max3A = arith.constant dense<0xFF800000> : vector<32xf32>
    %reduce_max3A_3 = vector.multi_reduction <maximumf>, %get3A_2, %reduce_max3A [0, 1] : vector<50x1x32xf32> to vector<32xf32>
    %get3A_4 = arith.constant 0 : index
    %get3A_5 = arith.constant 0 : index
    %get3A_6 = arith.constant 0 : index
    %get3A_7 = vector.load %arg2[%get3A_4, %get3A_5, %get3A_6] : memref<50x1x64xf32, #tpu.memory_space<vmem>>, vector<50x1x64xf32>
    %reduce_max3A_8 = arith.constant dense<0xFF800000> : vector<64xf32>
    %reduce_max3A_9 = vector.multi_reduction <maximumf>, %get3A_7, %reduce_max3A_8 [0, 1] : vector<50x1x64xf32> to vector<64xf32>
    %get3A_10 = arith.constant 0 : index
    %get3A_11 = arith.constant 0 : index
    %get3A_12 = arith.constant 0 : index
    %get3A_13 = vector.load %arg4[%get3A_10, %get3A_11, %get3A_12] : memref<50x1x32xf32, #tpu.memory_space<vmem>>, vector<50x1x32xf32>
    %reduce_max3A_14 = arith.constant dense<0xFF800000> : vector<32xf32>
    %reduce_max3A_15 = vector.multi_reduction <maximumf>, %get3A_13, %reduce_max3A_14 [0, 1] : vector<50x1x32xf32> to vector<32xf32>
    %concatenate3A = tpu.concatenate %reduce_max3A_3, %reduce_max3A_9, %reduce_max3A_15 in 0 : vector<32xf32>, vector<64xf32>, vector<32xf32> -> vector<128xf32>
    %get3A_16 = arith.constant 0 : index
    %get3A_17 = arith.constant 0 : index
    %get3A_18 = arith.constant 0 : index
    %get3A_19 = vector.load %arg1[%get3A_16, %get3A_17, %get3A_18] : memref<50x1x32xf32, #tpu.memory_space<vmem>>, vector<50x1x32xf32>
    %reduce_sum3A = arith.constant dense<0.000000e+00> : vector<32xf32>
    %reduce_sum3A_20 = vector.multi_reduction <add>, %get3A_19, %reduce_sum3A [0, 1] : vector<50x1x32xf32> to vector<32xf32>
    %get3A_21 = arith.constant 0 : index
    %get3A_22 = arith.constant 0 : index
    %get3A_23 = arith.constant 0 : index
    %get3A_24 = vector.load %arg3[%get3A_21, %get3A_22, %get3A_23] : memref<50x1x64xf32, #tpu.memory_space<vmem>>, vector<50x1x64xf32>
    %reduce_sum3A_25 = arith.constant dense<0.000000e+00> : vector<64xf32>
    %reduce_sum3A_26 = vector.multi_reduction <add>, %get3A_24, %reduce_sum3A_25 [0, 1] : vector<50x1x64xf32> to vector<64xf32>
    %get3A_27 = arith.constant 0 : index
    %get3A_28 = arith.constant 0 : index
    %get3A_29 = arith.constant 0 : index
    %get3A_30 = vector.load %arg5[%get3A_27, %get3A_28, %get3A_29] : memref<50x1x32xf32, #tpu.memory_space<vmem>>, vector<50x1x32xf32>
    %reduce_sum3A_31 = arith.constant dense<0.000000e+00> : vector<32xf32>
    %reduce_sum3A_32 = vector.multi_reduction <add>, %get3A_30, %reduce_sum3A_31 [0, 1] : vector<50x1x32xf32> to vector<32xf32>
    %concatenate3A_33 = tpu.concatenate %reduce_sum3A_20, %reduce_sum3A_26, %reduce_sum3A_32 in 0 : vector<32xf32>, vector<64xf32>, vector<32xf32> -> vector<128xf32>
    %div3A = arith.constant 1.000000e+05 : f32
    %div3A_34 = vector.broadcast %div3A : f32 to vector<128xf32>
    %div3A_35 = arith.divf %concatenate3A_33, %div3A_34 : vector<128xf32>
    %concatenate3A_36 = tpu.concatenate %concatenate3A, %div3A_35 in 0 : vector<128xf32>, vector<128xf32> -> vector<256xf32>
    %broadcast_in_dim3A = vector.shape_cast %concatenate3A_36 : vector<256xf32> to vector<1x256xf32>
    %get3A_37 = arith.constant 0 : index
    %get3A_38 = arith.constant 0 : index
    %get3A_39 = vector.load %arg6[%get3A_37, %get3A_38] : memref<256x64xf32, #tpu.memory_space<vmem>>, vector<256x64xf32>
    %dot_general3A = arith.constant dense<0.000000e+00> : vector<1x64xf32>
    %dot_general3A_40 = tpu.matmul %broadcast_in_dim3A, %get3A_39, %dot_general3A {dimension_numbers = #tpu.dot_dimension_numbers<[1], [0], [0], [1], [0, 0, 1, 1], [], []>, transpose_lhs_hint = false} : vector<1x256xf32>, vector<256x64xf32>, vector<1x64xf32> -> vector<1x64xf32>
    %get3A_41 = arith.constant 0 : index
    %get3A_42 = arith.constant 0 : index
    %get3A_43 = vector.load %arg7[%get3A_41, %get3A_42] : memref<1x64xf32, #tpu.memory_space<vmem>>, vector<1x64xf32>
    %add3A = arith.addf %dot_general3A_40, %get3A_43 : vector<1x64xf32>
    %reduce_sum3A_44 = arith.constant dense<0.000000e+00> : vector<1xf32>
    %reduce_sum3A_45 = vector.multi_reduction <add>, %add3A, %reduce_sum3A_44 [1] : vector<1x64xf32> to vector<1xf32>
    %broadcast_in_dim3A_46 = vector.shape_cast %reduce_sum3A_45 : vector<1xf32> to vector<1x1xf32>
    %div3A_47 = arith.constant 6.400000e+01 : f32
    %div3A_48 = vector.broadcast %div3A_47 : f32 to vector<1x1xf32>
    %div3A_49 = arith.divf %broadcast_in_dim3A_46, %div3A_48 : vector<1x1xf32>
    %sub3A = vector.broadcast %div3A_49 : vector<1x1xf32> to vector<1x64xf32>
    %sub3A_50 = arith.subf %add3A, %sub3A : vector<1x64xf32>
    %integer_pow3A = arith.mulf %sub3A_50, %sub3A_50 : vector<1x64xf32>
    %reduce_sum3A_51 = arith.constant dense<0.000000e+00> : vector<1xf32>
    %reduce_sum3A_52 = vector.multi_reduction <add>, %integer_pow3A, %reduce_sum3A_51 [1] : vector<1x64xf32> to vector<1xf32>
    %broadcast_in_dim3A_53 = vector.shape_cast %reduce_sum3A_52 : vector<1xf32> to vector<1x1xf32>
    %div3A_54 = arith.constant 6.400000e+01 : f32
    %div3A_55 = vector.broadcast %div3A_54 : f32 to vector<1x1xf32>
    %div3A_56 = arith.divf %broadcast_in_dim3A_53, %div3A_55 : vector<1x1xf32>
    %sub3A_57 = vector.broadcast %div3A_49 : vector<1x1xf32> to vector<1x64xf32>
    %sub3A_58 = arith.subf %add3A, %sub3A_57 : vector<1x64xf32>
    %add3A_59 = arith.constant 9.99999974E-6 : f32
    %add3A_60 = vector.broadcast %add3A_59 : f32 to vector<1x1xf32>
    %add3A_61 = arith.addf %div3A_56, %add3A_60 : vector<1x1xf32>
    %rsqrt3A = math.rsqrt %add3A_61 : vector<1x1xf32>
    %mul3A = vector.broadcast %rsqrt3A : vector<1x1xf32> to vector<1x64xf32>
    %mul3A_62 = arith.mulf %sub3A_58, %mul3A : vector<1x64xf32>
    %get3A_63 = arith.constant 0 : index
    %get3A_64 = arith.constant 0 : index
    %get3A_65 = vector.load %arg8[%get3A_63, %get3A_64] : memref<1x64xf32, #tpu.memory_space<vmem>>, vector<1x64xf32>
    %mul3A_66 = arith.mulf %mul3A_62, %get3A_65 : vector<1x64xf32>
    %get3A_67 = arith.constant 0 : index
    %get3A_68 = arith.constant 0 : index
    %get3A_69 = vector.load %arg9[%get3A_67, %get3A_68] : memref<1x64xf32, #tpu.memory_space<vmem>>, vector<1x64xf32>
    %add3A_70 = arith.addf %mul3A_66, %get3A_69 : vector<1x64xf32>
    %max3A = arith.constant 0.000000e+00 : f32
    %max3A_71 = vector.broadcast %max3A : f32 to vector<1x64xf32>
    %max3A_72 = arith.maximumf %add3A_70, %max3A_71 : vector<1x64xf32>
    %get3A_73 = arith.constant 0 : index
    %get3A_74 = arith.constant 0 : index
    %get3A_75 = vector.load %arg10[%get3A_73, %get3A_74] : memref<64x6xf32, #tpu.memory_space<vmem>>, vector<64x6xf32>
    %dot_general3A_76 = arith.constant dense<0.000000e+00> : vector<1x6xf32>
    %dot_general3A_77 = tpu.matmul %max3A_72, %get3A_75, %dot_general3A_76 {dimension_numbers = #tpu.dot_dimension_numbers<[1], [0], [0], [1], [0, 0, 1, 1], [], []>, transpose_lhs_hint = false} : vector<1x64xf32>, vector<64x6xf32>, vector<1x6xf32> -> vector<1x6xf32>
    %get3A_78 = arith.constant 0 : index
    %get3A_79 = arith.constant 0 : index
    %get3A_80 = vector.load %arg11[%get3A_78, %get3A_79] : memref<1x6xf32, #tpu.memory_space<vmem>>, vector<1x6xf32>
    %add3A_81 = arith.addf %dot_general3A_77, %get3A_80 : vector<1x6xf32>
    %swap3A = arith.constant 0 : index
    %swap3A_82 = arith.constant 0 : index
    %swap3A_83 = vector.load %arg12[%swap3A, %swap3A_82] : memref<1x6xf32, #tpu.memory_space<vmem>>, vector<1x6xf32>
    tpu.vector_store %arg12[%swap3A, %swap3A_82], %add3A_81 {strides = array<i32>} : memref<1x6xf32, #tpu.memory_space<vmem>>, vector<1x6xf32>,
    return
  }
}

</mosaic_0001>

<sc_bundles>
// kernel: kernel.14.cloned.1.call-start
scs
__scs_entry_jumppad:
0x0: {  	(pc) =	sbr.rel $0x88, $3  }
0x1: {  	(tag) =	ssettag $0x0;
	lr =	simm.s32 $0x1  }
0x2: {  	[smem:$0x3F8D] =	sst lr;
	_ =	strace $0xD0000000  }
0x3: {  	_ = 	snop  }
0x4: {  	_ = 	snop  }
0x5: {  	_ = 	snop  }
0x6: {  	_ = 	snop  }
0x7: {  	_ = 	snop  }
__scs_overlays_trampoline_lowered:
0x8: {  	[smem:$0x3F9C] =	sst s0  }
0x9: {  	[smem:$0x3F9D] =	sst s1  }
0xa: {  	[smem:$0x3F9E] =	sst s2  }
0xb: {  	[smem:$0x3F9F] =	sst s3  }
0xc: {  	[smem:$0x3FA0] =	sst s4  }
0xd: {  	[smem:$0x3FA1] =	sst s5  }
0xe: {  	[smem:$0x3FA2] =	sst s6  }
0xf: {  	[smem:$0x3FA3] =	sst s7  }
0x10: {  	[smem:$0x3FA4] =	sst s8  }
0x11: {  	[smem:$0x3FA5] =	sst s9;
	s0 =	simm.s32 @!p0 $0x0  }
0x12: {  	s1 =	sld [smem:$0x3F8B];
	s0 =	simm.s32 @p0 $0x1  }
0x13: {  	[smem:$0x3FA6] =	sst s0;
	s0 =	simm.s32 @!p1 $0x0  }
0x14: {  	s2 =	sld [smem:$0x3F8A];
	s0 =	simm.s32 @p1 $0x1  }
0x15: {  	[smem:$0x3FA7] =	sst s0;
	s0 =	simm.s32 @!p2 $0x0  }
0x16: {  	s3 =	sld [smem:$0x3FDB];
	s0 =	simm.s32 @p2 $0x1  }
0x17: {  	s4 =	simm.s32 $0x1BF5;
	[smem:$0x3FA9] =	sst s0  }
0x18: {  	s0 =	sld [smem:$0x3F8C];
	_ =	swait.ge [sflag:s4], $0x0  }
0x19: {  	s7 =	sld [smem:$0x3F8D]  }
0x1a: {  	s8 =	sadd.s32 $0xFFFFE003, lr  }
0x1b: {  	s9 =	sadd.s32 $0xFFFFFEF7, lr;
	s5 =	simm.s32 $0xFFFFFFFF;
	p2 =	slt.u32 s8, $0xFFFFF086  }
0x1c: {  	p1 =	slt.u32 s9, $0xF7A;
	s5 =	simm.s32 @!p2 $0x0  }
0x1d: {  	s5 =	simm.s32 @p1 $0x1;
	p0 =	seq.s32 s7, s2  }
0x1e: {  	s7 =	smul.u32 @!p0 $0xF7A, s2;
	p2 =	seq.s32 @!p0 s5, $0x0  }
0x1f: {  	s9 =	smul.u32 $0xF7A, s1;
	s8 =	simm.s32 @!p0 $0x1BF5;
	p2 =	por !p2, p0  }
0x20: {  	[sflag:s8] =	ssyncset.s32 @!p0 $0xFFFFF086;
	s6 =	sadd.s32 @!p0 s3, s7;
	s7 =	simm.s32 @!p0 $0x108  }
0x21: {  	s3 =	sadd.s32 s3, s9;
	s6 =	sadd.s32 @!p0 $0x88, s6;
	s7 =	simm.s32 @p2 $0x1082  }
0x22: {  	[simem:s7], [sflag:s8] =	dma.local @!p0 [hbm:s6], $0xF7A  }
0x23: {  	s9 =	sor.u32 $0xD0000000, s2;
	s6 =	simm.s32 $0x108;
	_ =	swait.ge @!p0 [sflag:s8], $0x0  }
0x24: {  	s3 =	sadd.s32 $0x88, s3;
	s6 =	simm.s32 @!p1 $0x1082;
	[sflag:s4] =	ssyncset.s32 $0xFFFFF086  }
0x25: {  	[simem:s6], [sflag:s4] =	dma.local [hbm:s3], $0xF7A  }
0x26: {  	[smem:$0x3F8D] =	sst s1;
	(tag) =	ssettag s2;
	_ =	strace s9  }
0x27: {  	s1 =	sld [smem:$0x3F9D]  }
0x28: {  	s2 =	sld [smem:$0x3F9E]  }
0x29: {  	s4 =	sld [smem:$0x3FA0]  }
0x2a: {  	p0 =	seq.s32 s5, $0x0;
	s5 =	sld [smem:$0x3FA1]  }
0x2b: {  	s6 =	sld [smem:$0x3FA2]  }
0x2c: {  	s7 =	sld [smem:$0x3FA3]  }
0x2d: {  	s3 =	simm.s32 $0x108;
	s8 =	sld [smem:$0x3FA4]  }
0x2e: {  	s3 =	simm.s32 @!p0 $0x1082;
	s9 =	sld [smem:$0x3FA5]  }
0x2f: {  	lr =	sadd.s32 s0, s3;
	s0 =	sld [smem:$0x3F9C]  }
0x30: {  	s3 =	sld [smem:$0x3F9F]  }
0x31: {  	[smem:$0x3FA8] =	sst s10  }
0x32: {  	s10 =	sld [smem:$0x3FA6];
	_ =	sdelay $0x3  }
0x33: {  	p0 =	seq.s32 s10, $0x1;
	s10 =	sld [smem:$0x3FA8];
	_ =	sdelay $0x3  }
0x34: {  	[smem:$0x3FA8] =	sst s10  }
0x35: {  	s10 =	sld [smem:$0x3FA7];
	_ =	sdelay $0x3  }
0x36: {  	p1 =	seq.s32 s10, $0x1;
	s10 =	sld [smem:$0x3FA8];
	_ =	sdelay $0x3  }
0x37: {  	[smem:$0x3FA8] =	sst s10  }
0x38: {  	s10 =	sld [smem:$0x3FA9]  }
0x39: {  	_ = 	snop;
	(pc) =	sbr.ind lr, $3  }
0x3a: {  	_ = 	snop  }
0x3b: {  	_ = 	snop  }
0x3c: {  	p2 =	seq.s32 s10, $0x1;
	s10 =	sld [smem:$0x3FA8]  }
0x3d: {  	_ =	shalt  }
0x3e: {  	_ =	shalt  }
0x3f: {  	_ =	shalt  }
0x40: {  	_ =	shalt  }
0x41: {  	_ =	shalt  }
0x42: {  	_ =	shalt  }
0x43: {  	_ =	shalt  }
0x44: {  	_ =	shalt  }
0x45: {  	_ =	shalt  }
0x46: {  	_ =	shalt  }
0x47: {  	_ =	shalt  }
0x48: {  	_ =	shalt  }
0x49: {  	_ =	shalt  }
0x4a: {  	_ =	shalt  }
0x4b: {  	_ =	shalt  }
0x4c: {  	_ =	shalt  }
0x4d: {  	_ =	shalt  }
0x4e: {  	_ =	shalt  }
0x4f: {  	_ =	shalt  }
0x50: {  	_ =	shalt  }
0x51: {  	_ =	shalt  }
0x52: {  	_ =	shalt  }
0x53: {  	_ =	shalt  }
0x54: {  	_ =	shalt  }
0x55: {  	_ =	shalt  }
0x56: {  	_ =	shalt  }
0x57: {  	_ =	shalt  }
0x58: {  	_ =	shalt  }
0x59: {  	_ =	shalt  }
0x5a: {  	_ =	shalt  }
0x5b: {  	_ =	shalt  }
0x5c: {  	_ =	shalt  }
0x5d: {  	_ =	shalt  }
0x5e: {  	_ =	shalt  }
0x5f: {  	_ =	shalt  }
0x60: {  	_ =	shalt  }
0x61: {  	_ =	shalt  }
0x62: {  	_ =	shalt  }
0x63: {  	_ =	shalt  }
0x64: {  	_ =	shalt  }
0x65: {  	_ =	shalt  }
0x66: {  	_ =	shalt  }
0x67: {  	_ =	shalt  }
0x68: {  	_ =	shalt  }
0x69: {  	_ =	shalt  }
0x6a: {  	_ =	shalt  }
0x6b: {  	_ =	shalt  }
0x6c: {  	_ =	shalt  }
0x6d: {  	_ =	shalt  }
0x6e: {  	_ =	shalt  }
0x6f: {  	_ =	shalt  }
0x70: {  	_ =	shalt  }
0x71: {  	_ =	shalt  }
0x72: {  	_ =	shalt  }
0x73: {  	_ =	shalt  }
0x74: {  	_ =	shalt  }
0x75: {  	_ =	shalt  }
0x76: {  	_ =	shalt  }
0x77: {  	_ =	shalt  }
0x78: {  	_ =	shalt  }
0x79: {  	_ =	shalt  }
0x7a: {  	_ =	shalt  }
0x7b: {  	_ =	shalt  }
0x7c: {  	_ =	shalt  }
0x7d: {  	_ =	shalt  }
0x7e: {  	_ =	shalt  }
0x7f: {  	_ =	shalt  }
0x80: {  	_ =	shalt  }
0x81: {  	_ =	shalt  }
0x82: {  	_ =	shalt  }
0x83: {  	_ =	shalt  }
0x84: {  	_ =	shalt  }
0x85: {  	_ =	shalt  }
0x86: {  	_ =	shalt  }
0x87: {  	_ =	shalt  }
.Lfunc_end0:
.L_simem_size_0:
called_computation_lowered:
.L_overlay_start_0:
0x88: {  	s2 =	sld [smem:$0x3FD9]  }
0x89: {  	s3 =	sld [smem:$0x3FFE];
	_ =	sdelay $0x1  }
0x8a: {  	s1 =	srdreg.scid  }
0x8b: {  	s0 =	sand.u32 $0x1, s1  }
0x8c: {  	s16 =	sshll.u32 s0, $0xA;
	s2 =	sadd.s32 s3, s2  }
0x8d: {  	s2 =	sadd.s32 s2, s16  }
0x8e: {  	[smem:$0x3FB4] =	sst s2  }
0x8f: {  	_ = 	snop  }
0x90: {  	(tm) =	ssettm $0x1  }
0x91: {  	s17 =	sld [smem:$0x3FFB];
	_ =	sdelay $0x3  }
0x92: {  	_ =	strace s17  }
0x93: {  	s2 =	sld [smem:$0x3FFC];
	_ =	sdelay $0x3  }
0x94: {  	_ =	strace s2  }
0x95: {  	s2 =	sld [smem:$0x3FFD];
	_ =	sdelay $0x3  }
0x96: {  	_ =	strace s2  }
0x97: {  	_ =	strace $0x8FFFFFFF  }
0x98: {  	s18 =	sld [smem:$0x3FDB];
	_ =	sdelay $0x1  }
0x99: {  	s19 =	simm.s32 $_scs_section_size  }
0x9a: {  	s4 =	simm.s32 $_size__tile_overlayer_lowered;
	s5 =	simm.s32 $_tile_overlayer_lowered  }
0x9b: {  	s22 =	simm.s32 $0x1BFF;
	s21 =	sshll.u32 s5, $0x1;
	s2 =	sadd.s32 s19, s18  }
0x9c: {  	s6 =	simm.s32 $0x0;
	s20 =	sshll.u32 s4, $0x1;
	s4 =	sadd.s32 s21, s2  }
0x9d: {  	[timem:s6], [sflag:s22] =	dma.local [hbm:s4], s20  }
0x9e: {  	_ =	swait.ge [sflag:s22], s20  }
0x9f: {  	s3 =	ssub.s32 $0x0, s20;
	[sflag:s22] =	ssyncset.done $0x0  }
0xa0: {  	[sflag:s22] =	ssyncadd.s32 s3;
	_ =	sdelay $0x1  }
0xa1: {  	s23 =	simm.s32 $0x1B8B  }
0xa2: {  	_ =	swait.ge [sflag:s23], $0x1  }
0xa3: {  	[sflag:s23] =	ssyncset.done $0x0  }
0xa4: {  	s25 =	simm.s32 $0x1B8E;
	s24 =	sld [smem:$0x3FFE];
	[sflag:s23] =	ssyncadd.s32 $0xFFFFFFFF  }
0xa5: {  	s26 =	simm.s32 $execute0_lowered;
	[smem:$0x3FD2] =	sst s25  }
0xa6: {  	s4 =	sshll.u32 s26, $0x1;
	_ =	strace $0x80000046;
	[dreg:$0x1] =	wrdreg $0xFFFFFFFF  }
0xa7: {  	s28 =	simm.s32 $_size_execute0_lowered;
	s2 =	sadd.s32 s2, s4;
	[dreg:$0x0] =	wrdreg $0x0  }
0xa8: {  	s4 =	sshll.u32 s28, $0x1;
	[dreg:$0x2] =	wrdreg s2  }
0xa9: {  	[dreg:$0x3] =	wrdreg s4  }
0xaa: {  	[dreg:$0x4] =	wrdreg $0xC0  }
0xab: {  	_ =	task [dreg:s6], $0x5FFFF  }
0xac: {  	[dreg:$0x1] =	wrdreg $0xFFFFFFFF  }
0xad: {  	[dreg:$0x0] =	wrdreg $0x60  }
0xae: {  	[dreg:$0x2] =	wrdreg s24  }
0xaf: {  	[dreg:$0x3] =	wrdreg $0x38400  }
0xb0: {  	[dreg:$0x4] =	wrdreg $0x9  }
0xb1: {  	_ =	task.clear_ibuf [dreg:s6], $0x5FFFF;
	_ =	strace $0x90000046  }
0xb2: {  	s29 =	simm.s32 $0x9;
	_ =	strace $0x80000048  }
0xb3: {  	_ =	swait.ge [sflag:s29], $0x1  }
0xb4: {  	[sflag:s29] =	ssyncadd.s32 $0xFFFFFFFF  }
0xb5: {  	_ =	strace $0x90000048  }
0xb6: {  	_ =	sfence  }
0xb7: {  	s30 =	sld [smem:$0x0];
	_ =	sdelay $0x2  }
0xb8: {  	s31 =	sshll.u32 s1, $0xD;
	s1 =	sshrl.u32 s1, $0x2  }
0xb9: {  	s3 =	sand.u32 $0x4000, s31;
	s1 =	sadd.s32 s1, s30  }
0xba: {  	s0 =	sor.u32 s3, s0;
	s1 =	sshll.u32 s1, $0x11  }
0xbb: {  	s0 =	sor.u32 s1, s0  }
0xbc: {  	s0 =	sadd.s32 $0x8F2B, s0  }
0xbd: {  	[sflag:s0] =	ssyncadd.remote.s32 $0x1  }
0xbe: {  	_ =	sfence.sel $0xFFFF  }
0xbf: {  	[dreg:$0x0] =	wrdreg $0xFFFFFFFF;
	(pc) =	sbr.abs _section_cstart, $3  }
0xc0: {  	[dreg:$0x1] =	wrdreg $0xFFFFFFFF  }
0xc1: {  	_ =	task.clear_ibuf [dreg:s6], $0x2FFFF;
	_ =	strace $0x9FFFFFFF  }
0xc2: {  	(tm) =	ssettm $0x7FFFFFFF  }
0xc3: {  	_ =	shalt  }
tec
execute0_lowered:
.L_overlay_start_1:
0x0: {  	(tag) =	ssettag $0x1  }
0x1: {  	s15 =	rddreg [dreg:$0x0]  }
0x2: {  	s1 =	rddreg [dreg:$0x1]  }
0x3: {  	s0 =	rddreg [dreg:$0x2];
	s3 =	simm.s32 $0x0;
	s4 =	srdreg.scid  }
0x4: {  	s2 =	stileid.u32;
	s21 =	simm.s32 $0x2;
	s22 =	simm.s32 $0x1  }
0x5: {  	s23 =	simm.s32 $0x0;
	[smem:$0x7FF] =	sst s3;
	s5 =	smul.u32 $0x61E00, s2  }
0x6: {  	s14 =	sand.u32 $0x1, s4;
	s17 =	sadd.s32 $0x6400, s15;
	s16 =	smul.u32 $0x18780, s2  }
0x7: {  	s30 =	sshll.u32 s2, $0x1;
	s19 =	smul.u32 $0x19000, s2;
	_ =	strace $0x80000047  }
0x8: {  	s4 =	ssub.s32 $0x2, s14;
	s7 =	sor.u32 s14, s30;
	s20 =	smul.u32 $0xC800, s14  }
0x9: {  	p0 =	seq.s32 s14, $0x1;
	s6 =	sshrl.u32 s4, $0x1;
	s5 =	sshrl.u32 s5, $0x2  }
0xa: {  	s12 =	smul.u32 $0xC800, s7;
	s18 =	ssub.s32 s4, s6;
	s4 =	sadd.s32 s16, s1  }
0xb: {  	s11 =	sadd.s32 s5, s1;
	s16 =	sshrl.u32 s16, $0x3;
	s19 =	sadd.s32 s20, s19  }
0xc: {  	s5 =	sadd.s32 $0x3200, s11;
	s6 =	sadd.s32 $0x6400, s11;
	s7 =	sadd.s32 $0x9600, s11  }
0xd: {  	s8 =	sadd.s32 $0xC800, s11;
	s9 =	sadd.s32 $0xFA00, s11;
	s10 =	sadd.s32 $0x12C00, s11  }
0xe: {  	s12 =	sshrl.u32 s12, $0x3;
	s11 =	sadd.s32 $0x15E00, s11;
	s14 =	smax.u32 s18, $0x1  }
0xf: {  	s18 =	simm.s32 $0x69400;
	s20 =	sadd.s32 $0x960, s19;
	s19 =	sor.u32 $0x640, s19  }
0x10: {  	s12 =	sadd.s32 s17, s12;
	s18 =	simm.s32 @!p0 $0x38400;
	s31 =	sshrl.u32 s20, $0x3  }
0x11: {  	s19 =	sshrl.u32 s19, $0x3;
	s20 =	simm.s32 $0x320;
	s15 =	sadd.s32 s18, s15  }
0x12: {  	s13 =	sadd.s32 $0x64, s12;
	s18 =	simm.s32 $0x640;
	s15 =	sadd.s32 s15, s16  }
0x13: {  	v0 =	vimm.f32 $0.0e+00;
	v1 =	vimm.f32 $1.000000000e+00;
	s16 =	sadd.s32 s31, s17;
	s17 =	sadd.s32 s19, s17;
	s19 =	simm.s32 $0x3  }
.LBB2_1:
0x14: {  	s24 =	simm.s32 $0x40;
	s25 =	simm.s32 $0x0  }
.LBB2_2:
0x15: {  	p0 =	sne.s32 s24, $0xC7C0;
	[tilespmem:s25+$0x640] =	vst v0;
	s25 =	smov.u32 s24;
	s24 =	sadd.s32 $0x40, s24  }
.Ltmp0:
0x16: {  	(pc) =	sbr.rel @p0 .LBB2_2-.Ltmp0, $2  }
0x17: {  	_ =	sdelay $0x2  }
0x18: {  	s25 =	sshra.s32 s25, $0x2  }
0x19: {  	[tilespmem:s25+$0x640] =	vst v0  }
0x1a: {  	[spmem:s4] =	stream.linear.scatter [tilespmem:s18], [sflag:$0x3], $0x3200, $0x38;
	[tilespmem:$0x1BFC0] =	vst v63  }
0x1b: {  	_ =	swait.ge [sflag:s19], $0x3200  }
0x1c: {  	[sflag:s19] =	ssyncset.done $0x0  }
0x1d: {  	[sflag:s19] =	ssyncadd.s32 $0xFFFFCE00  }
0x1e: {  	[spmem:s5] =	stream.linear.scatter [tilespmem:s18], [sflag:$0x3], $0x3200, $0x38;
	[tilespmem:$0x1BFC0] =	vst v63  }
0x1f: {  	_ =	swait.ge [sflag:s19], $0x3200  }
0x20: {  	[sflag:s19] =	ssyncset.done $0x0  }
0x21: {  	[sflag:s19] =	ssyncadd.s32 $0xFFFFCE00  }
0x22: {  	[spmem:s6] =	stream.linear.scatter [tilespmem:s18], [sflag:$0x3], $0x3200, $0x38;
	[tilespmem:$0x1BFC0] =	vst v63  }
0x23: {  	_ =	swait.ge [sflag:s19], $0x3200  }
0x24: {  	[sflag:s19] =	ssyncset.done $0x0  }
0x25: {  	[sflag:s19] =	ssyncadd.s32 $0xFFFFCE00  }
0x26: {  	[spmem:s7] =	stream.linear.scatter [tilespmem:s18], [sflag:$0x3], $0x3200, $0x38;
	[tilespmem:$0x1BFC0] =	vst v63  }
0x27: {  	_ =	swait.ge [sflag:s19], $0x3200  }
0x28: {  	[sflag:s19] =	ssyncset.done $0x0  }
0x29: {  	[sflag:s19] =	ssyncadd.s32 $0xFFFFCE00  }
0x2a: {  	[spmem:s8] =	stream.linear.scatter [tilespmem:s18], [sflag:$0x3], $0x3200, $0x38;
	[tilespmem:$0x1BFC0] =	vst v63  }
0x2b: {  	_ =	swait.ge [sflag:s19], $0x3200  }
0x2c: {  	[sflag:s19] =	ssyncset.done $0x0  }
0x2d: {  	[sflag:s19] =	ssyncadd.s32 $0xFFFFCE00  }
0x2e: {  	[spmem:s9] =	stream.linear.scatter [tilespmem:s18], [sflag:$0x3], $0x3200, $0x38;
	[tilespmem:$0x1BFC0] =	vst v63  }
0x2f: {  	_ =	swait.ge [sflag:s19], $0x3200  }
0x30: {  	[sflag:s19] =	ssyncset.done $0x0  }
0x31: {  	[sflag:s19] =	ssyncadd.s32 $0xFFFFCE00  }
0x32: {  	[spmem:s10] =	stream.linear.scatter [tilespmem:s18], [sflag:$0x3], $0x3200, $0x38;
	[tilespmem:$0x1BFC0] =	vst v63  }
0x33: {  	_ =	swait.ge [sflag:s19], $0x3200  }
0x34: {  	[sflag:s19] =	ssyncset.done $0x0  }
0x35: {  	[sflag:s19] =	ssyncadd.s32 $0xFFFFCE00  }
0x36: {  	[spmem:s11] =	stream.linear.scatter [tilespmem:s18], [sflag:$0x3], $0x2980, $0x38;
	[tilespmem:$0x1BFC0] =	vst v63  }
0x37: {  	_ =	swait.ge [sflag:s19], $0x2980  }
0x38: {  	[sflag:s19] =	ssyncset.done $0x0  }
0x39: {  	s24 =	simm.s32 $0x40;
	s25 =	simm.s32 $0x0;
	[sflag:s19] =	ssyncadd.s32 $0xFFFFD680  }
.LBB2_4:
0x3a: {  	p0 =	sne.s32 s24, $0xC7C0;
	[tilespmem:s25+$0x640] =	vst v1;
	s25 =	smov.u32 s24;
	s24 =	sadd.s32 $0x40, s24  }
.Ltmp1:
0x3b: {  	(pc) =	sbr.rel @p0 .LBB2_4-.Ltmp1, $2  }
0x3c: {  	_ =	sdelay $0x2  }
0x3d: {  	s25 =	sshra.s32 s25, $0x2  }
0x3e: {  	[tilespmem:s25+$0x640] =	vst v1  }
0x3f: {  	s24 =	simm.s32 $0x0;
	[bflag:$0x0] =	sbarrier.arrive $0xFFFF  }
0x40: {  	[tilespmem:s24], [sflag:$0x3] =	stream.linear.gather [hbm4b:s12+s24], $0x320, $0x38;
	[tilespmem:$0x1BFC0] =	vst v63  }
0x41: {  	_ =	swait.ge [sflag:s19], $0x320  }
0x42: {  	[sflag:s19] =	ssyncset.done $0x0  }
0x43: {  	[sflag:s19] =	ssyncadd.s32 $0xFFFFFCE0  }
0x44: {  	[tilespmem:s20], [sflag:$0x2] =	stream.linear.gather [hbm4b:s13+s24], $0x320, $0x38;
	[tilespmem:$0x1BFC0] =	vst v63  }
0x45: {  	_ =	swait.ge [sflag:s21], $0x320  }
0x46: {  	[sflag:s21] =	ssyncset.done $0x0  }
0x47: {  	[sflag:s21] =	ssyncadd.s32 $0xFFFFFCE0  }
0x48: {  	[spmem:s1] =	stream.indirect.scatter.add.f32 [tilespmem:s18], [sflag:$0x1], $0x10, s3, s20, $0xb8;
	[tilespmem:$0x1BFC0] =	vst v63  }
0x49: {  	_ =	swait.ge [sflag:s22], $0x3200  }
0x4a: {  	[sflag:s22] =	ssyncset.done $0x0  }
0x4b: {  	s31 =	sadd.s32 $0x0, s17;
	[sflag:s22] =	ssyncadd.s32 $0xFFFFCE00  }
0x4c: {  	[tilespmem:s3], [sflag:$0x1] =	stream.linear.gather [hbm4b:s31+s3], $0x320, $0x38;
	[tilespmem:$0x1BFC0] =	vst v63  }
0x4d: {  	_ =	swait.ge [sflag:s22], $0x320  }
0x4e: {  	[sflag:s22] =	ssyncset.done $0x0  }
0x4f: {  	[sflag:s22] =	ssyncadd.s32 $0xFFFFFCE0  }
0x50: {  	[spmem:s1] =	stream.indirect.scatter.add.f32 [tilespmem:s18], [sflag:$0x2], $0x10, s20, s20, $0xb8;
	[tilespmem:$0x1BFC0] =	vst v63  }
0x51: {  	_ =	swait.ge [sflag:s21], $0x3200  }
0x52: {  	[sflag:s21] =	ssyncset.done $0x0  }
0x53: {  	s25 =	sadd.s32 $0x0, s16;
	s24 =	simm.s32 $0xC8;
	[sflag:s21] =	ssyncadd.s32 $0xFFFFCE00  }
.LBB2_6:
0x54: {  	[tilespmem:s20], [sflag:$0x2] =	stream.linear.gather [hbm4b:s25+s3], $0x320, $0x38;
	[tilespmem:$0x1BFC0] =	vst v63  }
0x55: {  	s25 =	smov.u32 s24  }
0x56: {  	p0 =	sne.s32 s24, $0x1770;
	s24 =	sadd.s32 $0xC8, s24;
	_ =	swait.ge [sflag:s21], $0x320  }
0x57: {  	[sflag:s21] =	ssyncset.done $0x0  }
0x58: {  	[sflag:s21] =	ssyncadd.s32 $0xFFFFFCE0  }
0x59: {  	[spmem:s1] =	stream.indirect.scatter.add.f32 [tilespmem:s18], [sflag:$0x1], $0x10, s3, s20, $0xb8;
	[tilespmem:$0x1BFC0] =	vst v63  }
0x5a: {  	_ =	swait.ge [sflag:s22], $0x3200  }
0x5b: {  	[sflag:s22] =	ssyncset.done $0x0  }
0x5c: {  	s26 =	sadd.s32 s25, s17;
	[sflag:s22] =	ssyncadd.s32 $0xFFFFCE00  }
0x5d: {  	[tilespmem:s3], [sflag:$0x1] =	stream.linear.gather [hbm4b:s26+s3], $0x320, $0x38;
	[tilespmem:$0x1BFC0] =	vst v63  }
0x5e: {  	_ =	swait.ge [sflag:s22], $0x320  }
0x5f: {  	[sflag:s22] =	ssyncset.done $0x0  }
.Ltmp2:
0x60: {  	[sflag:s22] =	ssyncadd.s32 $0xFFFFFCE0;
	(pc) =	sbr.rel @p0 .LBB2_6-.Ltmp2, $4  }
0x61: {  	[spmem:s1] =	stream.indirect.scatter.add.f32 [tilespmem:s18], [sflag:$0x2], $0x10, s20, s20, $0xb8;
	[tilespmem:$0x1BFC0] =	vst v63  }
0x62: {  	_ =	swait.ge [sflag:s21], $0x3200  }
0x63: {  	[sflag:s21] =	ssyncset.done $0x0  }
0x64: {  	s25 =	sadd.s32 s25, s16;
	[sflag:s21] =	ssyncadd.s32 $0xFFFFCE00  }
0x65: {  	[tilespmem:s20], [sflag:$0x2] =	stream.linear.gather [hbm4b:s25+s3], $0x320, $0x38;
	[tilespmem:$0x1BFC0] =	vst v63  }
0x66: {  	_ =	swait.ge [sflag:s21], $0x320  }
0x67: {  	[sflag:s21] =	ssyncset.done $0x0  }
0x68: {  	[sflag:s21] =	ssyncadd.s32 $0xFFFFFCE0  }
0x69: {  	[spmem:s1] =	stream.indirect.scatter.add.f32 [tilespmem:s18], [sflag:$0x1], $0x10, s3, s20, $0xb8;
	[tilespmem:$0x1BFC0] =	vst v63  }
0x6a: {  	_ =	swait.ge [sflag:s22], $0x3200  }
0x6b: {  	[sflag:s22] =	ssyncset.done $0x0  }
0x6c: {  	[sflag:s22] =	ssyncadd.s32 $0xFFFFCE00  }
0x6d: {  	[spmem:s1] =	stream.indirect.scatter.add.f32 [tilespmem:s18], [sflag:$0x2], $0x10, s20, s20, $0xb8;
	[tilespmem:$0x1BFC0] =	vst v63  }
0x6e: {  	_ =	swait.ge [sflag:s21], $0x3200  }
0x6f: {  	s24 =	sshll.u32 s2, $0x6;
	s23 =	sadd.s32 $0x1, s23;
	[sflag:s21] =	ssyncset.done $0x0  }
0x70: {  	s31 =	sshrl.u32 s4, $0x3;
	p0 =	sne.s32 s23, s14;
	[sflag:s21] =	ssyncadd.s32 $0xFFFFCE00  }
.Ltmp3:
0x71: {  	s24 =	sor.u32 $0x1C03, s24;
	[bflag:$0x0] =	sbarrier.arrive $0xFFFF;
	(pc) =	sbr.rel @p0 .LBB2_1-.Ltmp3, $4  }
0x72: {  	[hbm:s15], [sflag:s24] =	dma.local [spmem:s31], $0x30F0  }
0x73: {  	_ =	swait.ge [sflag:s19], $0x30F0  }
0x74: {  	[sflag:s19] =	ssyncset.done $0x0  }
0x75: {  	[sflag:s19] =	ssyncadd.s32 $0xFFFFCF10  }
0x76: {  	_ =	sfence.sel $0x180000  }
0x77: {  	[bflag:$0x0] =	sbarrier.arrive $0xFFFF  }
0x78: {  	p0 =	sne.s32 s2, $0x0;
	_ =	strace $0x90000047  }
0x79: {  	s0 =	sadd.s32 @!p0 $0x100000, s0;
	[bflag:$0x2] =	sbarrier.arrive $0xFFFF  }
0x7a: {  	[sflag:s0] =	ssyncadd.tile.s32 @!p0 $0x1;
	_ =	shalt  }
.Lfunc_end2:
_tile_overlayer_lowered:
.L_overlay_start_2:
0x7b: {  	(tag) =	ssettag $0x2  }
0x7c: {  	s0 =	rddreg [dreg:$0x0];
	s2 =	stileid.u32  }
0x7d: {  	s1 =	rddreg [dreg:$0x1];
	p0 =	sne.s32 s2, $0x0  }
0x7e: {  	s3 =	rddreg [dreg:$0x2];
	[bflag:$0x3] =	sbarrier.arrive $0xFFFF;
	s2 =	simm.s32 @!p0 $0x1C03  }
0x7f: {  	[timem:s3], [sflag:s2] =	dma.local @!p0 [hbm:s0], s1  }
0x80: {  	s0 =	simm.s32 @!p0 $0x3  }
0x81: {  	_ =	swait.ge @!p0 [sflag:s0], s1  }
0x82: {  	s1 =	ssub.s32 @!p0 $0x0, s1;
	[sflag:s0] =	ssyncset.done @!p0 $0x0  }
0x83: {  	[sflag:s0] =	ssyncadd.s32 @!p0 s1  }
0x84: {  	[bflag:$0x3] =	sbarrier.arrive $0xFFFF  }
0x85: {  	_ =	shalt  }

// kernel: kernel.17.cloned.1.call-start
scs
__scs_entry_jumppad:
0x0: {  	(pc) =	sbr.rel $0x88, $3  }
0x1: {  	(tag) =	ssettag $0x0;
	lr =	simm.s32 $0x1  }
0x2: {  	[smem:$0x3F8D] =	sst lr;
	_ =	strace $0xD0000000  }
0x3: {  	_ = 	snop  }
0x4: {  	_ = 	snop  }
0x5: {  	_ = 	snop  }
0x6: {  	_ = 	snop  }
0x7: {  	_ = 	snop  }
__scs_overlays_trampoline_lowered:
0x8: {  	[smem:$0x3F9C] =	sst s0  }
0x9: {  	[smem:$0x3F9D] =	sst s1  }
0xa: {  	[smem:$0x3F9E] =	sst s2  }
0xb: {  	[smem:$0x3F9F] =	sst s3  }
0xc: {  	[smem:$0x3FA0] =	sst s4  }
0xd: {  	[smem:$0x3FA1] =	sst s5  }
0xe: {  	[smem:$0x3FA2] =	sst s6  }
0xf: {  	[smem:$0x3FA3] =	sst s7  }
0x10: {  	[smem:$0x3FA4] =	sst s8  }
0x11: {  	[smem:$0x3FA5] =	sst s9;
	s0 =	simm.s32 @!p0 $0x0  }
0x12: {  	s1 =	sld [smem:$0x3F8B];
	s0 =	simm.s32 @p0 $0x1  }
0x13: {  	[smem:$0x3FA6] =	sst s0;
	s0 =	simm.s32 @!p1 $0x0  }
0x14: {  	s2 =	sld [smem:$0x3F8A];
	s0 =	simm.s32 @p1 $0x1  }
0x15: {  	[smem:$0x3FA7] =	sst s0;
	s0 =	simm.s32 @!p2 $0x0  }
0x16: {  	s3 =	sld [smem:$0x3FDB];
	s0 =	simm.s32 @p2 $0x1  }
0x17: {  	s4 =	simm.s32 $0x1BF5;
	[smem:$0x3FA9] =	sst s0  }
0x18: {  	s0 =	sld [smem:$0x3F8C];
	_ =	swait.ge [sflag:s4], $0x0  }
0x19: {  	s7 =	sld [smem:$0x3F8D]  }
0x1a: {  	s8 =	sadd.s32 $0xFFFFE003, lr  }
0x1b: {  	s9 =	sadd.s32 $0xFFFFFEF7, lr;
	s5 =	simm.s32 $0xFFFFFFFF;
	p2 =	slt.u32 s8, $0xFFFFF086  }
0x1c: {  	p1 =	slt.u32 s9, $0xF7A;
	s5 =	simm.s32 @!p2 $0x0  }
0x1d: {  	s5 =	simm.s32 @p1 $0x1;
	p0 =	seq.s32 s7, s2  }
0x1e: {  	s7 =	smul.u32 @!p0 $0xF7A, s2;
	p2 =	seq.s32 @!p0 s5, $0x0  }
0x1f: {  	s9 =	smul.u32 $0xF7A, s1;
	s8 =	simm.s32 @!p0 $0x1BF5;
	p2 =	por !p2, p0  }
0x20: {  	[sflag:s8] =	ssyncset.s32 @!p0 $0xFFFFF086;
	s6 =	sadd.s32 @!p0 s3, s7;
	s7 =	simm.s32 @!p0 $0x108  }
0x21: {  	s3 =	sadd.s32 s3, s9;
	s6 =	sadd.s32 @!p0 $0x88, s6;
	s7 =	simm.s32 @p2 $0x1082  }
0x22: {  	[simem:s7], [sflag:s8] =	dma.local @!p0 [hbm:s6], $0xF7A  }
0x23: {  	s9 =	sor.u32 $0xD0000000, s2;
	s6 =	simm.s32 $0x108;
	_ =	swait.ge @!p0 [sflag:s8], $0x0  }
0x24: {  	s3 =	sadd.s32 $0x88, s3;
	s6 =	simm.s32 @!p1 $0x1082;
	[sflag:s4] =	ssyncset.s32 $0xFFFFF086  }
0x25: {  	[simem:s6], [sflag:s4] =	dma.local [hbm:s3], $0xF7A  }
0x26: {  	[smem:$0x3F8D] =	sst s1;
	(tag) =	ssettag s2;
	_ =	strace s9  }
0x27: {  	s1 =	sld [smem:$0x3F9D]  }
0x28: {  	s2 =	sld [smem:$0x3F9E]  }
0x29: {  	s4 =	sld [smem:$0x3FA0]  }
0x2a: {  	p0 =	seq.s32 s5, $0x0;
	s5 =	sld [smem:$0x3FA1]  }
0x2b: {  	s6 =	sld [smem:$0x3FA2]  }
0x2c: {  	s7 =	sld [smem:$0x3FA3]  }
0x2d: {  	s3 =	simm.s32 $0x108;
	s8 =	sld [smem:$0x3FA4]  }
0x2e: {  	s3 =	simm.s32 @!p0 $0x1082;
	s9 =	sld [smem:$0x3FA5]  }
0x2f: {  	lr =	sadd.s32 s0, s3;
	s0 =	sld [smem:$0x3F9C]  }
0x30: {  	s3 =	sld [smem:$0x3F9F]  }
0x31: {  	[smem:$0x3FA8] =	sst s10  }
0x32: {  	s10 =	sld [smem:$0x3FA6];
	_ =	sdelay $0x3  }
0x33: {  	p0 =	seq.s32 s10, $0x1;
	s10 =	sld [smem:$0x3FA8];
	_ =	sdelay $0x3  }
0x34: {  	[smem:$0x3FA8] =	sst s10  }
0x35: {  	s10 =	sld [smem:$0x3FA7];
	_ =	sdelay $0x3  }
0x36: {  	p1 =	seq.s32 s10, $0x1;
	s10 =	sld [smem:$0x3FA8];
	_ =	sdelay $0x3  }
0x37: {  	[smem:$0x3FA8] =	sst s10  }
0x38: {  	s10 =	sld [smem:$0x3FA9]  }
0x39: {  	_ = 	snop;
	(pc) =	sbr.ind lr, $3  }
0x3a: {  	_ = 	snop  }
0x3b: {  	_ = 	snop  }
0x3c: {  	p2 =	seq.s32 s10, $0x1;
	s10 =	sld [smem:$0x3FA8]  }
0x3d: {  	_ =	shalt  }
0x3e: {  	_ =	shalt  }
0x3f: {  	_ =	shalt  }
0x40: {  	_ =	shalt  }
0x41: {  	_ =	shalt  }
0x42: {  	_ =	shalt  }
0x43: {  	_ =	shalt  }
0x44: {  	_ =	shalt  }
0x45: {  	_ =	shalt  }
0x46: {  	_ =	shalt  }
0x47: {  	_ =	shalt  }
0x48: {  	_ =	shalt  }
0x49: {  	_ =	shalt  }
0x4a: {  	_ =	shalt  }
0x4b: {  	_ =	shalt  }
0x4c: {  	_ =	shalt  }
0x4d: {  	_ =	shalt  }
0x4e: {  	_ =	shalt  }
0x4f: {  	_ =	shalt  }
0x50: {  	_ =	shalt  }
0x51: {  	_ =	shalt  }
0x52: {  	_ =	shalt  }
0x53: {  	_ =	shalt  }
0x54: {  	_ =	shalt  }
0x55: {  	_ =	shalt  }
0x56: {  	_ =	shalt  }
0x57: {  	_ =	shalt  }
0x58: {  	_ =	shalt  }
0x59: {  	_ =	shalt  }
0x5a: {  	_ =	shalt  }
0x5b: {  	_ =	shalt  }
0x5c: {  	_ =	shalt  }
0x5d: {  	_ =	shalt  }
0x5e: {  	_ =	shalt  }
0x5f: {  	_ =	shalt  }
0x60: {  	_ =	shalt  }
0x61: {  	_ =	shalt  }
0x62: {  	_ =	shalt  }
0x63: {  	_ =	shalt  }
0x64: {  	_ =	shalt  }
0x65: {  	_ =	shalt  }
0x66: {  	_ =	shalt  }
0x67: {  	_ =	shalt  }
0x68: {  	_ =	shalt  }
0x69: {  	_ =	shalt  }
0x6a: {  	_ =	shalt  }
0x6b: {  	_ =	shalt  }
0x6c: {  	_ =	shalt  }
0x6d: {  	_ =	shalt  }
0x6e: {  	_ =	shalt  }
0x6f: {  	_ =	shalt  }
0x70: {  	_ =	shalt  }
0x71: {  	_ =	shalt  }
0x72: {  	_ =	shalt  }
0x73: {  	_ =	shalt  }
0x74: {  	_ =	shalt  }
0x75: {  	_ =	shalt  }
0x76: {  	_ =	shalt  }
0x77: {  	_ =	shalt  }
0x78: {  	_ =	shalt  }
0x79: {  	_ =	shalt  }
0x7a: {  	_ =	shalt  }
0x7b: {  	_ =	shalt  }
0x7c: {  	_ =	shalt  }
0x7d: {  	_ =	shalt  }
0x7e: {  	_ =	shalt  }
0x7f: {  	_ =	shalt  }
0x80: {  	_ =	shalt  }
0x81: {  	_ =	shalt  }
0x82: {  	_ =	shalt  }
0x83: {  	_ =	shalt  }
0x84: {  	_ =	shalt  }
0x85: {  	_ =	shalt  }
0x86: {  	_ =	shalt  }
0x87: {  	_ =	shalt  }
.Lfunc_end0:
.L_simem_size_0:
called_computation.1_lowered:
.L_overlay_start_0:
0x88: {  	s2 =	sld [smem:$0x3FD9]  }
0x89: {  	s3 =	sld [smem:$0x3FFE];
	_ =	sdelay $0x1  }
0x8a: {  	s1 =	srdreg.scid  }
0x8b: {  	s0 =	sand.u32 $0x1, s1  }
0x8c: {  	s16 =	sshll.u32 s0, $0xA;
	s2 =	sadd.s32 s3, s2  }
0x8d: {  	s2 =	sadd.s32 s2, s16  }
0x8e: {  	[smem:$0x3FB4] =	sst s2  }
0x8f: {  	_ = 	snop  }
0x90: {  	(tm) =	ssettm $0x1  }
0x91: {  	s17 =	sld [smem:$0x3FFB];
	_ =	sdelay $0x3  }
0x92: {  	_ =	strace s17  }
0x93: {  	s2 =	sld [smem:$0x3FFC];
	_ =	sdelay $0x3  }
0x94: {  	_ =	strace s2  }
0x95: {  	s2 =	sld [smem:$0x3FFD];
	_ =	sdelay $0x3  }
0x96: {  	_ =	strace s2  }
0x97: {  	_ =	strace $0x8FFFFFFF  }
0x98: {  	s18 =	sld [smem:$0x3FDB];
	_ =	sdelay $0x1  }
0x99: {  	s19 =	simm.s32 $_scs_section_size  }
0x9a: {  	s4 =	simm.s32 $_size__tile_overlayer_lowered;
	s5 =	simm.s32 $_tile_overlayer_lowered  }
0x9b: {  	s22 =	simm.s32 $0x1BFF;
	s21 =	sshll.u32 s5, $0x1;
	s2 =	sadd.s32 s19, s18  }
0x9c: {  	s6 =	simm.s32 $0x0;
	s20 =	sshll.u32 s4, $0x1;
	s4 =	sadd.s32 s21, s2  }
0x9d: {  	[timem:s6], [sflag:s22] =	dma.local [hbm:s4], s20  }
0x9e: {  	_ =	swait.ge [sflag:s22], s20  }
0x9f: {  	s3 =	ssub.s32 $0x0, s20;
	[sflag:s22] =	ssyncset.done $0x0  }
0xa0: {  	[sflag:s22] =	ssyncadd.s32 s3;
	_ =	sdelay $0x1  }
0xa1: {  	s23 =	simm.s32 $0x1B8B  }
0xa2: {  	_ =	swait.ge [sflag:s23], $0x1  }
0xa3: {  	[sflag:s23] =	ssyncset.done $0x0  }
0xa4: {  	s25 =	simm.s32 $0x1B8E;
	s24 =	sld [smem:$0x3FFE];
	[sflag:s23] =	ssyncadd.s32 $0xFFFFFFFF  }
0xa5: {  	s26 =	simm.s32 $execute0_lowered;
	[smem:$0x3FD2] =	sst s25  }
0xa6: {  	s4 =	sshll.u32 s26, $0x1;
	_ =	strace $0x80000049;
	[dreg:$0x1] =	wrdreg $0xFFFFFFFF  }
0xa7: {  	s28 =	simm.s32 $_size_execute0_lowered;
	s2 =	sadd.s32 s2, s4;
	[dreg:$0x0] =	wrdreg $0x0  }
0xa8: {  	s4 =	sshll.u32 s28, $0x1;
	[dreg:$0x2] =	wrdreg s2  }
0xa9: {  	[dreg:$0x3] =	wrdreg s4  }
0xaa: {  	[dreg:$0x4] =	wrdreg $0xC0  }
0xab: {  	_ =	task [dreg:s6], $0x5FFFF  }
0xac: {  	[dreg:$0x1] =	wrdreg $0xFFFFFFFF  }
0xad: {  	[dreg:$0x0] =	wrdreg $0x60  }
0xae: {  	[dreg:$0x2] =	wrdreg s24  }
0xaf: {  	[dreg:$0x3] =	wrdreg $0x70800  }
0xb0: {  	[dreg:$0x4] =	wrdreg $0x9  }
0xb1: {  	_ =	task.clear_ibuf [dreg:s6], $0x5FFFF;
	_ =	strace $0x90000049  }
0xb2: {  	s29 =	simm.s32 $0x9;
	_ =	strace $0x8000004B  }
0xb3: {  	_ =	swait.ge [sflag:s29], $0x1  }
0xb4: {  	[sflag:s29] =	ssyncadd.s32 $0xFFFFFFFF  }
0xb5: {  	_ =	strace $0x9000004B  }
0xb6: {  	_ =	sfence  }
0xb7: {  	s30 =	sld [smem:$0x0];
	_ =	sdelay $0x2  }
0xb8: {  	s31 =	sshll.u32 s1, $0xD;
	s1 =	sshrl.u32 s1, $0x2  }
0xb9: {  	s3 =	sand.u32 $0x4000, s31;
	s1 =	sadd.s32 s1, s30  }
0xba: {  	s0 =	sor.u32 s3, s0;
	s1 =	sshll.u32 s1, $0x11  }
0xbb: {  	s0 =	sor.u32 s1, s0  }
0xbc: {  	s0 =	sadd.s32 $0x8F2B, s0  }
0xbd: {  	[sflag:s0] =	ssyncadd.remote.s32 $0x1  }
0xbe: {  	_ =	sfence.sel $0xFFFF  }
0xbf: {  	[dreg:$0x0] =	wrdreg $0xFFFFFFFF;
	(pc) =	sbr.abs _section_cstart, $3  }
0xc0: {  	[dreg:$0x1] =	wrdreg $0xFFFFFFFF  }
0xc1: {  	_ =	task.clear_ibuf [dreg:s6], $0x2FFFF;
	_ =	strace $0x9FFFFFFF  }
0xc2: {  	(tm) =	ssettm $0x7FFFFFFF  }
0xc3: {  	_ =	shalt  }
tec
execute0_lowered:
.L_overlay_start_1:
0x0: {  	(tag) =	ssettag $0x1  }
0x1: {  	s0 =	rddreg [dreg:$0x0]  }
0x2: {  	s1 =	rddreg [dreg:$0x1]  }
0x3: {  	s2 =	simm.s32 $0x0;
	s4 =	srdreg.scid;
	s16 =	stileid.u32  }
0x4: {  	s28 =	simm.s32 $0x960;
	s29 =	simm.s32 $0x4;
	s30 =	simm.s32 $0x3E80  }
0x5: {  	s31 =	simm.s32 $0x1;
	[smem:$0x7FF] =	sst s2;
	s3 =	sadd.s32 $0x220E00, s0  }
0x6: {  	s6 =	sadd.s32 $0x6400, s0;
	s7 =	sand.u32 $0x1, s4;
	s8 =	smul.u32 $0x61E00, s16  }
0x7: {  	s4 =	sadd.s32 $0x38400, s0;
	s17 =	smul.u32 $0x18780, s16;
	s10 =	sshll.u32 s16, $0x1  }
0x8: {  	_ =	strace $0x8000004A;
	s5 =	ssub.s32 $0x2, s7;
	s14 =	sor.u32 s7, s10  }
0x9: {  	s23 =	smul.u32 $0xC800, s7;
	p0 =	seq.s32 s7, $0x1;
	s8 =	sshrl.u32 s8, $0x2  }
0xa: {  	s9 =	sshrl.u32 s5, $0x1;
	s11 =	smul.u32 $0xC800, s14;
	s8 =	sadd.s32 s8, s1  }
0xb: {  	s24 =	sshrl.u32 s17, $0x3;
	s18 =	ssub.s32 s5, s9;
	s15 =	sadd.s32 $0x3200, s8  }
0xc: {  	s5 =	sadd.s32 s17, s1;
	s19 =	sadd.s32 $0x6400, s8;
	[dreg:$0x3] =	wrdreg s15  }
0xd: {  	s20 =	sadd.s32 $0x9600, s8;
	s21 =	sadd.s32 $0xC800, s8;
	[dreg:$0x4] =	wrdreg s19  }
0xe: {  	s10 =	sadd.s32 $0xFA00, s8;
	s12 =	sadd.s32 $0x15E00, s8;
	[dreg:$0x5] =	wrdreg s20  }
0xf: {  	s17 =	smax.u32 s18, $0x1;
	[dreg:$0x6] =	wrdreg s21;
	s15 =	sshrl.u32 s11, $0x3  }
0x10: {  	s11 =	sadd.s32 $0x12C00, s8;
	s19 =	smul.u32 $0x19000, s16;
	s20 =	simm.s32 $0x9A200  }
0x11: {  	s13 =	sadd.s32 s3, s15;
	s14 =	sadd.s32 s6, s15;
	s22 =	sor.u32 $0x64, s15  }
0x12: {  	s20 =	simm.s32 @!p0 $0x69200;
	s15 =	sadd.s32 s3, s22;
	s16 =	sadd.s32 s6, s22  }
0x13: {  	s8 =	sadd.s32 s23, s19;
	s0 =	sadd.s32 s20, s0;
	s23 =	simm.s32 $0xC80  }
0x14: {  	s19 =	sadd.s32 $0x960, s8;
	s8 =	sor.u32 $0x640, s8;
	s18 =	sadd.s32 s0, s24  }
0x15: {  	s24 =	simm.s32 $0x5;
	s0 =	simm.s32 $0x3;
	s25 =	sshrl.u32 s19, $0x3  }
0x16: {  	s26 =	sshrl.u32 s8, $0x3;
	s19 =	sadd.s32 s25, s6;
	s20 =	sadd.s32 s25, s3  }
0x17: {  	s21 =	sadd.s32 s26, s6;
	s22 =	sadd.s32 s26, s3;
	s25 =	simm.s32 $0x640  }
0x18: {  	v0 =	vimm.f32 $0.0e+00;
	s26 =	simm.s32 $0x320;
	s3 =	simm.s32 $0x2;
	s6 =	simm.s32 $0x0  }
.LBB2_1:
0x19: {  	s7 =	simm.s32 $0x40;
	s8 =	simm.s32 $0x0  }
.LBB2_2:
0x1a: {  	p0 =	sne.s32 s7, $0xC7C0;
	[tilespmem:s8+$0xC80] =	vst v0;
	s8 =	smov.u32 s7;
	s7 =	sadd.s32 $0x40, s7  }
.Ltmp0:
0x1b: {  	(pc) =	sbr.rel @p0 .LBB2_2-.Ltmp0, $2  }
0x1c: {  	_ =	sdelay $0x2  }
0x1d: {  	s8 =	sshra.s32 s8, $0x2  }
0x1e: {  	[tilespmem:s8+$0xC80] =	vst v0  }
0x1f: {  	[spmem:s5] =	stream.linear.scatter [tilespmem:s23], [sflag:$0x5], $0x3200, $0x38;
	[tilespmem:$0x1F800] =	vst v63  }
0x20: {  	_ =	swait.ge [sflag:s24], $0x3200  }
0x21: {  	[sflag:s24] =	ssyncset.done $0x0  }
0x22: {  	s7 =	rddreg [dreg:$0x3];
	[sflag:s24] =	ssyncadd.s32 $0xFFFFCE00  }
0x23: {  	[spmem:s7] =	stream.linear.scatter [tilespmem:s23], [sflag:$0x5], $0x3200, $0x38;
	[tilespmem:$0x1F800] =	vst v63  }
0x24: {  	_ =	swait.ge [sflag:s24], $0x3200  }
0x25: {  	[sflag:s24] =	ssyncset.done $0x0  }
0x26: {  	s9 =	rddreg [dreg:$0x4];
	[sflag:s24] =	ssyncadd.s32 $0xFFFFCE00  }
0x27: {  	[spmem:s9] =	stream.linear.scatter [tilespmem:s23], [sflag:$0x5], $0x3200, $0x38;
	[tilespmem:$0x1F800] =	vst v63  }
0x28: {  	_ =	swait.ge [sflag:s24], $0x3200  }
0x29: {  	[sflag:s24] =	ssyncset.done $0x0  }
0x2a: {  	s8 =	rddreg [dreg:$0x5];
	[sflag:s24] =	ssyncadd.s32 $0xFFFFCE00  }
0x2b: {  	[spmem:s8] =	stream.linear.scatter [tilespmem:s23], [sflag:$0x5], $0x3200, $0x38;
	[tilespmem:$0x1F800] =	vst v63  }
0x2c: {  	_ =	swait.ge [sflag:s24], $0x3200  }
0x2d: {  	[sflag:s24] =	ssyncset.done $0x0  }
0x2e: {  	s9 =	rddreg [dreg:$0x6];
	[sflag:s24] =	ssyncadd.s32 $0xFFFFCE00  }
0x2f: {  	[spmem:s9] =	stream.linear.scatter [tilespmem:s23], [sflag:$0x5], $0x3200, $0x38;
	[tilespmem:$0x1F800] =	vst v63  }
0x30: {  	_ =	swait.ge [sflag:s24], $0x3200  }
0x31: {  	[sflag:s24] =	ssyncset.done $0x0  }
0x32: {  	[sflag:s24] =	ssyncadd.s32 $0xFFFFCE00  }
0x33: {  	[spmem:s10] =	stream.linear.scatter [tilespmem:s23], [sflag:$0x5], $0x3200, $0x38;
	[tilespmem:$0x1F800] =	vst v63  }
0x34: {  	_ =	swait.ge [sflag:s24], $0x3200  }
0x35: {  	[sflag:s24] =	ssyncset.done $0x0  }
0x36: {  	[sflag:s24] =	ssyncadd.s32 $0xFFFFCE00  }
0x37: {  	[spmem:s11] =	stream.linear.scatter [tilespmem:s23], [sflag:$0x5], $0x3200, $0x38;
	[tilespmem:$0x1F800] =	vst v63  }
0x38: {  	_ =	swait.ge [sflag:s24], $0x3200  }
0x39: {  	[sflag:s24] =	ssyncset.done $0x0  }
0x3a: {  	[sflag:s24] =	ssyncadd.s32 $0xFFFFCE00  }
0x3b: {  	[spmem:s12] =	stream.linear.scatter [tilespmem:s23], [sflag:$0x5], $0x2980, $0x38;
	[tilespmem:$0x1F800] =	vst v63  }
0x3c: {  	_ =	swait.ge [sflag:s24], $0x2980  }
0x3d: {  	[sflag:s24] =	ssyncset.done $0x0  }
0x3e: {  	[sflag:s24] =	ssyncadd.s32 $0xFFFFD680  }
0x3f: {  	s8 =	simm.s32 $0x0;
	[bflag:$0x0] =	sbarrier.arrive $0xFFFF  }
0x40: {  	[tilespmem:s8], [sflag:$0x5] =	stream.linear.gather [hbm4b:s13+s8], $0x320, $0x38;
	[tilespmem:$0x1F800] =	vst v63  }
0x41: {  	_ =	swait.ge [sflag:s24], $0x320  }
0x42: {  	[sflag:s24] =	ssyncset.done $0x0  }
0x43: {  	[sflag:s24] =	ssyncadd.s32 $0xFFFFFCE0  }
0x44: {  	[tilespmem:s25], [sflag:$0x5] =	stream.linear.gather [hbm4b:s14+s8], $0x320, $0x38;
	[tilespmem:$0x1F800] =	vst v63  }
0x45: {  	_ =	swait.ge [sflag:s24], $0x320  }
0x46: {  	[sflag:s24] =	ssyncset.done $0x0  }
0x47: {  	[sflag:s24] =	ssyncadd.s32 $0xFFFFFCE0  }
0x48: {  	[tilespmem:s23], [sflag:$0x1] =	stream.indirect.gather [hbm4b:s4+s26], $0x10, s8, s26, $0xb8;
	[tilespmem:$0x1F800] =	vst v63  }
0x49: {  	_ = 	snop  }
0x4a: {  	[tilespmem:s26], [sflag:$0x4] =	stream.linear.gather [hbm4b:s15+s8], $0x320, $0x38;
	[tilespmem:$0x1F800] =	vst v63  }
0x4b: {  	_ = 	snop  }
0x4c: {  	[tilespmem:s28], [sflag:$0x4] =	stream.linear.gather [hbm4b:s16+s8], $0x320, $0x38;
	[tilespmem:$0x1F800] =	vst v63  }
0x4d: {  	_ =	swait.ge [sflag:s29], $0x320  }
0x4e: {  	[sflag:s29] =	ssyncset.done $0x0  }
0x4f: {  	[sflag:s29] =	ssyncadd.s32 $0xFFFFFCE0  }
0x50: {  	_ =	swait.ge [sflag:s29], $0x320  }
0x51: {  	[sflag:s29] =	ssyncset.done $0x0  }
0x52: {  	[sflag:s29] =	ssyncadd.s32 $0xFFFFFCE0  }
0x53: {  	[tilespmem:s30], [sflag:$0x2] =	stream.indirect.gather [hbm4b:s4+s26], $0x10, s26, s26, $0xb8;
	[tilespmem:$0x1F800] =	vst v63  }
0x54: {  	_ =	swait.ge [sflag:s31], $0x3200  }
0x55: {  	[sflag:s31] =	ssyncset.done $0x0  }
0x56: {  	[sflag:s31] =	ssyncadd.s32 $0xFFFFCE00  }
0x57: {  	[spmem:s1] =	stream.indirect.scatter.add.f32 [tilespmem:s23], [sflag:$0x3], $0x10, s25, s26, $0xb8;
	[tilespmem:$0x1F800] =	vst v63  }
0x58: {  	_ =	swait.ge [sflag:s0], $0x3200  }
0x59: {  	[sflag:s0] =	ssyncset.done $0x0  }
0x5a: {  	s9 =	sadd.s32 $0x0, s22;
	[sflag:s0] =	ssyncadd.s32 $0xFFFFCE00  }
0x5b: {  	[tilespmem:s2], [sflag:$0x3] =	stream.linear.gather [hbm4b:s9+s2], $0x320, $0x38;
	[tilespmem:$0x1F800] =	vst v63  }
0x5c: {  	s8 =	sadd.s32 $0x0, s21  }
0x5d: {  	[tilespmem:s25], [sflag:$0x3] =	stream.linear.gather [hbm4b:s8+s2], $0x320, $0x38;
	[tilespmem:$0x1F800] =	vst v63  }
0x5e: {  	_ =	swait.ge [sflag:s0], $0x320  }
0x5f: {  	[sflag:s0] =	ssyncset.done $0x0  }
0x60: {  	[sflag:s0] =	ssyncadd.s32 $0xFFFFFCE0  }
0x61: {  	_ =	swait.ge [sflag:s0], $0x320  }
0x62: {  	[sflag:s0] =	ssyncset.done $0x0  }
0x63: {  	[sflag:s0] =	ssyncadd.s32 $0xFFFFFCE0  }
0x64: {  	[tilespmem:s23], [sflag:$0x1] =	stream.indirect.gather [hbm4b:s4+s26], $0x10, s2, s26, $0xb8;
	[tilespmem:$0x1F800] =	vst v63  }
0x65: {  	_ =	swait.ge [sflag:s3], $0x3200  }
0x66: {  	[sflag:s3] =	ssyncset.done $0x0  }
0x67: {  	[sflag:s3] =	ssyncadd.s32 $0xFFFFCE00  }
0x68: {  	[spmem:s1] =	stream.indirect.scatter.add.f32 [tilespmem:s30], [sflag:$0x4], $0x10, s28, s26, $0xb8;
	[tilespmem:$0x1F800] =	vst v63  }
0x69: {  	_ =	swait.ge [sflag:s29], $0x3200  }
0x6a: {  	s7 =	simm.s32 $0xC8;
	[sflag:s29] =	ssyncset.done $0x0  }
0x6b: {  	s9 =	sadd.s32 $0x0, s20;
	s8 =	sadd.s32 $0x0, s19;
	[sflag:s29] =	ssyncadd.s32 $0xFFFFCE00  }
0x6c: {  	[tilespmem:s26], [sflag:$0x4] =	stream.linear.gather [hbm4b:s9+s2], $0x320, $0x38;
	[tilespmem:$0x1F800] =	vst v63  }
.LBB2_4:
0x6d: {  	[tilespmem:s28], [sflag:$0x4] =	stream.linear.gather [hbm4b:s8+s2], $0x320, $0x38;
	[tilespmem:$0x1F800] =	vst v63  }
0x6e: {  	s8 =	smov.u32 s7  }
0x6f: {  	p0 =	sne.s32 s7, $0x1770;
	s7 =	sadd.s32 $0xC8, s7;
	_ =	swait.ge [sflag:s29], $0x320  }
0x70: {  	[sflag:s29] =	ssyncset.done $0x0  }
0x71: {  	[sflag:s29] =	ssyncadd.s32 $0xFFFFFCE0  }
0x72: {  	_ =	swait.ge [sflag:s29], $0x320  }
0x73: {  	[sflag:s29] =	ssyncset.done $0x0  }
0x74: {  	[sflag:s29] =	ssyncadd.s32 $0xFFFFFCE0  }
0x75: {  	[tilespmem:s30], [sflag:$0x2] =	stream.indirect.gather [hbm4b:s4+s26], $0x10, s26, s26, $0xb8;
	[tilespmem:$0x1F800] =	vst v63  }
0x76: {  	_ =	swait.ge [sflag:s31], $0x3200  }
0x77: {  	[sflag:s31] =	ssyncset.done $0x0  }
0x78: {  	[sflag:s31] =	ssyncadd.s32 $0xFFFFCE00  }
0x79: {  	[spmem:s1] =	stream.indirect.scatter.add.f32 [tilespmem:s23], [sflag:$0x3], $0x10, s25, s26, $0xb8;
	[tilespmem:$0x1F800] =	vst v63  }
0x7a: {  	_ =	swait.ge [sflag:s0], $0x3200  }
0x7b: {  	[sflag:s0] =	ssyncset.done $0x0  }
0x7c: {  	s9 =	sadd.s32 s8, s22;
	[sflag:s0] =	ssyncadd.s32 $0xFFFFCE00  }
0x7d: {  	[tilespmem:s2], [sflag:$0x3] =	stream.linear.gather [hbm4b:s9+s2], $0x320, $0x38;
	[tilespmem:$0x1F800] =	vst v63  }
0x7e: {  	s9 =	sadd.s32 s8, s21  }
0x7f: {  	[tilespmem:s25], [sflag:$0x3] =	stream.linear.gather [hbm4b:s9+s2], $0x320, $0x38;
	[tilespmem:$0x1F800] =	vst v63  }
0x80: {  	_ =	swait.ge [sflag:s0], $0x320  }
0x81: {  	[sflag:s0] =	ssyncset.done $0x0  }
0x82: {  	[sflag:s0] =	ssyncadd.s32 $0xFFFFFCE0  }
0x83: {  	_ =	swait.ge [sflag:s0], $0x320  }
0x84: {  	[sflag:s0] =	ssyncset.done $0x0  }
0x85: {  	[sflag:s0] =	ssyncadd.s32 $0xFFFFFCE0  }
0x86: {  	[tilespmem:s23], [sflag:$0x1] =	stream.indirect.gather [hbm4b:s4+s26], $0x10, s2, s26, $0xb8;
	[tilespmem:$0x1F800] =	vst v63  }
0x87: {  	_ =	swait.ge [sflag:s3], $0x3200  }
0x88: {  	[sflag:s3] =	ssyncset.done $0x0  }
0x89: {  	[sflag:s3] =	ssyncadd.s32 $0xFFFFCE00  }
0x8a: {  	[spmem:s1] =	stream.indirect.scatter.add.f32 [tilespmem:s30], [sflag:$0x4], $0x10, s28, s26, $0xb8;
	[tilespmem:$0x1F800] =	vst v63  }
.Ltmp1:
0x8b: {  	_ =	swait.ge [sflag:s29], $0x3200;
	(pc) =	sbr.rel @p0 .LBB2_4-.Ltmp1, $4  }
0x8c: {  	[sflag:s29] =	ssyncset.done $0x0  }
0x8d: {  	s9 =	sadd.s32 s8, s20;
	[sflag:s29] =	ssyncadd.s32 $0xFFFFCE00  }
0x8e: {  	[tilespmem:s26], [sflag:$0x4] =	stream.linear.gather [hbm4b:s9+s2], $0x320, $0x38;
	[tilespmem:$0x1F800] =	vst v63  }
0x8f: {  	s8 =	sadd.s32 s8, s19  }
0x90: {  	[tilespmem:s28], [sflag:$0x4] =	stream.linear.gather [hbm4b:s8+s2], $0x320, $0x38;
	[tilespmem:$0x1F800] =	vst v63  }
0x91: {  	_ =	swait.ge [sflag:s29], $0x320  }
0x92: {  	[sflag:s29] =	ssyncset.done $0x0  }
0x93: {  	[sflag:s29] =	ssyncadd.s32 $0xFFFFFCE0  }
0x94: {  	_ =	swait.ge [sflag:s29], $0x320  }
0x95: {  	[sflag:s29] =	ssyncset.done $0x0  }
0x96: {  	[sflag:s29] =	ssyncadd.s32 $0xFFFFFCE0  }
0x97: {  	[tilespmem:s30], [sflag:$0x2] =	stream.indirect.gather [hbm4b:s4+s26], $0x10, s26, s26, $0xb8;
	[tilespmem:$0x1F800] =	vst v63  }
0x98: {  	_ =	swait.ge [sflag:s31], $0x3200  }
0x99: {  	[sflag:s31] =	ssyncset.done $0x0  }
0x9a: {  	[sflag:s31] =	ssyncadd.s32 $0xFFFFCE00  }
0x9b: {  	[spmem:s1] =	stream.indirect.scatter.add.f32 [tilespmem:s23], [sflag:$0x3], $0x10, s25, s26, $0xb8;
	[tilespmem:$0x1F800] =	vst v63  }
0x9c: {  	_ =	swait.ge [sflag:s0], $0x3200  }
0x9d: {  	[sflag:s0] =	ssyncset.done $0x0  }
0x9e: {  	[sflag:s0] =	ssyncadd.s32 $0xFFFFCE00  }
0x9f: {  	_ =	swait.ge [sflag:s3], $0x3200  }
0xa0: {  	[sflag:s3] =	ssyncset.done $0x0  }
0xa1: {  	[sflag:s3] =	ssyncadd.s32 $0xFFFFCE00  }
0xa2: {  	[spmem:s1] =	stream.indirect.scatter.add.f32 [tilespmem:s30], [sflag:$0x4], $0x10, s28, s26, $0xb8;
	[tilespmem:$0x1F800] =	vst v63  }
0xa3: {  	s7 =	stileid.u32;
	_ =	swait.ge [sflag:s29], $0x3200  }
0xa4: {  	s9 =	sshrl.u32 s5, $0x3;
	s6 =	sadd.s32 $0x1, s6;
	[sflag:s29] =	ssyncset.done $0x0  }
0xa5: {  	s7 =	sshll.u32 s7, $0x6;
	p0 =	sne.s32 s6, s17;
	[sflag:s29] =	ssyncadd.s32 $0xFFFFCE00  }
.Ltmp2:
0xa6: {  	s7 =	sor.u32 $0x1C05, s7;
	[bflag:$0x0] =	sbarrier.arrive $0xFFFF;
	(pc) =	sbr.rel @p0 .LBB2_1-.Ltmp2, $4  }
0xa7: {  	[hbm:s18], [sflag:s7] =	dma.local [spmem:s9], $0x30F0  }
0xa8: {  	_ =	swait.ge [sflag:s24], $0x30F0  }
0xa9: {  	[sflag:s24] =	ssyncset.done $0x0  }
0xaa: {  	[sflag:s24] =	ssyncadd.s32 $0xFFFFCF10  }
0xab: {  	_ =	sfence.sel $0x180000  }
0xac: {  	[bflag:$0x0] =	sbarrier.arrive $0xFFFF  }
0xad: {  	_ =	strace $0x9000004A  }
0xae: {  	s0 =	stileid.u32;
	[bflag:$0x2] =	sbarrier.arrive $0xFFFF  }
0xaf: {  	p0 =	sne.s32 s0, $0x0;
	s0 =	rddreg [dreg:$0x2]  }
0xb0: {  	s0 =	sadd.s32 @!p0 $0x100000, s0  }
0xb1: {  	[sflag:s0] =	ssyncadd.tile.s32 @!p0 $0x1;
	_ =	shalt  }
.Lfunc_end2:
_tile_overlayer_lowered:
.L_overlay_start_2:
0xb2: {  	(tag) =	ssettag $0x2  }
0xb3: {  	s0 =	rddreg [dreg:$0x0];
	s2 =	stileid.u32  }
0xb4: {  	s1 =	rddreg [dreg:$0x1];
	p0 =	sne.s32 s2, $0x0  }
0xb5: {  	s3 =	rddreg [dreg:$0x2];
	[bflag:$0x3] =	sbarrier.arrive $0xFFFF;
	s2 =	simm.s32 @!p0 $0x1C05  }
0xb6: {  	[timem:s3], [sflag:s2] =	dma.local @!p0 [hbm:s0], s1  }
0xb7: {  	s0 =	simm.s32 @!p0 $0x5  }
0xb8: {  	_ =	swait.ge @!p0 [sflag:s0], s1  }
0xb9: {  	s1 =	ssub.s32 @!p0 $0x0, s1;
	[sflag:s0] =	ssyncset.done @!p0 $0x0  }
0xba: {  	[sflag:s0] =	ssyncadd.s32 @!p0 s1  }
0xbb: {  	[bflag:$0x3] =	sbarrier.arrive $0xFFFF  }
0xbc: {  	_ =	shalt  }

// kernel: kernel.20.cloned.1.call-start
scs
__scs_entry_jumppad:
0x0: {  	(pc) =	sbr.rel $0x88, $3  }
0x1: {  	(tag) =	ssettag $0x0;
	lr =	simm.s32 $0x1  }
0x2: {  	[smem:$0x3F8D] =	sst lr;
	_ =	strace $0xD0000000  }
0x3: {  	_ = 	snop  }
0x4: {  	_ = 	snop  }
0x5: {  	_ = 	snop  }
0x6: {  	_ = 	snop  }
0x7: {  	_ = 	snop  }
__scs_overlays_trampoline_lowered:
0x8: {  	[smem:$0x3F9C] =	sst s0  }
0x9: {  	[smem:$0x3F9D] =	sst s1  }
0xa: {  	[smem:$0x3F9E] =	sst s2  }
0xb: {  	[smem:$0x3F9F] =	sst s3  }
0xc: {  	[smem:$0x3FA0] =	sst s4  }
0xd: {  	[smem:$0x3FA1] =	sst s5  }
0xe: {  	[smem:$0x3FA2] =	sst s6  }
0xf: {  	[smem:$0x3FA3] =	sst s7  }
0x10: {  	[smem:$0x3FA4] =	sst s8  }
0x11: {  	[smem:$0x3FA5] =	sst s9;
	s0 =	simm.s32 @!p0 $0x0  }
0x12: {  	s1 =	sld [smem:$0x3F8B];
	s0 =	simm.s32 @p0 $0x1  }
0x13: {  	[smem:$0x3FA6] =	sst s0;
	s0 =	simm.s32 @!p1 $0x0  }
0x14: {  	s2 =	sld [smem:$0x3F8A];
	s0 =	simm.s32 @p1 $0x1  }
0x15: {  	[smem:$0x3FA7] =	sst s0;
	s0 =	simm.s32 @!p2 $0x0  }
0x16: {  	s3 =	sld [smem:$0x3FDB];
	s0 =	simm.s32 @p2 $0x1  }
0x17: {  	s4 =	simm.s32 $0x1BF5;
	[smem:$0x3FA9] =	sst s0  }
0x18: {  	s0 =	sld [smem:$0x3F8C];
	_ =	swait.ge [sflag:s4], $0x0  }
0x19: {  	s7 =	sld [smem:$0x3F8D]  }
0x1a: {  	s8 =	sadd.s32 $0xFFFFE003, lr  }
0x1b: {  	s9 =	sadd.s32 $0xFFFFFEF7, lr;
	s5 =	simm.s32 $0xFFFFFFFF;
	p2 =	slt.u32 s8, $0xFFFFF086  }
0x1c: {  	p1 =	slt.u32 s9, $0xF7A;
	s5 =	simm.s32 @!p2 $0x0  }
0x1d: {  	s5 =	simm.s32 @p1 $0x1;
	p0 =	seq.s32 s7, s2  }
0x1e: {  	s7 =	smul.u32 @!p0 $0xF7A, s2;
	p2 =	seq.s32 @!p0 s5, $0x0  }
0x1f: {  	s9 =	smul.u32 $0xF7A, s1;
	s8 =	simm.s32 @!p0 $0x1BF5;
	p2 =	por !p2, p0  }
0x20: {  	[sflag:s8] =	ssyncset.s32 @!p0 $0xFFFFF086;
	s6 =	sadd.s32 @!p0 s3, s7;
	s7 =	simm.s32 @!p0 $0x108  }
0x21: {  	s3 =	sadd.s32 s3, s9;
	s6 =	sadd.s32 @!p0 $0x88, s6;
	s7 =	simm.s32 @p2 $0x1082  }
0x22: {  	[simem:s7], [sflag:s8] =	dma.local @!p0 [hbm:s6], $0xF7A  }
0x23: {  	s9 =	sor.u32 $0xD0000000, s2;
	s6 =	simm.s32 $0x108;
	_ =	swait.ge @!p0 [sflag:s8], $0x0  }
0x24: {  	s3 =	sadd.s32 $0x88, s3;
	s6 =	simm.s32 @!p1 $0x1082;
	[sflag:s4] =	ssyncset.s32 $0xFFFFF086  }
0x25: {  	[simem:s6], [sflag:s4] =	dma.local [hbm:s3], $0xF7A  }
0x26: {  	[smem:$0x3F8D] =	sst s1;
	(tag) =	ssettag s2;
	_ =	strace s9  }
0x27: {  	s1 =	sld [smem:$0x3F9D]  }
0x28: {  	s2 =	sld [smem:$0x3F9E]  }
0x29: {  	s4 =	sld [smem:$0x3FA0]  }
0x2a: {  	p0 =	seq.s32 s5, $0x0;
	s5 =	sld [smem:$0x3FA1]  }
0x2b: {  	s6 =	sld [smem:$0x3FA2]  }
0x2c: {  	s7 =	sld [smem:$0x3FA3]  }
0x2d: {  	s3 =	simm.s32 $0x108;
	s8 =	sld [smem:$0x3FA4]  }
0x2e: {  	s3 =	simm.s32 @!p0 $0x1082;
	s9 =	sld [smem:$0x3FA5]  }
0x2f: {  	lr =	sadd.s32 s0, s3;
	s0 =	sld [smem:$0x3F9C]  }
0x30: {  	s3 =	sld [smem:$0x3F9F]  }
0x31: {  	[smem:$0x3FA8] =	sst s10  }
0x32: {  	s10 =	sld [smem:$0x3FA6];
	_ =	sdelay $0x3  }
0x33: {  	p0 =	seq.s32 s10, $0x1;
	s10 =	sld [smem:$0x3FA8];
	_ =	sdelay $0x3  }
0x34: {  	[smem:$0x3FA8] =	sst s10  }
0x35: {  	s10 =	sld [smem:$0x3FA7];
	_ =	sdelay $0x3  }
0x36: {  	p1 =	seq.s32 s10, $0x1;
	s10 =	sld [smem:$0x3FA8];
	_ =	sdelay $0x3  }
0x37: {  	[smem:$0x3FA8] =	sst s10  }
0x38: {  	s10 =	sld [smem:$0x3FA9]  }
0x39: {  	_ = 	snop;
	(pc) =	sbr.ind lr, $3  }
0x3a: {  	_ = 	snop  }
0x3b: {  	_ = 	snop  }
0x3c: {  	p2 =	seq.s32 s10, $0x1;
	s10 =	sld [smem:$0x3FA8]  }
0x3d: {  	_ =	shalt  }
0x3e: {  	_ =	shalt  }
0x3f: {  	_ =	shalt  }
0x40: {  	_ =	shalt  }
0x41: {  	_ =	shalt  }
0x42: {  	_ =	shalt  }
0x43: {  	_ =	shalt  }
0x44: {  	_ =	shalt  }
0x45: {  	_ =	shalt  }
0x46: {  	_ =	shalt  }
0x47: {  	_ =	shalt  }
0x48: {  	_ =	shalt  }
0x49: {  	_ =	shalt  }
0x4a: {  	_ =	shalt  }
0x4b: {  	_ =	shalt  }
0x4c: {  	_ =	shalt  }
0x4d: {  	_ =	shalt  }
0x4e: {  	_ =	shalt  }
0x4f: {  	_ =	shalt  }
0x50: {  	_ =	shalt  }
0x51: {  	_ =	shalt  }
0x52: {  	_ =	shalt  }
0x53: {  	_ =	shalt  }
0x54: {  	_ =	shalt  }
0x55: {  	_ =	shalt  }
0x56: {  	_ =	shalt  }
0x57: {  	_ =	shalt  }
0x58: {  	_ =	shalt  }
0x59: {  	_ =	shalt  }
0x5a: {  	_ =	shalt  }
0x5b: {  	_ =	shalt  }
0x5c: {  	_ =	shalt  }
0x5d: {  	_ =	shalt  }
0x5e: {  	_ =	shalt  }
0x5f: {  	_ =	shalt  }
0x60: {  	_ =	shalt  }
0x61: {  	_ =	shalt  }
0x62: {  	_ =	shalt  }
0x63: {  	_ =	shalt  }
0x64: {  	_ =	shalt  }
0x65: {  	_ =	shalt  }
0x66: {  	_ =	shalt  }
0x67: {  	_ =	shalt  }
0x68: {  	_ =	shalt  }
0x69: {  	_ =	shalt  }
0x6a: {  	_ =	shalt  }
0x6b: {  	_ =	shalt  }
0x6c: {  	_ =	shalt  }
0x6d: {  	_ =	shalt  }
0x6e: {  	_ =	shalt  }
0x6f: {  	_ =	shalt  }
0x70: {  	_ =	shalt  }
0x71: {  	_ =	shalt  }
0x72: {  	_ =	shalt  }
0x73: {  	_ =	shalt  }
0x74: {  	_ =	shalt  }
0x75: {  	_ =	shalt  }
0x76: {  	_ =	shalt  }
0x77: {  	_ =	shalt  }
0x78: {  	_ =	shalt  }
0x79: {  	_ =	shalt  }
0x7a: {  	_ =	shalt  }
0x7b: {  	_ =	shalt  }
0x7c: {  	_ =	shalt  }
0x7d: {  	_ =	shalt  }
0x7e: {  	_ =	shalt  }
0x7f: {  	_ =	shalt  }
0x80: {  	_ =	shalt  }
0x81: {  	_ =	shalt  }
0x82: {  	_ =	shalt  }
0x83: {  	_ =	shalt  }
0x84: {  	_ =	shalt  }
0x85: {  	_ =	shalt  }
0x86: {  	_ =	shalt  }
0x87: {  	_ =	shalt  }
.Lfunc_end0:
.L_simem_size_0:
called_computation.2_lowered:
.L_overlay_start_0:
0x88: {  	s2 =	sld [smem:$0x3FD9]  }
0x89: {  	s3 =	sld [smem:$0x3FFE];
	_ =	sdelay $0x1  }
0x8a: {  	s1 =	srdreg.scid  }
0x8b: {  	s0 =	sand.u32 $0x1, s1  }
0x8c: {  	s16 =	sshll.u32 s0, $0xA;
	s2 =	sadd.s32 s3, s2  }
0x8d: {  	s2 =	sadd.s32 s2, s16  }
0x8e: {  	[smem:$0x3FB4] =	sst s2  }
0x8f: {  	_ = 	snop  }
0x90: {  	(tm) =	ssettm $0x1  }
0x91: {  	s17 =	sld [smem:$0x3FFB];
	_ =	sdelay $0x3  }
0x92: {  	_ =	strace s17  }
0x93: {  	s2 =	sld [smem:$0x3FFC];
	_ =	sdelay $0x3  }
0x94: {  	_ =	strace s2  }
0x95: {  	s2 =	sld [smem:$0x3FFD];
	_ =	sdelay $0x3  }
0x96: {  	_ =	strace s2  }
0x97: {  	_ =	strace $0x8FFFFFFF  }
0x98: {  	s18 =	sld [smem:$0x3FDB];
	_ =	sdelay $0x1  }
0x99: {  	s19 =	simm.s32 $_scs_section_size  }
0x9a: {  	s4 =	simm.s32 $_size__tile_overlayer_lowered;
	s5 =	simm.s32 $_tile_overlayer_lowered  }
0x9b: {  	s22 =	simm.s32 $0x1BFF;
	s21 =	sshll.u32 s5, $0x1;
	s2 =	sadd.s32 s19, s18  }
0x9c: {  	s6 =	simm.s32 $0x0;
	s20 =	sshll.u32 s4, $0x1;
	s4 =	sadd.s32 s21, s2  }
0x9d: {  	[timem:s6], [sflag:s22] =	dma.local [hbm:s4], s20  }
0x9e: {  	_ =	swait.ge [sflag:s22], s20  }
0x9f: {  	s3 =	ssub.s32 $0x0, s20;
	[sflag:s22] =	ssyncset.done $0x0  }
0xa0: {  	[sflag:s22] =	ssyncadd.s32 s3;
	_ =	sdelay $0x1  }
0xa1: {  	s23 =	simm.s32 $0x1B8B  }
0xa2: {  	_ =	swait.ge [sflag:s23], $0x1  }
0xa3: {  	[sflag:s23] =	ssyncset.done $0x0  }
0xa4: {  	s25 =	simm.s32 $0x1B8E;
	s24 =	sld [smem:$0x3FFE];
	[sflag:s23] =	ssyncadd.s32 $0xFFFFFFFF  }
0xa5: {  	s26 =	simm.s32 $execute0_lowered;
	[smem:$0x3FD2] =	sst s25  }
0xa6: {  	s4 =	sshll.u32 s26, $0x1;
	_ =	strace $0x8000004C;
	[dreg:$0x1] =	wrdreg $0xFFFFFFFF  }
0xa7: {  	s28 =	simm.s32 $_size_execute0_lowered;
	s2 =	sadd.s32 s2, s4;
	[dreg:$0x0] =	wrdreg $0x0  }
0xa8: {  	s4 =	sshll.u32 s28, $0x1;
	[dreg:$0x2] =	wrdreg s2  }
0xa9: {  	[dreg:$0x3] =	wrdreg s4  }
0xaa: {  	[dreg:$0x4] =	wrdreg $0xC0  }
0xab: {  	_ =	task [dreg:s6], $0x5FFFF  }
0xac: {  	[dreg:$0x1] =	wrdreg $0xFFFFFFFF  }
0xad: {  	[dreg:$0x0] =	wrdreg $0x60  }
0xae: {  	[dreg:$0x2] =	wrdreg s24  }
0xaf: {  	[dreg:$0x3] =	wrdreg $0x70800  }
0xb0: {  	[dreg:$0x4] =	wrdreg $0x9  }
0xb1: {  	_ =	task.clear_ibuf [dreg:s6], $0x5FFFF;
	_ =	strace $0x9000004C  }
0xb2: {  	s29 =	simm.s32 $0x9;
	_ =	strace $0x8000004E  }
0xb3: {  	_ =	swait.ge [sflag:s29], $0x1  }
0xb4: {  	[sflag:s29] =	ssyncadd.s32 $0xFFFFFFFF  }
0xb5: {  	_ =	strace $0x9000004E  }
0xb6: {  	_ =	sfence  }
0xb7: {  	s30 =	sld [smem:$0x0];
	_ =	sdelay $0x2  }
0xb8: {  	s31 =	sshll.u32 s1, $0xD;
	s1 =	sshrl.u32 s1, $0x2  }
0xb9: {  	s3 =	sand.u32 $0x4000, s31;
	s1 =	sadd.s32 s1, s30  }
0xba: {  	s0 =	sor.u32 s3, s0;
	s1 =	sshll.u32 s1, $0x11  }
0xbb: {  	s0 =	sor.u32 s1, s0  }
0xbc: {  	s0 =	sadd.s32 $0x8F2B, s0  }
0xbd: {  	[sflag:s0] =	ssyncadd.remote.s32 $0x1  }
0xbe: {  	_ =	sfence.sel $0xFFFF  }
0xbf: {  	[dreg:$0x0] =	wrdreg $0xFFFFFFFF;
	(pc) =	sbr.abs _section_cstart, $3  }
0xc0: {  	[dreg:$0x1] =	wrdreg $0xFFFFFFFF  }
0xc1: {  	_ =	task.clear_ibuf [dreg:s6], $0x2FFFF;
	_ =	strace $0x9FFFFFFF  }
0xc2: {  	(tm) =	ssettm $0x7FFFFFFF  }
0xc3: {  	_ =	shalt  }
tec
execute0_lowered:
.L_overlay_start_1:
0x0: {  	(tag) =	ssettag $0x1  }
0x1: {  	s0 =	rddreg [dreg:$0x0]  }
0x2: {  	s1 =	rddreg [dreg:$0x1];
	s2 =	simm.s32 $0x0  }
0x3: {  	s4 =	srdreg.scid;
	s21 =	stileid.u32;
	s23 =	simm.s32 $0x640  }
0x4: {  	s24 =	simm.s32 $0x320;
	s28 =	simm.s32 $0x3E80;
	s29 =	simm.s32 $0x1  }
0x5: {  	s30 =	simm.s32 $0x3;
	s31 =	simm.s32 $0x2;
	s3 =	sadd.s32 $0x220E00, s0  }
0x6: {  	[smem:$0x7FF] =	sst s2;
	s18 =	sadd.s32 $0x560A00, s0;
	s7 =	smul.u32 $0x61E00, s21  }
0x7: {  	s15 =	sand.u32 $0x1, s4;
	s4 =	sadd.s32 $0x591800, s0;
	s17 =	smul.u32 $0x18780, s21  }
0x8: {  	s6 =	sadd.s32 $0x6400, s0;
	s19 =	sadd.s32 $0x5C2600, s0;
	s11 =	smul.u32 $0x19000, s21  }
0x9: {  	s0 =	sadd.s32 $0x5F3600, s0;
	s21 =	smul.u32 $0x3200, s21;
	s5 =	ssub.s32 $0x2, s15  }
0xa: {  	_ =	strace $0x8000004D;
	p0 =	seq.s32 s15, $0x0;
	s8 =	sshrl.u32 s5, $0x1  }
0xb: {  	s7 =	sshrl.u32 s7, $0x2;
	s16 =	sshrl.u32 s11, $0x3;
	s22 =	sshrl.u32 s17, $0x3  }
0xc: {  	s0 =	smov.u32 @p0 s19;
	s4 =	smov.u32 @p0 s18;
	s19 =	sadd.s32 s21, s6  }
0xd: {  	s20 =	ssub.s32 s5, s8;
	s5 =	sadd.s32 s17, s1;
	s12 =	sadd.s32 s7, s1  }
0xe: {  	s13 =	sadd.s32 s3, s16;
	s14 =	sadd.s32 s6, s16;
	s16 =	sor.u32 $0x64, s16  }
0xf: {  	s18 =	sadd.s32 s0, s22;
	s22 =	simm.s32 $0x5;
	s0 =	simm.s32 $0x0  }
0x10: {  	s7 =	sadd.s32 $0x3200, s12;
	s25 =	sadd.s32 $0x6400, s12;
	s26 =	sadd.s32 $0x9600, s12  }
.Ltmp0:
0x11: {  	s9 =	sadd.s32 $0xC800, s12;
	s10 =	sadd.s32 $0xFA00, s12;
	(pc) =	sbr.rel .LBB2_1-.Ltmp0, $4  }
0x12: {  	s11 =	sadd.s32 $0x12C00, s12;
	s12 =	sadd.s32 $0x15E00, s12;
	s15 =	sadd.s32 s3, s16  }
0x13: {  	s16 =	sadd.s32 s6, s16;
	s17 =	smax.u32 s20, $0x1;
	[dreg:$0x3] =	wrdreg s7  }
0x14: {  	s20 =	sadd.s32 s21, s3;
	s21 =	simm.s32 $0xC80;
	[dreg:$0x4] =	wrdreg s25  }
0x15: {  	v0 =	vimm.f32 $0.0e+00;
	[dreg:$0x5] =	wrdreg s26;
	s25 =	simm.s32 $0x960;
	s26 =	simm.s32 $0x4  }
.LBB2_6:
0x16: {  	_ =	swait.ge [sflag:s31], $0x3200  }
0x17: {  	[sflag:s31] =	ssyncset.done $0x0  }
0x18: {  	[sflag:s31] =	ssyncadd.s32 $0xFFFFCE00  }
0x19: {  	[spmem:s1] =	stream.indirect.scatter.add.f32 [tilespmem:s28], [sflag:$0x4], $0x10, s25, s24, $0xb8;
	[tilespmem:$0x1F800] =	vst v63  }
0x1a: {  	s3 =	stileid.u32;
	_ =	swait.ge [sflag:s26], $0x3200  }
0x1b: {  	s6 =	sshrl.u32 s5, $0x3;
	s0 =	sadd.s32 $0x1, s0;
	[sflag:s26] =	ssyncset.done $0x0  }
0x1c: {  	s3 =	sshll.u32 s3, $0x6;
	p0 =	sne.s32 s0, s17;
	[sflag:s26] =	ssyncadd.s32 $0xFFFFCE00  }
.Ltmp1:
0x1d: {  	s3 =	sor.u32 $0x1C05, s3;
	[bflag:$0x0] =	sbarrier.arrive $0xFFFF;
	(pc) =	sbr.rel @!p0 .LBB2_7-.Ltmp1, $4  }
0x1e: {  	[hbm:s18], [sflag:s3] =	dma.local [spmem:s6], $0x30F0  }
0x1f: {  	_ =	swait.ge [sflag:s22], $0x30F0  }
0x20: {  	[sflag:s22] =	ssyncset.done $0x0  }
0x21: {  	[sflag:s22] =	ssyncadd.s32 $0xFFFFCF10  }
.LBB2_1:
0x22: {  	s3 =	simm.s32 $0x40;
	s6 =	simm.s32 $0x0  }
.LBB2_2:
0x23: {  	p0 =	sne.s32 s3, $0xC7C0;
	[tilespmem:s6+$0xC80] =	vst v0;
	s6 =	smov.u32 s3;
	s3 =	sadd.s32 $0x40, s3  }
.Ltmp2:
0x24: {  	(pc) =	sbr.rel @p0 .LBB2_2-.Ltmp2, $2  }
0x25: {  	_ =	sdelay $0x2  }
0x26: {  	s6 =	sshra.s32 s6, $0x2  }
0x27: {  	[tilespmem:s6+$0xC80] =	vst v0  }
0x28: {  	[spmem:s5] =	stream.linear.scatter [tilespmem:s21], [sflag:$0x5], $0x3200, $0x38;
	[tilespmem:$0x1F800] =	vst v63  }
0x29: {  	_ =	swait.ge [sflag:s22], $0x3200  }
0x2a: {  	[sflag:s22] =	ssyncset.done $0x0  }
0x2b: {  	s3 =	rddreg [dreg:$0x3];
	[sflag:s22] =	ssyncadd.s32 $0xFFFFCE00  }
0x2c: {  	[spmem:s3] =	stream.linear.scatter [tilespmem:s21], [sflag:$0x5], $0x3200, $0x38;
	[tilespmem:$0x1F800] =	vst v63  }
0x2d: {  	_ =	swait.ge [sflag:s22], $0x3200  }
0x2e: {  	[sflag:s22] =	ssyncset.done $0x0  }
0x2f: {  	s7 =	rddreg [dreg:$0x4];
	[sflag:s22] =	ssyncadd.s32 $0xFFFFCE00  }
0x30: {  	[spmem:s7] =	stream.linear.scatter [tilespmem:s21], [sflag:$0x5], $0x3200, $0x38;
	[tilespmem:$0x1F800] =	vst v63  }
0x31: {  	_ =	swait.ge [sflag:s22], $0x3200  }
0x32: {  	[sflag:s22] =	ssyncset.done $0x0  }
0x33: {  	s8 =	rddreg [dreg:$0x5];
	[sflag:s22] =	ssyncadd.s32 $0xFFFFCE00  }
0x34: {  	[spmem:s8] =	stream.linear.scatter [tilespmem:s21], [sflag:$0x5], $0x3200, $0x38;
	[tilespmem:$0x1F800] =	vst v63  }
0x35: {  	_ =	swait.ge [sflag:s22], $0x3200  }
0x36: {  	[sflag:s22] =	ssyncset.done $0x0  }
0x37: {  	[sflag:s22] =	ssyncadd.s32 $0xFFFFCE00  }
0x38: {  	[spmem:s9] =	stream.linear.scatter [tilespmem:s21], [sflag:$0x5], $0x3200, $0x38;
	[tilespmem:$0x1F800] =	vst v63  }
0x39: {  	_ =	swait.ge [sflag:s22], $0x3200  }
0x3a: {  	[sflag:s22] =	ssyncset.done $0x0  }
0x3b: {  	[sflag:s22] =	ssyncadd.s32 $0xFFFFCE00  }
0x3c: {  	[spmem:s10] =	stream.linear.scatter [tilespmem:s21], [sflag:$0x5], $0x3200, $0x38;
	[tilespmem:$0x1F800] =	vst v63  }
0x3d: {  	_ =	swait.ge [sflag:s22], $0x3200  }
0x3e: {  	[sflag:s22] =	ssyncset.done $0x0  }
0x3f: {  	[sflag:s22] =	ssyncadd.s32 $0xFFFFCE00  }
0x40: {  	[spmem:s11] =	stream.linear.scatter [tilespmem:s21], [sflag:$0x5], $0x3200, $0x38;
	[tilespmem:$0x1F800] =	vst v63  }
0x41: {  	_ =	swait.ge [sflag:s22], $0x3200  }
0x42: {  	[sflag:s22] =	ssyncset.done $0x0  }
0x43: {  	[sflag:s22] =	ssyncadd.s32 $0xFFFFCE00  }
0x44: {  	[spmem:s12] =	stream.linear.scatter [tilespmem:s21], [sflag:$0x5], $0x2980, $0x38;
	[tilespmem:$0x1F800] =	vst v63  }
0x45: {  	_ =	swait.ge [sflag:s22], $0x2980  }
0x46: {  	[sflag:s22] =	ssyncset.done $0x0  }
0x47: {  	[sflag:s22] =	ssyncadd.s32 $0xFFFFD680  }
0x48: {  	[bflag:$0x0] =	sbarrier.arrive $0xFFFF  }
0x49: {  	[tilespmem:s2], [sflag:$0x5] =	stream.linear.gather [hbm4b:s13+s2], $0x320, $0x38;
	[tilespmem:$0x1F800] =	vst v63  }
0x4a: {  	_ =	swait.ge [sflag:s22], $0x320  }
0x4b: {  	[sflag:s22] =	ssyncset.done $0x0  }
0x4c: {  	[sflag:s22] =	ssyncadd.s32 $0xFFFFFCE0  }
0x4d: {  	[tilespmem:s23], [sflag:$0x5] =	stream.linear.gather [hbm4b:s14+s2], $0x320, $0x38;
	[tilespmem:$0x1F800] =	vst v63  }
0x4e: {  	_ =	swait.ge [sflag:s22], $0x320  }
0x4f: {  	[sflag:s22] =	ssyncset.done $0x0  }
0x50: {  	[sflag:s22] =	ssyncadd.s32 $0xFFFFFCE0  }
0x51: {  	[tilespmem:s21], [sflag:$0x1] =	stream.indirect.gather [hbm4b:s4+s24], $0x10, s2, s24, $0xb8;
	[tilespmem:$0x1F800] =	vst v63  }
0x52: {  	_ = 	snop  }
0x53: {  	[tilespmem:s24], [sflag:$0x4] =	stream.linear.gather [hbm4b:s15+s2], $0x320, $0x38;
	[tilespmem:$0x1F800] =	vst v63  }
0x54: {  	s3 =	simm.s32 $0xFFFFCEC8  }
0x55: {  	[tilespmem:s25], [sflag:$0x4] =	stream.linear.gather [hbm4b:s16+s2], $0x320, $0x38;
	[tilespmem:$0x1F800] =	vst v63  }
.LBB2_4:
0x56: {  	_ =	swait.ge [sflag:s26], $0x320  }
0x57: {  	[sflag:s26] =	ssyncset.done $0x0  }
0x58: {  	[sflag:s26] =	ssyncadd.s32 $0xFFFFFCE0  }
0x59: {  	_ =	swait.ge [sflag:s26], $0x320  }
0x5a: {  	[sflag:s26] =	ssyncset.done $0x0  }
0x5b: {  	[sflag:s26] =	ssyncadd.s32 $0xFFFFFCE0  }
0x5c: {  	[tilespmem:s28], [sflag:$0x2] =	stream.indirect.gather [hbm4b:s4+s24], $0x10, s24, s24, $0xb8;
	[tilespmem:$0x1F800] =	vst v63  }
0x5d: {  	_ =	swait.ge [sflag:s29], $0x3200  }
0x5e: {  	p0 =	seq.s32 s3, $0x0;
	[sflag:s29] =	ssyncset.done $0x0  }
.Ltmp3:
0x5f: {  	[sflag:s29] =	ssyncadd.s32 $0xFFFFCE00;
	(pc) =	sbr.rel @p0 .LBB2_6-.Ltmp3, $4  }
0x60: {  	[spmem:s1] =	stream.indirect.scatter.add.f32 [tilespmem:s21], [sflag:$0x3], $0x10, s23, s24, $0xb8;
	[tilespmem:$0x1F800] =	vst v63  }
0x61: {  	_ =	swait.ge [sflag:s30], $0x3200  }
0x62: {  	[sflag:s30] =	ssyncset.done $0x0  }
0x63: {  	[sflag:s30] =	ssyncadd.s32 $0xFFFFCE00  }
0x64: {  	s6 =	sadd.s32 s3, s20  }
0x65: {  	s7 =	sadd.s32 $0x3200, s6  }
0x66: {  	[tilespmem:s2], [sflag:$0x3] =	stream.linear.gather [hbm4b:s7+s2], $0x320, $0x38;
	[tilespmem:$0x1F800] =	vst v63  }
0x67: {  	s7 =	sadd.s32 s3, s19  }
0x68: {  	s8 =	sadd.s32 $0x3200, s7  }
0x69: {  	[tilespmem:s23], [sflag:$0x3] =	stream.linear.gather [hbm4b:s8+s2], $0x320, $0x38;
	[tilespmem:$0x1F800] =	vst v63  }
0x6a: {  	_ =	swait.ge [sflag:s30], $0x320  }
0x6b: {  	[sflag:s30] =	ssyncset.done $0x0  }
0x6c: {  	[sflag:s30] =	ssyncadd.s32 $0xFFFFFCE0  }
0x6d: {  	_ =	swait.ge [sflag:s30], $0x320  }
0x6e: {  	[sflag:s30] =	ssyncset.done $0x0  }
0x6f: {  	[sflag:s30] =	ssyncadd.s32 $0xFFFFFCE0  }
0x70: {  	[tilespmem:s21], [sflag:$0x1] =	stream.indirect.gather [hbm4b:s4+s24], $0x10, s2, s24, $0xb8;
	[tilespmem:$0x1F800] =	vst v63  }
0x71: {  	_ =	swait.ge [sflag:s31], $0x3200  }
0x72: {  	[sflag:s31] =	ssyncset.done $0x0  }
0x73: {  	[sflag:s31] =	ssyncadd.s32 $0xFFFFCE00  }
0x74: {  	[spmem:s1] =	stream.indirect.scatter.add.f32 [tilespmem:s28], [sflag:$0x4], $0x10, s25, s24, $0xb8;
	[tilespmem:$0x1F800] =	vst v63  }
0x75: {  	_ =	swait.ge [sflag:s26], $0x3200  }
.Ltmp4:
0x76: {  	[sflag:s26] =	ssyncset.done $0x0;
	(pc) =	sbr.rel .LBB2_4-.Ltmp4, $4  }
0x77: {  	s6 =	sadd.s32 $0x3264, s6;
	[sflag:s26] =	ssyncadd.s32 $0xFFFFCE00  }
0x78: {  	[tilespmem:s24], [sflag:$0x4] =	stream.linear.gather [hbm4b:s6+s2], $0x320, $0x38;
	[tilespmem:$0x1F800] =	vst v63  }
0x79: {  	s3 =	sadd.s32 $0xC8, s3;
	s8 =	sadd.s32 $0x3264, s7  }
0x7a: {  	[tilespmem:s25], [sflag:$0x4] =	stream.linear.gather [hbm4b:s8+s2], $0x320, $0x38;
	[tilespmem:$0x1F800] =	vst v63  }
.LBB2_7:
0x7b: {  	_ =	sfence.sel $0x180000  }
0x7c: {  	[bflag:$0x0] =	sbarrier.arrive $0xFFFF  }
0x7d: {  	_ =	strace $0x9000004D  }
0x7e: {  	s0 =	stileid.u32;
	[bflag:$0x2] =	sbarrier.arrive $0xFFFF  }
0x7f: {  	p0 =	sne.s32 s0, $0x0;
	s0 =	rddreg [dreg:$0x2]  }
0x80: {  	s0 =	sadd.s32 @!p0 $0x100000, s0  }
0x81: {  	[sflag:s0] =	ssyncadd.tile.s32 @!p0 $0x1;
	_ =	shalt  }
.Lfunc_end2:
_tile_overlayer_lowered:
.L_overlay_start_2:
0x82: {  	(tag) =	ssettag $0x2  }
0x83: {  	s0 =	rddreg [dreg:$0x0];
	s2 =	stileid.u32  }
0x84: {  	s1 =	rddreg [dreg:$0x1];
	p0 =	sne.s32 s2, $0x0  }
0x85: {  	s3 =	rddreg [dreg:$0x2];
	[bflag:$0x3] =	sbarrier.arrive $0xFFFF;
	s2 =	simm.s32 @!p0 $0x1C05  }
0x86: {  	[timem:s3], [sflag:s2] =	dma.local @!p0 [hbm:s0], s1  }
0x87: {  	s0 =	simm.s32 @!p0 $0x5  }
0x88: {  	_ =	swait.ge @!p0 [sflag:s0], s1  }
0x89: {  	s1 =	ssub.s32 @!p0 $0x0, s1;
	[sflag:s0] =	ssyncset.done @!p0 $0x0  }
0x8a: {  	[sflag:s0] =	ssyncadd.s32 @!p0 s1  }
0x8b: {  	[bflag:$0x3] =	sbarrier.arrive $0xFFFF  }
0x8c: {  	_ =	shalt  }

// kernel: kernel.23.cloned.1.call-start
scs
__scs_entry_jumppad:
0x0: {  	(pc) =	sbr.rel $0x88, $3  }
0x1: {  	(tag) =	ssettag $0x0;
	lr =	simm.s32 $0x1  }
0x2: {  	[smem:$0x3F8D] =	sst lr;
	_ =	strace $0xD0000000  }
0x3: {  	_ = 	snop  }
0x4: {  	_ = 	snop  }
0x5: {  	_ = 	snop  }
0x6: {  	_ = 	snop  }
0x7: {  	_ = 	snop  }
__scs_overlays_trampoline_lowered:
0x8: {  	[smem:$0x3F9C] =	sst s0  }
0x9: {  	[smem:$0x3F9D] =	sst s1  }
0xa: {  	[smem:$0x3F9E] =	sst s2  }
0xb: {  	[smem:$0x3F9F] =	sst s3  }
0xc: {  	[smem:$0x3FA0] =	sst s4  }
0xd: {  	[smem:$0x3FA1] =	sst s5  }
0xe: {  	[smem:$0x3FA2] =	sst s6  }
0xf: {  	[smem:$0x3FA3] =	sst s7  }
0x10: {  	[smem:$0x3FA4] =	sst s8  }
0x11: {  	[smem:$0x3FA5] =	sst s9;
	s0 =	simm.s32 @!p0 $0x0  }
0x12: {  	s1 =	sld [smem:$0x3F8B];
	s0 =	simm.s32 @p0 $0x1  }
0x13: {  	[smem:$0x3FA6] =	sst s0;
	s0 =	simm.s32 @!p1 $0x0  }
0x14: {  	s2 =	sld [smem:$0x3F8A];
	s0 =	simm.s32 @p1 $0x1  }
0x15: {  	[smem:$0x3FA7] =	sst s0;
	s0 =	simm.s32 @!p2 $0x0  }
0x16: {  	s3 =	sld [smem:$0x3FDB];
	s0 =	simm.s32 @p2 $0x1  }
0x17: {  	s4 =	simm.s32 $0x1BF5;
	[smem:$0x3FA9] =	sst s0  }
0x18: {  	s0 =	sld [smem:$0x3F8C];
	_ =	swait.ge [sflag:s4], $0x0  }
0x19: {  	s7 =	sld [smem:$0x3F8D]  }
0x1a: {  	s8 =	sadd.s32 $0xFFFFE003, lr  }
0x1b: {  	s9 =	sadd.s32 $0xFFFFFEF7, lr;
	s5 =	simm.s32 $0xFFFFFFFF;
	p2 =	slt.u32 s8, $0xFFFFF086  }
0x1c: {  	p1 =	slt.u32 s9, $0xF7A;
	s5 =	simm.s32 @!p2 $0x0  }
0x1d: {  	s5 =	simm.s32 @p1 $0x1;
	p0 =	seq.s32 s7, s2  }
0x1e: {  	s7 =	smul.u32 @!p0 $0xF7A, s2;
	p2 =	seq.s32 @!p0 s5, $0x0  }
0x1f: {  	s9 =	smul.u32 $0xF7A, s1;
	s8 =	simm.s32 @!p0 $0x1BF5;
	p2 =	por !p2, p0  }
0x20: {  	[sflag:s8] =	ssyncset.s32 @!p0 $0xFFFFF086;
	s6 =	sadd.s32 @!p0 s3, s7;
	s7 =	simm.s32 @!p0 $0x108  }
0x21: {  	s3 =	sadd.s32 s3, s9;
	s6 =	sadd.s32 @!p0 $0x88, s6;
	s7 =	simm.s32 @p2 $0x1082  }
0x22: {  	[simem:s7], [sflag:s8] =	dma.local @!p0 [hbm:s6], $0xF7A  }
0x23: {  	s9 =	sor.u32 $0xD0000000, s2;
	s6 =	simm.s32 $0x108;
	_ =	swait.ge @!p0 [sflag:s8], $0x0  }
0x24: {  	s3 =	sadd.s32 $0x88, s3;
	s6 =	simm.s32 @!p1 $0x1082;
	[sflag:s4] =	ssyncset.s32 $0xFFFFF086  }
0x25: {  	[simem:s6], [sflag:s4] =	dma.local [hbm:s3], $0xF7A  }
0x26: {  	[smem:$0x3F8D] =	sst s1;
	(tag) =	ssettag s2;
	_ =	strace s9  }
0x27: {  	s1 =	sld [smem:$0x3F9D]  }
0x28: {  	s2 =	sld [smem:$0x3F9E]  }
0x29: {  	s4 =	sld [smem:$0x3FA0]  }
0x2a: {  	p0 =	seq.s32 s5, $0x0;
	s5 =	sld [smem:$0x3FA1]  }
0x2b: {  	s6 =	sld [smem:$0x3FA2]  }
0x2c: {  	s7 =	sld [smem:$0x3FA3]  }
0x2d: {  	s3 =	simm.s32 $0x108;
	s8 =	sld [smem:$0x3FA4]  }
0x2e: {  	s3 =	simm.s32 @!p0 $0x1082;
	s9 =	sld [smem:$0x3FA5]  }
0x2f: {  	lr =	sadd.s32 s0, s3;
	s0 =	sld [smem:$0x3F9C]  }
0x30: {  	s3 =	sld [smem:$0x3F9F]  }
0x31: {  	[smem:$0x3FA8] =	sst s10  }
0x32: {  	s10 =	sld [smem:$0x3FA6];
	_ =	sdelay $0x3  }
0x33: {  	p0 =	seq.s32 s10, $0x1;
	s10 =	sld [smem:$0x3FA8];
	_ =	sdelay $0x3  }
0x34: {  	[smem:$0x3FA8] =	sst s10  }
0x35: {  	s10 =	sld [smem:$0x3FA7];
	_ =	sdelay $0x3  }
0x36: {  	p1 =	seq.s32 s10, $0x1;
	s10 =	sld [smem:$0x3FA8];
	_ =	sdelay $0x3  }
0x37: {  	[smem:$0x3FA8] =	sst s10  }
0x38: {  	s10 =	sld [smem:$0x3FA9]  }
0x39: {  	_ = 	snop;
	(pc) =	sbr.ind lr, $3  }
0x3a: {  	_ = 	snop  }
0x3b: {  	_ = 	snop  }
0x3c: {  	p2 =	seq.s32 s10, $0x1;
	s10 =	sld [smem:$0x3FA8]  }
0x3d: {  	_ =	shalt  }
0x3e: {  	_ =	shalt  }
0x3f: {  	_ =	shalt  }
0x40: {  	_ =	shalt  }
0x41: {  	_ =	shalt  }
0x42: {  	_ =	shalt  }
0x43: {  	_ =	shalt  }
0x44: {  	_ =	shalt  }
0x45: {  	_ =	shalt  }
0x46: {  	_ =	shalt  }
0x47: {  	_ =	shalt  }
0x48: {  	_ =	shalt  }
0x49: {  	_ =	shalt  }
0x4a: {  	_ =	shalt  }
0x4b: {  	_ =	shalt  }
0x4c: {  	_ =	shalt  }
0x4d: {  	_ =	shalt  }
0x4e: {  	_ =	shalt  }
0x4f: {  	_ =	shalt  }
0x50: {  	_ =	shalt  }
0x51: {  	_ =	shalt  }
0x52: {  	_ =	shalt  }
0x53: {  	_ =	shalt  }
0x54: {  	_ =	shalt  }
0x55: {  	_ =	shalt  }
0x56: {  	_ =	shalt  }
0x57: {  	_ =	shalt  }
0x58: {  	_ =	shalt  }
0x59: {  	_ =	shalt  }
0x5a: {  	_ =	shalt  }
0x5b: {  	_ =	shalt  }
0x5c: {  	_ =	shalt  }
0x5d: {  	_ =	shalt  }
0x5e: {  	_ =	shalt  }
0x5f: {  	_ =	shalt  }
0x60: {  	_ =	shalt  }
0x61: {  	_ =	shalt  }
0x62: {  	_ =	shalt  }
0x63: {  	_ =	shalt  }
0x64: {  	_ =	shalt  }
0x65: {  	_ =	shalt  }
0x66: {  	_ =	shalt  }
0x67: {  	_ =	shalt  }
0x68: {  	_ =	shalt  }
0x69: {  	_ =	shalt  }
0x6a: {  	_ =	shalt  }
0x6b: {  	_ =	shalt  }
0x6c: {  	_ =	shalt  }
0x6d: {  	_ =	shalt  }
0x6e: {  	_ =	shalt  }
0x6f: {  	_ =	shalt  }
0x70: {  	_ =	shalt  }
0x71: {  	_ =	shalt  }
0x72: {  	_ =	shalt  }
0x73: {  	_ =	shalt  }
0x74: {  	_ =	shalt  }
0x75: {  	_ =	shalt  }
0x76: {  	_ =	shalt  }
0x77: {  	_ =	shalt  }
0x78: {  	_ =	shalt  }
0x79: {  	_ =	shalt  }
0x7a: {  	_ =	shalt  }
0x7b: {  	_ =	shalt  }
0x7c: {  	_ =	shalt  }
0x7d: {  	_ =	shalt  }
0x7e: {  	_ =	shalt  }
0x7f: {  	_ =	shalt  }
0x80: {  	_ =	shalt  }
0x81: {  	_ =	shalt  }
0x82: {  	_ =	shalt  }
0x83: {  	_ =	shalt  }
0x84: {  	_ =	shalt  }
0x85: {  	_ =	shalt  }
0x86: {  	_ =	shalt  }
0x87: {  	_ =	shalt  }
.Lfunc_end0:
.L_simem_size_0:
called_computation.3_lowered:
.L_overlay_start_0:
0x88: {  	s2 =	sld [smem:$0x3FD9]  }
0x89: {  	s3 =	sld [smem:$0x3FFE];
	_ =	sdelay $0x1  }
0x8a: {  	s1 =	srdreg.scid  }
0x8b: {  	s0 =	sand.u32 $0x1, s1  }
0x8c: {  	s16 =	sshll.u32 s0, $0xA;
	s2 =	sadd.s32 s3, s2  }
0x8d: {  	s2 =	sadd.s32 s2, s16  }
0x8e: {  	[smem:$0x3FB4] =	sst s2  }
0x8f: {  	_ = 	snop  }
0x90: {  	(tm) =	ssettm $0x1  }
0x91: {  	s17 =	sld [smem:$0x3FFB];
	_ =	sdelay $0x3  }
0x92: {  	_ =	strace s17  }
0x93: {  	s2 =	sld [smem:$0x3FFC];
	_ =	sdelay $0x3  }
0x94: {  	_ =	strace s2  }
0x95: {  	s2 =	sld [smem:$0x3FFD];
	_ =	sdelay $0x3  }
0x96: {  	_ =	strace s2  }
0x97: {  	_ =	strace $0x8FFFFFFF  }
0x98: {  	s18 =	sld [smem:$0x3FDB];
	_ =	sdelay $0x1  }
0x99: {  	s19 =	simm.s32 $_scs_section_size  }
0x9a: {  	s4 =	simm.s32 $_size__tile_overlayer_lowered;
	s5 =	simm.s32 $_tile_overlayer_lowered  }
0x9b: {  	s22 =	simm.s32 $0x1BFF;
	s21 =	sshll.u32 s5, $0x1;
	s2 =	sadd.s32 s19, s18  }
0x9c: {  	s6 =	simm.s32 $0x0;
	s20 =	sshll.u32 s4, $0x1;
	s4 =	sadd.s32 s21, s2  }
0x9d: {  	[timem:s6], [sflag:s22] =	dma.local [hbm:s4], s20  }
0x9e: {  	_ =	swait.ge [sflag:s22], s20  }
0x9f: {  	s3 =	ssub.s32 $0x0, s20;
	[sflag:s22] =	ssyncset.done $0x0  }
0xa0: {  	[sflag:s22] =	ssyncadd.s32 s3;
	_ =	sdelay $0x1  }
0xa1: {  	s23 =	simm.s32 $0x1B8B  }
0xa2: {  	_ =	swait.ge [sflag:s23], $0x1  }
0xa3: {  	[sflag:s23] =	ssyncset.done $0x0  }
0xa4: {  	s25 =	simm.s32 $0x1B8E;
	s24 =	sld [smem:$0x3FFE];
	[sflag:s23] =	ssyncadd.s32 $0xFFFFFFFF  }
0xa5: {  	s26 =	simm.s32 $execute0_lowered;
	[smem:$0x3FD2] =	sst s25  }
0xa6: {  	s4 =	sshll.u32 s26, $0x1;
	_ =	strace $0x8000004F;
	[dreg:$0x1] =	wrdreg $0xFFFFFFFF  }
0xa7: {  	s28 =	simm.s32 $_size_execute0_lowered;
	s2 =	sadd.s32 s2, s4;
	[dreg:$0x0] =	wrdreg $0x0  }
0xa8: {  	s4 =	sshll.u32 s28, $0x1;
	[dreg:$0x2] =	wrdreg s2  }
0xa9: {  	[dreg:$0x3] =	wrdreg s4  }
0xaa: {  	[dreg:$0x4] =	wrdreg $0xC0  }
0xab: {  	_ =	task [dreg:s6], $0x5FFFF  }
0xac: {  	[dreg:$0x1] =	wrdreg $0xFFFFFFFF  }
0xad: {  	[dreg:$0x0] =	wrdreg $0x60  }
0xae: {  	[dreg:$0x2] =	wrdreg s24  }
0xaf: {  	[dreg:$0x3] =	wrdreg $0x70800  }
0xb0: {  	[dreg:$0x4] =	wrdreg $0x9  }
0xb1: {  	_ =	task.clear_ibuf [dreg:s6], $0x5FFFF;
	_ =	strace $0x9000004F  }
0xb2: {  	s29 =	simm.s32 $0x9;
	_ =	strace $0x80000051  }
0xb3: {  	_ =	swait.ge [sflag:s29], $0x1  }
0xb4: {  	[sflag:s29] =	ssyncadd.s32 $0xFFFFFFFF  }
0xb5: {  	_ =	strace $0x90000051  }
0xb6: {  	_ =	sfence  }
0xb7: {  	s30 =	sld [smem:$0x0];
	_ =	sdelay $0x2  }
0xb8: {  	s31 =	sshll.u32 s1, $0xD;
	s1 =	sshrl.u32 s1, $0x2  }
0xb9: {  	s3 =	sand.u32 $0x4000, s31;
	s1 =	sadd.s32 s1, s30  }
0xba: {  	s0 =	sor.u32 s3, s0;
	s1 =	sshll.u32 s1, $0x11  }
0xbb: {  	s0 =	sor.u32 s1, s0  }
0xbc: {  	s0 =	sadd.s32 $0x8F2B, s0  }
0xbd: {  	[sflag:s0] =	ssyncadd.remote.s32 $0x1  }
0xbe: {  	_ =	sfence.sel $0xFFFF  }
0xbf: {  	[dreg:$0x0] =	wrdreg $0xFFFFFFFF;
	(pc) =	sbr.abs _section_cstart, $3  }
0xc0: {  	[dreg:$0x1] =	wrdreg $0xFFFFFFFF  }
0xc1: {  	_ =	task.clear_ibuf [dreg:s6], $0x2FFFF;
	_ =	strace $0x9FFFFFFF  }
0xc2: {  	(tm) =	ssettm $0x7FFFFFFF  }
0xc3: {  	_ =	shalt  }
tec
execute0_lowered:
.L_overlay_start_1:
0x0: {  	(tag) =	ssettag $0x1  }
0x1: {  	s0 =	rddreg [dreg:$0x0]  }
0x2: {  	s1 =	rddreg [dreg:$0x1];
	s2 =	simm.s32 $0x0  }
0x3: {  	s4 =	srdreg.scid;
	s21 =	stileid.u32;
	s23 =	simm.s32 $0x640  }
0x4: {  	s24 =	simm.s32 $0x320;
	s28 =	simm.s32 $0x3E80;
	s29 =	simm.s32 $0x1  }
0x5: {  	s30 =	simm.s32 $0x3;
	s31 =	simm.s32 $0x2;
	s3 =	sadd.s32 $0x220E00, s0  }
0x6: {  	[smem:$0x7FF] =	sst s2;
	s18 =	sadd.s32 $0x1BEE00, s0;
	s7 =	smul.u32 $0x61E00, s21  }
0x7: {  	s15 =	sand.u32 $0x1, s4;
	s4 =	sadd.s32 $0x1EFC00, s0;
	s17 =	smul.u32 $0x18780, s21  }
0x8: {  	s6 =	sadd.s32 $0x6400, s0;
	s19 =	sadd.s32 $0x252E00, s0;
	s11 =	smul.u32 $0x19000, s21  }
0x9: {  	s0 =	sadd.s32 $0x283E00, s0;
	s21 =	smul.u32 $0x3200, s21;
	s5 =	ssub.s32 $0x2, s15  }
0xa: {  	_ =	strace $0x80000050;
	p0 =	seq.s32 s15, $0x0;
	s8 =	sshrl.u32 s5, $0x1  }
0xb: {  	s7 =	sshrl.u32 s7, $0x2;
	s16 =	sshrl.u32 s11, $0x3;
	s22 =	sshrl.u32 s17, $0x3  }
0xc: {  	s0 =	smov.u32 @p0 s19;
	s4 =	smov.u32 @p0 s18;
	s19 =	sadd.s32 s21, s6  }
0xd: {  	s20 =	ssub.s32 s5, s8;
	s5 =	sadd.s32 s17, s1;
	s12 =	sadd.s32 s7, s1  }
0xe: {  	s13 =	sadd.s32 s3, s16;
	s14 =	sadd.s32 s6, s16;
	s16 =	sor.u32 $0x64, s16  }
0xf: {  	s18 =	sadd.s32 s0, s22;
	s22 =	simm.s32 $0x5;
	s0 =	simm.s32 $0x0  }
0x10: {  	s7 =	sadd.s32 $0x3200, s12;
	s25 =	sadd.s32 $0x6400, s12;
	s26 =	sadd.s32 $0x9600, s12  }
.Ltmp0:
0x11: {  	s9 =	sadd.s32 $0xC800, s12;
	s10 =	sadd.s32 $0xFA00, s12;
	(pc) =	sbr.rel .LBB2_1-.Ltmp0, $4  }
0x12: {  	s11 =	sadd.s32 $0x12C00, s12;
	s12 =	sadd.s32 $0x15E00, s12;
	s15 =	sadd.s32 s3, s16  }
0x13: {  	s16 =	sadd.s32 s6, s16;
	s17 =	smax.u32 s20, $0x1;
	[dreg:$0x3] =	wrdreg s7  }
0x14: {  	s20 =	sadd.s32 s21, s3;
	s21 =	simm.s32 $0xC80;
	[dreg:$0x4] =	wrdreg s25  }
0x15: {  	v0 =	vimm.f32 $0.0e+00;
	[dreg:$0x5] =	wrdreg s26;
	s25 =	simm.s32 $0x960;
	s26 =	simm.s32 $0x4  }
.LBB2_6:
0x16: {  	_ =	swait.ge [sflag:s31], $0x3200  }
0x17: {  	[sflag:s31] =	ssyncset.done $0x0  }
0x18: {  	[sflag:s31] =	ssyncadd.s32 $0xFFFFCE00  }
0x19: {  	[spmem:s1] =	stream.indirect.scatter.add.f32 [tilespmem:s28], [sflag:$0x4], $0x10, s25, s24, $0xb8;
	[tilespmem:$0x1F800] =	vst v63  }
0x1a: {  	s3 =	stileid.u32;
	_ =	swait.ge [sflag:s26], $0x3200  }
0x1b: {  	s6 =	sshrl.u32 s5, $0x3;
	s0 =	sadd.s32 $0x1, s0;
	[sflag:s26] =	ssyncset.done $0x0  }
0x1c: {  	s3 =	sshll.u32 s3, $0x6;
	p0 =	sne.s32 s0, s17;
	[sflag:s26] =	ssyncadd.s32 $0xFFFFCE00  }
.Ltmp1:
0x1d: {  	s3 =	sor.u32 $0x1C05, s3;
	[bflag:$0x0] =	sbarrier.arrive $0xFFFF;
	(pc) =	sbr.rel @!p0 .LBB2_7-.Ltmp1, $4  }
0x1e: {  	[hbm:s18], [sflag:s3] =	dma.local [spmem:s6], $0x30F0  }
0x1f: {  	_ =	swait.ge [sflag:s22], $0x30F0  }
0x20: {  	[sflag:s22] =	ssyncset.done $0x0  }
0x21: {  	[sflag:s22] =	ssyncadd.s32 $0xFFFFCF10  }
.LBB2_1:
0x22: {  	s3 =	simm.s32 $0x40;
	s6 =	simm.s32 $0x0  }
.LBB2_2:
0x23: {  	p0 =	sne.s32 s3, $0xC7C0;
	[tilespmem:s6+$0xC80] =	vst v0;
	s6 =	smov.u32 s3;
	s3 =	sadd.s32 $0x40, s3  }
.Ltmp2:
0x24: {  	(pc) =	sbr.rel @p0 .LBB2_2-.Ltmp2, $2  }
0x25: {  	_ =	sdelay $0x2  }
0x26: {  	s6 =	sshra.s32 s6, $0x2  }
0x27: {  	[tilespmem:s6+$0xC80] =	vst v0  }
0x28: {  	[spmem:s5] =	stream.linear.scatter [tilespmem:s21], [sflag:$0x5], $0x3200, $0x38;
	[tilespmem:$0x1F800] =	vst v63  }
0x29: {  	_ =	swait.ge [sflag:s22], $0x3200  }
0x2a: {  	[sflag:s22] =	ssyncset.done $0x0  }
0x2b: {  	s3 =	rddreg [dreg:$0x3];
	[sflag:s22] =	ssyncadd.s32 $0xFFFFCE00  }
0x2c: {  	[spmem:s3] =	stream.linear.scatter [tilespmem:s21], [sflag:$0x5], $0x3200, $0x38;
	[tilespmem:$0x1F800] =	vst v63  }
0x2d: {  	_ =	swait.ge [sflag:s22], $0x3200  }
0x2e: {  	[sflag:s22] =	ssyncset.done $0x0  }
0x2f: {  	s7 =	rddreg [dreg:$0x4];
	[sflag:s22] =	ssyncadd.s32 $0xFFFFCE00  }
0x30: {  	[spmem:s7] =	stream.linear.scatter [tilespmem:s21], [sflag:$0x5], $0x3200, $0x38;
	[tilespmem:$0x1F800] =	vst v63  }
0x31: {  	_ =	swait.ge [sflag:s22], $0x3200  }
0x32: {  	[sflag:s22] =	ssyncset.done $0x0  }
0x33: {  	s8 =	rddreg [dreg:$0x5];
	[sflag:s22] =	ssyncadd.s32 $0xFFFFCE00  }
0x34: {  	[spmem:s8] =	stream.linear.scatter [tilespmem:s21], [sflag:$0x5], $0x3200, $0x38;
	[tilespmem:$0x1F800] =	vst v63  }
0x35: {  	_ =	swait.ge [sflag:s22], $0x3200  }
0x36: {  	[sflag:s22] =	ssyncset.done $0x0  }
0x37: {  	[sflag:s22] =	ssyncadd.s32 $0xFFFFCE00  }
0x38: {  	[spmem:s9] =	stream.linear.scatter [tilespmem:s21], [sflag:$0x5], $0x3200, $0x38;
	[tilespmem:$0x1F800] =	vst v63  }
0x39: {  	_ =	swait.ge [sflag:s22], $0x3200  }
0x3a: {  	[sflag:s22] =	ssyncset.done $0x0  }
0x3b: {  	[sflag:s22] =	ssyncadd.s32 $0xFFFFCE00  }
0x3c: {  	[spmem:s10] =	stream.linear.scatter [tilespmem:s21], [sflag:$0x5], $0x3200, $0x38;
	[tilespmem:$0x1F800] =	vst v63  }
0x3d: {  	_ =	swait.ge [sflag:s22], $0x3200  }
0x3e: {  	[sflag:s22] =	ssyncset.done $0x0  }
0x3f: {  	[sflag:s22] =	ssyncadd.s32 $0xFFFFCE00  }
0x40: {  	[spmem:s11] =	stream.linear.scatter [tilespmem:s21], [sflag:$0x5], $0x3200, $0x38;
	[tilespmem:$0x1F800] =	vst v63  }
0x41: {  	_ =	swait.ge [sflag:s22], $0x3200  }
0x42: {  	[sflag:s22] =	ssyncset.done $0x0  }
0x43: {  	[sflag:s22] =	ssyncadd.s32 $0xFFFFCE00  }
0x44: {  	[spmem:s12] =	stream.linear.scatter [tilespmem:s21], [sflag:$0x5], $0x2980, $0x38;
	[tilespmem:$0x1F800] =	vst v63  }
0x45: {  	_ =	swait.ge [sflag:s22], $0x2980  }
0x46: {  	[sflag:s22] =	ssyncset.done $0x0  }
0x47: {  	[sflag:s22] =	ssyncadd.s32 $0xFFFFD680  }
0x48: {  	[bflag:$0x0] =	sbarrier.arrive $0xFFFF  }
0x49: {  	[tilespmem:s2], [sflag:$0x5] =	stream.linear.gather [hbm4b:s13+s2], $0x320, $0x38;
	[tilespmem:$0x1F800] =	vst v63  }
0x4a: {  	_ =	swait.ge [sflag:s22], $0x320  }
0x4b: {  	[sflag:s22] =	ssyncset.done $0x0  }
0x4c: {  	[sflag:s22] =	ssyncadd.s32 $0xFFFFFCE0  }
0x4d: {  	[tilespmem:s23], [sflag:$0x5] =	stream.linear.gather [hbm4b:s14+s2], $0x320, $0x38;
	[tilespmem:$0x1F800] =	vst v63  }
0x4e: {  	_ =	swait.ge [sflag:s22], $0x320  }
0x4f: {  	[sflag:s22] =	ssyncset.done $0x0  }
0x50: {  	[sflag:s22] =	ssyncadd.s32 $0xFFFFFCE0  }
0x51: {  	[tilespmem:s21], [sflag:$0x1] =	stream.indirect.gather [hbm4b:s4+s24], $0x10, s2, s24, $0xb8;
	[tilespmem:$0x1F800] =	vst v63  }
0x52: {  	_ = 	snop  }
0x53: {  	[tilespmem:s24], [sflag:$0x4] =	stream.linear.gather [hbm4b:s15+s2], $0x320, $0x38;
	[tilespmem:$0x1F800] =	vst v63  }
0x54: {  	s3 =	simm.s32 $0xFFFFCEC8  }
0x55: {  	[tilespmem:s25], [sflag:$0x4] =	stream.linear.gather [hbm4b:s16+s2], $0x320, $0x38;
	[tilespmem:$0x1F800] =	vst v63  }
.LBB2_4:
0x56: {  	_ =	swait.ge [sflag:s26], $0x320  }
0x57: {  	[sflag:s26] =	ssyncset.done $0x0  }
0x58: {  	[sflag:s26] =	ssyncadd.s32 $0xFFFFFCE0  }
0x59: {  	_ =	swait.ge [sflag:s26], $0x320  }
0x5a: {  	[sflag:s26] =	ssyncset.done $0x0  }
0x5b: {  	[sflag:s26] =	ssyncadd.s32 $0xFFFFFCE0  }
0x5c: {  	[tilespmem:s28], [sflag:$0x2] =	stream.indirect.gather [hbm4b:s4+s24], $0x10, s24, s24, $0xb8;
	[tilespmem:$0x1F800] =	vst v63  }
0x5d: {  	_ =	swait.ge [sflag:s29], $0x3200  }
0x5e: {  	p0 =	seq.s32 s3, $0x0;
	[sflag:s29] =	ssyncset.done $0x0  }
.Ltmp3:
0x5f: {  	[sflag:s29] =	ssyncadd.s32 $0xFFFFCE00;
	(pc) =	sbr.rel @p0 .LBB2_6-.Ltmp3, $4  }
0x60: {  	[spmem:s1] =	stream.indirect.scatter.add.f32 [tilespmem:s21], [sflag:$0x3], $0x10, s23, s24, $0xb8;
	[tilespmem:$0x1F800] =	vst v63  }
0x61: {  	_ =	swait.ge [sflag:s30], $0x3200  }
0x62: {  	[sflag:s30] =	ssyncset.done $0x0  }
0x63: {  	[sflag:s30] =	ssyncadd.s32 $0xFFFFCE00  }
0x64: {  	s6 =	sadd.s32 s3, s20  }
0x65: {  	s7 =	sadd.s32 $0x3200, s6  }
0x66: {  	[tilespmem:s2], [sflag:$0x3] =	stream.linear.gather [hbm4b:s7+s2], $0x320, $0x38;
	[tilespmem:$0x1F800] =	vst v63  }
0x67: {  	s7 =	sadd.s32 s3, s19  }
0x68: {  	s8 =	sadd.s32 $0x3200, s7  }
0x69: {  	[tilespmem:s23], [sflag:$0x3] =	stream.linear.gather [hbm4b:s8+s2], $0x320, $0x38;
	[tilespmem:$0x1F800] =	vst v63  }
0x6a: {  	_ =	swait.ge [sflag:s30], $0x320  }
0x6b: {  	[sflag:s30] =	ssyncset.done $0x0  }
0x6c: {  	[sflag:s30] =	ssyncadd.s32 $0xFFFFFCE0  }
0x6d: {  	_ =	swait.ge [sflag:s30], $0x320  }
0x6e: {  	[sflag:s30] =	ssyncset.done $0x0  }
0x6f: {  	[sflag:s30] =	ssyncadd.s32 $0xFFFFFCE0  }
0x70: {  	[tilespmem:s21], [sflag:$0x1] =	stream.indirect.gather [hbm4b:s4+s24], $0x10, s2, s24, $0xb8;
	[tilespmem:$0x1F800] =	vst v63  }
0x71: {  	_ =	swait.ge [sflag:s31], $0x3200  }
0x72: {  	[sflag:s31] =	ssyncset.done $0x0  }
0x73: {  	[sflag:s31] =	ssyncadd.s32 $0xFFFFCE00  }
0x74: {  	[spmem:s1] =	stream.indirect.scatter.add.f32 [tilespmem:s28], [sflag:$0x4], $0x10, s25, s24, $0xb8;
	[tilespmem:$0x1F800] =	vst v63  }
0x75: {  	_ =	swait.ge [sflag:s26], $0x3200  }
.Ltmp4:
0x76: {  	[sflag:s26] =	ssyncset.done $0x0;
	(pc) =	sbr.rel .LBB2_4-.Ltmp4, $4  }
0x77: {  	s6 =	sadd.s32 $0x3264, s6;
	[sflag:s26] =	ssyncadd.s32 $0xFFFFCE00  }
0x78: {  	[tilespmem:s24], [sflag:$0x4] =	stream.linear.gather [hbm4b:s6+s2], $0x320, $0x38;
	[tilespmem:$0x1F800] =	vst v63  }
0x79: {  	s3 =	sadd.s32 $0xC8, s3;
	s8 =	sadd.s32 $0x3264, s7  }
0x7a: {  	[tilespmem:s25], [sflag:$0x4] =	stream.linear.gather [hbm4b:s8+s2], $0x320, $0x38;
	[tilespmem:$0x1F800] =	vst v63  }
.LBB2_7:
0x7b: {  	_ =	sfence.sel $0x180000  }
0x7c: {  	[bflag:$0x0] =	sbarrier.arrive $0xFFFF  }
0x7d: {  	_ =	strace $0x90000050  }
0x7e: {  	s0 =	stileid.u32;
	[bflag:$0x2] =	sbarrier.arrive $0xFFFF  }
0x7f: {  	p0 =	sne.s32 s0, $0x0;
	s0 =	rddreg [dreg:$0x2]  }
0x80: {  	s0 =	sadd.s32 @!p0 $0x100000, s0  }
0x81: {  	[sflag:s0] =	ssyncadd.tile.s32 @!p0 $0x1;
	_ =	shalt  }
.Lfunc_end2:
_tile_overlayer_lowered:
.L_overlay_start_2:
0x82: {  	(tag) =	ssettag $0x2  }
0x83: {  	s0 =	rddreg [dreg:$0x0];
	s2 =	stileid.u32  }
0x84: {  	s1 =	rddreg [dreg:$0x1];
	p0 =	sne.s32 s2, $0x0  }
0x85: {  	s3 =	rddreg [dreg:$0x2];
	[bflag:$0x3] =	sbarrier.arrive $0xFFFF;
	s2 =	simm.s32 @!p0 $0x1C05  }
0x86: {  	[timem:s3], [sflag:s2] =	dma.local @!p0 [hbm:s0], s1  }
0x87: {  	s0 =	simm.s32 @!p0 $0x5  }
0x88: {  	_ =	swait.ge @!p0 [sflag:s0], s1  }
0x89: {  	s1 =	ssub.s32 @!p0 $0x0, s1;
	[sflag:s0] =	ssyncset.done @!p0 $0x0  }
0x8a: {  	[sflag:s0] =	ssyncadd.s32 @!p0 s1  }
0x8b: {  	[bflag:$0x3] =	sbarrier.arrive $0xFFFF  }
0x8c: {  	_ =	shalt  }

</sc_bundles>
